<compile_context>
chip_gen: v7x
topology: tpu7x:2x2x1
jax: 0.10.2.dev20260603
libtpu: 0.0.44.dev20260713+nightly
codegen_flags: <defaults>
</compile_context>

<pallas_src>
import functools

import jax
import jax.numpy as jnp
from jax import lax
from jax.experimental import pallas as pl
from jax.experimental.pallas import tpu as pltpu
from jax.experimental.pallas import tpu_sc as plsc

NC = 2
NS = 16
NW = NC * NS
K = 128
ZR = 8
RB = 4
PF = 2


def _make_seg_sum(n_tab, d, cpws, n_pad, with_deg):
    ncc = len(cpws)
    cpw0 = cpws[0]
    cpw1 = cpws[1] if ncc > 1 else cpws[0]
    cpw_max = max(cpws)
    rpt = n_pad // NS
    mesh = plsc.VectorSubcoreMesh(core_axis_name="c", subcore_axis_name="s",
                                  num_cores=ncc)

    out_type = [jax.ShapeDtypeStruct((ncc, n_pad, d), jnp.float32)]
    scratch = [
        pltpu.VMEM_SHARED((n_pad, d), jnp.float32),
        pltpu.VMEM((cpw_max, K), jnp.int32),
        pltpu.VMEM((cpw_max, K), jnp.int32),
        [pltpu.VMEM((K, d), jnp.float32)] * RB,
        pltpu.VMEM((ZR, d), jnp.float32),
        [pltpu.SemaphoreType.DMA] * RB,
        [pltpu.SemaphoreType.DMA] * RB,
        pltpu.SemaphoreType.DMA,
    ]
    if with_deg:
        out_type.append(jax.ShapeDtypeStruct((ncc, n_pad, 16), jnp.float32))
        scratch += [
            pltpu.VMEM_SHARED((n_pad, 16), jnp.float32),
            pltpu.VMEM((K, 16), jnp.float32),
            pltpu.VMEM((ZR, 16), jnp.float32),
        ]

    def body(tab_hbm, src_hbm, dst_hbm, acc_out, *rest):
        if with_deg:
            (deg_out, acc_sh, idx_s, idx_d, rows, zbuf, sem_g, sem_s, sem_z,
             deg_sh, ones_b, z16) = rest
        else:
            (acc_sh, idx_s, idx_d, rows, zbuf, sem_g, sem_s, sem_z) = rest
        c = lax.axis_index("c")
        s = lax.axis_index("s")
        if ncc == 1:
            cpw = cpw0
            base_row = s * cpw0
        else:
            cpw = jnp.where(c == 0, cpw0, cpw1)
            base_row = jnp.where(c == 0, s * cpw0, NS * cpw0 + s * cpw1)
        zv = jnp.zeros((16,), jnp.float32)

        def start_gather(cur, b):
            pltpu.async_copy(tab_hbm.at[idx_s.at[cur]], rows[b], sem_g[b])

        def wait_gather(cur, b):
            pltpu.make_async_copy(tab_hbm.at[idx_s.at[cur]], rows[b],
                                  sem_g[b]).wait()

        def start_scatter(cur, b):
            pltpu.async_copy(rows[b], acc_sh.at[idx_d.at[cur]], sem_s[b],
                             add=True)
            if with_deg:
                pltpu.async_copy(ones_b, deg_sh.at[idx_d.at[cur]], sem_s[b],
                                 add=True)

        def wait_scatter(cur, b):
            pltpu.make_async_copy(rows[b], acc_sh.at[idx_d.at[cur]],
                                  sem_s[b]).wait()
            if with_deg:
                pltpu.make_async_copy(ones_b, deg_sh.at[idx_d.at[cur]],
                                      sem_s[b]).wait()

        cpw_min = min(cpws)
        pltpu.sync_copy(src_hbm.at[pl.ds(base_row, cpw_min)],
                        idx_s.at[pl.ds(0, cpw_min)])
        pltpu.sync_copy(dst_hbm.at[pl.ds(base_row, cpw_min)],
                        idx_d.at[pl.ds(0, cpw_min)])
        if cpw_max > cpw_min:
            big = 0 if cpw0 >= cpw1 else 1

            @pl.when(c == big)
            def _():
                pltpu.sync_copy(
                    src_hbm.at[pl.ds(base_row + cpw_min, cpw_max - cpw_min)],
                    idx_s.at[pl.ds(cpw_min, cpw_max - cpw_min)])
                pltpu.sync_copy(
                    dst_hbm.at[pl.ds(base_row + cpw_min, cpw_max - cpw_min)],
                    idx_d.at[pl.ds(cpw_min, cpw_max - cpw_min)])
        for b in range(PF):
            start_gather(b, b)

        @pl.loop(0, ZR)
        def _(r):
            for j in range(d // 16):
                zbuf[r, pl.ds(j * 16, 16)] = zv
            if with_deg:
                z16[r, :] = zv

        if with_deg:
            @pl.loop(0, K)
            def _(r):
                ones_b[r, :] = jnp.full((16,), 1.0, jnp.float32)

        @pl.loop(0, rpt // ZR)
        def _(t):
            r0 = s * rpt + t * ZR
            pltpu.async_copy(zbuf, acc_sh.at[pl.ds(r0, ZR)], sem_z)
            if with_deg:
                pltpu.async_copy(z16, deg_sh.at[pl.ds(r0, ZR)], sem_z)

        @pl.loop(0, rpt // ZR)
        def _(t):
            r0 = s * rpt + t * ZR
            pltpu.make_async_copy(zbuf, acc_sh.at[pl.ds(r0, ZR)],
                                  sem_z).wait()
            if with_deg:
                pltpu.make_async_copy(z16, deg_sh.at[pl.ds(r0, ZR)],
                                      sem_z).wait()

        plsc.subcore_barrier()

        @pl.loop(0, cpw, step=RB)
        def _(i):
            for b in range(RB):
                cur = i + b
                wait_gather(cur, b)
                start_scatter(cur, b)
                nxt = cur + PF
                bn = (b + PF) % RB
                prev = nxt - RB

                @pl.when(nxt < cpw)
                def _():
                    @pl.when(prev >= 0)
                    def _():
                        wait_scatter(prev, bn)
                    start_gather(nxt, bn)

        for k in range(RB):
            wait_scatter(cpw - RB + k, k)

        plsc.subcore_barrier()
        r0 = s * rpt
        pltpu.sync_copy(acc_sh.at[pl.ds(r0, rpt)],
                        acc_out.at[c, pl.ds(r0, rpt)])
        if with_deg:
            pltpu.sync_copy(deg_sh.at[pl.ds(r0, rpt)],
                            deg_out.at[c, pl.ds(r0, rpt)])

    return pl.kernel(body, out_type=tuple(out_type) if with_deg else out_type[0],
                     mesh=mesh, scratch_types=scratch,
                     compiler_params=pltpu.CompilerParams(
                         use_tc_tiling_on_sc=False))


def _tc_pre(x_ref, w1r_ref, b1_ref, r1_ref):
    r1_ref[...] = (jnp.dot(x_ref[...], w1r_ref[...],
                           preferred_element_type=jnp.float32) + b1_ref[...])


def _tc_mid(acca_ref, accb_ref, deg_ref, r1_ref, w1l_ref,
            w2l_ref, w2r_ref, b2_ref, p2_ref, base2_ref):
    dh = acca_ref.shape[-1]
    ncc = acca_ref.shape[0]
    deg = sum(deg_ref[i, :, 0] for i in range(ncc))
    invd = 1.0 / jnp.maximum(deg, 1.0)
    agg_a = sum(acca_ref[i] for i in range(ncc)) * invd[:, None]
    agg_b = sum(accb_ref[i] for i in range(ncc)) * invd[:, None]
    h = (jnp.dot(agg_a, w1l_ref[:dh], preferred_element_type=jnp.float32)
         + jnp.dot(agg_b, w1l_ref[dh:], preferred_element_type=jnp.float32)
         + r1_ref[...])
    h = jnp.maximum(h, 0.0)
    p2_ref[...] = jnp.dot(h, w2l_ref[...], preferred_element_type=jnp.float32)
    base2_ref[...] = (jnp.dot(h, w2r_ref[...], preferred_element_type=jnp.float32)
                      + b2_ref[...])


def _tc_out(acc_ref, deg_ref, base2_ref, out_ref):
    ncc = acc_ref.shape[0]
    deg = sum(deg_ref[i, :, 0] for i in range(ncc))
    invd = 1.0 / jnp.maximum(deg, 1.0)
    c = out_ref.shape[-1]
    agg = sum(acc_ref[i, :, :c] for i in range(ncc)) * invd[:, None]
    out_ref[...] = agg + base2_ref[...]


def kernel(x, edge_index, W1_l, b1, W1_r, W2_l, b2, W2_r):
    n, d = x.shape
    dh = d // 2
    h_dim = W1_l.shape[1]
    c_dim = W2_l.shape[1]
    c_pad = 48
    e = edge_index.shape[1]

    blk = 256
    n_blocks = pl.cdiv(n, blk)
    n_pad = pl.cdiv(n + 1, NS * 8) * NS * 8
    total_cpt = pl.cdiv(e, NS * K * 8) * 8
    cpw1 = max(8, (total_cpt // 80) * 8)
    cpws = (total_cpt - cpw1, cpw1)
    ncc = len(cpws)
    n_chunk_rows = NS * total_cpt
    e_pad = n_chunk_rows * K

    src = edge_index[0]
    dst = edge_index[1]
    pad = e_pad - e
    src2d = jnp.concatenate([src, jnp.zeros((pad,), jnp.int32)]).reshape(
        n_chunk_rows, K)
    dst2d = jnp.concatenate([dst, jnp.full((pad,), n, jnp.int32)]).reshape(
        n_chunk_rows, K)

    seg1 = _make_seg_sum(n, dh, cpws, n_pad, with_deg=True)
    x_a = x[:, :dh]
    x_b = x[:, dh:]
    acc_a, deg = seg1(x_a, src2d, dst2d)
    acc_b, _ = seg1(x_b, src2d, dst2d)

    w2l_p = jnp.pad(W2_l, ((0, 0), (0, c_pad - c_dim)))
    grid = (n_blocks,)
    r1 = pl.pallas_call(
        _tc_pre,
        grid=grid,
        in_specs=[
            pl.BlockSpec((blk, d), lambda i: (i, 0)),
            pl.BlockSpec((d, h_dim), lambda i: (0, 0)),
            pl.BlockSpec((1, h_dim), lambda i: (0, 0)),
        ],
        out_specs=pl.BlockSpec((blk, h_dim), lambda i: (i, 0)),
        out_shape=jax.ShapeDtypeStruct((n, h_dim), jnp.float32),
    )(x, W1_r, b1.reshape(1, h_dim))
    p2, base2 = pl.pallas_call(
        _tc_mid,
        grid=grid,
        in_specs=[
            pl.BlockSpec((ncc, blk, dh), lambda i: (0, i, 0)),
            pl.BlockSpec((ncc, blk, dh), lambda i: (0, i, 0)),
            pl.BlockSpec((ncc, blk, 16), lambda i: (0, i, 0)),
            pl.BlockSpec((blk, h_dim), lambda i: (i, 0)),
            pl.BlockSpec((d, h_dim), lambda i: (0, 0)),
            pl.BlockSpec((h_dim, c_pad), lambda i: (0, 0)),
            pl.BlockSpec((h_dim, c_dim), lambda i: (0, 0)),
            pl.BlockSpec((1, c_dim), lambda i: (0, 0)),
        ],
        out_specs=[
            pl.BlockSpec((blk, c_pad), lambda i: (i, 0)),
            pl.BlockSpec((blk, c_dim), lambda i: (i, 0)),
        ],
        out_shape=[
            jax.ShapeDtypeStruct((n, c_pad), jnp.float32),
            jax.ShapeDtypeStruct((n, c_dim), jnp.float32),
        ],
    )(acc_a, acc_b, deg, r1, W1_l, w2l_p, W2_r, b2.reshape(1, c_dim))

    seg2 = _make_seg_sum(n, c_pad, cpws, n_pad, with_deg=False)
    acc2 = seg2(p2, src2d, dst2d)

    out = pl.pallas_call(
        _tc_out,
        grid=grid,
        in_specs=[
            pl.BlockSpec((ncc, blk, c_pad), lambda i: (0, i, 0)),
            pl.BlockSpec((ncc, blk, 16), lambda i: (0, i, 0)),
            pl.BlockSpec((blk, c_dim), lambda i: (i, 0)),
        ],
        out_specs=pl.BlockSpec((blk, c_dim), lambda i: (i, 0)),
        out_shape=jax.ShapeDtypeStruct((n, c_dim), jnp.float32),
    )(acc2, deg, base2)
    return out

# --- scband reference (transcript-rebuilt; emitter-appended) ---
"""Pipeline reference for scband-sage-6691559047385 (READ-ONLY COPY).

The authoritative reference and input builder live on the scoring server;
editing this copy changes nothing except your own understanding.
"""

import jax, jax.numpy as jnp
import numpy as np

N = 10000
E = 320000
D = 128
H = 256
C = 40


def sage_conv(x, src, dst, W_l, b_l, W_r):
    # PyG SAGEConv (mean aggregation): out = lin_l(mean_j x_j) + lin_r(x_i)
    msg = x[src]
    agg = jax.ops.segment_sum(msg, dst, num_segments=x.shape[0])
    deg = jax.ops.segment_sum(jnp.ones((src.shape[0],), x.dtype), dst, num_segments=x.shape[0])
    agg = agg / jnp.clip(deg, 1.0)[:, None]
    return agg @ W_l + b_l + x @ W_r


def setup_inputs(seed: int = 0) -> dict:
    key = jax.random.key(seed)
    ks = jax.random.split(key, 8)
    x = jax.random.normal(ks[0], (N, D), dtype=jnp.float32)
    edge_index = jax.random.randint(ks[1], (2, E), 0, N, dtype=jnp.int32)
    s1 = 1.0 / np.sqrt(D)
    s2 = 1.0 / np.sqrt(H)
    W1_l = jax.random.normal(ks[2], (D, H), dtype=jnp.float32) * s1
    W1_r = jax.random.normal(ks[3], (D, H), dtype=jnp.float32) * s1
    b1 = jnp.zeros((H,), dtype=jnp.float32)
    W2_l = jax.random.normal(ks[4], (H, C), dtype=jnp.float32) * s2
    W2_r = jax.random.normal(ks[5], (H, C), dtype=jnp.float32) * s2
    b2 = jnp.zeros((C,), dtype=jnp.float32)
    return {"x": x, "edge_index": edge_index, "W1_l": W1_l, "b1": b1, "W1_r": W1_r,
            "W2_l": W2_l, "b2": b2, "W2_r": W2_r}


def reference(x, edge_index, W1_l, b1, W1_r, W2_l, b2, W2_r):
    src = edge_index[0]
    dst = edge_index[1]
    h = sage_conv(x, src, dst, W1_l, b1, W1_r)
    h = jax.nn.relu(h)
    # dropout p=0.5 is identity in eval mode
    out = sage_conv(h, src, dst, W2_l, b2, W2_r)
    return out

if __name__ == "__main__":
    import jax
    _d = setup_inputs()
    print(jax.jit(kernel)(*tuple(_d.values())))

</pallas_src>

<mosaic_0001>
#map = affine_map<(d0, d1) -> (0, 0)>
#map1 = affine_map<(d0, d1) -> (0, 0, 0)>
module attributes {stable_mosaic.version = 14 : i64} {
  func.func @body(%arg0: i32, %arg1: i32, %arg2: memref<10000x48xf32, #tpu.memory_space<hbm>>, %arg3: memref<2560x128xi32, #tpu.memory_space<hbm>>, %arg4: memref<2560x128xi32, #tpu.memory_space<hbm>>, %arg5: memref<2x10112x48xf32, #tpu.memory_space<hbm>>, %arg6: memref<10112x48xf32, #tpu.memory_space<vmem_shared>>, %arg7: memref<144x128xi32, #tpu.memory_space<vmem>>, %arg8: memref<144x128xi32, #tpu.memory_space<vmem>>, %arg9: memref<128x48xf32, #tpu.memory_space<vmem>>, %arg10: memref<128x48xf32, #tpu.memory_space<vmem>>, %arg11: memref<128x48xf32, #tpu.memory_space<vmem>>, %arg12: memref<128x48xf32, #tpu.memory_space<vmem>>, %arg13: memref<8x48xf32, #tpu.memory_space<vmem>>, %arg14: memref<!tpu.dma_semaphore, #tpu.memory_space<semaphore_mem>>, %arg15: memref<!tpu.dma_semaphore, #tpu.memory_space<semaphore_mem>>, %arg16: memref<!tpu.dma_semaphore, #tpu.memory_space<semaphore_mem>>, %arg17: memref<!tpu.dma_semaphore, #tpu.memory_space<semaphore_mem>>, %arg18: memref<!tpu.dma_semaphore, #tpu.memory_space<semaphore_mem>>, %arg19: memref<!tpu.dma_semaphore, #tpu.memory_space<semaphore_mem>>, %arg20: memref<!tpu.dma_semaphore, #tpu.memory_space<semaphore_mem>>, %arg21: memref<!tpu.dma_semaphore, #tpu.memory_space<semaphore_mem>>, %arg22: memref<!tpu.dma_semaphore, #tpu.memory_space<semaphore_mem>>) attributes {dimension_semantics = [#tpu.dimension_semantics<core_parallel>, #tpu.dimension_semantics<subcore_parallel>], iteration_bounds = array<i64: 2, 16>, scalar_prefetch = 0 : i64, scratch_operands = 17 : i64, tpu.core_type = #tpu.core_type<sc_vector_subcore>, window_params = [{transform_indices = #map}, {transform_indices = #map}, {transform_indices = #map}, {transform_indices = #map1}]} {
    %eq3A = arith.constant 0 : i32
    %eq3A_0 = arith.cmpi eq, %arg0, %eq3A : i32
    %jit3A = arith.constant 144 : i32
    %jit3A_1 = arith.constant 16 : i32
    %select_n3A = arith.select %eq3A_0, %jit3A, %jit3A_1 : i32
    %eq3A_2 = arith.constant 0 : i32
    %eq3A_3 = arith.cmpi eq, %arg0, %eq3A_2 : i32
    %mul3A = arith.constant 144 : i32
    %mul3A_4 = arith.muli %arg1, %mul3A : i32
    %mul3A_5 = arith.constant 16 : i32
    %mul3A_6 = arith.muli %arg1, %mul3A_5 : i32
    %add3A = arith.constant 2304 : i32
    %add3A_7 = arith.addi %add3A, %mul3A_6 : i32
    %select_n3A_8 = arith.select %eq3A_3, %mul3A_4, %add3A_7 : i32
    %broadcast_in_dim3A = arith.constant 0.000000e+00 : f32
    %broadcast_in_dim3A_9 = vector.broadcast %broadcast_in_dim3A : f32 to vector<16xf32>
    "tpu.region"() ({
      %run_scoped3A = tpu.sem_alloc : memref<!tpu.dma_semaphore, #tpu.memory_space<semaphore_mem>>
      %dma_start3A_98 = arith.constant 0 : i32
      %dma_start3A_99 = arith.constant 0 : i32
      %dma_start3A_100 = tpu.memref_slice %arg7[%dma_start3A_98, %dma_start3A_99] : memref<144x128xi32, #tpu.memory_space<vmem>> -> memref<16x128xi32, #tpu.memory_space<vmem>>
      %dma_start3A_101 = arith.constant 0 : i32
      %dma_start3A_102 = tpu.memref_slice %arg3[%select_n3A_8, %dma_start3A_101] : memref<2560x128xi32, #tpu.memory_space<hbm>> -> memref<16x128xi32, #tpu.memory_space<hbm>>
      %dma_start3A_103 = arith.constant 0 : i32
      %dma_start3A_104 = arith.constant 0 : i32
      %dma_start3A_105 = tpu.memref_slice %arg7[%dma_start3A_103, %dma_start3A_104] : memref<144x128xi32, #tpu.memory_space<vmem>> -> memref<16x128xi32, #tpu.memory_space<vmem>>
      %dma_start3A_106 = arith.constant 0 : i32
      %dma_start3A_107 = tpu.memref_slice %arg3[%select_n3A_8, %dma_start3A_106] : memref<2560x128xi32, #tpu.memory_space<hbm>> -> memref<16x128xi32, #tpu.memory_space<hbm>>
      tpu.enqueue_dma source(%dma_start3A_107 : memref<16x128xi32, #tpu.memory_space<hbm>>) target(%dma_start3A_105 : memref<16x128xi32, #tpu.memory_space<vmem>>) target_semaphore(%run_scoped3A : memref<!tpu.dma_semaphore, #tpu.memory_space<semaphore_mem>>)
      %dma_wait3A_108 = arith.constant 0 : i32
      %dma_wait3A_109 = arith.constant 0 : i32
      %dma_wait3A_110 = tpu.memref_slice %arg7[%dma_wait3A_108, %dma_wait3A_109] : memref<144x128xi32, #tpu.memory_space<vmem>> -> memref<16x128xi32, #tpu.memory_space<vmem>>
      %dma_wait3A_111 = arith.constant 0 : i32
      %dma_wait3A_112 = tpu.memref_slice %arg3[%select_n3A_8, %dma_wait3A_111] : memref<2560x128xi32, #tpu.memory_space<hbm>> -> memref<16x128xi32, #tpu.memory_space<hbm>>
      %dma_wait3A_113 = arith.constant 0 : i32
      %dma_wait3A_114 = arith.constant 0 : i32
      %dma_wait3A_115 = tpu.memref_slice %arg7[%dma_wait3A_113, %dma_wait3A_114] : memref<144x128xi32, #tpu.memory_space<vmem>> -> memref<16x128xi32, #tpu.memory_space<vmem>>
      %dma_wait3A_116 = arith.constant 0 : i32
      %dma_wait3A_117 = tpu.memref_slice %arg3[%select_n3A_8, %dma_wait3A_116] : memref<2560x128xi32, #tpu.memory_space<hbm>> -> memref<16x128xi32, #tpu.memory_space<hbm>>
      tpu.wait_dma2 semaphore(%run_scoped3A : memref<!tpu.dma_semaphore, #tpu.memory_space<semaphore_mem>>) src(%dma_wait3A_117 : memref<16x128xi32, #tpu.memory_space<hbm>>) dst(%dma_wait3A_115 : memref<16x128xi32, #tpu.memory_space<vmem>>)
      tpu.yield
    }) : () -> ()
    "tpu.region"() ({
      %run_scoped3A = tpu.sem_alloc : memref<!tpu.dma_semaphore, #tpu.memory_space<semaphore_mem>>
      %dma_start3A_98 = arith.constant 0 : i32
      %dma_start3A_99 = arith.constant 0 : i32
      %dma_start3A_100 = tpu.memref_slice %arg8[%dma_start3A_98, %dma_start3A_99] : memref<144x128xi32, #tpu.memory_space<vmem>> -> memref<16x128xi32, #tpu.memory_space<vmem>>
      %dma_start3A_101 = arith.constant 0 : i32
      %dma_start3A_102 = tpu.memref_slice %arg4[%select_n3A_8, %dma_start3A_101] : memref<2560x128xi32, #tpu.memory_space<hbm>> -> memref<16x128xi32, #tpu.memory_space<hbm>>
      %dma_start3A_103 = arith.constant 0 : i32
      %dma_start3A_104 = arith.constant 0 : i32
      %dma_start3A_105 = tpu.memref_slice %arg8[%dma_start3A_103, %dma_start3A_104] : memref<144x128xi32, #tpu.memory_space<vmem>> -> memref<16x128xi32, #tpu.memory_space<vmem>>
      %dma_start3A_106 = arith.constant 0 : i32
      %dma_start3A_107 = tpu.memref_slice %arg4[%select_n3A_8, %dma_start3A_106] : memref<2560x128xi32, #tpu.memory_space<hbm>> -> memref<16x128xi32, #tpu.memory_space<hbm>>
      tpu.enqueue_dma source(%dma_start3A_107 : memref<16x128xi32, #tpu.memory_space<hbm>>) target(%dma_start3A_105 : memref<16x128xi32, #tpu.memory_space<vmem>>) target_semaphore(%run_scoped3A : memref<!tpu.dma_semaphore, #tpu.memory_space<semaphore_mem>>)
      %dma_wait3A_108 = arith.constant 0 : i32
      %dma_wait3A_109 = arith.constant 0 : i32
      %dma_wait3A_110 = tpu.memref_slice %arg8[%dma_wait3A_108, %dma_wait3A_109] : memref<144x128xi32, #tpu.memory_space<vmem>> -> memref<16x128xi32, #tpu.memory_space<vmem>>
      %dma_wait3A_111 = arith.constant 0 : i32
      %dma_wait3A_112 = tpu.memref_slice %arg4[%select_n3A_8, %dma_wait3A_111] : memref<2560x128xi32, #tpu.memory_space<hbm>> -> memref<16x128xi32, #tpu.memory_space<hbm>>
      %dma_wait3A_113 = arith.constant 0 : i32
      %dma_wait3A_114 = arith.constant 0 : i32
      %dma_wait3A_115 = tpu.memref_slice %arg8[%dma_wait3A_113, %dma_wait3A_114] : memref<144x128xi32, #tpu.memory_space<vmem>> -> memref<16x128xi32, #tpu.memory_space<vmem>>
      %dma_wait3A_116 = arith.constant 0 : i32
      %dma_wait3A_117 = tpu.memref_slice %arg4[%select_n3A_8, %dma_wait3A_116] : memref<2560x128xi32, #tpu.memory_space<hbm>> -> memref<16x128xi32, #tpu.memory_space<hbm>>
      tpu.wait_dma2 semaphore(%run_scoped3A : memref<!tpu.dma_semaphore, #tpu.memory_space<semaphore_mem>>) src(%dma_wait3A_117 : memref<16x128xi32, #tpu.memory_space<hbm>>) dst(%dma_wait3A_115 : memref<16x128xi32, #tpu.memory_space<vmem>>)
      tpu.yield
    }) : () -> ()
    %eq3A_10 = arith.constant 0 : i32
    %eq3A_11 = arith.cmpi eq, %arg0, %eq3A_10 : i32
    %convert_element_type3A = arith.extui %eq3A_11 : i1 to i32
    %cond3A = arith.constant 0 : i32
    %cond3A_12 = arith.cmpi ne, %convert_element_type3A, %cond3A : i32
    scf.if %cond3A_12 {
      %add3A_98 = arith.constant 16 : i32
      %add3A_99 = arith.addi %select_n3A_8, %add3A_98 : i32
      "tpu.region"() ({
        %run_scoped3A = tpu.sem_alloc : memref<!tpu.dma_semaphore, #tpu.memory_space<semaphore_mem>>
        %dma_start3A_102 = arith.constant 16 : i32
        %dma_start3A_103 = arith.constant 0 : i32
        %dma_start3A_104 = tpu.memref_slice %arg7[%dma_start3A_102, %dma_start3A_103] : memref<144x128xi32, #tpu.memory_space<vmem>> -> memref<128x128xi32, #tpu.memory_space<vmem>>
        %dma_start3A_105 = arith.constant 0 : i32
        %dma_start3A_106 = tpu.memref_slice %arg3[%add3A_99, %dma_start3A_105] : memref<2560x128xi32, #tpu.memory_space<hbm>> -> memref<128x128xi32, #tpu.memory_space<hbm>>
        %dma_start3A_107 = arith.constant 16 : i32
        %dma_start3A_108 = arith.constant 0 : i32
        %dma_start3A_109 = tpu.memref_slice %arg7[%dma_start3A_107, %dma_start3A_108] : memref<144x128xi32, #tpu.memory_space<vmem>> -> memref<128x128xi32, #tpu.memory_space<vmem>>
        %dma_start3A_110 = arith.constant 0 : i32
        %dma_start3A_111 = tpu.memref_slice %arg3[%add3A_99, %dma_start3A_110] : memref<2560x128xi32, #tpu.memory_space<hbm>> -> memref<128x128xi32, #tpu.memory_space<hbm>>
        tpu.enqueue_dma source(%dma_start3A_111 : memref<128x128xi32, #tpu.memory_space<hbm>>) target(%dma_start3A_109 : memref<128x128xi32, #tpu.memory_space<vmem>>) target_semaphore(%run_scoped3A : memref<!tpu.dma_semaphore, #tpu.memory_space<semaphore_mem>>)
        %dma_wait3A_112 = arith.constant 16 : i32
        %dma_wait3A_113 = arith.constant 0 : i32
        %dma_wait3A_114 = tpu.memref_slice %arg7[%dma_wait3A_112, %dma_wait3A_113] : memref<144x128xi32, #tpu.memory_space<vmem>> -> memref<128x128xi32, #tpu.memory_space<vmem>>
        %dma_wait3A_115 = arith.constant 0 : i32
        %dma_wait3A_116 = tpu.memref_slice %arg3[%add3A_99, %dma_wait3A_115] : memref<2560x128xi32, #tpu.memory_space<hbm>> -> memref<128x128xi32, #tpu.memory_space<hbm>>
        %dma_wait3A_117 = arith.constant 16 : i32
        %dma_wait3A_118 = arith.constant 0 : i32
        %dma_wait3A_119 = tpu.memref_slice %arg7[%dma_wait3A_117, %dma_wait3A_118] : memref<144x128xi32, #tpu.memory_space<vmem>> -> memref<128x128xi32, #tpu.memory_space<vmem>>
        %dma_wait3A_120 = arith.constant 0 : i32
        %dma_wait3A_121 = tpu.memref_slice %arg3[%add3A_99, %dma_wait3A_120] : memref<2560x128xi32, #tpu.memory_space<hbm>> -> memref<128x128xi32, #tpu.memory_space<hbm>>
        tpu.wait_dma2 semaphore(%run_scoped3A : memref<!tpu.dma_semaphore, #tpu.memory_space<semaphore_mem>>) src(%dma_wait3A_121 : memref<128x128xi32, #tpu.memory_space<hbm>>) dst(%dma_wait3A_119 : memref<128x128xi32, #tpu.memory_space<vmem>>)
        tpu.yield
      }) : () -> ()
      %add3A_100 = arith.constant 16 : i32
      %add3A_101 = arith.addi %select_n3A_8, %add3A_100 : i32
      "tpu.region"() ({
        %run_scoped3A = tpu.sem_alloc : memref<!tpu.dma_semaphore, #tpu.memory_space<semaphore_mem>>
        %dma_start3A_102 = arith.constant 16 : i32
        %dma_start3A_103 = arith.constant 0 : i32
        %dma_start3A_104 = tpu.memref_slice %arg8[%dma_start3A_102, %dma_start3A_103] : memref<144x128xi32, #tpu.memory_space<vmem>> -> memref<128x128xi32, #tpu.memory_space<vmem>>
        %dma_start3A_105 = arith.constant 0 : i32
        %dma_start3A_106 = tpu.memref_slice %arg4[%add3A_101, %dma_start3A_105] : memref<2560x128xi32, #tpu.memory_space<hbm>> -> memref<128x128xi32, #tpu.memory_space<hbm>>
        %dma_start3A_107 = arith.constant 16 : i32
        %dma_start3A_108 = arith.constant 0 : i32
        %dma_start3A_109 = tpu.memref_slice %arg8[%dma_start3A_107, %dma_start3A_108] : memref<144x128xi32, #tpu.memory_space<vmem>> -> memref<128x128xi32, #tpu.memory_space<vmem>>
        %dma_start3A_110 = arith.constant 0 : i32
        %dma_start3A_111 = tpu.memref_slice %arg4[%add3A_101, %dma_start3A_110] : memref<2560x128xi32, #tpu.memory_space<hbm>> -> memref<128x128xi32, #tpu.memory_space<hbm>>
        tpu.enqueue_dma source(%dma_start3A_111 : memref<128x128xi32, #tpu.memory_space<hbm>>) target(%dma_start3A_109 : memref<128x128xi32, #tpu.memory_space<vmem>>) target_semaphore(%run_scoped3A : memref<!tpu.dma_semaphore, #tpu.memory_space<semaphore_mem>>)
        %dma_wait3A_112 = arith.constant 16 : i32
        %dma_wait3A_113 = arith.constant 0 : i32
        %dma_wait3A_114 = tpu.memref_slice %arg8[%dma_wait3A_112, %dma_wait3A_113] : memref<144x128xi32, #tpu.memory_space<vmem>> -> memref<128x128xi32, #tpu.memory_space<vmem>>
        %dma_wait3A_115 = arith.constant 0 : i32
        %dma_wait3A_116 = tpu.memref_slice %arg4[%add3A_101, %dma_wait3A_115] : memref<2560x128xi32, #tpu.memory_space<hbm>> -> memref<128x128xi32, #tpu.memory_space<hbm>>
        %dma_wait3A_117 = arith.constant 16 : i32
        %dma_wait3A_118 = arith.constant 0 : i32
        %dma_wait3A_119 = tpu.memref_slice %arg8[%dma_wait3A_117, %dma_wait3A_118] : memref<144x128xi32, #tpu.memory_space<vmem>> -> memref<128x128xi32, #tpu.memory_space<vmem>>
        %dma_wait3A_120 = arith.constant 0 : i32
        %dma_wait3A_121 = tpu.memref_slice %arg4[%add3A_101, %dma_wait3A_120] : memref<2560x128xi32, #tpu.memory_space<hbm>> -> memref<128x128xi32, #tpu.memory_space<hbm>>
        tpu.wait_dma2 semaphore(%run_scoped3A : memref<!tpu.dma_semaphore, #tpu.memory_space<semaphore_mem>>) src(%dma_wait3A_121 : memref<128x128xi32, #tpu.memory_space<hbm>>) dst(%dma_wait3A_119 : memref<128x128xi32, #tpu.memory_space<vmem>>)
        tpu.yield
      }) : () -> ()
    } else {
    }
    %dma_start3A = arith.constant 0 : i32
    %dma_start3A_13 = arith.constant 0 : i32
    %dma_start3A_14 = tpu.memref_slice %arg7[%dma_start3A, %dma_start3A_13] : memref<144x128xi32, #tpu.memory_space<vmem>> -> memref<1x128xi32, #tpu.memory_space<vmem>>
    %dma_start3A_15 = tpu.memref_squeeze %dma_start3A_14 : memref<1x128xi32, #tpu.memory_space<vmem>> -> memref<128xi32, #tpu.memory_space<vmem>>
    %dma_start3A_16 = arith.constant 0 : i32
    %dma_start3A_17 = arith.constant 0 : i32
    %dma_start3A_18 = tpu.memref_slice %arg2[%dma_start3A_16, %dma_start3A_17] : memref<10000x48xf32, #tpu.memory_space<hbm>> -> memref<10000x48xf32, #tpu.memory_space<hbm>>
    tpu.enqueue_indirect_dma source(%dma_start3A_18 : memref<10000x48xf32, #tpu.memory_space<hbm>>) target(%arg9 : memref<128x48xf32, #tpu.memory_space<vmem>>) offsets(%dma_start3A_15 : memref<128xi32, #tpu.memory_space<vmem>>) semaphore(%arg14 : memref<!tpu.dma_semaphore, #tpu.memory_space<semaphore_mem>>)
    %dma_start3A_19 = arith.constant 1 : i32
    %dma_start3A_20 = arith.constant 0 : i32
    %dma_start3A_21 = tpu.memref_slice %arg7[%dma_start3A_19, %dma_start3A_20] : memref<144x128xi32, #tpu.memory_space<vmem>> -> memref<1x128xi32, #tpu.memory_space<vmem>>
    %dma_start3A_22 = tpu.memref_squeeze %dma_start3A_21 : memref<1x128xi32, #tpu.memory_space<vmem>> -> memref<128xi32, #tpu.memory_space<vmem>>
    %dma_start3A_23 = arith.constant 0 : i32
    %dma_start3A_24 = arith.constant 0 : i32
    %dma_start3A_25 = tpu.memref_slice %arg2[%dma_start3A_23, %dma_start3A_24] : memref<10000x48xf32, #tpu.memory_space<hbm>> -> memref<10000x48xf32, #tpu.memory_space<hbm>>
    tpu.enqueue_indirect_dma source(%dma_start3A_25 : memref<10000x48xf32, #tpu.memory_space<hbm>>) target(%arg10 : memref<128x48xf32, #tpu.memory_space<vmem>>) offsets(%dma_start3A_22 : memref<128xi32, #tpu.memory_space<vmem>>) semaphore(%arg15 : memref<!tpu.dma_semaphore, #tpu.memory_space<semaphore_mem>>)
    %scan3A = arith.constant 0 : i32
    %scan3A_26 = arith.constant 8 : i32
    %scan3A_27 = arith.addi %scan3A, %scan3A_26 : i32
    %scan3A_28 = arith.constant 1 : i32
    scf.for %scan3A_98 = %scan3A to %scan3A_27 step %scan3A_28  : i32 {
      %mul3A_99 = arith.constant 1 : i32
      %mul3A_100 = arith.muli %scan3A_98, %mul3A_99 : i32
      %add3A_101 = arith.constant 0 : i32
      %add3A_102 = arith.addi %add3A_101, %mul3A_100 : i32
      %swap3A = arith.index_cast %add3A_102 : i32 to index
      %swap3A_103 = arith.constant 0 : index
      %swap3A_104 = tpu.vector_load %arg13[%swap3A, %swap3A_103] {strides = array<i32>} : memref<8x48xf32, #tpu.memory_space<vmem>>, vector<1x16xf32>,
      %swap3A_105 = vector.shape_cast %swap3A_104 : vector<1x16xf32> to vector<16xf32>
      %swap3A_106 = vector.shape_cast %broadcast_in_dim3A_9 : vector<16xf32> to vector<1x16xf32>
      tpu.vector_store %arg13[%swap3A, %swap3A_103], %swap3A_106 {strides = array<i32>} : memref<8x48xf32, #tpu.memory_space<vmem>>, vector<1x16xf32>,
      %swap3A_107 = arith.index_cast %add3A_102 : i32 to index
      %swap3A_108 = arith.constant 16 : index
      %swap3A_109 = tpu.vector_load %arg13[%swap3A_107, %swap3A_108] {strides = array<i32>} : memref<8x48xf32, #tpu.memory_space<vmem>>, vector<1x16xf32>,
      %swap3A_110 = vector.shape_cast %swap3A_109 : vector<1x16xf32> to vector<16xf32>
      %swap3A_111 = vector.shape_cast %broadcast_in_dim3A_9 : vector<16xf32> to vector<1x16xf32>
      tpu.vector_store %arg13[%swap3A_107, %swap3A_108], %swap3A_111 {strides = array<i32>} : memref<8x48xf32, #tpu.memory_space<vmem>>, vector<1x16xf32>,
      %swap3A_112 = arith.index_cast %add3A_102 : i32 to index
      %swap3A_113 = arith.constant 32 : index
      %swap3A_114 = tpu.vector_load %arg13[%swap3A_112, %swap3A_113] {strides = array<i32>} : memref<8x48xf32, #tpu.memory_space<vmem>>, vector<1x16xf32>,
      %swap3A_115 = vector.shape_cast %swap3A_114 : vector<1x16xf32> to vector<16xf32>
      %swap3A_116 = vector.shape_cast %broadcast_in_dim3A_9 : vector<16xf32> to vector<1x16xf32>
      tpu.vector_store %arg13[%swap3A_112, %swap3A_113], %swap3A_116 {strides = array<i32>} : memref<8x48xf32, #tpu.memory_space<vmem>>, vector<1x16xf32>,
    }
    %scan3A_29 = arith.constant 8 : i32
    %scan3A_30 = arith.constant 0 : i32
    %scan3A_31 = arith.constant 79 : i32
    %scan3A_32 = arith.addi %scan3A_30, %scan3A_31 : i32
    %scan3A_33 = arith.constant 1 : i32
    scf.for %scan3A_98 = %scan3A_30 to %scan3A_32 step %scan3A_33  : i32 {
      %mul3A_99 = arith.constant 1 : i32
      %mul3A_100 = arith.muli %scan3A_98, %mul3A_99 : i32
      %add3A_101 = arith.constant 0 : i32
      %add3A_102 = arith.addi %add3A_101, %mul3A_100 : i32
      %mul3A_103 = arith.constant 632 : i32
      %mul3A_104 = arith.muli %arg1, %mul3A_103 : i32
      %mul3A_105 = arith.constant 8 : i32
      %mul3A_106 = arith.muli %add3A_102, %mul3A_105 : i32
      %add3A_107 = arith.addi %mul3A_104, %mul3A_106 : i32
      %dma_start3A_108 = arith.constant 0 : i32
      %dma_start3A_109 = tpu.memref_slice %arg6[%add3A_107, %dma_start3A_108] : memref<10112x48xf32, #tpu.memory_space<vmem_shared>> -> memref<8x48xf32, #tpu.memory_space<vmem_shared>>
      %dma_start3A_110 = arith.constant 0 : i32
      %dma_start3A_111 = tpu.memref_slice %arg6[%add3A_107, %dma_start3A_110] : memref<10112x48xf32, #tpu.memory_space<vmem_shared>> -> memref<8x48xf32, #tpu.memory_space<vmem_shared>>
      tpu.enqueue_dma source(%arg13 : memref<8x48xf32, #tpu.memory_space<vmem>>) target(%dma_start3A_111 : memref<8x48xf32, #tpu.memory_space<vmem_shared>>) target_semaphore(%arg22 : memref<!tpu.dma_semaphore, #tpu.memory_space<semaphore_mem>>)
    }
    %scan3A_34 = arith.constant 79 : i32
    %scan3A_35 = arith.constant 0 : i32
    %scan3A_36 = arith.constant 79 : i32
    %scan3A_37 = arith.addi %scan3A_35, %scan3A_36 : i32
    %scan3A_38 = arith.constant 1 : i32
    scf.for %scan3A_98 = %scan3A_35 to %scan3A_37 step %scan3A_38  : i32 {
      %mul3A_99 = arith.constant 1 : i32
      %mul3A_100 = arith.muli %scan3A_98, %mul3A_99 : i32
      %add3A_101 = arith.constant 0 : i32
      %add3A_102 = arith.addi %add3A_101, %mul3A_100 : i32
      %mul3A_103 = arith.constant 632 : i32
      %mul3A_104 = arith.muli %arg1, %mul3A_103 : i32
      %mul3A_105 = arith.constant 8 : i32
      %mul3A_106 = arith.muli %add3A_102, %mul3A_105 : i32
      %add3A_107 = arith.addi %mul3A_104, %mul3A_106 : i32
      %dma_wait3A_108 = arith.constant 0 : i32
      %dma_wait3A_109 = tpu.memref_slice %arg6[%add3A_107, %dma_wait3A_108] : memref<10112x48xf32, #tpu.memory_space<vmem_shared>> -> memref<8x48xf32, #tpu.memory_space<vmem_shared>>
      %dma_wait3A_110 = arith.constant 0 : i32
      %dma_wait3A_111 = tpu.memref_slice %arg6[%add3A_107, %dma_wait3A_110] : memref<10112x48xf32, #tpu.memory_space<vmem_shared>> -> memref<8x48xf32, #tpu.memory_space<vmem_shared>>
      tpu.wait_dma2 semaphore(%arg22 : memref<!tpu.dma_semaphore, #tpu.memory_space<semaphore_mem>>) src(%arg13 : memref<8x48xf32, #tpu.memory_space<vmem>>) dst(%dma_wait3A_111 : memref<8x48xf32, #tpu.memory_space<vmem_shared>>)
    }
    %scan3A_39 = arith.constant 79 : i32
    %barrier3A = arith.constant 0 : index
    tpu.barrier barrier_id(%barrier3A)
    %sub3A = arith.constant 0 : i32
    %sub3A_40 = arith.subi %select_n3A, %sub3A : i32
    %sub3A_41 = arith.constant 4 : i32
    %sub3A_42 = arith.constant 1 : i32
    %sub3A_43 = arith.subi %sub3A_41, %sub3A_42 : i32
    %add3A_44 = arith.addi %sub3A_40, %sub3A_43 : i32
    %div3A = arith.constant 4 : i32
    %div3A_45 = arith.divsi %add3A_44, %div3A : i32
    %while3A = arith.constant 4 : i32
    %while3A_46 = arith.constant 0 : i32
    %while3A_47 = arith.constant 0 : i32
    %while3A_48 = arith.subi %div3A_45, %while3A_47 : i32
    %while3A_49 = arith.addi %while3A_47, %while3A_48 : i32
    %while3A_50 = arith.constant 1 : i32
    %while3A_51 = arith.divsi %while3A_48, %while3A_50 : i32
    %while3A_52 = arith.muli %while3A_51, %while3A_50 : i32
    %while3A_53 = arith.addi %while3A_47, %while3A_52 : i32
    %while3A_54 = arith.constant 1 : i32
    scf.for %while3A_98 = %while3A_47 to %while3A_53 step %while3A_54  : i32 {
      %mul3A_99 = arith.muli %while3A_98, %while3A : i32
      %add3A_100 = arith.addi %while3A_46, %mul3A_99 : i32
      %add3A_101 = arith.constant 0 : i32
      %add3A_102 = arith.addi %add3A_100, %add3A_101 : i32
      %dma_wait3A_103 = arith.constant 0 : i32
      %dma_wait3A_104 = tpu.memref_slice %arg7[%add3A_102, %dma_wait3A_103] : memref<144x128xi32, #tpu.memory_space<vmem>> -> memref<1x128xi32, #tpu.memory_space<vmem>>
      %dma_wait3A_105 = tpu.memref_squeeze %dma_wait3A_104 : memref<1x128xi32, #tpu.memory_space<vmem>> -> memref<128xi32, #tpu.memory_space<vmem>>
      %dma_wait3A_106 = arith.constant 0 : i32
      %dma_wait3A_107 = arith.constant 0 : i32
      %dma_wait3A_108 = tpu.memref_slice %arg2[%dma_wait3A_106, %dma_wait3A_107] : memref<10000x48xf32, #tpu.memory_space<hbm>> -> memref<10000x48xf32, #tpu.memory_space<hbm>>
      tpu.wait_indirect_dma semaphore(%arg14 : memref<!tpu.dma_semaphore, #tpu.memory_space<semaphore_mem>>) src(%dma_wait3A_108 : memref<10000x48xf32, #tpu.memory_space<hbm>>) dst(%arg9 : memref<128x48xf32, #tpu.memory_space<vmem>>)
      %dma_start3A_109 = arith.constant 0 : i32
      %dma_start3A_110 = tpu.memref_slice %arg8[%add3A_102, %dma_start3A_109] : memref<144x128xi32, #tpu.memory_space<vmem>> -> memref<1x128xi32, #tpu.memory_space<vmem>>
      %dma_start3A_111 = tpu.memref_squeeze %dma_start3A_110 : memref<1x128xi32, #tpu.memory_space<vmem>> -> memref<128xi32, #tpu.memory_space<vmem>>
      %dma_start3A_112 = arith.constant 0 : i32
      %dma_start3A_113 = arith.constant 0 : i32
      %dma_start3A_114 = tpu.memref_slice %arg6[%dma_start3A_112, %dma_start3A_113] : memref<10112x48xf32, #tpu.memory_space<vmem_shared>> -> memref<10112x48xf32, #tpu.memory_space<vmem_shared>>
      tpu.enqueue_indirect_dma source(%arg9 : memref<128x48xf32, #tpu.memory_space<vmem>>) target(%dma_start3A_114 : memref<10112x48xf32, #tpu.memory_space<vmem_shared>>) offsets(%dma_start3A_111 : memref<128xi32, #tpu.memory_space<vmem>>) semaphore(%arg18 : memref<!tpu.dma_semaphore, #tpu.memory_space<semaphore_mem>>) {add = true}
      %add3A_115 = arith.constant 2 : i32
      %add3A_116 = arith.addi %add3A_102, %add3A_115 : i32
      %sub3A_117 = arith.constant 4 : i32
      %sub3A_118 = arith.subi %add3A_116, %sub3A_117 : i32
      %lt3A = arith.cmpi slt, %add3A_116, %select_n3A : i32
      %convert_element_type3A_119 = arith.extui %lt3A : i1 to i32
      %cond3A_120 = arith.constant 0 : i32
      %cond3A_121 = arith.cmpi ne, %convert_element_type3A_119, %cond3A_120 : i32
      scf.if %cond3A_121 {
        %ge3A = arith.constant 0 : i32
        %ge3A_188 = arith.cmpi sge, %sub3A_118, %ge3A : i32
        %convert_element_type3A_189 = arith.extui %ge3A_188 : i1 to i32
        %cond3A_190 = arith.constant 0 : i32
        %cond3A_191 = arith.cmpi ne, %convert_element_type3A_189, %cond3A_190 : i32
        scf.if %cond3A_191 {
          %dma_wait3A_198 = arith.constant 0 : i32
          %dma_wait3A_199 = tpu.memref_slice %arg8[%sub3A_118, %dma_wait3A_198] : memref<144x128xi32, #tpu.memory_space<vmem>> -> memref<1x128xi32, #tpu.memory_space<vmem>>
          %dma_wait3A_200 = tpu.memref_squeeze %dma_wait3A_199 : memref<1x128xi32, #tpu.memory_space<vmem>> -> memref<128xi32, #tpu.memory_space<vmem>>
          %dma_wait3A_201 = arith.constant 0 : i32
          %dma_wait3A_202 = arith.constant 0 : i32
          %dma_wait3A_203 = tpu.memref_slice %arg6[%dma_wait3A_201, %dma_wait3A_202] : memref<10112x48xf32, #tpu.memory_space<vmem_shared>> -> memref<10112x48xf32, #tpu.memory_space<vmem_shared>>
          tpu.wait_indirect_dma semaphore(%arg20 : memref<!tpu.dma_semaphore, #tpu.memory_space<semaphore_mem>>) src(%arg11 : memref<128x48xf32, #tpu.memory_space<vmem>>) dst(%dma_wait3A_203 : memref<10112x48xf32, #tpu.memory_space<vmem_shared>>)
        } else {
        }
        %dma_start3A_192 = arith.constant 0 : i32
        %dma_start3A_193 = tpu.memref_slice %arg7[%add3A_116, %dma_start3A_192] : memref<144x128xi32, #tpu.memory_space<vmem>> -> memref<1x128xi32, #tpu.memory_space<vmem>>
        %dma_start3A_194 = tpu.memref_squeeze %dma_start3A_193 : memref<1x128xi32, #tpu.memory_space<vmem>> -> memref<128xi32, #tpu.memory_space<vmem>>
        %dma_start3A_195 = arith.constant 0 : i32
        %dma_start3A_196 = arith.constant 0 : i32
        %dma_start3A_197 = tpu.memref_slice %arg2[%dma_start3A_195, %dma_start3A_196] : memref<10000x48xf32, #tpu.memory_space<hbm>> -> memref<10000x48xf32, #tpu.memory_space<hbm>>
        tpu.enqueue_indirect_dma source(%dma_start3A_197 : memref<10000x48xf32, #tpu.memory_space<hbm>>) target(%arg11 : memref<128x48xf32, #tpu.memory_space<vmem>>) offsets(%dma_start3A_194 : memref<128xi32, #tpu.memory_space<vmem>>) semaphore(%arg16 : memref<!tpu.dma_semaphore, #tpu.memory_space<semaphore_mem>>)
      } else {
      }
      %add3A_122 = arith.constant 1 : i32
      %add3A_123 = arith.addi %add3A_100, %add3A_122 : i32
      %dma_wait3A_124 = arith.constant 0 : i32
      %dma_wait3A_125 = tpu.memref_slice %arg7[%add3A_123, %dma_wait3A_124] : memref<144x128xi32, #tpu.memory_space<vmem>> -> memref<1x128xi32, #tpu.memory_space<vmem>>
      %dma_wait3A_126 = tpu.memref_squeeze %dma_wait3A_125 : memref<1x128xi32, #tpu.memory_space<vmem>> -> memref<128xi32, #tpu.memory_space<vmem>>
      %dma_wait3A_127 = arith.constant 0 : i32
      %dma_wait3A_128 = arith.constant 0 : i32
      %dma_wait3A_129 = tpu.memref_slice %arg2[%dma_wait3A_127, %dma_wait3A_128] : memref<10000x48xf32, #tpu.memory_space<hbm>> -> memref<10000x48xf32, #tpu.memory_space<hbm>>
      tpu.wait_indirect_dma semaphore(%arg15 : memref<!tpu.dma_semaphore, #tpu.memory_space<semaphore_mem>>) src(%dma_wait3A_129 : memref<10000x48xf32, #tpu.memory_space<hbm>>) dst(%arg10 : memref<128x48xf32, #tpu.memory_space<vmem>>)
      %dma_start3A_130 = arith.constant 0 : i32
      %dma_start3A_131 = tpu.memref_slice %arg8[%add3A_123, %dma_start3A_130] : memref<144x128xi32, #tpu.memory_space<vmem>> -> memref<1x128xi32, #tpu.memory_space<vmem>>
      %dma_start3A_132 = tpu.memref_squeeze %dma_start3A_131 : memref<1x128xi32, #tpu.memory_space<vmem>> -> memref<128xi32, #tpu.memory_space<vmem>>
      %dma_start3A_133 = arith.constant 0 : i32
      %dma_start3A_134 = arith.constant 0 : i32
      %dma_start3A_135 = tpu.memref_slice %arg6[%dma_start3A_133, %dma_start3A_134] : memref<10112x48xf32, #tpu.memory_space<vmem_shared>> -> memref<10112x48xf32, #tpu.memory_space<vmem_shared>>
      tpu.enqueue_indirect_dma source(%arg10 : memref<128x48xf32, #tpu.memory_space<vmem>>) target(%dma_start3A_135 : memref<10112x48xf32, #tpu.memory_space<vmem_shared>>) offsets(%dma_start3A_132 : memref<128xi32, #tpu.memory_space<vmem>>) semaphore(%arg19 : memref<!tpu.dma_semaphore, #tpu.memory_space<semaphore_mem>>) {add = true}
      %add3A_136 = arith.constant 2 : i32
      %add3A_137 = arith.addi %add3A_123, %add3A_136 : i32
      %sub3A_138 = arith.constant 4 : i32
      %sub3A_139 = arith.subi %add3A_137, %sub3A_138 : i32
      %lt3A_140 = arith.cmpi slt, %add3A_137, %select_n3A : i32
      %convert_element_type3A_141 = arith.extui %lt3A_140 : i1 to i32
      %cond3A_142 = arith.constant 0 : i32
      %cond3A_143 = arith.cmpi ne, %convert_element_type3A_141, %cond3A_142 : i32
      scf.if %cond3A_143 {
        %ge3A = arith.constant 0 : i32
        %ge3A_188 = arith.cmpi sge, %sub3A_139, %ge3A : i32
        %convert_element_type3A_189 = arith.extui %ge3A_188 : i1 to i32
        %cond3A_190 = arith.constant 0 : i32
        %cond3A_191 = arith.cmpi ne, %convert_element_type3A_189, %cond3A_190 : i32
        scf.if %cond3A_191 {
          %dma_wait3A_198 = arith.constant 0 : i32
          %dma_wait3A_199 = tpu.memref_slice %arg8[%sub3A_139, %dma_wait3A_198] : memref<144x128xi32, #tpu.memory_space<vmem>> -> memref<1x128xi32, #tpu.memory_space<vmem>>
          %dma_wait3A_200 = tpu.memref_squeeze %dma_wait3A_199 : memref<1x128xi32, #tpu.memory_space<vmem>> -> memref<128xi32, #tpu.memory_space<vmem>>
          %dma_wait3A_201 = arith.constant 0 : i32
          %dma_wait3A_202 = arith.constant 0 : i32
          %dma_wait3A_203 = tpu.memref_slice %arg6[%dma_wait3A_201, %dma_wait3A_202] : memref<10112x48xf32, #tpu.memory_space<vmem_shared>> -> memref<10112x48xf32, #tpu.memory_space<vmem_shared>>
          tpu.wait_indirect_dma semaphore(%arg21 : memref<!tpu.dma_semaphore, #tpu.memory_space<semaphore_mem>>) src(%arg12 : memref<128x48xf32, #tpu.memory_space<vmem>>) dst(%dma_wait3A_203 : memref<10112x48xf32, #tpu.memory_space<vmem_shared>>)
        } else {
        }
        %dma_start3A_192 = arith.constant 0 : i32
        %dma_start3A_193 = tpu.memref_slice %arg7[%add3A_137, %dma_start3A_192] : memref<144x128xi32, #tpu.memory_space<vmem>> -> memref<1x128xi32, #tpu.memory_space<vmem>>
        %dma_start3A_194 = tpu.memref_squeeze %dma_start3A_193 : memref<1x128xi32, #tpu.memory_space<vmem>> -> memref<128xi32, #tpu.memory_space<vmem>>
        %dma_start3A_195 = arith.constant 0 : i32
        %dma_start3A_196 = arith.constant 0 : i32
        %dma_start3A_197 = tpu.memref_slice %arg2[%dma_start3A_195, %dma_start3A_196] : memref<10000x48xf32, #tpu.memory_space<hbm>> -> memref<10000x48xf32, #tpu.memory_space<hbm>>
        tpu.enqueue_indirect_dma source(%dma_start3A_197 : memref<10000x48xf32, #tpu.memory_space<hbm>>) target(%arg12 : memref<128x48xf32, #tpu.memory_space<vmem>>) offsets(%dma_start3A_194 : memref<128xi32, #tpu.memory_space<vmem>>) semaphore(%arg17 : memref<!tpu.dma_semaphore, #tpu.memory_space<semaphore_mem>>)
      } else {
      }
      %add3A_144 = arith.constant 2 : i32
      %add3A_145 = arith.addi %add3A_100, %add3A_144 : i32
      %dma_wait3A_146 = arith.constant 0 : i32
      %dma_wait3A_147 = tpu.memref_slice %arg7[%add3A_145, %dma_wait3A_146] : memref<144x128xi32, #tpu.memory_space<vmem>> -> memref<1x128xi32, #tpu.memory_space<vmem>>
      %dma_wait3A_148 = tpu.memref_squeeze %dma_wait3A_147 : memref<1x128xi32, #tpu.memory_space<vmem>> -> memref<128xi32, #tpu.memory_space<vmem>>
      %dma_wait3A_149 = arith.constant 0 : i32
      %dma_wait3A_150 = arith.constant 0 : i32
      %dma_wait3A_151 = tpu.memref_slice %arg2[%dma_wait3A_149, %dma_wait3A_150] : memref<10000x48xf32, #tpu.memory_space<hbm>> -> memref<10000x48xf32, #tpu.memory_space<hbm>>
      tpu.wait_indirect_dma semaphore(%arg16 : memref<!tpu.dma_semaphore, #tpu.memory_space<semaphore_mem>>) src(%dma_wait3A_151 : memref<10000x48xf32, #tpu.memory_space<hbm>>) dst(%arg11 : memref<128x48xf32, #tpu.memory_space<vmem>>)
      %dma_start3A_152 = arith.constant 0 : i32
      %dma_start3A_153 = tpu.memref_slice %arg8[%add3A_145, %dma_start3A_152] : memref<144x128xi32, #tpu.memory_space<vmem>> -> memref<1x128xi32, #tpu.memory_space<vmem>>
      %dma_start3A_154 = tpu.memref_squeeze %dma_start3A_153 : memref<1x128xi32, #tpu.memory_space<vmem>> -> memref<128xi32, #tpu.memory_space<vmem>>
      %dma_start3A_155 = arith.constant 0 : i32
      %dma_start3A_156 = arith.constant 0 : i32
      %dma_start3A_157 = tpu.memref_slice %arg6[%dma_start3A_155, %dma_start3A_156] : memref<10112x48xf32, #tpu.memory_space<vmem_shared>> -> memref<10112x48xf32, #tpu.memory_space<vmem_shared>>
      tpu.enqueue_indirect_dma source(%arg11 : memref<128x48xf32, #tpu.memory_space<vmem>>) target(%dma_start3A_157 : memref<10112x48xf32, #tpu.memory_space<vmem_shared>>) offsets(%dma_start3A_154 : memref<128xi32, #tpu.memory_space<vmem>>) semaphore(%arg20 : memref<!tpu.dma_semaphore, #tpu.memory_space<semaphore_mem>>) {add = true}
      %add3A_158 = arith.constant 2 : i32
      %add3A_159 = arith.addi %add3A_145, %add3A_158 : i32
      %sub3A_160 = arith.constant 4 : i32
      %sub3A_161 = arith.subi %add3A_159, %sub3A_160 : i32
      %lt3A_162 = arith.cmpi slt, %add3A_159, %select_n3A : i32
      %convert_element_type3A_163 = arith.extui %lt3A_162 : i1 to i32
      %cond3A_164 = arith.constant 0 : i32
      %cond3A_165 = arith.cmpi ne, %convert_element_type3A_163, %cond3A_164 : i32
      scf.if %cond3A_165 {
        %ge3A = arith.constant 0 : i32
        %ge3A_188 = arith.cmpi sge, %sub3A_161, %ge3A : i32
        %convert_element_type3A_189 = arith.extui %ge3A_188 : i1 to i32
        %cond3A_190 = arith.constant 0 : i32
        %cond3A_191 = arith.cmpi ne, %convert_element_type3A_189, %cond3A_190 : i32
        scf.if %cond3A_191 {
          %dma_wait3A_198 = arith.constant 0 : i32
          %dma_wait3A_199 = tpu.memref_slice %arg8[%sub3A_161, %dma_wait3A_198] : memref<144x128xi32, #tpu.memory_space<vmem>> -> memref<1x128xi32, #tpu.memory_space<vmem>>
          %dma_wait3A_200 = tpu.memref_squeeze %dma_wait3A_199 : memref<1x128xi32, #tpu.memory_space<vmem>> -> memref<128xi32, #tpu.memory_space<vmem>>
          %dma_wait3A_201 = arith.constant 0 : i32
          %dma_wait3A_202 = arith.constant 0 : i32
          %dma_wait3A_203 = tpu.memref_slice %arg6[%dma_wait3A_201, %dma_wait3A_202] : memref<10112x48xf32, #tpu.memory_space<vmem_shared>> -> memref<10112x48xf32, #tpu.memory_space<vmem_shared>>
          tpu.wait_indirect_dma semaphore(%arg18 : memref<!tpu.dma_semaphore, #tpu.memory_space<semaphore_mem>>) src(%arg9 : memref<128x48xf32, #tpu.memory_space<vmem>>) dst(%dma_wait3A_203 : memref<10112x48xf32, #tpu.memory_space<vmem_shared>>)
        } else {
        }
        %dma_start3A_192 = arith.constant 0 : i32
        %dma_start3A_193 = tpu.memref_slice %arg7[%add3A_159, %dma_start3A_192] : memref<144x128xi32, #tpu.memory_space<vmem>> -> memref<1x128xi32, #tpu.memory_space<vmem>>
        %dma_start3A_194 = tpu.memref_squeeze %dma_start3A_193 : memref<1x128xi32, #tpu.memory_space<vmem>> -> memref<128xi32, #tpu.memory_space<vmem>>
        %dma_start3A_195 = arith.constant 0 : i32
        %dma_start3A_196 = arith.constant 0 : i32
        %dma_start3A_197 = tpu.memref_slice %arg2[%dma_start3A_195, %dma_start3A_196] : memref<10000x48xf32, #tpu.memory_space<hbm>> -> memref<10000x48xf32, #tpu.memory_space<hbm>>
        tpu.enqueue_indirect_dma source(%dma_start3A_197 : memref<10000x48xf32, #tpu.memory_space<hbm>>) target(%arg9 : memref<128x48xf32, #tpu.memory_space<vmem>>) offsets(%dma_start3A_194 : memref<128xi32, #tpu.memory_space<vmem>>) semaphore(%arg14 : memref<!tpu.dma_semaphore, #tpu.memory_space<semaphore_mem>>)
      } else {
      }
      %add3A_166 = arith.constant 3 : i32
      %add3A_167 = arith.addi %add3A_100, %add3A_166 : i32
      %dma_wait3A_168 = arith.constant 0 : i32
      %dma_wait3A_169 = tpu.memref_slice %arg7[%add3A_167, %dma_wait3A_168] : memref<144x128xi32, #tpu.memory_space<vmem>> -> memref<1x128xi32, #tpu.memory_space<vmem>>
      %dma_wait3A_170 = tpu.memref_squeeze %dma_wait3A_169 : memref<1x128xi32, #tpu.memory_space<vmem>> -> memref<128xi32, #tpu.memory_space<vmem>>
      %dma_wait3A_171 = arith.constant 0 : i32
      %dma_wait3A_172 = arith.constant 0 : i32
      %dma_wait3A_173 = tpu.memref_slice %arg2[%dma_wait3A_171, %dma_wait3A_172] : memref<10000x48xf32, #tpu.memory_space<hbm>> -> memref<10000x48xf32, #tpu.memory_space<hbm>>
      tpu.wait_indirect_dma semaphore(%arg17 : memref<!tpu.dma_semaphore, #tpu.memory_space<semaphore_mem>>) src(%dma_wait3A_173 : memref<10000x48xf32, #tpu.memory_space<hbm>>) dst(%arg12 : memref<128x48xf32, #tpu.memory_space<vmem>>)
      %dma_start3A_174 = arith.constant 0 : i32
      %dma_start3A_175 = tpu.memref_slice %arg8[%add3A_167, %dma_start3A_174] : memref<144x128xi32, #tpu.memory_space<vmem>> -> memref<1x128xi32, #tpu.memory_space<vmem>>
      %dma_start3A_176 = tpu.memref_squeeze %dma_start3A_175 : memref<1x128xi32, #tpu.memory_space<vmem>> -> memref<128xi32, #tpu.memory_space<vmem>>
      %dma_start3A_177 = arith.constant 0 : i32
      %dma_start3A_178 = arith.constant 0 : i32
      %dma_start3A_179 = tpu.memref_slice %arg6[%dma_start3A_177, %dma_start3A_178] : memref<10112x48xf32, #tpu.memory_space<vmem_shared>> -> memref<10112x48xf32, #tpu.memory_space<vmem_shared>>
      tpu.enqueue_indirect_dma source(%arg12 : memref<128x48xf32, #tpu.memory_space<vmem>>) target(%dma_start3A_179 : memref<10112x48xf32, #tpu.memory_space<vmem_shared>>) offsets(%dma_start3A_176 : memref<128xi32, #tpu.memory_space<vmem>>) semaphore(%arg21 : memref<!tpu.dma_semaphore, #tpu.memory_space<semaphore_mem>>) {add = true}
      %add3A_180 = arith.constant 2 : i32
      %add3A_181 = arith.addi %add3A_167, %add3A_180 : i32
      %sub3A_182 = arith.constant 4 : i32
      %sub3A_183 = arith.subi %add3A_181, %sub3A_182 : i32
      %lt3A_184 = arith.cmpi slt, %add3A_181, %select_n3A : i32
      %convert_element_type3A_185 = arith.extui %lt3A_184 : i1 to i32
      %cond3A_186 = arith.constant 0 : i32
      %cond3A_187 = arith.cmpi ne, %convert_element_type3A_185, %cond3A_186 : i32
      scf.if %cond3A_187 {
        %ge3A = arith.constant 0 : i32
        %ge3A_188 = arith.cmpi sge, %sub3A_183, %ge3A : i32
        %convert_element_type3A_189 = arith.extui %ge3A_188 : i1 to i32
        %cond3A_190 = arith.constant 0 : i32
        %cond3A_191 = arith.cmpi ne, %convert_element_type3A_189, %cond3A_190 : i32
        scf.if %cond3A_191 {
          %dma_wait3A_198 = arith.constant 0 : i32
          %dma_wait3A_199 = tpu.memref_slice %arg8[%sub3A_183, %dma_wait3A_198] : memref<144x128xi32, #tpu.memory_space<vmem>> -> memref<1x128xi32, #tpu.memory_space<vmem>>
          %dma_wait3A_200 = tpu.memref_squeeze %dma_wait3A_199 : memref<1x128xi32, #tpu.memory_space<vmem>> -> memref<128xi32, #tpu.memory_space<vmem>>
          %dma_wait3A_201 = arith.constant 0 : i32
          %dma_wait3A_202 = arith.constant 0 : i32
          %dma_wait3A_203 = tpu.memref_slice %arg6[%dma_wait3A_201, %dma_wait3A_202] : memref<10112x48xf32, #tpu.memory_space<vmem_shared>> -> memref<10112x48xf32, #tpu.memory_space<vmem_shared>>
          tpu.wait_indirect_dma semaphore(%arg19 : memref<!tpu.dma_semaphore, #tpu.memory_space<semaphore_mem>>) src(%arg10 : memref<128x48xf32, #tpu.memory_space<vmem>>) dst(%dma_wait3A_203 : memref<10112x48xf32, #tpu.memory_space<vmem_shared>>)
        } else {
        }
        %dma_start3A_192 = arith.constant 0 : i32
        %dma_start3A_193 = tpu.memref_slice %arg7[%add3A_181, %dma_start3A_192] : memref<144x128xi32, #tpu.memory_space<vmem>> -> memref<1x128xi32, #tpu.memory_space<vmem>>
        %dma_start3A_194 = tpu.memref_squeeze %dma_start3A_193 : memref<1x128xi32, #tpu.memory_space<vmem>> -> memref<128xi32, #tpu.memory_space<vmem>>
        %dma_start3A_195 = arith.constant 0 : i32
        %dma_start3A_196 = arith.constant 0 : i32
        %dma_start3A_197 = tpu.memref_slice %arg2[%dma_start3A_195, %dma_start3A_196] : memref<10000x48xf32, #tpu.memory_space<hbm>> -> memref<10000x48xf32, #tpu.memory_space<hbm>>
        tpu.enqueue_indirect_dma source(%dma_start3A_197 : memref<10000x48xf32, #tpu.memory_space<hbm>>) target(%arg10 : memref<128x48xf32, #tpu.memory_space<vmem>>) offsets(%dma_start3A_194 : memref<128xi32, #tpu.memory_space<vmem>>) semaphore(%arg15 : memref<!tpu.dma_semaphore, #tpu.memory_space<semaphore_mem>>)
      } else {
      }
    }
    %while3A_55 = arith.constant 1 : i32
    scf.for %while3A_98 = %while3A_53 to %while3A_49 step %while3A_55  : i32 {
      %mul3A_99 = arith.muli %while3A_98, %while3A : i32
      %add3A_100 = arith.addi %while3A_46, %mul3A_99 : i32
      %add3A_101 = arith.constant 0 : i32
      %add3A_102 = arith.addi %add3A_100, %add3A_101 : i32
      %dma_wait3A_103 = arith.constant 0 : i32
      %dma_wait3A_104 = tpu.memref_slice %arg7[%add3A_102, %dma_wait3A_103] : memref<144x128xi32, #tpu.memory_space<vmem>> -> memref<1x128xi32, #tpu.memory_space<vmem>>
      %dma_wait3A_105 = tpu.memref_squeeze %dma_wait3A_104 : memref<1x128xi32, #tpu.memory_space<vmem>> -> memref<128xi32, #tpu.memory_space<vmem>>
      %dma_wait3A_106 = arith.constant 0 : i32
      %dma_wait3A_107 = arith.constant 0 : i32
      %dma_wait3A_108 = tpu.memref_slice %arg2[%dma_wait3A_106, %dma_wait3A_107] : memref<10000x48xf32, #tpu.memory_space<hbm>> -> memref<10000x48xf32, #tpu.memory_space<hbm>>
      tpu.wait_indirect_dma semaphore(%arg14 : memref<!tpu.dma_semaphore, #tpu.memory_space<semaphore_mem>>) src(%dma_wait3A_108 : memref<10000x48xf32, #tpu.memory_space<hbm>>) dst(%arg9 : memref<128x48xf32, #tpu.memory_space<vmem>>)
      %dma_start3A_109 = arith.constant 0 : i32
      %dma_start3A_110 = tpu.memref_slice %arg8[%add3A_102, %dma_start3A_109] : memref<144x128xi32, #tpu.memory_space<vmem>> -> memref<1x128xi32, #tpu.memory_space<vmem>>
      %dma_start3A_111 = tpu.memref_squeeze %dma_start3A_110 : memref<1x128xi32, #tpu.memory_space<vmem>> -> memref<128xi32, #tpu.memory_space<vmem>>
      %dma_start3A_112 = arith.constant 0 : i32
      %dma_start3A_113 = arith.constant 0 : i32
      %dma_start3A_114 = tpu.memref_slice %arg6[%dma_start3A_112, %dma_start3A_113] : memref<10112x48xf32, #tpu.memory_space<vmem_shared>> -> memref<10112x48xf32, #tpu.memory_space<vmem_shared>>
      tpu.enqueue_indirect_dma source(%arg9 : memref<128x48xf32, #tpu.memory_space<vmem>>) target(%dma_start3A_114 : memref<10112x48xf32, #tpu.memory_space<vmem_shared>>) offsets(%dma_start3A_111 : memref<128xi32, #tpu.memory_space<vmem>>) semaphore(%arg18 : memref<!tpu.dma_semaphore, #tpu.memory_space<semaphore_mem>>) {add = true}
      %add3A_115 = arith.constant 2 : i32
      %add3A_116 = arith.addi %add3A_102, %add3A_115 : i32
      %sub3A_117 = arith.constant 4 : i32
      %sub3A_118 = arith.subi %add3A_116, %sub3A_117 : i32
      %lt3A = arith.cmpi slt, %add3A_116, %select_n3A : i32
      %convert_element_type3A_119 = arith.extui %lt3A : i1 to i32
      %cond3A_120 = arith.constant 0 : i32
      %cond3A_121 = arith.cmpi ne, %convert_element_type3A_119, %cond3A_120 : i32
      scf.if %cond3A_121 {
        %ge3A = arith.constant 0 : i32
        %ge3A_188 = arith.cmpi sge, %sub3A_118, %ge3A : i32
        %convert_element_type3A_189 = arith.extui %ge3A_188 : i1 to i32
        %cond3A_190 = arith.constant 0 : i32
        %cond3A_191 = arith.cmpi ne, %convert_element_type3A_189, %cond3A_190 : i32
        scf.if %cond3A_191 {
          %dma_wait3A_198 = arith.constant 0 : i32
          %dma_wait3A_199 = tpu.memref_slice %arg8[%sub3A_118, %dma_wait3A_198] : memref<144x128xi32, #tpu.memory_space<vmem>> -> memref<1x128xi32, #tpu.memory_space<vmem>>
          %dma_wait3A_200 = tpu.memref_squeeze %dma_wait3A_199 : memref<1x128xi32, #tpu.memory_space<vmem>> -> memref<128xi32, #tpu.memory_space<vmem>>
          %dma_wait3A_201 = arith.constant 0 : i32
          %dma_wait3A_202 = arith.constant 0 : i32
          %dma_wait3A_203 = tpu.memref_slice %arg6[%dma_wait3A_201, %dma_wait3A_202] : memref<10112x48xf32, #tpu.memory_space<vmem_shared>> -> memref<10112x48xf32, #tpu.memory_space<vmem_shared>>
          tpu.wait_indirect_dma semaphore(%arg20 : memref<!tpu.dma_semaphore, #tpu.memory_space<semaphore_mem>>) src(%arg11 : memref<128x48xf32, #tpu.memory_space<vmem>>) dst(%dma_wait3A_203 : memref<10112x48xf32, #tpu.memory_space<vmem_shared>>)
        } else {
        }
        %dma_start3A_192 = arith.constant 0 : i32
        %dma_start3A_193 = tpu.memref_slice %arg7[%add3A_116, %dma_start3A_192] : memref<144x128xi32, #tpu.memory_space<vmem>> -> memref<1x128xi32, #tpu.memory_space<vmem>>
        %dma_start3A_194 = tpu.memref_squeeze %dma_start3A_193 : memref<1x128xi32, #tpu.memory_space<vmem>> -> memref<128xi32, #tpu.memory_space<vmem>>
        %dma_start3A_195 = arith.constant 0 : i32
        %dma_start3A_196 = arith.constant 0 : i32
        %dma_start3A_197 = tpu.memref_slice %arg2[%dma_start3A_195, %dma_start3A_196] : memref<10000x48xf32, #tpu.memory_space<hbm>> -> memref<10000x48xf32, #tpu.memory_space<hbm>>
        tpu.enqueue_indirect_dma source(%dma_start3A_197 : memref<10000x48xf32, #tpu.memory_space<hbm>>) target(%arg11 : memref<128x48xf32, #tpu.memory_space<vmem>>) offsets(%dma_start3A_194 : memref<128xi32, #tpu.memory_space<vmem>>) semaphore(%arg16 : memref<!tpu.dma_semaphore, #tpu.memory_space<semaphore_mem>>)
      } else {
      }
      %add3A_122 = arith.constant 1 : i32
      %add3A_123 = arith.addi %add3A_100, %add3A_122 : i32
      %dma_wait3A_124 = arith.constant 0 : i32
      %dma_wait3A_125 = tpu.memref_slice %arg7[%add3A_123, %dma_wait3A_124] : memref<144x128xi32, #tpu.memory_space<vmem>> -> memref<1x128xi32, #tpu.memory_space<vmem>>
      %dma_wait3A_126 = tpu.memref_squeeze %dma_wait3A_125 : memref<1x128xi32, #tpu.memory_space<vmem>> -> memref<128xi32, #tpu.memory_space<vmem>>
      %dma_wait3A_127 = arith.constant 0 : i32
      %dma_wait3A_128 = arith.constant 0 : i32
      %dma_wait3A_129 = tpu.memref_slice %arg2[%dma_wait3A_127, %dma_wait3A_128] : memref<10000x48xf32, #tpu.memory_space<hbm>> -> memref<10000x48xf32, #tpu.memory_space<hbm>>
      tpu.wait_indirect_dma semaphore(%arg15 : memref<!tpu.dma_semaphore, #tpu.memory_space<semaphore_mem>>) src(%dma_wait3A_129 : memref<10000x48xf32, #tpu.memory_space<hbm>>) dst(%arg10 : memref<128x48xf32, #tpu.memory_space<vmem>>)
      %dma_start3A_130 = arith.constant 0 : i32
      %dma_start3A_131 = tpu.memref_slice %arg8[%add3A_123, %dma_start3A_130] : memref<144x128xi32, #tpu.memory_space<vmem>> -> memref<1x128xi32, #tpu.memory_space<vmem>>
      %dma_start3A_132 = tpu.memref_squeeze %dma_start3A_131 : memref<1x128xi32, #tpu.memory_space<vmem>> -> memref<128xi32, #tpu.memory_space<vmem>>
      %dma_start3A_133 = arith.constant 0 : i32
      %dma_start3A_134 = arith.constant 0 : i32
      %dma_start3A_135 = tpu.memref_slice %arg6[%dma_start3A_133, %dma_start3A_134] : memref<10112x48xf32, #tpu.memory_space<vmem_shared>> -> memref<10112x48xf32, #tpu.memory_space<vmem_shared>>
      tpu.enqueue_indirect_dma source(%arg10 : memref<128x48xf32, #tpu.memory_space<vmem>>) target(%dma_start3A_135 : memref<10112x48xf32, #tpu.memory_space<vmem_shared>>) offsets(%dma_start3A_132 : memref<128xi32, #tpu.memory_space<vmem>>) semaphore(%arg19 : memref<!tpu.dma_semaphore, #tpu.memory_space<semaphore_mem>>) {add = true}
      %add3A_136 = arith.constant 2 : i32
      %add3A_137 = arith.addi %add3A_123, %add3A_136 : i32
      %sub3A_138 = arith.constant 4 : i32
      %sub3A_139 = arith.subi %add3A_137, %sub3A_138 : i32
      %lt3A_140 = arith.cmpi slt, %add3A_137, %select_n3A : i32
      %convert_element_type3A_141 = arith.extui %lt3A_140 : i1 to i32
      %cond3A_142 = arith.constant 0 : i32
      %cond3A_143 = arith.cmpi ne, %convert_element_type3A_141, %cond3A_142 : i32
      scf.if %cond3A_143 {
        %ge3A = arith.constant 0 : i32
        %ge3A_188 = arith.cmpi sge, %sub3A_139, %ge3A : i32
        %convert_element_type3A_189 = arith.extui %ge3A_188 : i1 to i32
        %cond3A_190 = arith.constant 0 : i32
        %cond3A_191 = arith.cmpi ne, %convert_element_type3A_189, %cond3A_190 : i32
        scf.if %cond3A_191 {
          %dma_wait3A_198 = arith.constant 0 : i32
          %dma_wait3A_199 = tpu.memref_slice %arg8[%sub3A_139, %dma_wait3A_198] : memref<144x128xi32, #tpu.memory_space<vmem>> -> memref<1x128xi32, #tpu.memory_space<vmem>>
          %dma_wait3A_200 = tpu.memref_squeeze %dma_wait3A_199 : memref<1x128xi32, #tpu.memory_space<vmem>> -> memref<128xi32, #tpu.memory_space<vmem>>
          %dma_wait3A_201 = arith.constant 0 : i32
          %dma_wait3A_202 = arith.constant 0 : i32
          %dma_wait3A_203 = tpu.memref_slice %arg6[%dma_wait3A_201, %dma_wait3A_202] : memref<10112x48xf32, #tpu.memory_space<vmem_shared>> -> memref<10112x48xf32, #tpu.memory_space<vmem_shared>>
          tpu.wait_indirect_dma semaphore(%arg21 : memref<!tpu.dma_semaphore, #tpu.memory_space<semaphore_mem>>) src(%arg12 : memref<128x48xf32, #tpu.memory_space<vmem>>) dst(%dma_wait3A_203 : memref<10112x48xf32, #tpu.memory_space<vmem_shared>>)
        } else {
        }
        %dma_start3A_192 = arith.constant 0 : i32
        %dma_start3A_193 = tpu.memref_slice %arg7[%add3A_137, %dma_start3A_192] : memref<144x128xi32, #tpu.memory_space<vmem>> -> memref<1x128xi32, #tpu.memory_space<vmem>>
        %dma_start3A_194 = tpu.memref_squeeze %dma_start3A_193 : memref<1x128xi32, #tpu.memory_space<vmem>> -> memref<128xi32, #tpu.memory_space<vmem>>
        %dma_start3A_195 = arith.constant 0 : i32
        %dma_start3A_196 = arith.constant 0 : i32
        %dma_start3A_197 = tpu.memref_slice %arg2[%dma_start3A_195, %dma_start3A_196] : memref<10000x48xf32, #tpu.memory_space<hbm>> -> memref<10000x48xf32, #tpu.memory_space<hbm>>
        tpu.enqueue_indirect_dma source(%dma_start3A_197 : memref<10000x48xf32, #tpu.memory_space<hbm>>) target(%arg12 : memref<128x48xf32, #tpu.memory_space<vmem>>) offsets(%dma_start3A_194 : memref<128xi32, #tpu.memory_space<vmem>>) semaphore(%arg17 : memref<!tpu.dma_semaphore, #tpu.memory_space<semaphore_mem>>)
      } else {
      }
      %add3A_144 = arith.constant 2 : i32
      %add3A_145 = arith.addi %add3A_100, %add3A_144 : i32
      %dma_wait3A_146 = arith.constant 0 : i32
      %dma_wait3A_147 = tpu.memref_slice %arg7[%add3A_145, %dma_wait3A_146] : memref<144x128xi32, #tpu.memory_space<vmem>> -> memref<1x128xi32, #tpu.memory_space<vmem>>
      %dma_wait3A_148 = tpu.memref_squeeze %dma_wait3A_147 : memref<1x128xi32, #tpu.memory_space<vmem>> -> memref<128xi32, #tpu.memory_space<vmem>>
      %dma_wait3A_149 = arith.constant 0 : i32
      %dma_wait3A_150 = arith.constant 0 : i32
      %dma_wait3A_151 = tpu.memref_slice %arg2[%dma_wait3A_149, %dma_wait3A_150] : memref<10000x48xf32, #tpu.memory_space<hbm>> -> memref<10000x48xf32, #tpu.memory_space<hbm>>
      tpu.wait_indirect_dma semaphore(%arg16 : memref<!tpu.dma_semaphore, #tpu.memory_space<semaphore_mem>>) src(%dma_wait3A_151 : memref<10000x48xf32, #tpu.memory_space<hbm>>) dst(%arg11 : memref<128x48xf32, #tpu.memory_space<vmem>>)
      %dma_start3A_152 = arith.constant 0 : i32
      %dma_start3A_153 = tpu.memref_slice %arg8[%add3A_145, %dma_start3A_152] : memref<144x128xi32, #tpu.memory_space<vmem>> -> memref<1x128xi32, #tpu.memory_space<vmem>>
      %dma_start3A_154 = tpu.memref_squeeze %dma_start3A_153 : memref<1x128xi32, #tpu.memory_space<vmem>> -> memref<128xi32, #tpu.memory_space<vmem>>
      %dma_start3A_155 = arith.constant 0 : i32
      %dma_start3A_156 = arith.constant 0 : i32
      %dma_start3A_157 = tpu.memref_slice %arg6[%dma_start3A_155, %dma_start3A_156] : memref<10112x48xf32, #tpu.memory_space<vmem_shared>> -> memref<10112x48xf32, #tpu.memory_space<vmem_shared>>
      tpu.enqueue_indirect_dma source(%arg11 : memref<128x48xf32, #tpu.memory_space<vmem>>) target(%dma_start3A_157 : memref<10112x48xf32, #tpu.memory_space<vmem_shared>>) offsets(%dma_start3A_154 : memref<128xi32, #tpu.memory_space<vmem>>) semaphore(%arg20 : memref<!tpu.dma_semaphore, #tpu.memory_space<semaphore_mem>>) {add = true}
      %add3A_158 = arith.constant 2 : i32
      %add3A_159 = arith.addi %add3A_145, %add3A_158 : i32
      %sub3A_160 = arith.constant 4 : i32
      %sub3A_161 = arith.subi %add3A_159, %sub3A_160 : i32
      %lt3A_162 = arith.cmpi slt, %add3A_159, %select_n3A : i32
      %convert_element_type3A_163 = arith.extui %lt3A_162 : i1 to i32
      %cond3A_164 = arith.constant 0 : i32
      %cond3A_165 = arith.cmpi ne, %convert_element_type3A_163, %cond3A_164 : i32
      scf.if %cond3A_165 {
        %ge3A = arith.constant 0 : i32
        %ge3A_188 = arith.cmpi sge, %sub3A_161, %ge3A : i32
        %convert_element_type3A_189 = arith.extui %ge3A_188 : i1 to i32
        %cond3A_190 = arith.constant 0 : i32
        %cond3A_191 = arith.cmpi ne, %convert_element_type3A_189, %cond3A_190 : i32
        scf.if %cond3A_191 {
          %dma_wait3A_198 = arith.constant 0 : i32
          %dma_wait3A_199 = tpu.memref_slice %arg8[%sub3A_161, %dma_wait3A_198] : memref<144x128xi32, #tpu.memory_space<vmem>> -> memref<1x128xi32, #tpu.memory_space<vmem>>
          %dma_wait3A_200 = tpu.memref_squeeze %dma_wait3A_199 : memref<1x128xi32, #tpu.memory_space<vmem>> -> memref<128xi32, #tpu.memory_space<vmem>>
          %dma_wait3A_201 = arith.constant 0 : i32
          %dma_wait3A_202 = arith.constant 0 : i32
          %dma_wait3A_203 = tpu.memref_slice %arg6[%dma_wait3A_201, %dma_wait3A_202] : memref<10112x48xf32, #tpu.memory_space<vmem_shared>> -> memref<10112x48xf32, #tpu.memory_space<vmem_shared>>
          tpu.wait_indirect_dma semaphore(%arg18 : memref<!tpu.dma_semaphore, #tpu.memory_space<semaphore_mem>>) src(%arg9 : memref<128x48xf32, #tpu.memory_space<vmem>>) dst(%dma_wait3A_203 : memref<10112x48xf32, #tpu.memory_space<vmem_shared>>)
        } else {
        }
        %dma_start3A_192 = arith.constant 0 : i32
        %dma_start3A_193 = tpu.memref_slice %arg7[%add3A_159, %dma_start3A_192] : memref<144x128xi32, #tpu.memory_space<vmem>> -> memref<1x128xi32, #tpu.memory_space<vmem>>
        %dma_start3A_194 = tpu.memref_squeeze %dma_start3A_193 : memref<1x128xi32, #tpu.memory_space<vmem>> -> memref<128xi32, #tpu.memory_space<vmem>>
        %dma_start3A_195 = arith.constant 0 : i32
        %dma_start3A_196 = arith.constant 0 : i32
        %dma_start3A_197 = tpu.memref_slice %arg2[%dma_start3A_195, %dma_start3A_196] : memref<10000x48xf32, #tpu.memory_space<hbm>> -> memref<10000x48xf32, #tpu.memory_space<hbm>>
        tpu.enqueue_indirect_dma source(%dma_start3A_197 : memref<10000x48xf32, #tpu.memory_space<hbm>>) target(%arg9 : memref<128x48xf32, #tpu.memory_space<vmem>>) offsets(%dma_start3A_194 : memref<128xi32, #tpu.memory_space<vmem>>) semaphore(%arg14 : memref<!tpu.dma_semaphore, #tpu.memory_space<semaphore_mem>>)
      } else {
      }
      %add3A_166 = arith.constant 3 : i32
      %add3A_167 = arith.addi %add3A_100, %add3A_166 : i32
      %dma_wait3A_168 = arith.constant 0 : i32
      %dma_wait3A_169 = tpu.memref_slice %arg7[%add3A_167, %dma_wait3A_168] : memref<144x128xi32, #tpu.memory_space<vmem>> -> memref<1x128xi32, #tpu.memory_space<vmem>>
      %dma_wait3A_170 = tpu.memref_squeeze %dma_wait3A_169 : memref<1x128xi32, #tpu.memory_space<vmem>> -> memref<128xi32, #tpu.memory_space<vmem>>
      %dma_wait3A_171 = arith.constant 0 : i32
      %dma_wait3A_172 = arith.constant 0 : i32
      %dma_wait3A_173 = tpu.memref_slice %arg2[%dma_wait3A_171, %dma_wait3A_172] : memref<10000x48xf32, #tpu.memory_space<hbm>> -> memref<10000x48xf32, #tpu.memory_space<hbm>>
      tpu.wait_indirect_dma semaphore(%arg17 : memref<!tpu.dma_semaphore, #tpu.memory_space<semaphore_mem>>) src(%dma_wait3A_173 : memref<10000x48xf32, #tpu.memory_space<hbm>>) dst(%arg12 : memref<128x48xf32, #tpu.memory_space<vmem>>)
      %dma_start3A_174 = arith.constant 0 : i32
      %dma_start3A_175 = tpu.memref_slice %arg8[%add3A_167, %dma_start3A_174] : memref<144x128xi32, #tpu.memory_space<vmem>> -> memref<1x128xi32, #tpu.memory_space<vmem>>
      %dma_start3A_176 = tpu.memref_squeeze %dma_start3A_175 : memref<1x128xi32, #tpu.memory_space<vmem>> -> memref<128xi32, #tpu.memory_space<vmem>>
      %dma_start3A_177 = arith.constant 0 : i32
      %dma_start3A_178 = arith.constant 0 : i32
      %dma_start3A_179 = tpu.memref_slice %arg6[%dma_start3A_177, %dma_start3A_178] : memref<10112x48xf32, #tpu.memory_space<vmem_shared>> -> memref<10112x48xf32, #tpu.memory_space<vmem_shared>>
      tpu.enqueue_indirect_dma source(%arg12 : memref<128x48xf32, #tpu.memory_space<vmem>>) target(%dma_start3A_179 : memref<10112x48xf32, #tpu.memory_space<vmem_shared>>) offsets(%dma_start3A_176 : memref<128xi32, #tpu.memory_space<vmem>>) semaphore(%arg21 : memref<!tpu.dma_semaphore, #tpu.memory_space<semaphore_mem>>) {add = true}
      %add3A_180 = arith.constant 2 : i32
      %add3A_181 = arith.addi %add3A_167, %add3A_180 : i32
      %sub3A_182 = arith.constant 4 : i32
      %sub3A_183 = arith.subi %add3A_181, %sub3A_182 : i32
      %lt3A_184 = arith.cmpi slt, %add3A_181, %select_n3A : i32
      %convert_element_type3A_185 = arith.extui %lt3A_184 : i1 to i32
      %cond3A_186 = arith.constant 0 : i32
      %cond3A_187 = arith.cmpi ne, %convert_element_type3A_185, %cond3A_186 : i32
      scf.if %cond3A_187 {
        %ge3A = arith.constant 0 : i32
        %ge3A_188 = arith.cmpi sge, %sub3A_183, %ge3A : i32
        %convert_element_type3A_189 = arith.extui %ge3A_188 : i1 to i32
        %cond3A_190 = arith.constant 0 : i32
        %cond3A_191 = arith.cmpi ne, %convert_element_type3A_189, %cond3A_190 : i32
        scf.if %cond3A_191 {
          %dma_wait3A_198 = arith.constant 0 : i32
          %dma_wait3A_199 = tpu.memref_slice %arg8[%sub3A_183, %dma_wait3A_198] : memref<144x128xi32, #tpu.memory_space<vmem>> -> memref<1x128xi32, #tpu.memory_space<vmem>>
          %dma_wait3A_200 = tpu.memref_squeeze %dma_wait3A_199 : memref<1x128xi32, #tpu.memory_space<vmem>> -> memref<128xi32, #tpu.memory_space<vmem>>
          %dma_wait3A_201 = arith.constant 0 : i32
          %dma_wait3A_202 = arith.constant 0 : i32
          %dma_wait3A_203 = tpu.memref_slice %arg6[%dma_wait3A_201, %dma_wait3A_202] : memref<10112x48xf32, #tpu.memory_space<vmem_shared>> -> memref<10112x48xf32, #tpu.memory_space<vmem_shared>>
          tpu.wait_indirect_dma semaphore(%arg19 : memref<!tpu.dma_semaphore, #tpu.memory_space<semaphore_mem>>) src(%arg10 : memref<128x48xf32, #tpu.memory_space<vmem>>) dst(%dma_wait3A_203 : memref<10112x48xf32, #tpu.memory_space<vmem_shared>>)
        } else {
        }
        %dma_start3A_192 = arith.constant 0 : i32
        %dma_start3A_193 = tpu.memref_slice %arg7[%add3A_181, %dma_start3A_192] : memref<144x128xi32, #tpu.memory_space<vmem>> -> memref<1x128xi32, #tpu.memory_space<vmem>>
        %dma_start3A_194 = tpu.memref_squeeze %dma_start3A_193 : memref<1x128xi32, #tpu.memory_space<vmem>> -> memref<128xi32, #tpu.memory_space<vmem>>
        %dma_start3A_195 = arith.constant 0 : i32
        %dma_start3A_196 = arith.constant 0 : i32
        %dma_start3A_197 = tpu.memref_slice %arg2[%dma_start3A_195, %dma_start3A_196] : memref<10000x48xf32, #tpu.memory_space<hbm>> -> memref<10000x48xf32, #tpu.memory_space<hbm>>
        tpu.enqueue_indirect_dma source(%dma_start3A_197 : memref<10000x48xf32, #tpu.memory_space<hbm>>) target(%arg10 : memref<128x48xf32, #tpu.memory_space<vmem>>) offsets(%dma_start3A_194 : memref<128xi32, #tpu.memory_space<vmem>>) semaphore(%arg15 : memref<!tpu.dma_semaphore, #tpu.memory_space<semaphore_mem>>)
      } else {
      }
    }
    %sub3A_56 = arith.constant 4 : i32
    %sub3A_57 = arith.subi %select_n3A, %sub3A_56 : i32
    %add3A_58 = arith.constant 0 : i32
    %add3A_59 = arith.addi %sub3A_57, %add3A_58 : i32
    %dma_wait3A = arith.constant 0 : i32
    %dma_wait3A_60 = tpu.memref_slice %arg8[%add3A_59, %dma_wait3A] : memref<144x128xi32, #tpu.memory_space<vmem>> -> memref<1x128xi32, #tpu.memory_space<vmem>>
    %dma_wait3A_61 = tpu.memref_squeeze %dma_wait3A_60 : memref<1x128xi32, #tpu.memory_space<vmem>> -> memref<128xi32, #tpu.memory_space<vmem>>
    %dma_wait3A_62 = arith.constant 0 : i32
    %dma_wait3A_63 = arith.constant 0 : i32
    %dma_wait3A_64 = tpu.memref_slice %arg6[%dma_wait3A_62, %dma_wait3A_63] : memref<10112x48xf32, #tpu.memory_space<vmem_shared>> -> memref<10112x48xf32, #tpu.memory_space<vmem_shared>>
    tpu.wait_indirect_dma semaphore(%arg18 : memref<!tpu.dma_semaphore, #tpu.memory_space<semaphore_mem>>) src(%arg9 : memref<128x48xf32, #tpu.memory_space<vmem>>) dst(%dma_wait3A_64 : memref<10112x48xf32, #tpu.memory_space<vmem_shared>>)
    %sub3A_65 = arith.constant 4 : i32
    %sub3A_66 = arith.subi %select_n3A, %sub3A_65 : i32
    %add3A_67 = arith.constant 1 : i32
    %add3A_68 = arith.addi %sub3A_66, %add3A_67 : i32
    %dma_wait3A_69 = arith.constant 0 : i32
    %dma_wait3A_70 = tpu.memref_slice %arg8[%add3A_68, %dma_wait3A_69] : memref<144x128xi32, #tpu.memory_space<vmem>> -> memref<1x128xi32, #tpu.memory_space<vmem>>
    %dma_wait3A_71 = tpu.memref_squeeze %dma_wait3A_70 : memref<1x128xi32, #tpu.memory_space<vmem>> -> memref<128xi32, #tpu.memory_space<vmem>>
    %dma_wait3A_72 = arith.constant 0 : i32
    %dma_wait3A_73 = arith.constant 0 : i32
    %dma_wait3A_74 = tpu.memref_slice %arg6[%dma_wait3A_72, %dma_wait3A_73] : memref<10112x48xf32, #tpu.memory_space<vmem_shared>> -> memref<10112x48xf32, #tpu.memory_space<vmem_shared>>
    tpu.wait_indirect_dma semaphore(%arg19 : memref<!tpu.dma_semaphore, #tpu.memory_space<semaphore_mem>>) src(%arg10 : memref<128x48xf32, #tpu.memory_space<vmem>>) dst(%dma_wait3A_74 : memref<10112x48xf32, #tpu.memory_space<vmem_shared>>)
    %sub3A_75 = arith.constant 4 : i32
    %sub3A_76 = arith.subi %select_n3A, %sub3A_75 : i32
    %add3A_77 = arith.constant 2 : i32
    %add3A_78 = arith.addi %sub3A_76, %add3A_77 : i32
    %dma_wait3A_79 = arith.constant 0 : i32
    %dma_wait3A_80 = tpu.memref_slice %arg8[%add3A_78, %dma_wait3A_79] : memref<144x128xi32, #tpu.memory_space<vmem>> -> memref<1x128xi32, #tpu.memory_space<vmem>>
    %dma_wait3A_81 = tpu.memref_squeeze %dma_wait3A_80 : memref<1x128xi32, #tpu.memory_space<vmem>> -> memref<128xi32, #tpu.memory_space<vmem>>
    %dma_wait3A_82 = arith.constant 0 : i32
    %dma_wait3A_83 = arith.constant 0 : i32
    %dma_wait3A_84 = tpu.memref_slice %arg6[%dma_wait3A_82, %dma_wait3A_83] : memref<10112x48xf32, #tpu.memory_space<vmem_shared>> -> memref<10112x48xf32, #tpu.memory_space<vmem_shared>>
    tpu.wait_indirect_dma semaphore(%arg20 : memref<!tpu.dma_semaphore, #tpu.memory_space<semaphore_mem>>) src(%arg11 : memref<128x48xf32, #tpu.memory_space<vmem>>) dst(%dma_wait3A_84 : memref<10112x48xf32, #tpu.memory_space<vmem_shared>>)
    %sub3A_85 = arith.constant 4 : i32
    %sub3A_86 = arith.subi %select_n3A, %sub3A_85 : i32
    %add3A_87 = arith.constant 3 : i32
    %add3A_88 = arith.addi %sub3A_86, %add3A_87 : i32
    %dma_wait3A_89 = arith.constant 0 : i32
    %dma_wait3A_90 = tpu.memref_slice %arg8[%add3A_88, %dma_wait3A_89] : memref<144x128xi32, #tpu.memory_space<vmem>> -> memref<1x128xi32, #tpu.memory_space<vmem>>
    %dma_wait3A_91 = tpu.memref_squeeze %dma_wait3A_90 : memref<1x128xi32, #tpu.memory_space<vmem>> -> memref<128xi32, #tpu.memory_space<vmem>>
    %dma_wait3A_92 = arith.constant 0 : i32
    %dma_wait3A_93 = arith.constant 0 : i32
    %dma_wait3A_94 = tpu.memref_slice %arg6[%dma_wait3A_92, %dma_wait3A_93] : memref<10112x48xf32, #tpu.memory_space<vmem_shared>> -> memref<10112x48xf32, #tpu.memory_space<vmem_shared>>
    tpu.wait_indirect_dma semaphore(%arg21 : memref<!tpu.dma_semaphore, #tpu.memory_space<semaphore_mem>>) src(%arg12 : memref<128x48xf32, #tpu.memory_space<vmem>>) dst(%dma_wait3A_94 : memref<10112x48xf32, #tpu.memory_space<vmem_shared>>)
    %barrier3A_95 = arith.constant 0 : index
    tpu.barrier barrier_id(%barrier3A_95)
    %mul3A_96 = arith.constant 632 : i32
    %mul3A_97 = arith.muli %arg1, %mul3A_96 : i32
    "tpu.region"() ({
      %run_scoped3A = tpu.sem_alloc : memref<!tpu.dma_semaphore, #tpu.memory_space<semaphore_mem>>
      %dma_start3A_98 = arith.constant 0 : i32
      %dma_start3A_99 = tpu.memref_slice %arg5[%arg0, %mul3A_97, %dma_start3A_98] : memref<2x10112x48xf32, #tpu.memory_space<hbm>> -> memref<1x632x48xf32, #tpu.memory_space<hbm>>
      %dma_start3A_100 = tpu.memref_squeeze %dma_start3A_99 : memref<1x632x48xf32, #tpu.memory_space<hbm>> -> memref<632x48xf32, #tpu.memory_space<hbm>>
      %dma_start3A_101 = arith.constant 0 : i32
      %dma_start3A_102 = tpu.memref_slice %arg6[%mul3A_97, %dma_start3A_101] : memref<10112x48xf32, #tpu.memory_space<vmem_shared>> -> memref<632x48xf32, #tpu.memory_space<vmem_shared>>
      tpu.enqueue_dma source(%dma_start3A_102 : memref<632x48xf32, #tpu.memory_space<vmem_shared>>) target(%dma_start3A_100 : memref<632x48xf32, #tpu.memory_space<hbm>>) target_semaphore(%run_scoped3A : memref<!tpu.dma_semaphore, #tpu.memory_space<semaphore_mem>>)
      %dma_wait3A_103 = arith.constant 0 : i32
      %dma_wait3A_104 = tpu.memref_slice %arg5[%arg0, %mul3A_97, %dma_wait3A_103] : memref<2x10112x48xf32, #tpu.memory_space<hbm>> -> memref<1x632x48xf32, #tpu.memory_space<hbm>>
      %dma_wait3A_105 = tpu.memref_squeeze %dma_wait3A_104 : memref<1x632x48xf32, #tpu.memory_space<hbm>> -> memref<632x48xf32, #tpu.memory_space<hbm>>
      %dma_wait3A_106 = arith.constant 0 : i32
      %dma_wait3A_107 = tpu.memref_slice %arg6[%mul3A_97, %dma_wait3A_106] : memref<10112x48xf32, #tpu.memory_space<vmem_shared>> -> memref<632x48xf32, #tpu.memory_space<vmem_shared>>
      tpu.wait_dma2 semaphore(%run_scoped3A : memref<!tpu.dma_semaphore, #tpu.memory_space<semaphore_mem>>) src(%dma_wait3A_107 : memref<632x48xf32, #tpu.memory_space<vmem_shared>>) dst(%dma_wait3A_105 : memref<632x48xf32, #tpu.memory_space<hbm>>)
      tpu.yield
    }) : () -> ()
    return
  }
}

#map = affine_map<(d0, d1) -> (0, 0)>
#map1 = affine_map<(d0, d1) -> (0, 0, 0)>
module attributes {stable_mosaic.version = 14 : i64} {
  func.func @body(%arg0: i32, %arg1: i32, %arg2: memref<10000x64xf32, #tpu.memory_space<hbm>>, %arg3: memref<2560x128xi32, #tpu.memory_space<hbm>>, %arg4: memref<2560x128xi32, #tpu.memory_space<hbm>>, %arg5: memref<2x10112x64xf32, #tpu.memory_space<hbm>>, %arg6: memref<2x10112x16xf32, #tpu.memory_space<hbm>>, %arg7: memref<10112x64xf32, #tpu.memory_space<vmem_shared>>, %arg8: memref<144x128xi32, #tpu.memory_space<vmem>>, %arg9: memref<144x128xi32, #tpu.memory_space<vmem>>, %arg10: memref<128x64xf32, #tpu.memory_space<vmem>>, %arg11: memref<128x64xf32, #tpu.memory_space<vmem>>, %arg12: memref<128x64xf32, #tpu.memory_space<vmem>>, %arg13: memref<128x64xf32, #tpu.memory_space<vmem>>, %arg14: memref<8x64xf32, #tpu.memory_space<vmem>>, %arg15: memref<!tpu.dma_semaphore, #tpu.memory_space<semaphore_mem>>, %arg16: memref<!tpu.dma_semaphore, #tpu.memory_space<semaphore_mem>>, %arg17: memref<!tpu.dma_semaphore, #tpu.memory_space<semaphore_mem>>, %arg18: memref<!tpu.dma_semaphore, #tpu.memory_space<semaphore_mem>>, %arg19: memref<!tpu.dma_semaphore, #tpu.memory_space<semaphore_mem>>, %arg20: memref<!tpu.dma_semaphore, #tpu.memory_space<semaphore_mem>>, %arg21: memref<!tpu.dma_semaphore, #tpu.memory_space<semaphore_mem>>, %arg22: memref<!tpu.dma_semaphore, #tpu.memory_space<semaphore_mem>>, %arg23: memref<!tpu.dma_semaphore, #tpu.memory_space<semaphore_mem>>, %arg24: memref<10112x16xf32, #tpu.memory_space<vmem_shared>>, %arg25: memref<128x16xf32, #tpu.memory_space<vmem>>, %arg26: memref<8x16xf32, #tpu.memory_space<vmem>>) attributes {dimension_semantics = [#tpu.dimension_semantics<core_parallel>, #tpu.dimension_semantics<subcore_parallel>], iteration_bounds = array<i64: 2, 16>, scalar_prefetch = 0 : i64, scratch_operands = 20 : i64, tpu.core_type = #tpu.core_type<sc_vector_subcore>, window_params = [{transform_indices = #map}, {transform_indices = #map}, {transform_indices = #map}, {transform_indices = #map1}, {transform_indices = #map1}]} {
    %eq3A = arith.constant 0 : i32
    %eq3A_0 = arith.cmpi eq, %arg0, %eq3A : i32
    %jit3A = arith.constant 144 : i32
    %jit3A_1 = arith.constant 16 : i32
    %select_n3A = arith.select %eq3A_0, %jit3A, %jit3A_1 : i32
    %eq3A_2 = arith.constant 0 : i32
    %eq3A_3 = arith.cmpi eq, %arg0, %eq3A_2 : i32
    %mul3A = arith.constant 144 : i32
    %mul3A_4 = arith.muli %arg1, %mul3A : i32
    %mul3A_5 = arith.constant 16 : i32
    %mul3A_6 = arith.muli %arg1, %mul3A_5 : i32
    %add3A = arith.constant 2304 : i32
    %add3A_7 = arith.addi %add3A, %mul3A_6 : i32
    %select_n3A_8 = arith.select %eq3A_3, %mul3A_4, %add3A_7 : i32
    %broadcast_in_dim3A = arith.constant 0.000000e+00 : f32
    %broadcast_in_dim3A_9 = vector.broadcast %broadcast_in_dim3A : f32 to vector<16xf32>
    "tpu.region"() ({
      %run_scoped3A = tpu.sem_alloc : memref<!tpu.dma_semaphore, #tpu.memory_space<semaphore_mem>>
      %dma_start3A_127 = arith.constant 0 : i32
      %dma_start3A_128 = arith.constant 0 : i32
      %dma_start3A_129 = tpu.memref_slice %arg8[%dma_start3A_127, %dma_start3A_128] : memref<144x128xi32, #tpu.memory_space<vmem>> -> memref<16x128xi32, #tpu.memory_space<vmem>>
      %dma_start3A_130 = arith.constant 0 : i32
      %dma_start3A_131 = tpu.memref_slice %arg3[%select_n3A_8, %dma_start3A_130] : memref<2560x128xi32, #tpu.memory_space<hbm>> -> memref<16x128xi32, #tpu.memory_space<hbm>>
      %dma_start3A_132 = arith.constant 0 : i32
      %dma_start3A_133 = arith.constant 0 : i32
      %dma_start3A_134 = tpu.memref_slice %arg8[%dma_start3A_132, %dma_start3A_133] : memref<144x128xi32, #tpu.memory_space<vmem>> -> memref<16x128xi32, #tpu.memory_space<vmem>>
      %dma_start3A_135 = arith.constant 0 : i32
      %dma_start3A_136 = tpu.memref_slice %arg3[%select_n3A_8, %dma_start3A_135] : memref<2560x128xi32, #tpu.memory_space<hbm>> -> memref<16x128xi32, #tpu.memory_space<hbm>>
      tpu.enqueue_dma source(%dma_start3A_136 : memref<16x128xi32, #tpu.memory_space<hbm>>) target(%dma_start3A_134 : memref<16x128xi32, #tpu.memory_space<vmem>>) target_semaphore(%run_scoped3A : memref<!tpu.dma_semaphore, #tpu.memory_space<semaphore_mem>>)
      %dma_wait3A_137 = arith.constant 0 : i32
      %dma_wait3A_138 = arith.constant 0 : i32
      %dma_wait3A_139 = tpu.memref_slice %arg8[%dma_wait3A_137, %dma_wait3A_138] : memref<144x128xi32, #tpu.memory_space<vmem>> -> memref<16x128xi32, #tpu.memory_space<vmem>>
      %dma_wait3A_140 = arith.constant 0 : i32
      %dma_wait3A_141 = tpu.memref_slice %arg3[%select_n3A_8, %dma_wait3A_140] : memref<2560x128xi32, #tpu.memory_space<hbm>> -> memref<16x128xi32, #tpu.memory_space<hbm>>
      %dma_wait3A_142 = arith.constant 0 : i32
      %dma_wait3A_143 = arith.constant 0 : i32
      %dma_wait3A_144 = tpu.memref_slice %arg8[%dma_wait3A_142, %dma_wait3A_143] : memref<144x128xi32, #tpu.memory_space<vmem>> -> memref<16x128xi32, #tpu.memory_space<vmem>>
      %dma_wait3A_145 = arith.constant 0 : i32
      %dma_wait3A_146 = tpu.memref_slice %arg3[%select_n3A_8, %dma_wait3A_145] : memref<2560x128xi32, #tpu.memory_space<hbm>> -> memref<16x128xi32, #tpu.memory_space<hbm>>
      tpu.wait_dma2 semaphore(%run_scoped3A : memref<!tpu.dma_semaphore, #tpu.memory_space<semaphore_mem>>) src(%dma_wait3A_146 : memref<16x128xi32, #tpu.memory_space<hbm>>) dst(%dma_wait3A_144 : memref<16x128xi32, #tpu.memory_space<vmem>>)
      tpu.yield
    }) : () -> ()
    "tpu.region"() ({
      %run_scoped3A = tpu.sem_alloc : memref<!tpu.dma_semaphore, #tpu.memory_space<semaphore_mem>>
      %dma_start3A_127 = arith.constant 0 : i32
      %dma_start3A_128 = arith.constant 0 : i32
      %dma_start3A_129 = tpu.memref_slice %arg9[%dma_start3A_127, %dma_start3A_128] : memref<144x128xi32, #tpu.memory_space<vmem>> -> memref<16x128xi32, #tpu.memory_space<vmem>>
      %dma_start3A_130 = arith.constant 0 : i32
      %dma_start3A_131 = tpu.memref_slice %arg4[%select_n3A_8, %dma_start3A_130] : memref<2560x128xi32, #tpu.memory_space<hbm>> -> memref<16x128xi32, #tpu.memory_space<hbm>>
      %dma_start3A_132 = arith.constant 0 : i32
      %dma_start3A_133 = arith.constant 0 : i32
      %dma_start3A_134 = tpu.memref_slice %arg9[%dma_start3A_132, %dma_start3A_133] : memref<144x128xi32, #tpu.memory_space<vmem>> -> memref<16x128xi32, #tpu.memory_space<vmem>>
      %dma_start3A_135 = arith.constant 0 : i32
      %dma_start3A_136 = tpu.memref_slice %arg4[%select_n3A_8, %dma_start3A_135] : memref<2560x128xi32, #tpu.memory_space<hbm>> -> memref<16x128xi32, #tpu.memory_space<hbm>>
      tpu.enqueue_dma source(%dma_start3A_136 : memref<16x128xi32, #tpu.memory_space<hbm>>) target(%dma_start3A_134 : memref<16x128xi32, #tpu.memory_space<vmem>>) target_semaphore(%run_scoped3A : memref<!tpu.dma_semaphore, #tpu.memory_space<semaphore_mem>>)
      %dma_wait3A_137 = arith.constant 0 : i32
      %dma_wait3A_138 = arith.constant 0 : i32
      %dma_wait3A_139 = tpu.memref_slice %arg9[%dma_wait3A_137, %dma_wait3A_138] : memref<144x128xi32, #tpu.memory_space<vmem>> -> memref<16x128xi32, #tpu.memory_space<vmem>>
      %dma_wait3A_140 = arith.constant 0 : i32
      %dma_wait3A_141 = tpu.memref_slice %arg4[%select_n3A_8, %dma_wait3A_140] : memref<2560x128xi32, #tpu.memory_space<hbm>> -> memref<16x128xi32, #tpu.memory_space<hbm>>
      %dma_wait3A_142 = arith.constant 0 : i32
      %dma_wait3A_143 = arith.constant 0 : i32
      %dma_wait3A_144 = tpu.memref_slice %arg9[%dma_wait3A_142, %dma_wait3A_143] : memref<144x128xi32, #tpu.memory_space<vmem>> -> memref<16x128xi32, #tpu.memory_space<vmem>>
      %dma_wait3A_145 = arith.constant 0 : i32
      %dma_wait3A_146 = tpu.memref_slice %arg4[%select_n3A_8, %dma_wait3A_145] : memref<2560x128xi32, #tpu.memory_space<hbm>> -> memref<16x128xi32, #tpu.memory_space<hbm>>
      tpu.wait_dma2 semaphore(%run_scoped3A : memref<!tpu.dma_semaphore, #tpu.memory_space<semaphore_mem>>) src(%dma_wait3A_146 : memref<16x128xi32, #tpu.memory_space<hbm>>) dst(%dma_wait3A_144 : memref<16x128xi32, #tpu.memory_space<vmem>>)
      tpu.yield
    }) : () -> ()
    %eq3A_10 = arith.constant 0 : i32
    %eq3A_11 = arith.cmpi eq, %arg0, %eq3A_10 : i32
    %convert_element_type3A = arith.extui %eq3A_11 : i1 to i32
    %cond3A = arith.constant 0 : i32
    %cond3A_12 = arith.cmpi ne, %convert_element_type3A, %cond3A : i32
    scf.if %cond3A_12 {
      %add3A_127 = arith.constant 16 : i32
      %add3A_128 = arith.addi %select_n3A_8, %add3A_127 : i32
      "tpu.region"() ({
        %run_scoped3A = tpu.sem_alloc : memref<!tpu.dma_semaphore, #tpu.memory_space<semaphore_mem>>
        %dma_start3A_131 = arith.constant 16 : i32
        %dma_start3A_132 = arith.constant 0 : i32
        %dma_start3A_133 = tpu.memref_slice %arg8[%dma_start3A_131, %dma_start3A_132] : memref<144x128xi32, #tpu.memory_space<vmem>> -> memref<128x128xi32, #tpu.memory_space<vmem>>
        %dma_start3A_134 = arith.constant 0 : i32
        %dma_start3A_135 = tpu.memref_slice %arg3[%add3A_128, %dma_start3A_134] : memref<2560x128xi32, #tpu.memory_space<hbm>> -> memref<128x128xi32, #tpu.memory_space<hbm>>
        %dma_start3A_136 = arith.constant 16 : i32
        %dma_start3A_137 = arith.constant 0 : i32
        %dma_start3A_138 = tpu.memref_slice %arg8[%dma_start3A_136, %dma_start3A_137] : memref<144x128xi32, #tpu.memory_space<vmem>> -> memref<128x128xi32, #tpu.memory_space<vmem>>
        %dma_start3A_139 = arith.constant 0 : i32
        %dma_start3A_140 = tpu.memref_slice %arg3[%add3A_128, %dma_start3A_139] : memref<2560x128xi32, #tpu.memory_space<hbm>> -> memref<128x128xi32, #tpu.memory_space<hbm>>
        tpu.enqueue_dma source(%dma_start3A_140 : memref<128x128xi32, #tpu.memory_space<hbm>>) target(%dma_start3A_138 : memref<128x128xi32, #tpu.memory_space<vmem>>) target_semaphore(%run_scoped3A : memref<!tpu.dma_semaphore, #tpu.memory_space<semaphore_mem>>)
        %dma_wait3A_141 = arith.constant 16 : i32
        %dma_wait3A_142 = arith.constant 0 : i32
        %dma_wait3A_143 = tpu.memref_slice %arg8[%dma_wait3A_141, %dma_wait3A_142] : memref<144x128xi32, #tpu.memory_space<vmem>> -> memref<128x128xi32, #tpu.memory_space<vmem>>
        %dma_wait3A_144 = arith.constant 0 : i32
        %dma_wait3A_145 = tpu.memref_slice %arg3[%add3A_128, %dma_wait3A_144] : memref<2560x128xi32, #tpu.memory_space<hbm>> -> memref<128x128xi32, #tpu.memory_space<hbm>>
        %dma_wait3A_146 = arith.constant 16 : i32
        %dma_wait3A_147 = arith.constant 0 : i32
        %dma_wait3A_148 = tpu.memref_slice %arg8[%dma_wait3A_146, %dma_wait3A_147] : memref<144x128xi32, #tpu.memory_space<vmem>> -> memref<128x128xi32, #tpu.memory_space<vmem>>
        %dma_wait3A_149 = arith.constant 0 : i32
        %dma_wait3A_150 = tpu.memref_slice %arg3[%add3A_128, %dma_wait3A_149] : memref<2560x128xi32, #tpu.memory_space<hbm>> -> memref<128x128xi32, #tpu.memory_space<hbm>>
        tpu.wait_dma2 semaphore(%run_scoped3A : memref<!tpu.dma_semaphore, #tpu.memory_space<semaphore_mem>>) src(%dma_wait3A_150 : memref<128x128xi32, #tpu.memory_space<hbm>>) dst(%dma_wait3A_148 : memref<128x128xi32, #tpu.memory_space<vmem>>)
        tpu.yield
      }) : () -> ()
      %add3A_129 = arith.constant 16 : i32
      %add3A_130 = arith.addi %select_n3A_8, %add3A_129 : i32
      "tpu.region"() ({
        %run_scoped3A = tpu.sem_alloc : memref<!tpu.dma_semaphore, #tpu.memory_space<semaphore_mem>>
        %dma_start3A_131 = arith.constant 16 : i32
        %dma_start3A_132 = arith.constant 0 : i32
        %dma_start3A_133 = tpu.memref_slice %arg9[%dma_start3A_131, %dma_start3A_132] : memref<144x128xi32, #tpu.memory_space<vmem>> -> memref<128x128xi32, #tpu.memory_space<vmem>>
        %dma_start3A_134 = arith.constant 0 : i32
        %dma_start3A_135 = tpu.memref_slice %arg4[%add3A_130, %dma_start3A_134] : memref<2560x128xi32, #tpu.memory_space<hbm>> -> memref<128x128xi32, #tpu.memory_space<hbm>>
        %dma_start3A_136 = arith.constant 16 : i32
        %dma_start3A_137 = arith.constant 0 : i32
        %dma_start3A_138 = tpu.memref_slice %arg9[%dma_start3A_136, %dma_start3A_137] : memref<144x128xi32, #tpu.memory_space<vmem>> -> memref<128x128xi32, #tpu.memory_space<vmem>>
        %dma_start3A_139 = arith.constant 0 : i32
        %dma_start3A_140 = tpu.memref_slice %arg4[%add3A_130, %dma_start3A_139] : memref<2560x128xi32, #tpu.memory_space<hbm>> -> memref<128x128xi32, #tpu.memory_space<hbm>>
        tpu.enqueue_dma source(%dma_start3A_140 : memref<128x128xi32, #tpu.memory_space<hbm>>) target(%dma_start3A_138 : memref<128x128xi32, #tpu.memory_space<vmem>>) target_semaphore(%run_scoped3A : memref<!tpu.dma_semaphore, #tpu.memory_space<semaphore_mem>>)
        %dma_wait3A_141 = arith.constant 16 : i32
        %dma_wait3A_142 = arith.constant 0 : i32
        %dma_wait3A_143 = tpu.memref_slice %arg9[%dma_wait3A_141, %dma_wait3A_142] : memref<144x128xi32, #tpu.memory_space<vmem>> -> memref<128x128xi32, #tpu.memory_space<vmem>>
        %dma_wait3A_144 = arith.constant 0 : i32
        %dma_wait3A_145 = tpu.memref_slice %arg4[%add3A_130, %dma_wait3A_144] : memref<2560x128xi32, #tpu.memory_space<hbm>> -> memref<128x128xi32, #tpu.memory_space<hbm>>
        %dma_wait3A_146 = arith.constant 16 : i32
        %dma_wait3A_147 = arith.constant 0 : i32
        %dma_wait3A_148 = tpu.memref_slice %arg9[%dma_wait3A_146, %dma_wait3A_147] : memref<144x128xi32, #tpu.memory_space<vmem>> -> memref<128x128xi32, #tpu.memory_space<vmem>>
        %dma_wait3A_149 = arith.constant 0 : i32
        %dma_wait3A_150 = tpu.memref_slice %arg4[%add3A_130, %dma_wait3A_149] : memref<2560x128xi32, #tpu.memory_space<hbm>> -> memref<128x128xi32, #tpu.memory_space<hbm>>
        tpu.wait_dma2 semaphore(%run_scoped3A : memref<!tpu.dma_semaphore, #tpu.memory_space<semaphore_mem>>) src(%dma_wait3A_150 : memref<128x128xi32, #tpu.memory_space<hbm>>) dst(%dma_wait3A_148 : memref<128x128xi32, #tpu.memory_space<vmem>>)
        tpu.yield
      }) : () -> ()
    } else {
    }
    %dma_start3A = arith.constant 0 : i32
    %dma_start3A_13 = arith.constant 0 : i32
    %dma_start3A_14 = tpu.memref_slice %arg8[%dma_start3A, %dma_start3A_13] : memref<144x128xi32, #tpu.memory_space<vmem>> -> memref<1x128xi32, #tpu.memory_space<vmem>>
    %dma_start3A_15 = tpu.memref_squeeze %dma_start3A_14 : memref<1x128xi32, #tpu.memory_space<vmem>> -> memref<128xi32, #tpu.memory_space<vmem>>
    %dma_start3A_16 = arith.constant 0 : i32
    %dma_start3A_17 = arith.constant 0 : i32
    %dma_start3A_18 = tpu.memref_slice %arg2[%dma_start3A_16, %dma_start3A_17] : memref<10000x64xf32, #tpu.memory_space<hbm>> -> memref<10000x64xf32, #tpu.memory_space<hbm>>
    tpu.enqueue_indirect_dma source(%dma_start3A_18 : memref<10000x64xf32, #tpu.memory_space<hbm>>) target(%arg10 : memref<128x64xf32, #tpu.memory_space<vmem>>) offsets(%dma_start3A_15 : memref<128xi32, #tpu.memory_space<vmem>>) semaphore(%arg15 : memref<!tpu.dma_semaphore, #tpu.memory_space<semaphore_mem>>)
    %dma_start3A_19 = arith.constant 1 : i32
    %dma_start3A_20 = arith.constant 0 : i32
    %dma_start3A_21 = tpu.memref_slice %arg8[%dma_start3A_19, %dma_start3A_20] : memref<144x128xi32, #tpu.memory_space<vmem>> -> memref<1x128xi32, #tpu.memory_space<vmem>>
    %dma_start3A_22 = tpu.memref_squeeze %dma_start3A_21 : memref<1x128xi32, #tpu.memory_space<vmem>> -> memref<128xi32, #tpu.memory_space<vmem>>
    %dma_start3A_23 = arith.constant 0 : i32
    %dma_start3A_24 = arith.constant 0 : i32
    %dma_start3A_25 = tpu.memref_slice %arg2[%dma_start3A_23, %dma_start3A_24] : memref<10000x64xf32, #tpu.memory_space<hbm>> -> memref<10000x64xf32, #tpu.memory_space<hbm>>
    tpu.enqueue_indirect_dma source(%dma_start3A_25 : memref<10000x64xf32, #tpu.memory_space<hbm>>) target(%arg11 : memref<128x64xf32, #tpu.memory_space<vmem>>) offsets(%dma_start3A_22 : memref<128xi32, #tpu.memory_space<vmem>>) semaphore(%arg16 : memref<!tpu.dma_semaphore, #tpu.memory_space<semaphore_mem>>)
    %scan3A = arith.constant 0 : i32
    %scan3A_26 = arith.constant 8 : i32
    %scan3A_27 = arith.addi %scan3A, %scan3A_26 : i32
    %scan3A_28 = arith.constant 1 : i32
    scf.for %scan3A_127 = %scan3A to %scan3A_27 step %scan3A_28  : i32 {
      %mul3A_128 = arith.constant 1 : i32
      %mul3A_129 = arith.muli %scan3A_127, %mul3A_128 : i32
      %add3A_130 = arith.constant 0 : i32
      %add3A_131 = arith.addi %add3A_130, %mul3A_129 : i32
      %swap3A = arith.index_cast %add3A_131 : i32 to index
      %swap3A_132 = arith.constant 0 : index
      %swap3A_133 = tpu.vector_load %arg14[%swap3A, %swap3A_132] {strides = array<i32>} : memref<8x64xf32, #tpu.memory_space<vmem>>, vector<1x16xf32>,
      %swap3A_134 = vector.shape_cast %swap3A_133 : vector<1x16xf32> to vector<16xf32>
      %swap3A_135 = vector.shape_cast %broadcast_in_dim3A_9 : vector<16xf32> to vector<1x16xf32>
      tpu.vector_store %arg14[%swap3A, %swap3A_132], %swap3A_135 {strides = array<i32>} : memref<8x64xf32, #tpu.memory_space<vmem>>, vector<1x16xf32>,
      %swap3A_136 = arith.index_cast %add3A_131 : i32 to index
      %swap3A_137 = arith.constant 16 : index
      %swap3A_138 = tpu.vector_load %arg14[%swap3A_136, %swap3A_137] {strides = array<i32>} : memref<8x64xf32, #tpu.memory_space<vmem>>, vector<1x16xf32>,
      %swap3A_139 = vector.shape_cast %swap3A_138 : vector<1x16xf32> to vector<16xf32>
      %swap3A_140 = vector.shape_cast %broadcast_in_dim3A_9 : vector<16xf32> to vector<1x16xf32>
      tpu.vector_store %arg14[%swap3A_136, %swap3A_137], %swap3A_140 {strides = array<i32>} : memref<8x64xf32, #tpu.memory_space<vmem>>, vector<1x16xf32>,
      %swap3A_141 = arith.index_cast %add3A_131 : i32 to index
      %swap3A_142 = arith.constant 32 : index
      %swap3A_143 = tpu.vector_load %arg14[%swap3A_141, %swap3A_142] {strides = array<i32>} : memref<8x64xf32, #tpu.memory_space<vmem>>, vector<1x16xf32>,
      %swap3A_144 = vector.shape_cast %swap3A_143 : vector<1x16xf32> to vector<16xf32>
      %swap3A_145 = vector.shape_cast %broadcast_in_dim3A_9 : vector<16xf32> to vector<1x16xf32>
      tpu.vector_store %arg14[%swap3A_141, %swap3A_142], %swap3A_145 {strides = array<i32>} : memref<8x64xf32, #tpu.memory_space<vmem>>, vector<1x16xf32>,
      %swap3A_146 = arith.index_cast %add3A_131 : i32 to index
      %swap3A_147 = arith.constant 48 : index
      %swap3A_148 = tpu.vector_load %arg14[%swap3A_146, %swap3A_147] {strides = array<i32>} : memref<8x64xf32, #tpu.memory_space<vmem>>, vector<1x16xf32>,
      %swap3A_149 = vector.shape_cast %swap3A_148 : vector<1x16xf32> to vector<16xf32>
      %swap3A_150 = vector.shape_cast %broadcast_in_dim3A_9 : vector<16xf32> to vector<1x16xf32>
      tpu.vector_store %arg14[%swap3A_146, %swap3A_147], %swap3A_150 {strides = array<i32>} : memref<8x64xf32, #tpu.memory_space<vmem>>, vector<1x16xf32>,
      %swap3A_151 = arith.index_cast %add3A_131 : i32 to index
      %swap3A_152 = arith.constant 0 : index
      %swap3A_153 = tpu.vector_load %arg26[%swap3A_151, %swap3A_152] {strides = array<i32>} : memref<8x16xf32, #tpu.memory_space<vmem>>, vector<1x16xf32>,
      %swap3A_154 = vector.shape_cast %swap3A_153 : vector<1x16xf32> to vector<16xf32>
      %swap3A_155 = vector.shape_cast %broadcast_in_dim3A_9 : vector<16xf32> to vector<1x16xf32>
      tpu.vector_store %arg26[%swap3A_151, %swap3A_152], %swap3A_155 {strides = array<i32>} : memref<8x16xf32, #tpu.memory_space<vmem>>, vector<1x16xf32>,
    }
    %scan3A_29 = arith.constant 8 : i32
    %scan3A_30 = arith.constant 0 : i32
    %scan3A_31 = arith.constant 128 : i32
    %scan3A_32 = arith.addi %scan3A_30, %scan3A_31 : i32
    %scan3A_33 = arith.constant 1 : i32
    scf.for %scan3A_127 = %scan3A_30 to %scan3A_32 step %scan3A_33  : i32 {
      %mul3A_128 = arith.constant 1 : i32
      %mul3A_129 = arith.muli %scan3A_127, %mul3A_128 : i32
      %add3A_130 = arith.constant 0 : i32
      %add3A_131 = arith.addi %add3A_130, %mul3A_129 : i32
      %broadcast_in_dim3A_132 = arith.constant 1.000000e+00 : f32
      %broadcast_in_dim3A_133 = vector.broadcast %broadcast_in_dim3A_132 : f32 to vector<16xf32>
      %swap3A = arith.index_cast %add3A_131 : i32 to index
      %swap3A_134 = arith.constant 0 : index
      %swap3A_135 = tpu.vector_load %arg25[%swap3A, %swap3A_134] {strides = array<i32>} : memref<128x16xf32, #tpu.memory_space<vmem>>, vector<1x16xf32>,
      %swap3A_136 = vector.shape_cast %swap3A_135 : vector<1x16xf32> to vector<16xf32>
      %swap3A_137 = vector.shape_cast %broadcast_in_dim3A_133 : vector<16xf32> to vector<1x16xf32>
      tpu.vector_store %arg25[%swap3A, %swap3A_134], %swap3A_137 {strides = array<i32>} : memref<128x16xf32, #tpu.memory_space<vmem>>, vector<1x16xf32>,
    }
    %scan3A_34 = arith.constant 128 : i32
    %scan3A_35 = arith.constant 0 : i32
    %scan3A_36 = arith.constant 79 : i32
    %scan3A_37 = arith.addi %scan3A_35, %scan3A_36 : i32
    %scan3A_38 = arith.constant 1 : i32
    scf.for %scan3A_127 = %scan3A_35 to %scan3A_37 step %scan3A_38  : i32 {
      %mul3A_128 = arith.constant 1 : i32
      %mul3A_129 = arith.muli %scan3A_127, %mul3A_128 : i32
      %add3A_130 = arith.constant 0 : i32
      %add3A_131 = arith.addi %add3A_130, %mul3A_129 : i32
      %mul3A_132 = arith.constant 632 : i32
      %mul3A_133 = arith.muli %arg1, %mul3A_132 : i32
      %mul3A_134 = arith.constant 8 : i32
      %mul3A_135 = arith.muli %add3A_131, %mul3A_134 : i32
      %add3A_136 = arith.addi %mul3A_133, %mul3A_135 : i32
      %dma_start3A_137 = arith.constant 0 : i32
      %dma_start3A_138 = tpu.memref_slice %arg7[%add3A_136, %dma_start3A_137] : memref<10112x64xf32, #tpu.memory_space<vmem_shared>> -> memref<8x64xf32, #tpu.memory_space<vmem_shared>>
      %dma_start3A_139 = arith.constant 0 : i32
      %dma_start3A_140 = tpu.memref_slice %arg7[%add3A_136, %dma_start3A_139] : memref<10112x64xf32, #tpu.memory_space<vmem_shared>> -> memref<8x64xf32, #tpu.memory_space<vmem_shared>>
      tpu.enqueue_dma source(%arg14 : memref<8x64xf32, #tpu.memory_space<vmem>>) target(%dma_start3A_140 : memref<8x64xf32, #tpu.memory_space<vmem_shared>>) target_semaphore(%arg23 : memref<!tpu.dma_semaphore, #tpu.memory_space<semaphore_mem>>)
      %dma_start3A_141 = arith.constant 0 : i32
      %dma_start3A_142 = tpu.memref_slice %arg24[%add3A_136, %dma_start3A_141] : memref<10112x16xf32, #tpu.memory_space<vmem_shared>> -> memref<8x16xf32, #tpu.memory_space<vmem_shared>>
      %dma_start3A_143 = arith.constant 0 : i32
      %dma_start3A_144 = tpu.memref_slice %arg24[%add3A_136, %dma_start3A_143] : memref<10112x16xf32, #tpu.memory_space<vmem_shared>> -> memref<8x16xf32, #tpu.memory_space<vmem_shared>>
      tpu.enqueue_dma source(%arg26 : memref<8x16xf32, #tpu.memory_space<vmem>>) target(%dma_start3A_144 : memref<8x16xf32, #tpu.memory_space<vmem_shared>>) target_semaphore(%arg23 : memref<!tpu.dma_semaphore, #tpu.memory_space<semaphore_mem>>)
    }
    %scan3A_39 = arith.constant 79 : i32
    %scan3A_40 = arith.constant 0 : i32
    %scan3A_41 = arith.constant 79 : i32
    %scan3A_42 = arith.addi %scan3A_40, %scan3A_41 : i32
    %scan3A_43 = arith.constant 1 : i32
    scf.for %scan3A_127 = %scan3A_40 to %scan3A_42 step %scan3A_43  : i32 {
      %mul3A_128 = arith.constant 1 : i32
      %mul3A_129 = arith.muli %scan3A_127, %mul3A_128 : i32
      %add3A_130 = arith.constant 0 : i32
      %add3A_131 = arith.addi %add3A_130, %mul3A_129 : i32
      %mul3A_132 = arith.constant 632 : i32
      %mul3A_133 = arith.muli %arg1, %mul3A_132 : i32
      %mul3A_134 = arith.constant 8 : i32
      %mul3A_135 = arith.muli %add3A_131, %mul3A_134 : i32
      %add3A_136 = arith.addi %mul3A_133, %mul3A_135 : i32
      %dma_wait3A_137 = arith.constant 0 : i32
      %dma_wait3A_138 = tpu.memref_slice %arg7[%add3A_136, %dma_wait3A_137] : memref<10112x64xf32, #tpu.memory_space<vmem_shared>> -> memref<8x64xf32, #tpu.memory_space<vmem_shared>>
      %dma_wait3A_139 = arith.constant 0 : i32
      %dma_wait3A_140 = tpu.memref_slice %arg7[%add3A_136, %dma_wait3A_139] : memref<10112x64xf32, #tpu.memory_space<vmem_shared>> -> memref<8x64xf32, #tpu.memory_space<vmem_shared>>
      tpu.wait_dma2 semaphore(%arg23 : memref<!tpu.dma_semaphore, #tpu.memory_space<semaphore_mem>>) src(%arg14 : memref<8x64xf32, #tpu.memory_space<vmem>>) dst(%dma_wait3A_140 : memref<8x64xf32, #tpu.memory_space<vmem_shared>>)
      %dma_wait3A_141 = arith.constant 0 : i32
      %dma_wait3A_142 = tpu.memref_slice %arg24[%add3A_136, %dma_wait3A_141] : memref<10112x16xf32, #tpu.memory_space<vmem_shared>> -> memref<8x16xf32, #tpu.memory_space<vmem_shared>>
      %dma_wait3A_143 = arith.constant 0 : i32
      %dma_wait3A_144 = tpu.memref_slice %arg24[%add3A_136, %dma_wait3A_143] : memref<10112x16xf32, #tpu.memory_space<vmem_shared>> -> memref<8x16xf32, #tpu.memory_space<vmem_shared>>
      tpu.wait_dma2 semaphore(%arg23 : memref<!tpu.dma_semaphore, #tpu.memory_space<semaphore_mem>>) src(%arg26 : memref<8x16xf32, #tpu.memory_space<vmem>>) dst(%dma_wait3A_144 : memref<8x16xf32, #tpu.memory_space<vmem_shared>>)
    }
    %scan3A_44 = arith.constant 79 : i32
    %barrier3A = arith.constant 0 : index
    tpu.barrier barrier_id(%barrier3A)
    %sub3A = arith.constant 0 : i32
    %sub3A_45 = arith.subi %select_n3A, %sub3A : i32
    %sub3A_46 = arith.constant 4 : i32
    %sub3A_47 = arith.constant 1 : i32
    %sub3A_48 = arith.subi %sub3A_46, %sub3A_47 : i32
    %add3A_49 = arith.addi %sub3A_45, %sub3A_48 : i32
    %div3A = arith.constant 4 : i32
    %div3A_50 = arith.divsi %add3A_49, %div3A : i32
    %while3A = arith.constant 4 : i32
    %while3A_51 = arith.constant 0 : i32
    %while3A_52 = arith.constant 0 : i32
    %while3A_53 = arith.subi %div3A_50, %while3A_52 : i32
    %while3A_54 = arith.addi %while3A_52, %while3A_53 : i32
    %while3A_55 = arith.constant 1 : i32
    %while3A_56 = arith.divsi %while3A_53, %while3A_55 : i32
    %while3A_57 = arith.muli %while3A_56, %while3A_55 : i32
    %while3A_58 = arith.addi %while3A_52, %while3A_57 : i32
    %while3A_59 = arith.constant 1 : i32
    scf.for %while3A_127 = %while3A_52 to %while3A_58 step %while3A_59  : i32 {
      %mul3A_128 = arith.muli %while3A_127, %while3A : i32
      %add3A_129 = arith.addi %while3A_51, %mul3A_128 : i32
      %add3A_130 = arith.constant 0 : i32
      %add3A_131 = arith.addi %add3A_129, %add3A_130 : i32
      %dma_wait3A_132 = arith.constant 0 : i32
      %dma_wait3A_133 = tpu.memref_slice %arg8[%add3A_131, %dma_wait3A_132] : memref<144x128xi32, #tpu.memory_space<vmem>> -> memref<1x128xi32, #tpu.memory_space<vmem>>
      %dma_wait3A_134 = tpu.memref_squeeze %dma_wait3A_133 : memref<1x128xi32, #tpu.memory_space<vmem>> -> memref<128xi32, #tpu.memory_space<vmem>>
      %dma_wait3A_135 = arith.constant 0 : i32
      %dma_wait3A_136 = arith.constant 0 : i32
      %dma_wait3A_137 = tpu.memref_slice %arg2[%dma_wait3A_135, %dma_wait3A_136] : memref<10000x64xf32, #tpu.memory_space<hbm>> -> memref<10000x64xf32, #tpu.memory_space<hbm>>
      tpu.wait_indirect_dma semaphore(%arg15 : memref<!tpu.dma_semaphore, #tpu.memory_space<semaphore_mem>>) src(%dma_wait3A_137 : memref<10000x64xf32, #tpu.memory_space<hbm>>) dst(%arg10 : memref<128x64xf32, #tpu.memory_space<vmem>>)
      %dma_start3A_138 = arith.constant 0 : i32
      %dma_start3A_139 = tpu.memref_slice %arg9[%add3A_131, %dma_start3A_138] : memref<144x128xi32, #tpu.memory_space<vmem>> -> memref<1x128xi32, #tpu.memory_space<vmem>>
      %dma_start3A_140 = tpu.memref_squeeze %dma_start3A_139 : memref<1x128xi32, #tpu.memory_space<vmem>> -> memref<128xi32, #tpu.memory_space<vmem>>
      %dma_start3A_141 = arith.constant 0 : i32
      %dma_start3A_142 = arith.constant 0 : i32
      %dma_start3A_143 = tpu.memref_slice %arg7[%dma_start3A_141, %dma_start3A_142] : memref<10112x64xf32, #tpu.memory_space<vmem_shared>> -> memref<10112x64xf32, #tpu.memory_space<vmem_shared>>
      tpu.enqueue_indirect_dma source(%arg10 : memref<128x64xf32, #tpu.memory_space<vmem>>) target(%dma_start3A_143 : memref<10112x64xf32, #tpu.memory_space<vmem_shared>>) offsets(%dma_start3A_140 : memref<128xi32, #tpu.memory_space<vmem>>) semaphore(%arg19 : memref<!tpu.dma_semaphore, #tpu.memory_space<semaphore_mem>>) {add = true}
      %dma_start3A_144 = arith.constant 0 : i32
      %dma_start3A_145 = tpu.memref_slice %arg9[%add3A_131, %dma_start3A_144] : memref<144x128xi32, #tpu.memory_space<vmem>> -> memref<1x128xi32, #tpu.memory_space<vmem>>
      %dma_start3A_146 = tpu.memref_squeeze %dma_start3A_145 : memref<1x128xi32, #tpu.memory_space<vmem>> -> memref<128xi32, #tpu.memory_space<vmem>>
      %dma_start3A_147 = arith.constant 0 : i32
      %dma_start3A_148 = arith.constant 0 : i32
      %dma_start3A_149 = tpu.memref_slice %arg24[%dma_start3A_147, %dma_start3A_148] : memref<10112x16xf32, #tpu.memory_space<vmem_shared>> -> memref<10112x16xf32, #tpu.memory_space<vmem_shared>>
      tpu.enqueue_indirect_dma source(%arg25 : memref<128x16xf32, #tpu.memory_space<vmem>>) target(%dma_start3A_149 : memref<10112x16xf32, #tpu.memory_space<vmem_shared>>) offsets(%dma_start3A_146 : memref<128xi32, #tpu.memory_space<vmem>>) semaphore(%arg19 : memref<!tpu.dma_semaphore, #tpu.memory_space<semaphore_mem>>) {add = true}
      %add3A_150 = arith.constant 2 : i32
      %add3A_151 = arith.addi %add3A_131, %add3A_150 : i32
      %sub3A_152 = arith.constant 4 : i32
      %sub3A_153 = arith.subi %add3A_151, %sub3A_152 : i32
      %lt3A = arith.cmpi slt, %add3A_151, %select_n3A : i32
      %convert_element_type3A_154 = arith.extui %lt3A : i1 to i32
      %cond3A_155 = arith.constant 0 : i32
      %cond3A_156 = arith.cmpi ne, %convert_element_type3A_154, %cond3A_155 : i32
      scf.if %cond3A_156 {
        %ge3A = arith.constant 0 : i32
        %ge3A_241 = arith.cmpi sge, %sub3A_153, %ge3A : i32
        %convert_element_type3A_242 = arith.extui %ge3A_241 : i1 to i32
        %cond3A_243 = arith.constant 0 : i32
        %cond3A_244 = arith.cmpi ne, %convert_element_type3A_242, %cond3A_243 : i32
        scf.if %cond3A_244 {
          %dma_wait3A_251 = arith.constant 0 : i32
          %dma_wait3A_252 = tpu.memref_slice %arg9[%sub3A_153, %dma_wait3A_251] : memref<144x128xi32, #tpu.memory_space<vmem>> -> memref<1x128xi32, #tpu.memory_space<vmem>>
          %dma_wait3A_253 = tpu.memref_squeeze %dma_wait3A_252 : memref<1x128xi32, #tpu.memory_space<vmem>> -> memref<128xi32, #tpu.memory_space<vmem>>
          %dma_wait3A_254 = arith.constant 0 : i32
          %dma_wait3A_255 = arith.constant 0 : i32
          %dma_wait3A_256 = tpu.memref_slice %arg7[%dma_wait3A_254, %dma_wait3A_255] : memref<10112x64xf32, #tpu.memory_space<vmem_shared>> -> memref<10112x64xf32, #tpu.memory_space<vmem_shared>>
          tpu.wait_indirect_dma semaphore(%arg21 : memref<!tpu.dma_semaphore, #tpu.memory_space<semaphore_mem>>) src(%arg12 : memref<128x64xf32, #tpu.memory_space<vmem>>) dst(%dma_wait3A_256 : memref<10112x64xf32, #tpu.memory_space<vmem_shared>>)
          %dma_wait3A_257 = arith.constant 0 : i32
          %dma_wait3A_258 = tpu.memref_slice %arg9[%sub3A_153, %dma_wait3A_257] : memref<144x128xi32, #tpu.memory_space<vmem>> -> memref<1x128xi32, #tpu.memory_space<vmem>>
          %dma_wait3A_259 = tpu.memref_squeeze %dma_wait3A_258 : memref<1x128xi32, #tpu.memory_space<vmem>> -> memref<128xi32, #tpu.memory_space<vmem>>
          %dma_wait3A_260 = arith.constant 0 : i32
          %dma_wait3A_261 = arith.constant 0 : i32
          %dma_wait3A_262 = tpu.memref_slice %arg24[%dma_wait3A_260, %dma_wait3A_261] : memref<10112x16xf32, #tpu.memory_space<vmem_shared>> -> memref<10112x16xf32, #tpu.memory_space<vmem_shared>>
          tpu.wait_indirect_dma semaphore(%arg21 : memref<!tpu.dma_semaphore, #tpu.memory_space<semaphore_mem>>) src(%arg25 : memref<128x16xf32, #tpu.memory_space<vmem>>) dst(%dma_wait3A_262 : memref<10112x16xf32, #tpu.memory_space<vmem_shared>>)
        } else {
        }
        %dma_start3A_245 = arith.constant 0 : i32
        %dma_start3A_246 = tpu.memref_slice %arg8[%add3A_151, %dma_start3A_245] : memref<144x128xi32, #tpu.memory_space<vmem>> -> memref<1x128xi32, #tpu.memory_space<vmem>>
        %dma_start3A_247 = tpu.memref_squeeze %dma_start3A_246 : memref<1x128xi32, #tpu.memory_space<vmem>> -> memref<128xi32, #tpu.memory_space<vmem>>
        %dma_start3A_248 = arith.constant 0 : i32
        %dma_start3A_249 = arith.constant 0 : i32
        %dma_start3A_250 = tpu.memref_slice %arg2[%dma_start3A_248, %dma_start3A_249] : memref<10000x64xf32, #tpu.memory_space<hbm>> -> memref<10000x64xf32, #tpu.memory_space<hbm>>
        tpu.enqueue_indirect_dma source(%dma_start3A_250 : memref<10000x64xf32, #tpu.memory_space<hbm>>) target(%arg12 : memref<128x64xf32, #tpu.memory_space<vmem>>) offsets(%dma_start3A_247 : memref<128xi32, #tpu.memory_space<vmem>>) semaphore(%arg17 : memref<!tpu.dma_semaphore, #tpu.memory_space<semaphore_mem>>)
      } else {
      }
      %add3A_157 = arith.constant 1 : i32
      %add3A_158 = arith.addi %add3A_129, %add3A_157 : i32
      %dma_wait3A_159 = arith.constant 0 : i32
      %dma_wait3A_160 = tpu.memref_slice %arg8[%add3A_158, %dma_wait3A_159] : memref<144x128xi32, #tpu.memory_space<vmem>> -> memref<1x128xi32, #tpu.memory_space<vmem>>
      %dma_wait3A_161 = tpu.memref_squeeze %dma_wait3A_160 : memref<1x128xi32, #tpu.memory_space<vmem>> -> memref<128xi32, #tpu.memory_space<vmem>>
      %dma_wait3A_162 = arith.constant 0 : i32
      %dma_wait3A_163 = arith.constant 0 : i32
      %dma_wait3A_164 = tpu.memref_slice %arg2[%dma_wait3A_162, %dma_wait3A_163] : memref<10000x64xf32, #tpu.memory_space<hbm>> -> memref<10000x64xf32, #tpu.memory_space<hbm>>
      tpu.wait_indirect_dma semaphore(%arg16 : memref<!tpu.dma_semaphore, #tpu.memory_space<semaphore_mem>>) src(%dma_wait3A_164 : memref<10000x64xf32, #tpu.memory_space<hbm>>) dst(%arg11 : memref<128x64xf32, #tpu.memory_space<vmem>>)
      %dma_start3A_165 = arith.constant 0 : i32
      %dma_start3A_166 = tpu.memref_slice %arg9[%add3A_158, %dma_start3A_165] : memref<144x128xi32, #tpu.memory_space<vmem>> -> memref<1x128xi32, #tpu.memory_space<vmem>>
      %dma_start3A_167 = tpu.memref_squeeze %dma_start3A_166 : memref<1x128xi32, #tpu.memory_space<vmem>> -> memref<128xi32, #tpu.memory_space<vmem>>
      %dma_start3A_168 = arith.constant 0 : i32
      %dma_start3A_169 = arith.constant 0 : i32
      %dma_start3A_170 = tpu.memref_slice %arg7[%dma_start3A_168, %dma_start3A_169] : memref<10112x64xf32, #tpu.memory_space<vmem_shared>> -> memref<10112x64xf32, #tpu.memory_space<vmem_shared>>
      tpu.enqueue_indirect_dma source(%arg11 : memref<128x64xf32, #tpu.memory_space<vmem>>) target(%dma_start3A_170 : memref<10112x64xf32, #tpu.memory_space<vmem_shared>>) offsets(%dma_start3A_167 : memref<128xi32, #tpu.memory_space<vmem>>) semaphore(%arg20 : memref<!tpu.dma_semaphore, #tpu.memory_space<semaphore_mem>>) {add = true}
      %dma_start3A_171 = arith.constant 0 : i32
      %dma_start3A_172 = tpu.memref_slice %arg9[%add3A_158, %dma_start3A_171] : memref<144x128xi32, #tpu.memory_space<vmem>> -> memref<1x128xi32, #tpu.memory_space<vmem>>
      %dma_start3A_173 = tpu.memref_squeeze %dma_start3A_172 : memref<1x128xi32, #tpu.memory_space<vmem>> -> memref<128xi32, #tpu.memory_space<vmem>>
      %dma_start3A_174 = arith.constant 0 : i32
      %dma_start3A_175 = arith.constant 0 : i32
      %dma_start3A_176 = tpu.memref_slice %arg24[%dma_start3A_174, %dma_start3A_175] : memref<10112x16xf32, #tpu.memory_space<vmem_shared>> -> memref<10112x16xf32, #tpu.memory_space<vmem_shared>>
      tpu.enqueue_indirect_dma source(%arg25 : memref<128x16xf32, #tpu.memory_space<vmem>>) target(%dma_start3A_176 : memref<10112x16xf32, #tpu.memory_space<vmem_shared>>) offsets(%dma_start3A_173 : memref<128xi32, #tpu.memory_space<vmem>>) semaphore(%arg20 : memref<!tpu.dma_semaphore, #tpu.memory_space<semaphore_mem>>) {add = true}
      %add3A_177 = arith.constant 2 : i32
      %add3A_178 = arith.addi %add3A_158, %add3A_177 : i32
      %sub3A_179 = arith.constant 4 : i32
      %sub3A_180 = arith.subi %add3A_178, %sub3A_179 : i32
      %lt3A_181 = arith.cmpi slt, %add3A_178, %select_n3A : i32
      %convert_element_type3A_182 = arith.extui %lt3A_181 : i1 to i32
      %cond3A_183 = arith.constant 0 : i32
      %cond3A_184 = arith.cmpi ne, %convert_element_type3A_182, %cond3A_183 : i32
      scf.if %cond3A_184 {
        %ge3A = arith.constant 0 : i32
        %ge3A_241 = arith.cmpi sge, %sub3A_180, %ge3A : i32
        %convert_element_type3A_242 = arith.extui %ge3A_241 : i1 to i32
        %cond3A_243 = arith.constant 0 : i32
        %cond3A_244 = arith.cmpi ne, %convert_element_type3A_242, %cond3A_243 : i32
        scf.if %cond3A_244 {
          %dma_wait3A_251 = arith.constant 0 : i32
          %dma_wait3A_252 = tpu.memref_slice %arg9[%sub3A_180, %dma_wait3A_251] : memref<144x128xi32, #tpu.memory_space<vmem>> -> memref<1x128xi32, #tpu.memory_space<vmem>>
          %dma_wait3A_253 = tpu.memref_squeeze %dma_wait3A_252 : memref<1x128xi32, #tpu.memory_space<vmem>> -> memref<128xi32, #tpu.memory_space<vmem>>
          %dma_wait3A_254 = arith.constant 0 : i32
          %dma_wait3A_255 = arith.constant 0 : i32
          %dma_wait3A_256 = tpu.memref_slice %arg7[%dma_wait3A_254, %dma_wait3A_255] : memref<10112x64xf32, #tpu.memory_space<vmem_shared>> -> memref<10112x64xf32, #tpu.memory_space<vmem_shared>>
          tpu.wait_indirect_dma semaphore(%arg22 : memref<!tpu.dma_semaphore, #tpu.memory_space<semaphore_mem>>) src(%arg13 : memref<128x64xf32, #tpu.memory_space<vmem>>) dst(%dma_wait3A_256 : memref<10112x64xf32, #tpu.memory_space<vmem_shared>>)
          %dma_wait3A_257 = arith.constant 0 : i32
          %dma_wait3A_258 = tpu.memref_slice %arg9[%sub3A_180, %dma_wait3A_257] : memref<144x128xi32, #tpu.memory_space<vmem>> -> memref<1x128xi32, #tpu.memory_space<vmem>>
          %dma_wait3A_259 = tpu.memref_squeeze %dma_wait3A_258 : memref<1x128xi32, #tpu.memory_space<vmem>> -> memref<128xi32, #tpu.memory_space<vmem>>
          %dma_wait3A_260 = arith.constant 0 : i32
          %dma_wait3A_261 = arith.constant 0 : i32
          %dma_wait3A_262 = tpu.memref_slice %arg24[%dma_wait3A_260, %dma_wait3A_261] : memref<10112x16xf32, #tpu.memory_space<vmem_shared>> -> memref<10112x16xf32, #tpu.memory_space<vmem_shared>>
          tpu.wait_indirect_dma semaphore(%arg22 : memref<!tpu.dma_semaphore, #tpu.memory_space<semaphore_mem>>) src(%arg25 : memref<128x16xf32, #tpu.memory_space<vmem>>) dst(%dma_wait3A_262 : memref<10112x16xf32, #tpu.memory_space<vmem_shared>>)
        } else {
        }
        %dma_start3A_245 = arith.constant 0 : i32
        %dma_start3A_246 = tpu.memref_slice %arg8[%add3A_178, %dma_start3A_245] : memref<144x128xi32, #tpu.memory_space<vmem>> -> memref<1x128xi32, #tpu.memory_space<vmem>>
        %dma_start3A_247 = tpu.memref_squeeze %dma_start3A_246 : memref<1x128xi32, #tpu.memory_space<vmem>> -> memref<128xi32, #tpu.memory_space<vmem>>
        %dma_start3A_248 = arith.constant 0 : i32
        %dma_start3A_249 = arith.constant 0 : i32
        %dma_start3A_250 = tpu.memref_slice %arg2[%dma_start3A_248, %dma_start3A_249] : memref<10000x64xf32, #tpu.memory_space<hbm>> -> memref<10000x64xf32, #tpu.memory_space<hbm>>
        tpu.enqueue_indirect_dma source(%dma_start3A_250 : memref<10000x64xf32, #tpu.memory_space<hbm>>) target(%arg13 : memref<128x64xf32, #tpu.memory_space<vmem>>) offsets(%dma_start3A_247 : memref<128xi32, #tpu.memory_space<vmem>>) semaphore(%arg18 : memref<!tpu.dma_semaphore, #tpu.memory_space<semaphore_mem>>)
      } else {
      }
      %add3A_185 = arith.constant 2 : i32
      %add3A_186 = arith.addi %add3A_129, %add3A_185 : i32
      %dma_wait3A_187 = arith.constant 0 : i32
      %dma_wait3A_188 = tpu.memref_slice %arg8[%add3A_186, %dma_wait3A_187] : memref<144x128xi32, #tpu.memory_space<vmem>> -> memref<1x128xi32, #tpu.memory_space<vmem>>
      %dma_wait3A_189 = tpu.memref_squeeze %dma_wait3A_188 : memref<1x128xi32, #tpu.memory_space<vmem>> -> memref<128xi32, #tpu.memory_space<vmem>>
      %dma_wait3A_190 = arith.constant 0 : i32
      %dma_wait3A_191 = arith.constant 0 : i32
      %dma_wait3A_192 = tpu.memref_slice %arg2[%dma_wait3A_190, %dma_wait3A_191] : memref<10000x64xf32, #tpu.memory_space<hbm>> -> memref<10000x64xf32, #tpu.memory_space<hbm>>
      tpu.wait_indirect_dma semaphore(%arg17 : memref<!tpu.dma_semaphore, #tpu.memory_space<semaphore_mem>>) src(%dma_wait3A_192 : memref<10000x64xf32, #tpu.memory_space<hbm>>) dst(%arg12 : memref<128x64xf32, #tpu.memory_space<vmem>>)
      %dma_start3A_193 = arith.constant 0 : i32
      %dma_start3A_194 = tpu.memref_slice %arg9[%add3A_186, %dma_start3A_193] : memref<144x128xi32, #tpu.memory_space<vmem>> -> memref<1x128xi32, #tpu.memory_space<vmem>>
      %dma_start3A_195 = tpu.memref_squeeze %dma_start3A_194 : memref<1x128xi32, #tpu.memory_space<vmem>> -> memref<128xi32, #tpu.memory_space<vmem>>
      %dma_start3A_196 = arith.constant 0 : i32
      %dma_start3A_197 = arith.constant 0 : i32
      %dma_start3A_198 = tpu.memref_slice %arg7[%dma_start3A_196, %dma_start3A_197] : memref<10112x64xf32, #tpu.memory_space<vmem_shared>> -> memref<10112x64xf32, #tpu.memory_space<vmem_shared>>
      tpu.enqueue_indirect_dma source(%arg12 : memref<128x64xf32, #tpu.memory_space<vmem>>) target(%dma_start3A_198 : memref<10112x64xf32, #tpu.memory_space<vmem_shared>>) offsets(%dma_start3A_195 : memref<128xi32, #tpu.memory_space<vmem>>) semaphore(%arg21 : memref<!tpu.dma_semaphore, #tpu.memory_space<semaphore_mem>>) {add = true}
      %dma_start3A_199 = arith.constant 0 : i32
      %dma_start3A_200 = tpu.memref_slice %arg9[%add3A_186, %dma_start3A_199] : memref<144x128xi32, #tpu.memory_space<vmem>> -> memref<1x128xi32, #tpu.memory_space<vmem>>
      %dma_start3A_201 = tpu.memref_squeeze %dma_start3A_200 : memref<1x128xi32, #tpu.memory_space<vmem>> -> memref<128xi32, #tpu.memory_space<vmem>>
      %dma_start3A_202 = arith.constant 0 : i32
      %dma_start3A_203 = arith.constant 0 : i32
      %dma_start3A_204 = tpu.memref_slice %arg24[%dma_start3A_202, %dma_start3A_203] : memref<10112x16xf32, #tpu.memory_space<vmem_shared>> -> memref<10112x16xf32, #tpu.memory_space<vmem_shared>>
      tpu.enqueue_indirect_dma source(%arg25 : memref<128x16xf32, #tpu.memory_space<vmem>>) target(%dma_start3A_204 : memref<10112x16xf32, #tpu.memory_space<vmem_shared>>) offsets(%dma_start3A_201 : memref<128xi32, #tpu.memory_space<vmem>>) semaphore(%arg21 : memref<!tpu.dma_semaphore, #tpu.memory_space<semaphore_mem>>) {add = true}
      %add3A_205 = arith.constant 2 : i32
      %add3A_206 = arith.addi %add3A_186, %add3A_205 : i32
      %sub3A_207 = arith.constant 4 : i32
      %sub3A_208 = arith.subi %add3A_206, %sub3A_207 : i32
      %lt3A_209 = arith.cmpi slt, %add3A_206, %select_n3A : i32
      %convert_element_type3A_210 = arith.extui %lt3A_209 : i1 to i32
      %cond3A_211 = arith.constant 0 : i32
      %cond3A_212 = arith.cmpi ne, %convert_element_type3A_210, %cond3A_211 : i32
      scf.if %cond3A_212 {
        %ge3A = arith.constant 0 : i32
        %ge3A_241 = arith.cmpi sge, %sub3A_208, %ge3A : i32
        %convert_element_type3A_242 = arith.extui %ge3A_241 : i1 to i32
        %cond3A_243 = arith.constant 0 : i32
        %cond3A_244 = arith.cmpi ne, %convert_element_type3A_242, %cond3A_243 : i32
        scf.if %cond3A_244 {
          %dma_wait3A_251 = arith.constant 0 : i32
          %dma_wait3A_252 = tpu.memref_slice %arg9[%sub3A_208, %dma_wait3A_251] : memref<144x128xi32, #tpu.memory_space<vmem>> -> memref<1x128xi32, #tpu.memory_space<vmem>>
          %dma_wait3A_253 = tpu.memref_squeeze %dma_wait3A_252 : memref<1x128xi32, #tpu.memory_space<vmem>> -> memref<128xi32, #tpu.memory_space<vmem>>
          %dma_wait3A_254 = arith.constant 0 : i32
          %dma_wait3A_255 = arith.constant 0 : i32
          %dma_wait3A_256 = tpu.memref_slice %arg7[%dma_wait3A_254, %dma_wait3A_255] : memref<10112x64xf32, #tpu.memory_space<vmem_shared>> -> memref<10112x64xf32, #tpu.memory_space<vmem_shared>>
          tpu.wait_indirect_dma semaphore(%arg19 : memref<!tpu.dma_semaphore, #tpu.memory_space<semaphore_mem>>) src(%arg10 : memref<128x64xf32, #tpu.memory_space<vmem>>) dst(%dma_wait3A_256 : memref<10112x64xf32, #tpu.memory_space<vmem_shared>>)
          %dma_wait3A_257 = arith.constant 0 : i32
          %dma_wait3A_258 = tpu.memref_slice %arg9[%sub3A_208, %dma_wait3A_257] : memref<144x128xi32, #tpu.memory_space<vmem>> -> memref<1x128xi32, #tpu.memory_space<vmem>>
          %dma_wait3A_259 = tpu.memref_squeeze %dma_wait3A_258 : memref<1x128xi32, #tpu.memory_space<vmem>> -> memref<128xi32, #tpu.memory_space<vmem>>
          %dma_wait3A_260 = arith.constant 0 : i32
          %dma_wait3A_261 = arith.constant 0 : i32
          %dma_wait3A_262 = tpu.memref_slice %arg24[%dma_wait3A_260, %dma_wait3A_261] : memref<10112x16xf32, #tpu.memory_space<vmem_shared>> -> memref<10112x16xf32, #tpu.memory_space<vmem_shared>>
          tpu.wait_indirect_dma semaphore(%arg19 : memref<!tpu.dma_semaphore, #tpu.memory_space<semaphore_mem>>) src(%arg25 : memref<128x16xf32, #tpu.memory_space<vmem>>) dst(%dma_wait3A_262 : memref<10112x16xf32, #tpu.memory_space<vmem_shared>>)
        } else {
        }
        %dma_start3A_245 = arith.constant 0 : i32
        %dma_start3A_246 = tpu.memref_slice %arg8[%add3A_206, %dma_start3A_245] : memref<144x128xi32, #tpu.memory_space<vmem>> -> memref<1x128xi32, #tpu.memory_space<vmem>>
        %dma_start3A_247 = tpu.memref_squeeze %dma_start3A_246 : memref<1x128xi32, #tpu.memory_space<vmem>> -> memref<128xi32, #tpu.memory_space<vmem>>
        %dma_start3A_248 = arith.constant 0 : i32
        %dma_start3A_249 = arith.constant 0 : i32
        %dma_start3A_250 = tpu.memref_slice %arg2[%dma_start3A_248, %dma_start3A_249] : memref<10000x64xf32, #tpu.memory_space<hbm>> -> memref<10000x64xf32, #tpu.memory_space<hbm>>
        tpu.enqueue_indirect_dma source(%dma_start3A_250 : memref<10000x64xf32, #tpu.memory_space<hbm>>) target(%arg10 : memref<128x64xf32, #tpu.memory_space<vmem>>) offsets(%dma_start3A_247 : memref<128xi32, #tpu.memory_space<vmem>>) semaphore(%arg15 : memref<!tpu.dma_semaphore, #tpu.memory_space<semaphore_mem>>)
      } else {
      }
      %add3A_213 = arith.constant 3 : i32
      %add3A_214 = arith.addi %add3A_129, %add3A_213 : i32
      %dma_wait3A_215 = arith.constant 0 : i32
      %dma_wait3A_216 = tpu.memref_slice %arg8[%add3A_214, %dma_wait3A_215] : memref<144x128xi32, #tpu.memory_space<vmem>> -> memref<1x128xi32, #tpu.memory_space<vmem>>
      %dma_wait3A_217 = tpu.memref_squeeze %dma_wait3A_216 : memref<1x128xi32, #tpu.memory_space<vmem>> -> memref<128xi32, #tpu.memory_space<vmem>>
      %dma_wait3A_218 = arith.constant 0 : i32
      %dma_wait3A_219 = arith.constant 0 : i32
      %dma_wait3A_220 = tpu.memref_slice %arg2[%dma_wait3A_218, %dma_wait3A_219] : memref<10000x64xf32, #tpu.memory_space<hbm>> -> memref<10000x64xf32, #tpu.memory_space<hbm>>
      tpu.wait_indirect_dma semaphore(%arg18 : memref<!tpu.dma_semaphore, #tpu.memory_space<semaphore_mem>>) src(%dma_wait3A_220 : memref<10000x64xf32, #tpu.memory_space<hbm>>) dst(%arg13 : memref<128x64xf32, #tpu.memory_space<vmem>>)
      %dma_start3A_221 = arith.constant 0 : i32
      %dma_start3A_222 = tpu.memref_slice %arg9[%add3A_214, %dma_start3A_221] : memref<144x128xi32, #tpu.memory_space<vmem>> -> memref<1x128xi32, #tpu.memory_space<vmem>>
      %dma_start3A_223 = tpu.memref_squeeze %dma_start3A_222 : memref<1x128xi32, #tpu.memory_space<vmem>> -> memref<128xi32, #tpu.memory_space<vmem>>
      %dma_start3A_224 = arith.constant 0 : i32
      %dma_start3A_225 = arith.constant 0 : i32
      %dma_start3A_226 = tpu.memref_slice %arg7[%dma_start3A_224, %dma_start3A_225] : memref<10112x64xf32, #tpu.memory_space<vmem_shared>> -> memref<10112x64xf32, #tpu.memory_space<vmem_shared>>
      tpu.enqueue_indirect_dma source(%arg13 : memref<128x64xf32, #tpu.memory_space<vmem>>) target(%dma_start3A_226 : memref<10112x64xf32, #tpu.memory_space<vmem_shared>>) offsets(%dma_start3A_223 : memref<128xi32, #tpu.memory_space<vmem>>) semaphore(%arg22 : memref<!tpu.dma_semaphore, #tpu.memory_space<semaphore_mem>>) {add = true}
      %dma_start3A_227 = arith.constant 0 : i32
      %dma_start3A_228 = tpu.memref_slice %arg9[%add3A_214, %dma_start3A_227] : memref<144x128xi32, #tpu.memory_space<vmem>> -> memref<1x128xi32, #tpu.memory_space<vmem>>
      %dma_start3A_229 = tpu.memref_squeeze %dma_start3A_228 : memref<1x128xi32, #tpu.memory_space<vmem>> -> memref<128xi32, #tpu.memory_space<vmem>>
      %dma_start3A_230 = arith.constant 0 : i32
      %dma_start3A_231 = arith.constant 0 : i32
      %dma_start3A_232 = tpu.memref_slice %arg24[%dma_start3A_230, %dma_start3A_231] : memref<10112x16xf32, #tpu.memory_space<vmem_shared>> -> memref<10112x16xf32, #tpu.memory_space<vmem_shared>>
      tpu.enqueue_indirect_dma source(%arg25 : memref<128x16xf32, #tpu.memory_space<vmem>>) target(%dma_start3A_232 : memref<10112x16xf32, #tpu.memory_space<vmem_shared>>) offsets(%dma_start3A_229 : memref<128xi32, #tpu.memory_space<vmem>>) semaphore(%arg22 : memref<!tpu.dma_semaphore, #tpu.memory_space<semaphore_mem>>) {add = true}
      %add3A_233 = arith.constant 2 : i32
      %add3A_234 = arith.addi %add3A_214, %add3A_233 : i32
      %sub3A_235 = arith.constant 4 : i32
      %sub3A_236 = arith.subi %add3A_234, %sub3A_235 : i32
      %lt3A_237 = arith.cmpi slt, %add3A_234, %select_n3A : i32
      %convert_element_type3A_238 = arith.extui %lt3A_237 : i1 to i32
      %cond3A_239 = arith.constant 0 : i32
      %cond3A_240 = arith.cmpi ne, %convert_element_type3A_238, %cond3A_239 : i32
      scf.if %cond3A_240 {
        %ge3A = arith.constant 0 : i32
        %ge3A_241 = arith.cmpi sge, %sub3A_236, %ge3A : i32
        %convert_element_type3A_242 = arith.extui %ge3A_241 : i1 to i32
        %cond3A_243 = arith.constant 0 : i32
        %cond3A_244 = arith.cmpi ne, %convert_element_type3A_242, %cond3A_243 : i32
        scf.if %cond3A_244 {
          %dma_wait3A_251 = arith.constant 0 : i32
          %dma_wait3A_252 = tpu.memref_slice %arg9[%sub3A_236, %dma_wait3A_251] : memref<144x128xi32, #tpu.memory_space<vmem>> -> memref<1x128xi32, #tpu.memory_space<vmem>>
          %dma_wait3A_253 = tpu.memref_squeeze %dma_wait3A_252 : memref<1x128xi32, #tpu.memory_space<vmem>> -> memref<128xi32, #tpu.memory_space<vmem>>
          %dma_wait3A_254 = arith.constant 0 : i32
          %dma_wait3A_255 = arith.constant 0 : i32
          %dma_wait3A_256 = tpu.memref_slice %arg7[%dma_wait3A_254, %dma_wait3A_255] : memref<10112x64xf32, #tpu.memory_space<vmem_shared>> -> memref<10112x64xf32, #tpu.memory_space<vmem_shared>>
          tpu.wait_indirect_dma semaphore(%arg20 : memref<!tpu.dma_semaphore, #tpu.memory_space<semaphore_mem>>) src(%arg11 : memref<128x64xf32, #tpu.memory_space<vmem>>) dst(%dma_wait3A_256 : memref<10112x64xf32, #tpu.memory_space<vmem_shared>>)
          %dma_wait3A_257 = arith.constant 0 : i32
          %dma_wait3A_258 = tpu.memref_slice %arg9[%sub3A_236, %dma_wait3A_257] : memref<144x128xi32, #tpu.memory_space<vmem>> -> memref<1x128xi32, #tpu.memory_space<vmem>>
          %dma_wait3A_259 = tpu.memref_squeeze %dma_wait3A_258 : memref<1x128xi32, #tpu.memory_space<vmem>> -> memref<128xi32, #tpu.memory_space<vmem>>
          %dma_wait3A_260 = arith.constant 0 : i32
          %dma_wait3A_261 = arith.constant 0 : i32
          %dma_wait3A_262 = tpu.memref_slice %arg24[%dma_wait3A_260, %dma_wait3A_261] : memref<10112x16xf32, #tpu.memory_space<vmem_shared>> -> memref<10112x16xf32, #tpu.memory_space<vmem_shared>>
          tpu.wait_indirect_dma semaphore(%arg20 : memref<!tpu.dma_semaphore, #tpu.memory_space<semaphore_mem>>) src(%arg25 : memref<128x16xf32, #tpu.memory_space<vmem>>) dst(%dma_wait3A_262 : memref<10112x16xf32, #tpu.memory_space<vmem_shared>>)
        } else {
        }
        %dma_start3A_245 = arith.constant 0 : i32
        %dma_start3A_246 = tpu.memref_slice %arg8[%add3A_234, %dma_start3A_245] : memref<144x128xi32, #tpu.memory_space<vmem>> -> memref<1x128xi32, #tpu.memory_space<vmem>>
        %dma_start3A_247 = tpu.memref_squeeze %dma_start3A_246 : memref<1x128xi32, #tpu.memory_space<vmem>> -> memref<128xi32, #tpu.memory_space<vmem>>
        %dma_start3A_248 = arith.constant 0 : i32
        %dma_start3A_249 = arith.constant 0 : i32
        %dma_start3A_250 = tpu.memref_slice %arg2[%dma_start3A_248, %dma_start3A_249] : memref<10000x64xf32, #tpu.memory_space<hbm>> -> memref<10000x64xf32, #tpu.memory_space<hbm>>
        tpu.enqueue_indirect_dma source(%dma_start3A_250 : memref<10000x64xf32, #tpu.memory_space<hbm>>) target(%arg11 : memref<128x64xf32, #tpu.memory_space<vmem>>) offsets(%dma_start3A_247 : memref<128xi32, #tpu.memory_space<vmem>>) semaphore(%arg16 : memref<!tpu.dma_semaphore, #tpu.memory_space<semaphore_mem>>)
      } else {
      }
    }
    %while3A_60 = arith.constant 1 : i32
    scf.for %while3A_127 = %while3A_58 to %while3A_54 step %while3A_60  : i32 {
      %mul3A_128 = arith.muli %while3A_127, %while3A : i32
      %add3A_129 = arith.addi %while3A_51, %mul3A_128 : i32
      %add3A_130 = arith.constant 0 : i32
      %add3A_131 = arith.addi %add3A_129, %add3A_130 : i32
      %dma_wait3A_132 = arith.constant 0 : i32
      %dma_wait3A_133 = tpu.memref_slice %arg8[%add3A_131, %dma_wait3A_132] : memref<144x128xi32, #tpu.memory_space<vmem>> -> memref<1x128xi32, #tpu.memory_space<vmem>>
      %dma_wait3A_134 = tpu.memref_squeeze %dma_wait3A_133 : memref<1x128xi32, #tpu.memory_space<vmem>> -> memref<128xi32, #tpu.memory_space<vmem>>
      %dma_wait3A_135 = arith.constant 0 : i32
      %dma_wait3A_136 = arith.constant 0 : i32
      %dma_wait3A_137 = tpu.memref_slice %arg2[%dma_wait3A_135, %dma_wait3A_136] : memref<10000x64xf32, #tpu.memory_space<hbm>> -> memref<10000x64xf32, #tpu.memory_space<hbm>>
      tpu.wait_indirect_dma semaphore(%arg15 : memref<!tpu.dma_semaphore, #tpu.memory_space<semaphore_mem>>) src(%dma_wait3A_137 : memref<10000x64xf32, #tpu.memory_space<hbm>>) dst(%arg10 : memref<128x64xf32, #tpu.memory_space<vmem>>)
      %dma_start3A_138 = arith.constant 0 : i32
      %dma_start3A_139 = tpu.memref_slice %arg9[%add3A_131, %dma_start3A_138] : memref<144x128xi32, #tpu.memory_space<vmem>> -> memref<1x128xi32, #tpu.memory_space<vmem>>
      %dma_start3A_140 = tpu.memref_squeeze %dma_start3A_139 : memref<1x128xi32, #tpu.memory_space<vmem>> -> memref<128xi32, #tpu.memory_space<vmem>>
      %dma_start3A_141 = arith.constant 0 : i32
      %dma_start3A_142 = arith.constant 0 : i32
      %dma_start3A_143 = tpu.memref_slice %arg7[%dma_start3A_141, %dma_start3A_142] : memref<10112x64xf32, #tpu.memory_space<vmem_shared>> -> memref<10112x64xf32, #tpu.memory_space<vmem_shared>>
      tpu.enqueue_indirect_dma source(%arg10 : memref<128x64xf32, #tpu.memory_space<vmem>>) target(%dma_start3A_143 : memref<10112x64xf32, #tpu.memory_space<vmem_shared>>) offsets(%dma_start3A_140 : memref<128xi32, #tpu.memory_space<vmem>>) semaphore(%arg19 : memref<!tpu.dma_semaphore, #tpu.memory_space<semaphore_mem>>) {add = true}
      %dma_start3A_144 = arith.constant 0 : i32
      %dma_start3A_145 = tpu.memref_slice %arg9[%add3A_131, %dma_start3A_144] : memref<144x128xi32, #tpu.memory_space<vmem>> -> memref<1x128xi32, #tpu.memory_space<vmem>>
      %dma_start3A_146 = tpu.memref_squeeze %dma_start3A_145 : memref<1x128xi32, #tpu.memory_space<vmem>> -> memref<128xi32, #tpu.memory_space<vmem>>
      %dma_start3A_147 = arith.constant 0 : i32
      %dma_start3A_148 = arith.constant 0 : i32
      %dma_start3A_149 = tpu.memref_slice %arg24[%dma_start3A_147, %dma_start3A_148] : memref<10112x16xf32, #tpu.memory_space<vmem_shared>> -> memref<10112x16xf32, #tpu.memory_space<vmem_shared>>
      tpu.enqueue_indirect_dma source(%arg25 : memref<128x16xf32, #tpu.memory_space<vmem>>) target(%dma_start3A_149 : memref<10112x16xf32, #tpu.memory_space<vmem_shared>>) offsets(%dma_start3A_146 : memref<128xi32, #tpu.memory_space<vmem>>) semaphore(%arg19 : memref<!tpu.dma_semaphore, #tpu.memory_space<semaphore_mem>>) {add = true}
      %add3A_150 = arith.constant 2 : i32
      %add3A_151 = arith.addi %add3A_131, %add3A_150 : i32
      %sub3A_152 = arith.constant 4 : i32
      %sub3A_153 = arith.subi %add3A_151, %sub3A_152 : i32
      %lt3A = arith.cmpi slt, %add3A_151, %select_n3A : i32
      %convert_element_type3A_154 = arith.extui %lt3A : i1 to i32
      %cond3A_155 = arith.constant 0 : i32
      %cond3A_156 = arith.cmpi ne, %convert_element_type3A_154, %cond3A_155 : i32
      scf.if %cond3A_156 {
        %ge3A = arith.constant 0 : i32
        %ge3A_241 = arith.cmpi sge, %sub3A_153, %ge3A : i32
        %convert_element_type3A_242 = arith.extui %ge3A_241 : i1 to i32
        %cond3A_243 = arith.constant 0 : i32
        %cond3A_244 = arith.cmpi ne, %convert_element_type3A_242, %cond3A_243 : i32
        scf.if %cond3A_244 {
          %dma_wait3A_251 = arith.constant 0 : i32
          %dma_wait3A_252 = tpu.memref_slice %arg9[%sub3A_153, %dma_wait3A_251] : memref<144x128xi32, #tpu.memory_space<vmem>> -> memref<1x128xi32, #tpu.memory_space<vmem>>
          %dma_wait3A_253 = tpu.memref_squeeze %dma_wait3A_252 : memref<1x128xi32, #tpu.memory_space<vmem>> -> memref<128xi32, #tpu.memory_space<vmem>>
          %dma_wait3A_254 = arith.constant 0 : i32
          %dma_wait3A_255 = arith.constant 0 : i32
          %dma_wait3A_256 = tpu.memref_slice %arg7[%dma_wait3A_254, %dma_wait3A_255] : memref<10112x64xf32, #tpu.memory_space<vmem_shared>> -> memref<10112x64xf32, #tpu.memory_space<vmem_shared>>
          tpu.wait_indirect_dma semaphore(%arg21 : memref<!tpu.dma_semaphore, #tpu.memory_space<semaphore_mem>>) src(%arg12 : memref<128x64xf32, #tpu.memory_space<vmem>>) dst(%dma_wait3A_256 : memref<10112x64xf32, #tpu.memory_space<vmem_shared>>)
          %dma_wait3A_257 = arith.constant 0 : i32
          %dma_wait3A_258 = tpu.memref_slice %arg9[%sub3A_153, %dma_wait3A_257] : memref<144x128xi32, #tpu.memory_space<vmem>> -> memref<1x128xi32, #tpu.memory_space<vmem>>
          %dma_wait3A_259 = tpu.memref_squeeze %dma_wait3A_258 : memref<1x128xi32, #tpu.memory_space<vmem>> -> memref<128xi32, #tpu.memory_space<vmem>>
          %dma_wait3A_260 = arith.constant 0 : i32
          %dma_wait3A_261 = arith.constant 0 : i32
          %dma_wait3A_262 = tpu.memref_slice %arg24[%dma_wait3A_260, %dma_wait3A_261] : memref<10112x16xf32, #tpu.memory_space<vmem_shared>> -> memref<10112x16xf32, #tpu.memory_space<vmem_shared>>
          tpu.wait_indirect_dma semaphore(%arg21 : memref<!tpu.dma_semaphore, #tpu.memory_space<semaphore_mem>>) src(%arg25 : memref<128x16xf32, #tpu.memory_space<vmem>>) dst(%dma_wait3A_262 : memref<10112x16xf32, #tpu.memory_space<vmem_shared>>)
        } else {
        }
        %dma_start3A_245 = arith.constant 0 : i32
        %dma_start3A_246 = tpu.memref_slice %arg8[%add3A_151, %dma_start3A_245] : memref<144x128xi32, #tpu.memory_space<vmem>> -> memref<1x128xi32, #tpu.memory_space<vmem>>
        %dma_start3A_247 = tpu.memref_squeeze %dma_start3A_246 : memref<1x128xi32, #tpu.memory_space<vmem>> -> memref<128xi32, #tpu.memory_space<vmem>>
        %dma_start3A_248 = arith.constant 0 : i32
        %dma_start3A_249 = arith.constant 0 : i32
        %dma_start3A_250 = tpu.memref_slice %arg2[%dma_start3A_248, %dma_start3A_249] : memref<10000x64xf32, #tpu.memory_space<hbm>> -> memref<10000x64xf32, #tpu.memory_space<hbm>>
        tpu.enqueue_indirect_dma source(%dma_start3A_250 : memref<10000x64xf32, #tpu.memory_space<hbm>>) target(%arg12 : memref<128x64xf32, #tpu.memory_space<vmem>>) offsets(%dma_start3A_247 : memref<128xi32, #tpu.memory_space<vmem>>) semaphore(%arg17 : memref<!tpu.dma_semaphore, #tpu.memory_space<semaphore_mem>>)
      } else {
      }
      %add3A_157 = arith.constant 1 : i32
      %add3A_158 = arith.addi %add3A_129, %add3A_157 : i32
      %dma_wait3A_159 = arith.constant 0 : i32
      %dma_wait3A_160 = tpu.memref_slice %arg8[%add3A_158, %dma_wait3A_159] : memref<144x128xi32, #tpu.memory_space<vmem>> -> memref<1x128xi32, #tpu.memory_space<vmem>>
      %dma_wait3A_161 = tpu.memref_squeeze %dma_wait3A_160 : memref<1x128xi32, #tpu.memory_space<vmem>> -> memref<128xi32, #tpu.memory_space<vmem>>
      %dma_wait3A_162 = arith.constant 0 : i32
      %dma_wait3A_163 = arith.constant 0 : i32
      %dma_wait3A_164 = tpu.memref_slice %arg2[%dma_wait3A_162, %dma_wait3A_163] : memref<10000x64xf32, #tpu.memory_space<hbm>> -> memref<10000x64xf32, #tpu.memory_space<hbm>>
      tpu.wait_indirect_dma semaphore(%arg16 : memref<!tpu.dma_semaphore, #tpu.memory_space<semaphore_mem>>) src(%dma_wait3A_164 : memref<10000x64xf32, #tpu.memory_space<hbm>>) dst(%arg11 : memref<128x64xf32, #tpu.memory_space<vmem>>)
      %dma_start3A_165 = arith.constant 0 : i32
      %dma_start3A_166 = tpu.memref_slice %arg9[%add3A_158, %dma_start3A_165] : memref<144x128xi32, #tpu.memory_space<vmem>> -> memref<1x128xi32, #tpu.memory_space<vmem>>
      %dma_start3A_167 = tpu.memref_squeeze %dma_start3A_166 : memref<1x128xi32, #tpu.memory_space<vmem>> -> memref<128xi32, #tpu.memory_space<vmem>>
      %dma_start3A_168 = arith.constant 0 : i32
      %dma_start3A_169 = arith.constant 0 : i32
      %dma_start3A_170 = tpu.memref_slice %arg7[%dma_start3A_168, %dma_start3A_169] : memref<10112x64xf32, #tpu.memory_space<vmem_shared>> -> memref<10112x64xf32, #tpu.memory_space<vmem_shared>>
      tpu.enqueue_indirect_dma source(%arg11 : memref<128x64xf32, #tpu.memory_space<vmem>>) target(%dma_start3A_170 : memref<10112x64xf32, #tpu.memory_space<vmem_shared>>) offsets(%dma_start3A_167 : memref<128xi32, #tpu.memory_space<vmem>>) semaphore(%arg20 : memref<!tpu.dma_semaphore, #tpu.memory_space<semaphore_mem>>) {add = true}
      %dma_start3A_171 = arith.constant 0 : i32
      %dma_start3A_172 = tpu.memref_slice %arg9[%add3A_158, %dma_start3A_171] : memref<144x128xi32, #tpu.memory_space<vmem>> -> memref<1x128xi32, #tpu.memory_space<vmem>>
      %dma_start3A_173 = tpu.memref_squeeze %dma_start3A_172 : memref<1x128xi32, #tpu.memory_space<vmem>> -> memref<128xi32, #tpu.memory_space<vmem>>
      %dma_start3A_174 = arith.constant 0 : i32
      %dma_start3A_175 = arith.constant 0 : i32
      %dma_start3A_176 = tpu.memref_slice %arg24[%dma_start3A_174, %dma_start3A_175] : memref<10112x16xf32, #tpu.memory_space<vmem_shared>> -> memref<10112x16xf32, #tpu.memory_space<vmem_shared>>
      tpu.enqueue_indirect_dma source(%arg25 : memref<128x16xf32, #tpu.memory_space<vmem>>) target(%dma_start3A_176 : memref<10112x16xf32, #tpu.memory_space<vmem_shared>>) offsets(%dma_start3A_173 : memref<128xi32, #tpu.memory_space<vmem>>) semaphore(%arg20 : memref<!tpu.dma_semaphore, #tpu.memory_space<semaphore_mem>>) {add = true}
      %add3A_177 = arith.constant 2 : i32
      %add3A_178 = arith.addi %add3A_158, %add3A_177 : i32
      %sub3A_179 = arith.constant 4 : i32
      %sub3A_180 = arith.subi %add3A_178, %sub3A_179 : i32
      %lt3A_181 = arith.cmpi slt, %add3A_178, %select_n3A : i32
      %convert_element_type3A_182 = arith.extui %lt3A_181 : i1 to i32
      %cond3A_183 = arith.constant 0 : i32
      %cond3A_184 = arith.cmpi ne, %convert_element_type3A_182, %cond3A_183 : i32
      scf.if %cond3A_184 {
        %ge3A = arith.constant 0 : i32
        %ge3A_241 = arith.cmpi sge, %sub3A_180, %ge3A : i32
        %convert_element_type3A_242 = arith.extui %ge3A_241 : i1 to i32
        %cond3A_243 = arith.constant 0 : i32
        %cond3A_244 = arith.cmpi ne, %convert_element_type3A_242, %cond3A_243 : i32
        scf.if %cond3A_244 {
          %dma_wait3A_251 = arith.constant 0 : i32
          %dma_wait3A_252 = tpu.memref_slice %arg9[%sub3A_180, %dma_wait3A_251] : memref<144x128xi32, #tpu.memory_space<vmem>> -> memref<1x128xi32, #tpu.memory_space<vmem>>
          %dma_wait3A_253 = tpu.memref_squeeze %dma_wait3A_252 : memref<1x128xi32, #tpu.memory_space<vmem>> -> memref<128xi32, #tpu.memory_space<vmem>>
          %dma_wait3A_254 = arith.constant 0 : i32
          %dma_wait3A_255 = arith.constant 0 : i32
          %dma_wait3A_256 = tpu.memref_slice %arg7[%dma_wait3A_254, %dma_wait3A_255] : memref<10112x64xf32, #tpu.memory_space<vmem_shared>> -> memref<10112x64xf32, #tpu.memory_space<vmem_shared>>
          tpu.wait_indirect_dma semaphore(%arg22 : memref<!tpu.dma_semaphore, #tpu.memory_space<semaphore_mem>>) src(%arg13 : memref<128x64xf32, #tpu.memory_space<vmem>>) dst(%dma_wait3A_256 : memref<10112x64xf32, #tpu.memory_space<vmem_shared>>)
          %dma_wait3A_257 = arith.constant 0 : i32
          %dma_wait3A_258 = tpu.memref_slice %arg9[%sub3A_180, %dma_wait3A_257] : memref<144x128xi32, #tpu.memory_space<vmem>> -> memref<1x128xi32, #tpu.memory_space<vmem>>
          %dma_wait3A_259 = tpu.memref_squeeze %dma_wait3A_258 : memref<1x128xi32, #tpu.memory_space<vmem>> -> memref<128xi32, #tpu.memory_space<vmem>>
          %dma_wait3A_260 = arith.constant 0 : i32
          %dma_wait3A_261 = arith.constant 0 : i32
          %dma_wait3A_262 = tpu.memref_slice %arg24[%dma_wait3A_260, %dma_wait3A_261] : memref<10112x16xf32, #tpu.memory_space<vmem_shared>> -> memref<10112x16xf32, #tpu.memory_space<vmem_shared>>
          tpu.wait_indirect_dma semaphore(%arg22 : memref<!tpu.dma_semaphore, #tpu.memory_space<semaphore_mem>>) src(%arg25 : memref<128x16xf32, #tpu.memory_space<vmem>>) dst(%dma_wait3A_262 : memref<10112x16xf32, #tpu.memory_space<vmem_shared>>)
        } else {
        }
        %dma_start3A_245 = arith.constant 0 : i32
        %dma_start3A_246 = tpu.memref_slice %arg8[%add3A_178, %dma_start3A_245] : memref<144x128xi32, #tpu.memory_space<vmem>> -> memref<1x128xi32, #tpu.memory_space<vmem>>
        %dma_start3A_247 = tpu.memref_squeeze %dma_start3A_246 : memref<1x128xi32, #tpu.memory_space<vmem>> -> memref<128xi32, #tpu.memory_space<vmem>>
        %dma_start3A_248 = arith.constant 0 : i32
        %dma_start3A_249 = arith.constant 0 : i32
        %dma_start3A_250 = tpu.memref_slice %arg2[%dma_start3A_248, %dma_start3A_249] : memref<10000x64xf32, #tpu.memory_space<hbm>> -> memref<10000x64xf32, #tpu.memory_space<hbm>>
        tpu.enqueue_indirect_dma source(%dma_start3A_250 : memref<10000x64xf32, #tpu.memory_space<hbm>>) target(%arg13 : memref<128x64xf32, #tpu.memory_space<vmem>>) offsets(%dma_start3A_247 : memref<128xi32, #tpu.memory_space<vmem>>) semaphore(%arg18 : memref<!tpu.dma_semaphore, #tpu.memory_space<semaphore_mem>>)
      } else {
      }
      %add3A_185 = arith.constant 2 : i32
      %add3A_186 = arith.addi %add3A_129, %add3A_185 : i32
      %dma_wait3A_187 = arith.constant 0 : i32
      %dma_wait3A_188 = tpu.memref_slice %arg8[%add3A_186, %dma_wait3A_187] : memref<144x128xi32, #tpu.memory_space<vmem>> -> memref<1x128xi32, #tpu.memory_space<vmem>>
      %dma_wait3A_189 = tpu.memref_squeeze %dma_wait3A_188 : memref<1x128xi32, #tpu.memory_space<vmem>> -> memref<128xi32, #tpu.memory_space<vmem>>
      %dma_wait3A_190 = arith.constant 0 : i32
      %dma_wait3A_191 = arith.constant 0 : i32
      %dma_wait3A_192 = tpu.memref_slice %arg2[%dma_wait3A_190, %dma_wait3A_191] : memref<10000x64xf32, #tpu.memory_space<hbm>> -> memref<10000x64xf32, #tpu.memory_space<hbm>>
      tpu.wait_indirect_dma semaphore(%arg17 : memref<!tpu.dma_semaphore, #tpu.memory_space<semaphore_mem>>) src(%dma_wait3A_192 : memref<10000x64xf32, #tpu.memory_space<hbm>>) dst(%arg12 : memref<128x64xf32, #tpu.memory_space<vmem>>)
      %dma_start3A_193 = arith.constant 0 : i32
      %dma_start3A_194 = tpu.memref_slice %arg9[%add3A_186, %dma_start3A_193] : memref<144x128xi32, #tpu.memory_space<vmem>> -> memref<1x128xi32, #tpu.memory_space<vmem>>
      %dma_start3A_195 = tpu.memref_squeeze %dma_start3A_194 : memref<1x128xi32, #tpu.memory_space<vmem>> -> memref<128xi32, #tpu.memory_space<vmem>>
      %dma_start3A_196 = arith.constant 0 : i32
      %dma_start3A_197 = arith.constant 0 : i32
      %dma_start3A_198 = tpu.memref_slice %arg7[%dma_start3A_196, %dma_start3A_197] : memref<10112x64xf32, #tpu.memory_space<vmem_shared>> -> memref<10112x64xf32, #tpu.memory_space<vmem_shared>>
      tpu.enqueue_indirect_dma source(%arg12 : memref<128x64xf32, #tpu.memory_space<vmem>>) target(%dma_start3A_198 : memref<10112x64xf32, #tpu.memory_space<vmem_shared>>) offsets(%dma_start3A_195 : memref<128xi32, #tpu.memory_space<vmem>>) semaphore(%arg21 : memref<!tpu.dma_semaphore, #tpu.memory_space<semaphore_mem>>) {add = true}
      %dma_start3A_199 = arith.constant 0 : i32
      %dma_start3A_200 = tpu.memref_slice %arg9[%add3A_186, %dma_start3A_199] : memref<144x128xi32, #tpu.memory_space<vmem>> -> memref<1x128xi32, #tpu.memory_space<vmem>>
      %dma_start3A_201 = tpu.memref_squeeze %dma_start3A_200 : memref<1x128xi32, #tpu.memory_space<vmem>> -> memref<128xi32, #tpu.memory_space<vmem>>
      %dma_start3A_202 = arith.constant 0 : i32
      %dma_start3A_203 = arith.constant 0 : i32
      %dma_start3A_204 = tpu.memref_slice %arg24[%dma_start3A_202, %dma_start3A_203] : memref<10112x16xf32, #tpu.memory_space<vmem_shared>> -> memref<10112x16xf32, #tpu.memory_space<vmem_shared>>
      tpu.enqueue_indirect_dma source(%arg25 : memref<128x16xf32, #tpu.memory_space<vmem>>) target(%dma_start3A_204 : memref<10112x16xf32, #tpu.memory_space<vmem_shared>>) offsets(%dma_start3A_201 : memref<128xi32, #tpu.memory_space<vmem>>) semaphore(%arg21 : memref<!tpu.dma_semaphore, #tpu.memory_space<semaphore_mem>>) {add = true}
      %add3A_205 = arith.constant 2 : i32
      %add3A_206 = arith.addi %add3A_186, %add3A_205 : i32
      %sub3A_207 = arith.constant 4 : i32
      %sub3A_208 = arith.subi %add3A_206, %sub3A_207 : i32
      %lt3A_209 = arith.cmpi slt, %add3A_206, %select_n3A : i32
      %convert_element_type3A_210 = arith.extui %lt3A_209 : i1 to i32
      %cond3A_211 = arith.constant 0 : i32
      %cond3A_212 = arith.cmpi ne, %convert_element_type3A_210, %cond3A_211 : i32
      scf.if %cond3A_212 {
        %ge3A = arith.constant 0 : i32
        %ge3A_241 = arith.cmpi sge, %sub3A_208, %ge3A : i32
        %convert_element_type3A_242 = arith.extui %ge3A_241 : i1 to i32
        %cond3A_243 = arith.constant 0 : i32
        %cond3A_244 = arith.cmpi ne, %convert_element_type3A_242, %cond3A_243 : i32
        scf.if %cond3A_244 {
          %dma_wait3A_251 = arith.constant 0 : i32
          %dma_wait3A_252 = tpu.memref_slice %arg9[%sub3A_208, %dma_wait3A_251] : memref<144x128xi32, #tpu.memory_space<vmem>> -> memref<1x128xi32, #tpu.memory_space<vmem>>
          %dma_wait3A_253 = tpu.memref_squeeze %dma_wait3A_252 : memref<1x128xi32, #tpu.memory_space<vmem>> -> memref<128xi32, #tpu.memory_space<vmem>>
          %dma_wait3A_254 = arith.constant 0 : i32
          %dma_wait3A_255 = arith.constant 0 : i32
          %dma_wait3A_256 = tpu.memref_slice %arg7[%dma_wait3A_254, %dma_wait3A_255] : memref<10112x64xf32, #tpu.memory_space<vmem_shared>> -> memref<10112x64xf32, #tpu.memory_space<vmem_shared>>
          tpu.wait_indirect_dma semaphore(%arg19 : memref<!tpu.dma_semaphore, #tpu.memory_space<semaphore_mem>>) src(%arg10 : memref<128x64xf32, #tpu.memory_space<vmem>>) dst(%dma_wait3A_256 : memref<10112x64xf32, #tpu.memory_space<vmem_shared>>)
          %dma_wait3A_257 = arith.constant 0 : i32
          %dma_wait3A_258 = tpu.memref_slice %arg9[%sub3A_208, %dma_wait3A_257] : memref<144x128xi32, #tpu.memory_space<vmem>> -> memref<1x128xi32, #tpu.memory_space<vmem>>
          %dma_wait3A_259 = tpu.memref_squeeze %dma_wait3A_258 : memref<1x128xi32, #tpu.memory_space<vmem>> -> memref<128xi32, #tpu.memory_space<vmem>>
          %dma_wait3A_260 = arith.constant 0 : i32
          %dma_wait3A_261 = arith.constant 0 : i32
          %dma_wait3A_262 = tpu.memref_slice %arg24[%dma_wait3A_260, %dma_wait3A_261] : memref<10112x16xf32, #tpu.memory_space<vmem_shared>> -> memref<10112x16xf32, #tpu.memory_space<vmem_shared>>
          tpu.wait_indirect_dma semaphore(%arg19 : memref<!tpu.dma_semaphore, #tpu.memory_space<semaphore_mem>>) src(%arg25 : memref<128x16xf32, #tpu.memory_space<vmem>>) dst(%dma_wait3A_262 : memref<10112x16xf32, #tpu.memory_space<vmem_shared>>)
        } else {
        }
        %dma_start3A_245 = arith.constant 0 : i32
        %dma_start3A_246 = tpu.memref_slice %arg8[%add3A_206, %dma_start3A_245] : memref<144x128xi32, #tpu.memory_space<vmem>> -> memref<1x128xi32, #tpu.memory_space<vmem>>
        %dma_start3A_247 = tpu.memref_squeeze %dma_start3A_246 : memref<1x128xi32, #tpu.memory_space<vmem>> -> memref<128xi32, #tpu.memory_space<vmem>>
        %dma_start3A_248 = arith.constant 0 : i32
        %dma_start3A_249 = arith.constant 0 : i32
        %dma_start3A_250 = tpu.memref_slice %arg2[%dma_start3A_248, %dma_start3A_249] : memref<10000x64xf32, #tpu.memory_space<hbm>> -> memref<10000x64xf32, #tpu.memory_space<hbm>>
        tpu.enqueue_indirect_dma source(%dma_start3A_250 : memref<10000x64xf32, #tpu.memory_space<hbm>>) target(%arg10 : memref<128x64xf32, #tpu.memory_space<vmem>>) offsets(%dma_start3A_247 : memref<128xi32, #tpu.memory_space<vmem>>) semaphore(%arg15 : memref<!tpu.dma_semaphore, #tpu.memory_space<semaphore_mem>>)
      } else {
      }
      %add3A_213 = arith.constant 3 : i32
      %add3A_214 = arith.addi %add3A_129, %add3A_213 : i32
      %dma_wait3A_215 = arith.constant 0 : i32
      %dma_wait3A_216 = tpu.memref_slice %arg8[%add3A_214, %dma_wait3A_215] : memref<144x128xi32, #tpu.memory_space<vmem>> -> memref<1x128xi32, #tpu.memory_space<vmem>>
      %dma_wait3A_217 = tpu.memref_squeeze %dma_wait3A_216 : memref<1x128xi32, #tpu.memory_space<vmem>> -> memref<128xi32, #tpu.memory_space<vmem>>
      %dma_wait3A_218 = arith.constant 0 : i32
      %dma_wait3A_219 = arith.constant 0 : i32
      %dma_wait3A_220 = tpu.memref_slice %arg2[%dma_wait3A_218, %dma_wait3A_219] : memref<10000x64xf32, #tpu.memory_space<hbm>> -> memref<10000x64xf32, #tpu.memory_space<hbm>>
      tpu.wait_indirect_dma semaphore(%arg18 : memref<!tpu.dma_semaphore, #tpu.memory_space<semaphore_mem>>) src(%dma_wait3A_220 : memref<10000x64xf32, #tpu.memory_space<hbm>>) dst(%arg13 : memref<128x64xf32, #tpu.memory_space<vmem>>)
      %dma_start3A_221 = arith.constant 0 : i32
      %dma_start3A_222 = tpu.memref_slice %arg9[%add3A_214, %dma_start3A_221] : memref<144x128xi32, #tpu.memory_space<vmem>> -> memref<1x128xi32, #tpu.memory_space<vmem>>
      %dma_start3A_223 = tpu.memref_squeeze %dma_start3A_222 : memref<1x128xi32, #tpu.memory_space<vmem>> -> memref<128xi32, #tpu.memory_space<vmem>>
      %dma_start3A_224 = arith.constant 0 : i32
      %dma_start3A_225 = arith.constant 0 : i32
      %dma_start3A_226 = tpu.memref_slice %arg7[%dma_start3A_224, %dma_start3A_225] : memref<10112x64xf32, #tpu.memory_space<vmem_shared>> -> memref<10112x64xf32, #tpu.memory_space<vmem_shared>>
      tpu.enqueue_indirect_dma source(%arg13 : memref<128x64xf32, #tpu.memory_space<vmem>>) target(%dma_start3A_226 : memref<10112x64xf32, #tpu.memory_space<vmem_shared>>) offsets(%dma_start3A_223 : memref<128xi32, #tpu.memory_space<vmem>>) semaphore(%arg22 : memref<!tpu.dma_semaphore, #tpu.memory_space<semaphore_mem>>) {add = true}
      %dma_start3A_227 = arith.constant 0 : i32
      %dma_start3A_228 = tpu.memref_slice %arg9[%add3A_214, %dma_start3A_227] : memref<144x128xi32, #tpu.memory_space<vmem>> -> memref<1x128xi32, #tpu.memory_space<vmem>>
      %dma_start3A_229 = tpu.memref_squeeze %dma_start3A_228 : memref<1x128xi32, #tpu.memory_space<vmem>> -> memref<128xi32, #tpu.memory_space<vmem>>
      %dma_start3A_230 = arith.constant 0 : i32
      %dma_start3A_231 = arith.constant 0 : i32
      %dma_start3A_232 = tpu.memref_slice %arg24[%dma_start3A_230, %dma_start3A_231] : memref<10112x16xf32, #tpu.memory_space<vmem_shared>> -> memref<10112x16xf32, #tpu.memory_space<vmem_shared>>
      tpu.enqueue_indirect_dma source(%arg25 : memref<128x16xf32, #tpu.memory_space<vmem>>) target(%dma_start3A_232 : memref<10112x16xf32, #tpu.memory_space<vmem_shared>>) offsets(%dma_start3A_229 : memref<128xi32, #tpu.memory_space<vmem>>) semaphore(%arg22 : memref<!tpu.dma_semaphore, #tpu.memory_space<semaphore_mem>>) {add = true}
      %add3A_233 = arith.constant 2 : i32
      %add3A_234 = arith.addi %add3A_214, %add3A_233 : i32
      %sub3A_235 = arith.constant 4 : i32
      %sub3A_236 = arith.subi %add3A_234, %sub3A_235 : i32
      %lt3A_237 = arith.cmpi slt, %add3A_234, %select_n3A : i32
      %convert_element_type3A_238 = arith.extui %lt3A_237 : i1 to i32
      %cond3A_239 = arith.constant 0 : i32
      %cond3A_240 = arith.cmpi ne, %convert_element_type3A_238, %cond3A_239 : i32
      scf.if %cond3A_240 {
        %ge3A = arith.constant 0 : i32
        %ge3A_241 = arith.cmpi sge, %sub3A_236, %ge3A : i32
        %convert_element_type3A_242 = arith.extui %ge3A_241 : i1 to i32
        %cond3A_243 = arith.constant 0 : i32
        %cond3A_244 = arith.cmpi ne, %convert_element_type3A_242, %cond3A_243 : i32
        scf.if %cond3A_244 {
          %dma_wait3A_251 = arith.constant 0 : i32
          %dma_wait3A_252 = tpu.memref_slice %arg9[%sub3A_236, %dma_wait3A_251] : memref<144x128xi32, #tpu.memory_space<vmem>> -> memref<1x128xi32, #tpu.memory_space<vmem>>
          %dma_wait3A_253 = tpu.memref_squeeze %dma_wait3A_252 : memref<1x128xi32, #tpu.memory_space<vmem>> -> memref<128xi32, #tpu.memory_space<vmem>>
          %dma_wait3A_254 = arith.constant 0 : i32
          %dma_wait3A_255 = arith.constant 0 : i32
          %dma_wait3A_256 = tpu.memref_slice %arg7[%dma_wait3A_254, %dma_wait3A_255] : memref<10112x64xf32, #tpu.memory_space<vmem_shared>> -> memref<10112x64xf32, #tpu.memory_space<vmem_shared>>
          tpu.wait_indirect_dma semaphore(%arg20 : memref<!tpu.dma_semaphore, #tpu.memory_space<semaphore_mem>>) src(%arg11 : memref<128x64xf32, #tpu.memory_space<vmem>>) dst(%dma_wait3A_256 : memref<10112x64xf32, #tpu.memory_space<vmem_shared>>)
          %dma_wait3A_257 = arith.constant 0 : i32
          %dma_wait3A_258 = tpu.memref_slice %arg9[%sub3A_236, %dma_wait3A_257] : memref<144x128xi32, #tpu.memory_space<vmem>> -> memref<1x128xi32, #tpu.memory_space<vmem>>
          %dma_wait3A_259 = tpu.memref_squeeze %dma_wait3A_258 : memref<1x128xi32, #tpu.memory_space<vmem>> -> memref<128xi32, #tpu.memory_space<vmem>>
          %dma_wait3A_260 = arith.constant 0 : i32
          %dma_wait3A_261 = arith.constant 0 : i32
          %dma_wait3A_262 = tpu.memref_slice %arg24[%dma_wait3A_260, %dma_wait3A_261] : memref<10112x16xf32, #tpu.memory_space<vmem_shared>> -> memref<10112x16xf32, #tpu.memory_space<vmem_shared>>
          tpu.wait_indirect_dma semaphore(%arg20 : memref<!tpu.dma_semaphore, #tpu.memory_space<semaphore_mem>>) src(%arg25 : memref<128x16xf32, #tpu.memory_space<vmem>>) dst(%dma_wait3A_262 : memref<10112x16xf32, #tpu.memory_space<vmem_shared>>)
        } else {
        }
        %dma_start3A_245 = arith.constant 0 : i32
        %dma_start3A_246 = tpu.memref_slice %arg8[%add3A_234, %dma_start3A_245] : memref<144x128xi32, #tpu.memory_space<vmem>> -> memref<1x128xi32, #tpu.memory_space<vmem>>
        %dma_start3A_247 = tpu.memref_squeeze %dma_start3A_246 : memref<1x128xi32, #tpu.memory_space<vmem>> -> memref<128xi32, #tpu.memory_space<vmem>>
        %dma_start3A_248 = arith.constant 0 : i32
        %dma_start3A_249 = arith.constant 0 : i32
        %dma_start3A_250 = tpu.memref_slice %arg2[%dma_start3A_248, %dma_start3A_249] : memref<10000x64xf32, #tpu.memory_space<hbm>> -> memref<10000x64xf32, #tpu.memory_space<hbm>>
        tpu.enqueue_indirect_dma source(%dma_start3A_250 : memref<10000x64xf32, #tpu.memory_space<hbm>>) target(%arg11 : memref<128x64xf32, #tpu.memory_space<vmem>>) offsets(%dma_start3A_247 : memref<128xi32, #tpu.memory_space<vmem>>) semaphore(%arg16 : memref<!tpu.dma_semaphore, #tpu.memory_space<semaphore_mem>>)
      } else {
      }
    }
    %sub3A_61 = arith.constant 4 : i32
    %sub3A_62 = arith.subi %select_n3A, %sub3A_61 : i32
    %add3A_63 = arith.constant 0 : i32
    %add3A_64 = arith.addi %sub3A_62, %add3A_63 : i32
    %dma_wait3A = arith.constant 0 : i32
    %dma_wait3A_65 = tpu.memref_slice %arg9[%add3A_64, %dma_wait3A] : memref<144x128xi32, #tpu.memory_space<vmem>> -> memref<1x128xi32, #tpu.memory_space<vmem>>
    %dma_wait3A_66 = tpu.memref_squeeze %dma_wait3A_65 : memref<1x128xi32, #tpu.memory_space<vmem>> -> memref<128xi32, #tpu.memory_space<vmem>>
    %dma_wait3A_67 = arith.constant 0 : i32
    %dma_wait3A_68 = arith.constant 0 : i32
    %dma_wait3A_69 = tpu.memref_slice %arg7[%dma_wait3A_67, %dma_wait3A_68] : memref<10112x64xf32, #tpu.memory_space<vmem_shared>> -> memref<10112x64xf32, #tpu.memory_space<vmem_shared>>
    tpu.wait_indirect_dma semaphore(%arg19 : memref<!tpu.dma_semaphore, #tpu.memory_space<semaphore_mem>>) src(%arg10 : memref<128x64xf32, #tpu.memory_space<vmem>>) dst(%dma_wait3A_69 : memref<10112x64xf32, #tpu.memory_space<vmem_shared>>)
    %dma_wait3A_70 = arith.constant 0 : i32
    %dma_wait3A_71 = tpu.memref_slice %arg9[%add3A_64, %dma_wait3A_70] : memref<144x128xi32, #tpu.memory_space<vmem>> -> memref<1x128xi32, #tpu.memory_space<vmem>>
    %dma_wait3A_72 = tpu.memref_squeeze %dma_wait3A_71 : memref<1x128xi32, #tpu.memory_space<vmem>> -> memref<128xi32, #tpu.memory_space<vmem>>
    %dma_wait3A_73 = arith.constant 0 : i32
    %dma_wait3A_74 = arith.constant 0 : i32
    %dma_wait3A_75 = tpu.memref_slice %arg24[%dma_wait3A_73, %dma_wait3A_74] : memref<10112x16xf32, #tpu.memory_space<vmem_shared>> -> memref<10112x16xf32, #tpu.memory_space<vmem_shared>>
    tpu.wait_indirect_dma semaphore(%arg19 : memref<!tpu.dma_semaphore, #tpu.memory_space<semaphore_mem>>) src(%arg25 : memref<128x16xf32, #tpu.memory_space<vmem>>) dst(%dma_wait3A_75 : memref<10112x16xf32, #tpu.memory_space<vmem_shared>>)
    %sub3A_76 = arith.constant 4 : i32
    %sub3A_77 = arith.subi %select_n3A, %sub3A_76 : i32
    %add3A_78 = arith.constant 1 : i32
    %add3A_79 = arith.addi %sub3A_77, %add3A_78 : i32
    %dma_wait3A_80 = arith.constant 0 : i32
    %dma_wait3A_81 = tpu.memref_slice %arg9[%add3A_79, %dma_wait3A_80] : memref<144x128xi32, #tpu.memory_space<vmem>> -> memref<1x128xi32, #tpu.memory_space<vmem>>
    %dma_wait3A_82 = tpu.memref_squeeze %dma_wait3A_81 : memref<1x128xi32, #tpu.memory_space<vmem>> -> memref<128xi32, #tpu.memory_space<vmem>>
    %dma_wait3A_83 = arith.constant 0 : i32
    %dma_wait3A_84 = arith.constant 0 : i32
    %dma_wait3A_85 = tpu.memref_slice %arg7[%dma_wait3A_83, %dma_wait3A_84] : memref<10112x64xf32, #tpu.memory_space<vmem_shared>> -> memref<10112x64xf32, #tpu.memory_space<vmem_shared>>
    tpu.wait_indirect_dma semaphore(%arg20 : memref<!tpu.dma_semaphore, #tpu.memory_space<semaphore_mem>>) src(%arg11 : memref<128x64xf32, #tpu.memory_space<vmem>>) dst(%dma_wait3A_85 : memref<10112x64xf32, #tpu.memory_space<vmem_shared>>)
    %dma_wait3A_86 = arith.constant 0 : i32
    %dma_wait3A_87 = tpu.memref_slice %arg9[%add3A_79, %dma_wait3A_86] : memref<144x128xi32, #tpu.memory_space<vmem>> -> memref<1x128xi32, #tpu.memory_space<vmem>>
    %dma_wait3A_88 = tpu.memref_squeeze %dma_wait3A_87 : memref<1x128xi32, #tpu.memory_space<vmem>> -> memref<128xi32, #tpu.memory_space<vmem>>
    %dma_wait3A_89 = arith.constant 0 : i32
    %dma_wait3A_90 = arith.constant 0 : i32
    %dma_wait3A_91 = tpu.memref_slice %arg24[%dma_wait3A_89, %dma_wait3A_90] : memref<10112x16xf32, #tpu.memory_space<vmem_shared>> -> memref<10112x16xf32, #tpu.memory_space<vmem_shared>>
    tpu.wait_indirect_dma semaphore(%arg20 : memref<!tpu.dma_semaphore, #tpu.memory_space<semaphore_mem>>) src(%arg25 : memref<128x16xf32, #tpu.memory_space<vmem>>) dst(%dma_wait3A_91 : memref<10112x16xf32, #tpu.memory_space<vmem_shared>>)
    %sub3A_92 = arith.constant 4 : i32
    %sub3A_93 = arith.subi %select_n3A, %sub3A_92 : i32
    %add3A_94 = arith.constant 2 : i32
    %add3A_95 = arith.addi %sub3A_93, %add3A_94 : i32
    %dma_wait3A_96 = arith.constant 0 : i32
    %dma_wait3A_97 = tpu.memref_slice %arg9[%add3A_95, %dma_wait3A_96] : memref<144x128xi32, #tpu.memory_space<vmem>> -> memref<1x128xi32, #tpu.memory_space<vmem>>
    %dma_wait3A_98 = tpu.memref_squeeze %dma_wait3A_97 : memref<1x128xi32, #tpu.memory_space<vmem>> -> memref<128xi32, #tpu.memory_space<vmem>>
    %dma_wait3A_99 = arith.constant 0 : i32
    %dma_wait3A_100 = arith.constant 0 : i32
    %dma_wait3A_101 = tpu.memref_slice %arg7[%dma_wait3A_99, %dma_wait3A_100] : memref<10112x64xf32, #tpu.memory_space<vmem_shared>> -> memref<10112x64xf32, #tpu.memory_space<vmem_shared>>
    tpu.wait_indirect_dma semaphore(%arg21 : memref<!tpu.dma_semaphore, #tpu.memory_space<semaphore_mem>>) src(%arg12 : memref<128x64xf32, #tpu.memory_space<vmem>>) dst(%dma_wait3A_101 : memref<10112x64xf32, #tpu.memory_space<vmem_shared>>)
    %dma_wait3A_102 = arith.constant 0 : i32
    %dma_wait3A_103 = tpu.memref_slice %arg9[%add3A_95, %dma_wait3A_102] : memref<144x128xi32, #tpu.memory_space<vmem>> -> memref<1x128xi32, #tpu.memory_space<vmem>>
    %dma_wait3A_104 = tpu.memref_squeeze %dma_wait3A_103 : memref<1x128xi32, #tpu.memory_space<vmem>> -> memref<128xi32, #tpu.memory_space<vmem>>
    %dma_wait3A_105 = arith.constant 0 : i32
    %dma_wait3A_106 = arith.constant 0 : i32
    %dma_wait3A_107 = tpu.memref_slice %arg24[%dma_wait3A_105, %dma_wait3A_106] : memref<10112x16xf32, #tpu.memory_space<vmem_shared>> -> memref<10112x16xf32, #tpu.memory_space<vmem_shared>>
    tpu.wait_indirect_dma semaphore(%arg21 : memref<!tpu.dma_semaphore, #tpu.memory_space<semaphore_mem>>) src(%arg25 : memref<128x16xf32, #tpu.memory_space<vmem>>) dst(%dma_wait3A_107 : memref<10112x16xf32, #tpu.memory_space<vmem_shared>>)
    %sub3A_108 = arith.constant 4 : i32
    %sub3A_109 = arith.subi %select_n3A, %sub3A_108 : i32
    %add3A_110 = arith.constant 3 : i32
    %add3A_111 = arith.addi %sub3A_109, %add3A_110 : i32
    %dma_wait3A_112 = arith.constant 0 : i32
    %dma_wait3A_113 = tpu.memref_slice %arg9[%add3A_111, %dma_wait3A_112] : memref<144x128xi32, #tpu.memory_space<vmem>> -> memref<1x128xi32, #tpu.memory_space<vmem>>
    %dma_wait3A_114 = tpu.memref_squeeze %dma_wait3A_113 : memref<1x128xi32, #tpu.memory_space<vmem>> -> memref<128xi32, #tpu.memory_space<vmem>>
    %dma_wait3A_115 = arith.constant 0 : i32
    %dma_wait3A_116 = arith.constant 0 : i32
    %dma_wait3A_117 = tpu.memref_slice %arg7[%dma_wait3A_115, %dma_wait3A_116] : memref<10112x64xf32, #tpu.memory_space<vmem_shared>> -> memref<10112x64xf32, #tpu.memory_space<vmem_shared>>
    tpu.wait_indirect_dma semaphore(%arg22 : memref<!tpu.dma_semaphore, #tpu.memory_space<semaphore_mem>>) src(%arg13 : memref<128x64xf32, #tpu.memory_space<vmem>>) dst(%dma_wait3A_117 : memref<10112x64xf32, #tpu.memory_space<vmem_shared>>)
    %dma_wait3A_118 = arith.constant 0 : i32
    %dma_wait3A_119 = tpu.memref_slice %arg9[%add3A_111, %dma_wait3A_118] : memref<144x128xi32, #tpu.memory_space<vmem>> -> memref<1x128xi32, #tpu.memory_space<vmem>>
    %dma_wait3A_120 = tpu.memref_squeeze %dma_wait3A_119 : memref<1x128xi32, #tpu.memory_space<vmem>> -> memref<128xi32, #tpu.memory_space<vmem>>
    %dma_wait3A_121 = arith.constant 0 : i32
    %dma_wait3A_122 = arith.constant 0 : i32
    %dma_wait3A_123 = tpu.memref_slice %arg24[%dma_wait3A_121, %dma_wait3A_122] : memref<10112x16xf32, #tpu.memory_space<vmem_shared>> -> memref<10112x16xf32, #tpu.memory_space<vmem_shared>>
    tpu.wait_indirect_dma semaphore(%arg22 : memref<!tpu.dma_semaphore, #tpu.memory_space<semaphore_mem>>) src(%arg25 : memref<128x16xf32, #tpu.memory_space<vmem>>) dst(%dma_wait3A_123 : memref<10112x16xf32, #tpu.memory_space<vmem_shared>>)
    %barrier3A_124 = arith.constant 0 : index
    tpu.barrier barrier_id(%barrier3A_124)
    %mul3A_125 = arith.constant 632 : i32
    %mul3A_126 = arith.muli %arg1, %mul3A_125 : i32
    "tpu.region"() ({
      %run_scoped3A = tpu.sem_alloc : memref<!tpu.dma_semaphore, #tpu.memory_space<semaphore_mem>>
      %dma_start3A_127 = arith.constant 0 : i32
      %dma_start3A_128 = tpu.memref_slice %arg5[%arg0, %mul3A_126, %dma_start3A_127] : memref<2x10112x64xf32, #tpu.memory_space<hbm>> -> memref<1x632x64xf32, #tpu.memory_space<hbm>>
      %dma_start3A_129 = tpu.memref_squeeze %dma_start3A_128 : memref<1x632x64xf32, #tpu.memory_space<hbm>> -> memref<632x64xf32, #tpu.memory_space<hbm>>
      %dma_start3A_130 = arith.constant 0 : i32
      %dma_start3A_131 = tpu.memref_slice %arg7[%mul3A_126, %dma_start3A_130] : memref<10112x64xf32, #tpu.memory_space<vmem_shared>> -> memref<632x64xf32, #tpu.memory_space<vmem_shared>>
      tpu.enqueue_dma source(%dma_start3A_131 : memref<632x64xf32, #tpu.memory_space<vmem_shared>>) target(%dma_start3A_129 : memref<632x64xf32, #tpu.memory_space<hbm>>) target_semaphore(%run_scoped3A : memref<!tpu.dma_semaphore, #tpu.memory_space<semaphore_mem>>)
      %dma_wait3A_132 = arith.constant 0 : i32
      %dma_wait3A_133 = tpu.memref_slice %arg5[%arg0, %mul3A_126, %dma_wait3A_132] : memref<2x10112x64xf32, #tpu.memory_space<hbm>> -> memref<1x632x64xf32, #tpu.memory_space<hbm>>
      %dma_wait3A_134 = tpu.memref_squeeze %dma_wait3A_133 : memref<1x632x64xf32, #tpu.memory_space<hbm>> -> memref<632x64xf32, #tpu.memory_space<hbm>>
      %dma_wait3A_135 = arith.constant 0 : i32
      %dma_wait3A_136 = tpu.memref_slice %arg7[%mul3A_126, %dma_wait3A_135] : memref<10112x64xf32, #tpu.memory_space<vmem_shared>> -> memref<632x64xf32, #tpu.memory_space<vmem_shared>>
      tpu.wait_dma2 semaphore(%run_scoped3A : memref<!tpu.dma_semaphore, #tpu.memory_space<semaphore_mem>>) src(%dma_wait3A_136 : memref<632x64xf32, #tpu.memory_space<vmem_shared>>) dst(%dma_wait3A_134 : memref<632x64xf32, #tpu.memory_space<hbm>>)
      tpu.yield
    }) : () -> ()
    "tpu.region"() ({
      %run_scoped3A = tpu.sem_alloc : memref<!tpu.dma_semaphore, #tpu.memory_space<semaphore_mem>>
      %dma_start3A_127 = arith.constant 0 : i32
      %dma_start3A_128 = tpu.memref_slice %arg6[%arg0, %mul3A_126, %dma_start3A_127] : memref<2x10112x16xf32, #tpu.memory_space<hbm>> -> memref<1x632x16xf32, #tpu.memory_space<hbm>>
      %dma_start3A_129 = tpu.memref_squeeze %dma_start3A_128 : memref<1x632x16xf32, #tpu.memory_space<hbm>> -> memref<632x16xf32, #tpu.memory_space<hbm>>
      %dma_start3A_130 = arith.constant 0 : i32
      %dma_start3A_131 = tpu.memref_slice %arg24[%mul3A_126, %dma_start3A_130] : memref<10112x16xf32, #tpu.memory_space<vmem_shared>> -> memref<632x16xf32, #tpu.memory_space<vmem_shared>>
      tpu.enqueue_dma source(%dma_start3A_131 : memref<632x16xf32, #tpu.memory_space<vmem_shared>>) target(%dma_start3A_129 : memref<632x16xf32, #tpu.memory_space<hbm>>) target_semaphore(%run_scoped3A : memref<!tpu.dma_semaphore, #tpu.memory_space<semaphore_mem>>)
      %dma_wait3A_132 = arith.constant 0 : i32
      %dma_wait3A_133 = tpu.memref_slice %arg6[%arg0, %mul3A_126, %dma_wait3A_132] : memref<2x10112x16xf32, #tpu.memory_space<hbm>> -> memref<1x632x16xf32, #tpu.memory_space<hbm>>
      %dma_wait3A_134 = tpu.memref_squeeze %dma_wait3A_133 : memref<1x632x16xf32, #tpu.memory_space<hbm>> -> memref<632x16xf32, #tpu.memory_space<hbm>>
      %dma_wait3A_135 = arith.constant 0 : i32
      %dma_wait3A_136 = tpu.memref_slice %arg24[%mul3A_126, %dma_wait3A_135] : memref<10112x16xf32, #tpu.memory_space<vmem_shared>> -> memref<632x16xf32, #tpu.memory_space<vmem_shared>>
      tpu.wait_dma2 semaphore(%run_scoped3A : memref<!tpu.dma_semaphore, #tpu.memory_space<semaphore_mem>>) src(%dma_wait3A_136 : memref<632x16xf32, #tpu.memory_space<vmem_shared>>) dst(%dma_wait3A_134 : memref<632x16xf32, #tpu.memory_space<hbm>>)
      tpu.yield
    }) : () -> ()
    return
  }
}

#map = affine_map<(d0, d1) -> (0, 0)>
#map1 = affine_map<(d0, d1) -> (0, 0, 0)>
module attributes {stable_mosaic.version = 14 : i64} {
  func.func @body(%arg0: i32, %arg1: i32, %arg2: memref<10000x64xf32, #tpu.memory_space<hbm>>, %arg3: memref<2560x128xi32, #tpu.memory_space<hbm>>, %arg4: memref<2560x128xi32, #tpu.memory_space<hbm>>, %arg5: memref<2x10112x64xf32, #tpu.memory_space<hbm>>, %arg6: memref<2x10112x16xf32, #tpu.memory_space<hbm>>, %arg7: memref<10112x64xf32, #tpu.memory_space<vmem_shared>>, %arg8: memref<144x128xi32, #tpu.memory_space<vmem>>, %arg9: memref<144x128xi32, #tpu.memory_space<vmem>>, %arg10: memref<128x64xf32, #tpu.memory_space<vmem>>, %arg11: memref<128x64xf32, #tpu.memory_space<vmem>>, %arg12: memref<128x64xf32, #tpu.memory_space<vmem>>, %arg13: memref<128x64xf32, #tpu.memory_space<vmem>>, %arg14: memref<8x64xf32, #tpu.memory_space<vmem>>, %arg15: memref<!tpu.dma_semaphore, #tpu.memory_space<semaphore_mem>>, %arg16: memref<!tpu.dma_semaphore, #tpu.memory_space<semaphore_mem>>, %arg17: memref<!tpu.dma_semaphore, #tpu.memory_space<semaphore_mem>>, %arg18: memref<!tpu.dma_semaphore, #tpu.memory_space<semaphore_mem>>, %arg19: memref<!tpu.dma_semaphore, #tpu.memory_space<semaphore_mem>>, %arg20: memref<!tpu.dma_semaphore, #tpu.memory_space<semaphore_mem>>, %arg21: memref<!tpu.dma_semaphore, #tpu.memory_space<semaphore_mem>>, %arg22: memref<!tpu.dma_semaphore, #tpu.memory_space<semaphore_mem>>, %arg23: memref<!tpu.dma_semaphore, #tpu.memory_space<semaphore_mem>>, %arg24: memref<10112x16xf32, #tpu.memory_space<vmem_shared>>, %arg25: memref<128x16xf32, #tpu.memory_space<vmem>>, %arg26: memref<8x16xf32, #tpu.memory_space<vmem>>) attributes {dimension_semantics = [#tpu.dimension_semantics<core_parallel>, #tpu.dimension_semantics<subcore_parallel>], iteration_bounds = array<i64: 2, 16>, scalar_prefetch = 0 : i64, scratch_operands = 20 : i64, tpu.core_type = #tpu.core_type<sc_vector_subcore>, window_params = [{transform_indices = #map}, {transform_indices = #map}, {transform_indices = #map}, {transform_indices = #map1}, {transform_indices = #map1}]} {
    %eq3A = arith.constant 0 : i32
    %eq3A_0 = arith.cmpi eq, %arg0, %eq3A : i32
    %jit3A = arith.constant 144 : i32
    %jit3A_1 = arith.constant 16 : i32
    %select_n3A = arith.select %eq3A_0, %jit3A, %jit3A_1 : i32
    %eq3A_2 = arith.constant 0 : i32
    %eq3A_3 = arith.cmpi eq, %arg0, %eq3A_2 : i32
    %mul3A = arith.constant 144 : i32
    %mul3A_4 = arith.muli %arg1, %mul3A : i32
    %mul3A_5 = arith.constant 16 : i32
    %mul3A_6 = arith.muli %arg1, %mul3A_5 : i32
    %add3A = arith.constant 2304 : i32
    %add3A_7 = arith.addi %add3A, %mul3A_6 : i32
    %select_n3A_8 = arith.select %eq3A_3, %mul3A_4, %add3A_7 : i32
    %broadcast_in_dim3A = arith.constant 0.000000e+00 : f32
    %broadcast_in_dim3A_9 = vector.broadcast %broadcast_in_dim3A : f32 to vector<16xf32>
    "tpu.region"() ({
      %run_scoped3A = tpu.sem_alloc : memref<!tpu.dma_semaphore, #tpu.memory_space<semaphore_mem>>
      %dma_start3A_127 = arith.constant 0 : i32
      %dma_start3A_128 = arith.constant 0 : i32
      %dma_start3A_129 = tpu.memref_slice %arg8[%dma_start3A_127, %dma_start3A_128] : memref<144x128xi32, #tpu.memory_space<vmem>> -> memref<16x128xi32, #tpu.memory_space<vmem>>
      %dma_start3A_130 = arith.constant 0 : i32
      %dma_start3A_131 = tpu.memref_slice %arg3[%select_n3A_8, %dma_start3A_130] : memref<2560x128xi32, #tpu.memory_space<hbm>> -> memref<16x128xi32, #tpu.memory_space<hbm>>
      %dma_start3A_132 = arith.constant 0 : i32
      %dma_start3A_133 = arith.constant 0 : i32
      %dma_start3A_134 = tpu.memref_slice %arg8[%dma_start3A_132, %dma_start3A_133] : memref<144x128xi32, #tpu.memory_space<vmem>> -> memref<16x128xi32, #tpu.memory_space<vmem>>
      %dma_start3A_135 = arith.constant 0 : i32
      %dma_start3A_136 = tpu.memref_slice %arg3[%select_n3A_8, %dma_start3A_135] : memref<2560x128xi32, #tpu.memory_space<hbm>> -> memref<16x128xi32, #tpu.memory_space<hbm>>
      tpu.enqueue_dma source(%dma_start3A_136 : memref<16x128xi32, #tpu.memory_space<hbm>>) target(%dma_start3A_134 : memref<16x128xi32, #tpu.memory_space<vmem>>) target_semaphore(%run_scoped3A : memref<!tpu.dma_semaphore, #tpu.memory_space<semaphore_mem>>)
      %dma_wait3A_137 = arith.constant 0 : i32
      %dma_wait3A_138 = arith.constant 0 : i32
      %dma_wait3A_139 = tpu.memref_slice %arg8[%dma_wait3A_137, %dma_wait3A_138] : memref<144x128xi32, #tpu.memory_space<vmem>> -> memref<16x128xi32, #tpu.memory_space<vmem>>
      %dma_wait3A_140 = arith.constant 0 : i32
      %dma_wait3A_141 = tpu.memref_slice %arg3[%select_n3A_8, %dma_wait3A_140] : memref<2560x128xi32, #tpu.memory_space<hbm>> -> memref<16x128xi32, #tpu.memory_space<hbm>>
      %dma_wait3A_142 = arith.constant 0 : i32
      %dma_wait3A_143 = arith.constant 0 : i32
      %dma_wait3A_144 = tpu.memref_slice %arg8[%dma_wait3A_142, %dma_wait3A_143] : memref<144x128xi32, #tpu.memory_space<vmem>> -> memref<16x128xi32, #tpu.memory_space<vmem>>
      %dma_wait3A_145 = arith.constant 0 : i32
      %dma_wait3A_146 = tpu.memref_slice %arg3[%select_n3A_8, %dma_wait3A_145] : memref<2560x128xi32, #tpu.memory_space<hbm>> -> memref<16x128xi32, #tpu.memory_space<hbm>>
      tpu.wait_dma2 semaphore(%run_scoped3A : memref<!tpu.dma_semaphore, #tpu.memory_space<semaphore_mem>>) src(%dma_wait3A_146 : memref<16x128xi32, #tpu.memory_space<hbm>>) dst(%dma_wait3A_144 : memref<16x128xi32, #tpu.memory_space<vmem>>)
      tpu.yield
    }) : () -> ()
    "tpu.region"() ({
      %run_scoped3A = tpu.sem_alloc : memref<!tpu.dma_semaphore, #tpu.memory_space<semaphore_mem>>
      %dma_start3A_127 = arith.constant 0 : i32
      %dma_start3A_128 = arith.constant 0 : i32
      %dma_start3A_129 = tpu.memref_slice %arg9[%dma_start3A_127, %dma_start3A_128] : memref<144x128xi32, #tpu.memory_space<vmem>> -> memref<16x128xi32, #tpu.memory_space<vmem>>
      %dma_start3A_130 = arith.constant 0 : i32
      %dma_start3A_131 = tpu.memref_slice %arg4[%select_n3A_8, %dma_start3A_130] : memref<2560x128xi32, #tpu.memory_space<hbm>> -> memref<16x128xi32, #tpu.memory_space<hbm>>
      %dma_start3A_132 = arith.constant 0 : i32
      %dma_start3A_133 = arith.constant 0 : i32
      %dma_start3A_134 = tpu.memref_slice %arg9[%dma_start3A_132, %dma_start3A_133] : memref<144x128xi32, #tpu.memory_space<vmem>> -> memref<16x128xi32, #tpu.memory_space<vmem>>
      %dma_start3A_135 = arith.constant 0 : i32
      %dma_start3A_136 = tpu.memref_slice %arg4[%select_n3A_8, %dma_start3A_135] : memref<2560x128xi32, #tpu.memory_space<hbm>> -> memref<16x128xi32, #tpu.memory_space<hbm>>
      tpu.enqueue_dma source(%dma_start3A_136 : memref<16x128xi32, #tpu.memory_space<hbm>>) target(%dma_start3A_134 : memref<16x128xi32, #tpu.memory_space<vmem>>) target_semaphore(%run_scoped3A : memref<!tpu.dma_semaphore, #tpu.memory_space<semaphore_mem>>)
      %dma_wait3A_137 = arith.constant 0 : i32
      %dma_wait3A_138 = arith.constant 0 : i32
      %dma_wait3A_139 = tpu.memref_slice %arg9[%dma_wait3A_137, %dma_wait3A_138] : memref<144x128xi32, #tpu.memory_space<vmem>> -> memref<16x128xi32, #tpu.memory_space<vmem>>
      %dma_wait3A_140 = arith.constant 0 : i32
      %dma_wait3A_141 = tpu.memref_slice %arg4[%select_n3A_8, %dma_wait3A_140] : memref<2560x128xi32, #tpu.memory_space<hbm>> -> memref<16x128xi32, #tpu.memory_space<hbm>>
      %dma_wait3A_142 = arith.constant 0 : i32
      %dma_wait3A_143 = arith.constant 0 : i32
      %dma_wait3A_144 = tpu.memref_slice %arg9[%dma_wait3A_142, %dma_wait3A_143] : memref<144x128xi32, #tpu.memory_space<vmem>> -> memref<16x128xi32, #tpu.memory_space<vmem>>
      %dma_wait3A_145 = arith.constant 0 : i32
      %dma_wait3A_146 = tpu.memref_slice %arg4[%select_n3A_8, %dma_wait3A_145] : memref<2560x128xi32, #tpu.memory_space<hbm>> -> memref<16x128xi32, #tpu.memory_space<hbm>>
      tpu.wait_dma2 semaphore(%run_scoped3A : memref<!tpu.dma_semaphore, #tpu.memory_space<semaphore_mem>>) src(%dma_wait3A_146 : memref<16x128xi32, #tpu.memory_space<hbm>>) dst(%dma_wait3A_144 : memref<16x128xi32, #tpu.memory_space<vmem>>)
      tpu.yield
    }) : () -> ()
    %eq3A_10 = arith.constant 0 : i32
    %eq3A_11 = arith.cmpi eq, %arg0, %eq3A_10 : i32
    %convert_element_type3A = arith.extui %eq3A_11 : i1 to i32
    %cond3A = arith.constant 0 : i32
    %cond3A_12 = arith.cmpi ne, %convert_element_type3A, %cond3A : i32
    scf.if %cond3A_12 {
      %add3A_127 = arith.constant 16 : i32
      %add3A_128 = arith.addi %select_n3A_8, %add3A_127 : i32
      "tpu.region"() ({
        %run_scoped3A = tpu.sem_alloc : memref<!tpu.dma_semaphore, #tpu.memory_space<semaphore_mem>>
        %dma_start3A_131 = arith.constant 16 : i32
        %dma_start3A_132 = arith.constant 0 : i32
        %dma_start3A_133 = tpu.memref_slice %arg8[%dma_start3A_131, %dma_start3A_132] : memref<144x128xi32, #tpu.memory_space<vmem>> -> memref<128x128xi32, #tpu.memory_space<vmem>>
        %dma_start3A_134 = arith.constant 0 : i32
        %dma_start3A_135 = tpu.memref_slice %arg3[%add3A_128, %dma_start3A_134] : memref<2560x128xi32, #tpu.memory_space<hbm>> -> memref<128x128xi32, #tpu.memory_space<hbm>>
        %dma_start3A_136 = arith.constant 16 : i32
        %dma_start3A_137 = arith.constant 0 : i32
        %dma_start3A_138 = tpu.memref_slice %arg8[%dma_start3A_136, %dma_start3A_137] : memref<144x128xi32, #tpu.memory_space<vmem>> -> memref<128x128xi32, #tpu.memory_space<vmem>>
        %dma_start3A_139 = arith.constant 0 : i32
        %dma_start3A_140 = tpu.memref_slice %arg3[%add3A_128, %dma_start3A_139] : memref<2560x128xi32, #tpu.memory_space<hbm>> -> memref<128x128xi32, #tpu.memory_space<hbm>>
        tpu.enqueue_dma source(%dma_start3A_140 : memref<128x128xi32, #tpu.memory_space<hbm>>) target(%dma_start3A_138 : memref<128x128xi32, #tpu.memory_space<vmem>>) target_semaphore(%run_scoped3A : memref<!tpu.dma_semaphore, #tpu.memory_space<semaphore_mem>>)
        %dma_wait3A_141 = arith.constant 16 : i32
        %dma_wait3A_142 = arith.constant 0 : i32
        %dma_wait3A_143 = tpu.memref_slice %arg8[%dma_wait3A_141, %dma_wait3A_142] : memref<144x128xi32, #tpu.memory_space<vmem>> -> memref<128x128xi32, #tpu.memory_space<vmem>>
        %dma_wait3A_144 = arith.constant 0 : i32
        %dma_wait3A_145 = tpu.memref_slice %arg3[%add3A_128, %dma_wait3A_144] : memref<2560x128xi32, #tpu.memory_space<hbm>> -> memref<128x128xi32, #tpu.memory_space<hbm>>
        %dma_wait3A_146 = arith.constant 16 : i32
        %dma_wait3A_147 = arith.constant 0 : i32
        %dma_wait3A_148 = tpu.memref_slice %arg8[%dma_wait3A_146, %dma_wait3A_147] : memref<144x128xi32, #tpu.memory_space<vmem>> -> memref<128x128xi32, #tpu.memory_space<vmem>>
        %dma_wait3A_149 = arith.constant 0 : i32
        %dma_wait3A_150 = tpu.memref_slice %arg3[%add3A_128, %dma_wait3A_149] : memref<2560x128xi32, #tpu.memory_space<hbm>> -> memref<128x128xi32, #tpu.memory_space<hbm>>
        tpu.wait_dma2 semaphore(%run_scoped3A : memref<!tpu.dma_semaphore, #tpu.memory_space<semaphore_mem>>) src(%dma_wait3A_150 : memref<128x128xi32, #tpu.memory_space<hbm>>) dst(%dma_wait3A_148 : memref<128x128xi32, #tpu.memory_space<vmem>>)
        tpu.yield
      }) : () -> ()
      %add3A_129 = arith.constant 16 : i32
      %add3A_130 = arith.addi %select_n3A_8, %add3A_129 : i32
      "tpu.region"() ({
        %run_scoped3A = tpu.sem_alloc : memref<!tpu.dma_semaphore, #tpu.memory_space<semaphore_mem>>
        %dma_start3A_131 = arith.constant 16 : i32
        %dma_start3A_132 = arith.constant 0 : i32
        %dma_start3A_133 = tpu.memref_slice %arg9[%dma_start3A_131, %dma_start3A_132] : memref<144x128xi32, #tpu.memory_space<vmem>> -> memref<128x128xi32, #tpu.memory_space<vmem>>
        %dma_start3A_134 = arith.constant 0 : i32
        %dma_start3A_135 = tpu.memref_slice %arg4[%add3A_130, %dma_start3A_134] : memref<2560x128xi32, #tpu.memory_space<hbm>> -> memref<128x128xi32, #tpu.memory_space<hbm>>
        %dma_start3A_136 = arith.constant 16 : i32
        %dma_start3A_137 = arith.constant 0 : i32
        %dma_start3A_138 = tpu.memref_slice %arg9[%dma_start3A_136, %dma_start3A_137] : memref<144x128xi32, #tpu.memory_space<vmem>> -> memref<128x128xi32, #tpu.memory_space<vmem>>
        %dma_start3A_139 = arith.constant 0 : i32
        %dma_start3A_140 = tpu.memref_slice %arg4[%add3A_130, %dma_start3A_139] : memref<2560x128xi32, #tpu.memory_space<hbm>> -> memref<128x128xi32, #tpu.memory_space<hbm>>
        tpu.enqueue_dma source(%dma_start3A_140 : memref<128x128xi32, #tpu.memory_space<hbm>>) target(%dma_start3A_138 : memref<128x128xi32, #tpu.memory_space<vmem>>) target_semaphore(%run_scoped3A : memref<!tpu.dma_semaphore, #tpu.memory_space<semaphore_mem>>)
        %dma_wait3A_141 = arith.constant 16 : i32
        %dma_wait3A_142 = arith.constant 0 : i32
        %dma_wait3A_143 = tpu.memref_slice %arg9[%dma_wait3A_141, %dma_wait3A_142] : memref<144x128xi32, #tpu.memory_space<vmem>> -> memref<128x128xi32, #tpu.memory_space<vmem>>
        %dma_wait3A_144 = arith.constant 0 : i32
        %dma_wait3A_145 = tpu.memref_slice %arg4[%add3A_130, %dma_wait3A_144] : memref<2560x128xi32, #tpu.memory_space<hbm>> -> memref<128x128xi32, #tpu.memory_space<hbm>>
        %dma_wait3A_146 = arith.constant 16 : i32
        %dma_wait3A_147 = arith.constant 0 : i32
        %dma_wait3A_148 = tpu.memref_slice %arg9[%dma_wait3A_146, %dma_wait3A_147] : memref<144x128xi32, #tpu.memory_space<vmem>> -> memref<128x128xi32, #tpu.memory_space<vmem>>
        %dma_wait3A_149 = arith.constant 0 : i32
        %dma_wait3A_150 = tpu.memref_slice %arg4[%add3A_130, %dma_wait3A_149] : memref<2560x128xi32, #tpu.memory_space<hbm>> -> memref<128x128xi32, #tpu.memory_space<hbm>>
        tpu.wait_dma2 semaphore(%run_scoped3A : memref<!tpu.dma_semaphore, #tpu.memory_space<semaphore_mem>>) src(%dma_wait3A_150 : memref<128x128xi32, #tpu.memory_space<hbm>>) dst(%dma_wait3A_148 : memref<128x128xi32, #tpu.memory_space<vmem>>)
        tpu.yield
      }) : () -> ()
    } else {
    }
    %dma_start3A = arith.constant 0 : i32
    %dma_start3A_13 = arith.constant 0 : i32
    %dma_start3A_14 = tpu.memref_slice %arg8[%dma_start3A, %dma_start3A_13] : memref<144x128xi32, #tpu.memory_space<vmem>> -> memref<1x128xi32, #tpu.memory_space<vmem>>
    %dma_start3A_15 = tpu.memref_squeeze %dma_start3A_14 : memref<1x128xi32, #tpu.memory_space<vmem>> -> memref<128xi32, #tpu.memory_space<vmem>>
    %dma_start3A_16 = arith.constant 0 : i32
    %dma_start3A_17 = arith.constant 0 : i32
    %dma_start3A_18 = tpu.memref_slice %arg2[%dma_start3A_16, %dma_start3A_17] : memref<10000x64xf32, #tpu.memory_space<hbm>> -> memref<10000x64xf32, #tpu.memory_space<hbm>>
    tpu.enqueue_indirect_dma source(%dma_start3A_18 : memref<10000x64xf32, #tpu.memory_space<hbm>>) target(%arg10 : memref<128x64xf32, #tpu.memory_space<vmem>>) offsets(%dma_start3A_15 : memref<128xi32, #tpu.memory_space<vmem>>) semaphore(%arg15 : memref<!tpu.dma_semaphore, #tpu.memory_space<semaphore_mem>>)
    %dma_start3A_19 = arith.constant 1 : i32
    %dma_start3A_20 = arith.constant 0 : i32
    %dma_start3A_21 = tpu.memref_slice %arg8[%dma_start3A_19, %dma_start3A_20] : memref<144x128xi32, #tpu.memory_space<vmem>> -> memref<1x128xi32, #tpu.memory_space<vmem>>
    %dma_start3A_22 = tpu.memref_squeeze %dma_start3A_21 : memref<1x128xi32, #tpu.memory_space<vmem>> -> memref<128xi32, #tpu.memory_space<vmem>>
    %dma_start3A_23 = arith.constant 0 : i32
    %dma_start3A_24 = arith.constant 0 : i32
    %dma_start3A_25 = tpu.memref_slice %arg2[%dma_start3A_23, %dma_start3A_24] : memref<10000x64xf32, #tpu.memory_space<hbm>> -> memref<10000x64xf32, #tpu.memory_space<hbm>>
    tpu.enqueue_indirect_dma source(%dma_start3A_25 : memref<10000x64xf32, #tpu.memory_space<hbm>>) target(%arg11 : memref<128x64xf32, #tpu.memory_space<vmem>>) offsets(%dma_start3A_22 : memref<128xi32, #tpu.memory_space<vmem>>) semaphore(%arg16 : memref<!tpu.dma_semaphore, #tpu.memory_space<semaphore_mem>>)
    %scan3A = arith.constant 0 : i32
    %scan3A_26 = arith.constant 8 : i32
    %scan3A_27 = arith.addi %scan3A, %scan3A_26 : i32
    %scan3A_28 = arith.constant 1 : i32
    scf.for %scan3A_127 = %scan3A to %scan3A_27 step %scan3A_28  : i32 {
      %mul3A_128 = arith.constant 1 : i32
      %mul3A_129 = arith.muli %scan3A_127, %mul3A_128 : i32
      %add3A_130 = arith.constant 0 : i32
      %add3A_131 = arith.addi %add3A_130, %mul3A_129 : i32
      %swap3A = arith.index_cast %add3A_131 : i32 to index
      %swap3A_132 = arith.constant 0 : index
      %swap3A_133 = tpu.vector_load %arg14[%swap3A, %swap3A_132] {strides = array<i32>} : memref<8x64xf32, #tpu.memory_space<vmem>>, vector<1x16xf32>,
      %swap3A_134 = vector.shape_cast %swap3A_133 : vector<1x16xf32> to vector<16xf32>
      %swap3A_135 = vector.shape_cast %broadcast_in_dim3A_9 : vector<16xf32> to vector<1x16xf32>
      tpu.vector_store %arg14[%swap3A, %swap3A_132], %swap3A_135 {strides = array<i32>} : memref<8x64xf32, #tpu.memory_space<vmem>>, vector<1x16xf32>,
      %swap3A_136 = arith.index_cast %add3A_131 : i32 to index
      %swap3A_137 = arith.constant 16 : index
      %swap3A_138 = tpu.vector_load %arg14[%swap3A_136, %swap3A_137] {strides = array<i32>} : memref<8x64xf32, #tpu.memory_space<vmem>>, vector<1x16xf32>,
      %swap3A_139 = vector.shape_cast %swap3A_138 : vector<1x16xf32> to vector<16xf32>
      %swap3A_140 = vector.shape_cast %broadcast_in_dim3A_9 : vector<16xf32> to vector<1x16xf32>
      tpu.vector_store %arg14[%swap3A_136, %swap3A_137], %swap3A_140 {strides = array<i32>} : memref<8x64xf32, #tpu.memory_space<vmem>>, vector<1x16xf32>,
      %swap3A_141 = arith.index_cast %add3A_131 : i32 to index
      %swap3A_142 = arith.constant 32 : index
      %swap3A_143 = tpu.vector_load %arg14[%swap3A_141, %swap3A_142] {strides = array<i32>} : memref<8x64xf32, #tpu.memory_space<vmem>>, vector<1x16xf32>,
      %swap3A_144 = vector.shape_cast %swap3A_143 : vector<1x16xf32> to vector<16xf32>
      %swap3A_145 = vector.shape_cast %broadcast_in_dim3A_9 : vector<16xf32> to vector<1x16xf32>
      tpu.vector_store %arg14[%swap3A_141, %swap3A_142], %swap3A_145 {strides = array<i32>} : memref<8x64xf32, #tpu.memory_space<vmem>>, vector<1x16xf32>,
      %swap3A_146 = arith.index_cast %add3A_131 : i32 to index
      %swap3A_147 = arith.constant 48 : index
      %swap3A_148 = tpu.vector_load %arg14[%swap3A_146, %swap3A_147] {strides = array<i32>} : memref<8x64xf32, #tpu.memory_space<vmem>>, vector<1x16xf32>,
      %swap3A_149 = vector.shape_cast %swap3A_148 : vector<1x16xf32> to vector<16xf32>
      %swap3A_150 = vector.shape_cast %broadcast_in_dim3A_9 : vector<16xf32> to vector<1x16xf32>
      tpu.vector_store %arg14[%swap3A_146, %swap3A_147], %swap3A_150 {strides = array<i32>} : memref<8x64xf32, #tpu.memory_space<vmem>>, vector<1x16xf32>,
      %swap3A_151 = arith.index_cast %add3A_131 : i32 to index
      %swap3A_152 = arith.constant 0 : index
      %swap3A_153 = tpu.vector_load %arg26[%swap3A_151, %swap3A_152] {strides = array<i32>} : memref<8x16xf32, #tpu.memory_space<vmem>>, vector<1x16xf32>,
      %swap3A_154 = vector.shape_cast %swap3A_153 : vector<1x16xf32> to vector<16xf32>
      %swap3A_155 = vector.shape_cast %broadcast_in_dim3A_9 : vector<16xf32> to vector<1x16xf32>
      tpu.vector_store %arg26[%swap3A_151, %swap3A_152], %swap3A_155 {strides = array<i32>} : memref<8x16xf32, #tpu.memory_space<vmem>>, vector<1x16xf32>,
    }
    %scan3A_29 = arith.constant 8 : i32
    %scan3A_30 = arith.constant 0 : i32
    %scan3A_31 = arith.constant 128 : i32
    %scan3A_32 = arith.addi %scan3A_30, %scan3A_31 : i32
    %scan3A_33 = arith.constant 1 : i32
    scf.for %scan3A_127 = %scan3A_30 to %scan3A_32 step %scan3A_33  : i32 {
      %mul3A_128 = arith.constant 1 : i32
      %mul3A_129 = arith.muli %scan3A_127, %mul3A_128 : i32
      %add3A_130 = arith.constant 0 : i32
      %add3A_131 = arith.addi %add3A_130, %mul3A_129 : i32
      %broadcast_in_dim3A_132 = arith.constant 1.000000e+00 : f32
      %broadcast_in_dim3A_133 = vector.broadcast %broadcast_in_dim3A_132 : f32 to vector<16xf32>
      %swap3A = arith.index_cast %add3A_131 : i32 to index
      %swap3A_134 = arith.constant 0 : index
      %swap3A_135 = tpu.vector_load %arg25[%swap3A, %swap3A_134] {strides = array<i32>} : memref<128x16xf32, #tpu.memory_space<vmem>>, vector<1x16xf32>,
      %swap3A_136 = vector.shape_cast %swap3A_135 : vector<1x16xf32> to vector<16xf32>
      %swap3A_137 = vector.shape_cast %broadcast_in_dim3A_133 : vector<16xf32> to vector<1x16xf32>
      tpu.vector_store %arg25[%swap3A, %swap3A_134], %swap3A_137 {strides = array<i32>} : memref<128x16xf32, #tpu.memory_space<vmem>>, vector<1x16xf32>,
    }
    %scan3A_34 = arith.constant 128 : i32
    %scan3A_35 = arith.constant 0 : i32
    %scan3A_36 = arith.constant 79 : i32
    %scan3A_37 = arith.addi %scan3A_35, %scan3A_36 : i32
    %scan3A_38 = arith.constant 1 : i32
    scf.for %scan3A_127 = %scan3A_35 to %scan3A_37 step %scan3A_38  : i32 {
      %mul3A_128 = arith.constant 1 : i32
      %mul3A_129 = arith.muli %scan3A_127, %mul3A_128 : i32
      %add3A_130 = arith.constant 0 : i32
      %add3A_131 = arith.addi %add3A_130, %mul3A_129 : i32
      %mul3A_132 = arith.constant 632 : i32
      %mul3A_133 = arith.muli %arg1, %mul3A_132 : i32
      %mul3A_134 = arith.constant 8 : i32
      %mul3A_135 = arith.muli %add3A_131, %mul3A_134 : i32
      %add3A_136 = arith.addi %mul3A_133, %mul3A_135 : i32
      %dma_start3A_137 = arith.constant 0 : i32
      %dma_start3A_138 = tpu.memref_slice %arg7[%add3A_136, %dma_start3A_137] : memref<10112x64xf32, #tpu.memory_space<vmem_shared>> -> memref<8x64xf32, #tpu.memory_space<vmem_shared>>
      %dma_start3A_139 = arith.constant 0 : i32
      %dma_start3A_140 = tpu.memref_slice %arg7[%add3A_136, %dma_start3A_139] : memref<10112x64xf32, #tpu.memory_space<vmem_shared>> -> memref<8x64xf32, #tpu.memory_space<vmem_shared>>
      tpu.enqueue_dma source(%arg14 : memref<8x64xf32, #tpu.memory_space<vmem>>) target(%dma_start3A_140 : memref<8x64xf32, #tpu.memory_space<vmem_shared>>) target_semaphore(%arg23 : memref<!tpu.dma_semaphore, #tpu.memory_space<semaphore_mem>>)
      %dma_start3A_141 = arith.constant 0 : i32
      %dma_start3A_142 = tpu.memref_slice %arg24[%add3A_136, %dma_start3A_141] : memref<10112x16xf32, #tpu.memory_space<vmem_shared>> -> memref<8x16xf32, #tpu.memory_space<vmem_shared>>
      %dma_start3A_143 = arith.constant 0 : i32
      %dma_start3A_144 = tpu.memref_slice %arg24[%add3A_136, %dma_start3A_143] : memref<10112x16xf32, #tpu.memory_space<vmem_shared>> -> memref<8x16xf32, #tpu.memory_space<vmem_shared>>
      tpu.enqueue_dma source(%arg26 : memref<8x16xf32, #tpu.memory_space<vmem>>) target(%dma_start3A_144 : memref<8x16xf32, #tpu.memory_space<vmem_shared>>) target_semaphore(%arg23 : memref<!tpu.dma_semaphore, #tpu.memory_space<semaphore_mem>>)
    }
    %scan3A_39 = arith.constant 79 : i32
    %scan3A_40 = arith.constant 0 : i32
    %scan3A_41 = arith.constant 79 : i32
    %scan3A_42 = arith.addi %scan3A_40, %scan3A_41 : i32
    %scan3A_43 = arith.constant 1 : i32
    scf.for %scan3A_127 = %scan3A_40 to %scan3A_42 step %scan3A_43  : i32 {
      %mul3A_128 = arith.constant 1 : i32
      %mul3A_129 = arith.muli %scan3A_127, %mul3A_128 : i32
      %add3A_130 = arith.constant 0 : i32
      %add3A_131 = arith.addi %add3A_130, %mul3A_129 : i32
      %mul3A_132 = arith.constant 632 : i32
      %mul3A_133 = arith.muli %arg1, %mul3A_132 : i32
      %mul3A_134 = arith.constant 8 : i32
      %mul3A_135 = arith.muli %add3A_131, %mul3A_134 : i32
      %add3A_136 = arith.addi %mul3A_133, %mul3A_135 : i32
      %dma_wait3A_137 = arith.constant 0 : i32
      %dma_wait3A_138 = tpu.memref_slice %arg7[%add3A_136, %dma_wait3A_137] : memref<10112x64xf32, #tpu.memory_space<vmem_shared>> -> memref<8x64xf32, #tpu.memory_space<vmem_shared>>
      %dma_wait3A_139 = arith.constant 0 : i32
      %dma_wait3A_140 = tpu.memref_slice %arg7[%add3A_136, %dma_wait3A_139] : memref<10112x64xf32, #tpu.memory_space<vmem_shared>> -> memref<8x64xf32, #tpu.memory_space<vmem_shared>>
      tpu.wait_dma2 semaphore(%arg23 : memref<!tpu.dma_semaphore, #tpu.memory_space<semaphore_mem>>) src(%arg14 : memref<8x64xf32, #tpu.memory_space<vmem>>) dst(%dma_wait3A_140 : memref<8x64xf32, #tpu.memory_space<vmem_shared>>)
      %dma_wait3A_141 = arith.constant 0 : i32
      %dma_wait3A_142 = tpu.memref_slice %arg24[%add3A_136, %dma_wait3A_141] : memref<10112x16xf32, #tpu.memory_space<vmem_shared>> -> memref<8x16xf32, #tpu.memory_space<vmem_shared>>
      %dma_wait3A_143 = arith.constant 0 : i32
      %dma_wait3A_144 = tpu.memref_slice %arg24[%add3A_136, %dma_wait3A_143] : memref<10112x16xf32, #tpu.memory_space<vmem_shared>> -> memref<8x16xf32, #tpu.memory_space<vmem_shared>>
      tpu.wait_dma2 semaphore(%arg23 : memref<!tpu.dma_semaphore, #tpu.memory_space<semaphore_mem>>) src(%arg26 : memref<8x16xf32, #tpu.memory_space<vmem>>) dst(%dma_wait3A_144 : memref<8x16xf32, #tpu.memory_space<vmem_shared>>)
    }
    %scan3A_44 = arith.constant 79 : i32
    %barrier3A = arith.constant 0 : index
    tpu.barrier barrier_id(%barrier3A)
    %sub3A = arith.constant 0 : i32
    %sub3A_45 = arith.subi %select_n3A, %sub3A : i32
    %sub3A_46 = arith.constant 4 : i32
    %sub3A_47 = arith.constant 1 : i32
    %sub3A_48 = arith.subi %sub3A_46, %sub3A_47 : i32
    %add3A_49 = arith.addi %sub3A_45, %sub3A_48 : i32
    %div3A = arith.constant 4 : i32
    %div3A_50 = arith.divsi %add3A_49, %div3A : i32
    %while3A = arith.constant 4 : i32
    %while3A_51 = arith.constant 0 : i32
    %while3A_52 = arith.constant 0 : i32
    %while3A_53 = arith.subi %div3A_50, %while3A_52 : i32
    %while3A_54 = arith.addi %while3A_52, %while3A_53 : i32
    %while3A_55 = arith.constant 1 : i32
    %while3A_56 = arith.divsi %while3A_53, %while3A_55 : i32
    %while3A_57 = arith.muli %while3A_56, %while3A_55 : i32
    %while3A_58 = arith.addi %while3A_52, %while3A_57 : i32
    %while3A_59 = arith.constant 1 : i32
    scf.for %while3A_127 = %while3A_52 to %while3A_58 step %while3A_59  : i32 {
      %mul3A_128 = arith.muli %while3A_127, %while3A : i32
      %add3A_129 = arith.addi %while3A_51, %mul3A_128 : i32
      %add3A_130 = arith.constant 0 : i32
      %add3A_131 = arith.addi %add3A_129, %add3A_130 : i32
      %dma_wait3A_132 = arith.constant 0 : i32
      %dma_wait3A_133 = tpu.memref_slice %arg8[%add3A_131, %dma_wait3A_132] : memref<144x128xi32, #tpu.memory_space<vmem>> -> memref<1x128xi32, #tpu.memory_space<vmem>>
      %dma_wait3A_134 = tpu.memref_squeeze %dma_wait3A_133 : memref<1x128xi32, #tpu.memory_space<vmem>> -> memref<128xi32, #tpu.memory_space<vmem>>
      %dma_wait3A_135 = arith.constant 0 : i32
      %dma_wait3A_136 = arith.constant 0 : i32
      %dma_wait3A_137 = tpu.memref_slice %arg2[%dma_wait3A_135, %dma_wait3A_136] : memref<10000x64xf32, #tpu.memory_space<hbm>> -> memref<10000x64xf32, #tpu.memory_space<hbm>>
      tpu.wait_indirect_dma semaphore(%arg15 : memref<!tpu.dma_semaphore, #tpu.memory_space<semaphore_mem>>) src(%dma_wait3A_137 : memref<10000x64xf32, #tpu.memory_space<hbm>>) dst(%arg10 : memref<128x64xf32, #tpu.memory_space<vmem>>)
      %dma_start3A_138 = arith.constant 0 : i32
      %dma_start3A_139 = tpu.memref_slice %arg9[%add3A_131, %dma_start3A_138] : memref<144x128xi32, #tpu.memory_space<vmem>> -> memref<1x128xi32, #tpu.memory_space<vmem>>
      %dma_start3A_140 = tpu.memref_squeeze %dma_start3A_139 : memref<1x128xi32, #tpu.memory_space<vmem>> -> memref<128xi32, #tpu.memory_space<vmem>>
      %dma_start3A_141 = arith.constant 0 : i32
      %dma_start3A_142 = arith.constant 0 : i32
      %dma_start3A_143 = tpu.memref_slice %arg7[%dma_start3A_141, %dma_start3A_142] : memref<10112x64xf32, #tpu.memory_space<vmem_shared>> -> memref<10112x64xf32, #tpu.memory_space<vmem_shared>>
      tpu.enqueue_indirect_dma source(%arg10 : memref<128x64xf32, #tpu.memory_space<vmem>>) target(%dma_start3A_143 : memref<10112x64xf32, #tpu.memory_space<vmem_shared>>) offsets(%dma_start3A_140 : memref<128xi32, #tpu.memory_space<vmem>>) semaphore(%arg19 : memref<!tpu.dma_semaphore, #tpu.memory_space<semaphore_mem>>) {add = true}
      %dma_start3A_144 = arith.constant 0 : i32
      %dma_start3A_145 = tpu.memref_slice %arg9[%add3A_131, %dma_start3A_144] : memref<144x128xi32, #tpu.memory_space<vmem>> -> memref<1x128xi32, #tpu.memory_space<vmem>>
      %dma_start3A_146 = tpu.memref_squeeze %dma_start3A_145 : memref<1x128xi32, #tpu.memory_space<vmem>> -> memref<128xi32, #tpu.memory_space<vmem>>
      %dma_start3A_147 = arith.constant 0 : i32
      %dma_start3A_148 = arith.constant 0 : i32
      %dma_start3A_149 = tpu.memref_slice %arg24[%dma_start3A_147, %dma_start3A_148] : memref<10112x16xf32, #tpu.memory_space<vmem_shared>> -> memref<10112x16xf32, #tpu.memory_space<vmem_shared>>
      tpu.enqueue_indirect_dma source(%arg25 : memref<128x16xf32, #tpu.memory_space<vmem>>) target(%dma_start3A_149 : memref<10112x16xf32, #tpu.memory_space<vmem_shared>>) offsets(%dma_start3A_146 : memref<128xi32, #tpu.memory_space<vmem>>) semaphore(%arg19 : memref<!tpu.dma_semaphore, #tpu.memory_space<semaphore_mem>>) {add = true}
      %add3A_150 = arith.constant 2 : i32
      %add3A_151 = arith.addi %add3A_131, %add3A_150 : i32
      %sub3A_152 = arith.constant 4 : i32
      %sub3A_153 = arith.subi %add3A_151, %sub3A_152 : i32
      %lt3A = arith.cmpi slt, %add3A_151, %select_n3A : i32
      %convert_element_type3A_154 = arith.extui %lt3A : i1 to i32
      %cond3A_155 = arith.constant 0 : i32
      %cond3A_156 = arith.cmpi ne, %convert_element_type3A_154, %cond3A_155 : i32
      scf.if %cond3A_156 {
        %ge3A = arith.constant 0 : i32
        %ge3A_241 = arith.cmpi sge, %sub3A_153, %ge3A : i32
        %convert_element_type3A_242 = arith.extui %ge3A_241 : i1 to i32
        %cond3A_243 = arith.constant 0 : i32
        %cond3A_244 = arith.cmpi ne, %convert_element_type3A_242, %cond3A_243 : i32
        scf.if %cond3A_244 {
          %dma_wait3A_251 = arith.constant 0 : i32
          %dma_wait3A_252 = tpu.memref_slice %arg9[%sub3A_153, %dma_wait3A_251] : memref<144x128xi32, #tpu.memory_space<vmem>> -> memref<1x128xi32, #tpu.memory_space<vmem>>
          %dma_wait3A_253 = tpu.memref_squeeze %dma_wait3A_252 : memref<1x128xi32, #tpu.memory_space<vmem>> -> memref<128xi32, #tpu.memory_space<vmem>>
          %dma_wait3A_254 = arith.constant 0 : i32
          %dma_wait3A_255 = arith.constant 0 : i32
          %dma_wait3A_256 = tpu.memref_slice %arg7[%dma_wait3A_254, %dma_wait3A_255] : memref<10112x64xf32, #tpu.memory_space<vmem_shared>> -> memref<10112x64xf32, #tpu.memory_space<vmem_shared>>
          tpu.wait_indirect_dma semaphore(%arg21 : memref<!tpu.dma_semaphore, #tpu.memory_space<semaphore_mem>>) src(%arg12 : memref<128x64xf32, #tpu.memory_space<vmem>>) dst(%dma_wait3A_256 : memref<10112x64xf32, #tpu.memory_space<vmem_shared>>)
          %dma_wait3A_257 = arith.constant 0 : i32
          %dma_wait3A_258 = tpu.memref_slice %arg9[%sub3A_153, %dma_wait3A_257] : memref<144x128xi32, #tpu.memory_space<vmem>> -> memref<1x128xi32, #tpu.memory_space<vmem>>
          %dma_wait3A_259 = tpu.memref_squeeze %dma_wait3A_258 : memref<1x128xi32, #tpu.memory_space<vmem>> -> memref<128xi32, #tpu.memory_space<vmem>>
          %dma_wait3A_260 = arith.constant 0 : i32
          %dma_wait3A_261 = arith.constant 0 : i32
          %dma_wait3A_262 = tpu.memref_slice %arg24[%dma_wait3A_260, %dma_wait3A_261] : memref<10112x16xf32, #tpu.memory_space<vmem_shared>> -> memref<10112x16xf32, #tpu.memory_space<vmem_shared>>
          tpu.wait_indirect_dma semaphore(%arg21 : memref<!tpu.dma_semaphore, #tpu.memory_space<semaphore_mem>>) src(%arg25 : memref<128x16xf32, #tpu.memory_space<vmem>>) dst(%dma_wait3A_262 : memref<10112x16xf32, #tpu.memory_space<vmem_shared>>)
        } else {
        }
        %dma_start3A_245 = arith.constant 0 : i32
        %dma_start3A_246 = tpu.memref_slice %arg8[%add3A_151, %dma_start3A_245] : memref<144x128xi32, #tpu.memory_space<vmem>> -> memref<1x128xi32, #tpu.memory_space<vmem>>
        %dma_start3A_247 = tpu.memref_squeeze %dma_start3A_246 : memref<1x128xi32, #tpu.memory_space<vmem>> -> memref<128xi32, #tpu.memory_space<vmem>>
        %dma_start3A_248 = arith.constant 0 : i32
        %dma_start3A_249 = arith.constant 0 : i32
        %dma_start3A_250 = tpu.memref_slice %arg2[%dma_start3A_248, %dma_start3A_249] : memref<10000x64xf32, #tpu.memory_space<hbm>> -> memref<10000x64xf32, #tpu.memory_space<hbm>>
        tpu.enqueue_indirect_dma source(%dma_start3A_250 : memref<10000x64xf32, #tpu.memory_space<hbm>>) target(%arg12 : memref<128x64xf32, #tpu.memory_space<vmem>>) offsets(%dma_start3A_247 : memref<128xi32, #tpu.memory_space<vmem>>) semaphore(%arg17 : memref<!tpu.dma_semaphore, #tpu.memory_space<semaphore_mem>>)
      } else {
      }
      %add3A_157 = arith.constant 1 : i32
      %add3A_158 = arith.addi %add3A_129, %add3A_157 : i32
      %dma_wait3A_159 = arith.constant 0 : i32
      %dma_wait3A_160 = tpu.memref_slice %arg8[%add3A_158, %dma_wait3A_159] : memref<144x128xi32, #tpu.memory_space<vmem>> -> memref<1x128xi32, #tpu.memory_space<vmem>>
      %dma_wait3A_161 = tpu.memref_squeeze %dma_wait3A_160 : memref<1x128xi32, #tpu.memory_space<vmem>> -> memref<128xi32, #tpu.memory_space<vmem>>
      %dma_wait3A_162 = arith.constant 0 : i32
      %dma_wait3A_163 = arith.constant 0 : i32
      %dma_wait3A_164 = tpu.memref_slice %arg2[%dma_wait3A_162, %dma_wait3A_163] : memref<10000x64xf32, #tpu.memory_space<hbm>> -> memref<10000x64xf32, #tpu.memory_space<hbm>>
      tpu.wait_indirect_dma semaphore(%arg16 : memref<!tpu.dma_semaphore, #tpu.memory_space<semaphore_mem>>) src(%dma_wait3A_164 : memref<10000x64xf32, #tpu.memory_space<hbm>>) dst(%arg11 : memref<128x64xf32, #tpu.memory_space<vmem>>)
      %dma_start3A_165 = arith.constant 0 : i32
      %dma_start3A_166 = tpu.memref_slice %arg9[%add3A_158, %dma_start3A_165] : memref<144x128xi32, #tpu.memory_space<vmem>> -> memref<1x128xi32, #tpu.memory_space<vmem>>
      %dma_start3A_167 = tpu.memref_squeeze %dma_start3A_166 : memref<1x128xi32, #tpu.memory_space<vmem>> -> memref<128xi32, #tpu.memory_space<vmem>>
      %dma_start3A_168 = arith.constant 0 : i32
      %dma_start3A_169 = arith.constant 0 : i32
      %dma_start3A_170 = tpu.memref_slice %arg7[%dma_start3A_168, %dma_start3A_169] : memref<10112x64xf32, #tpu.memory_space<vmem_shared>> -> memref<10112x64xf32, #tpu.memory_space<vmem_shared>>
      tpu.enqueue_indirect_dma source(%arg11 : memref<128x64xf32, #tpu.memory_space<vmem>>) target(%dma_start3A_170 : memref<10112x64xf32, #tpu.memory_space<vmem_shared>>) offsets(%dma_start3A_167 : memref<128xi32, #tpu.memory_space<vmem>>) semaphore(%arg20 : memref<!tpu.dma_semaphore, #tpu.memory_space<semaphore_mem>>) {add = true}
      %dma_start3A_171 = arith.constant 0 : i32
      %dma_start3A_172 = tpu.memref_slice %arg9[%add3A_158, %dma_start3A_171] : memref<144x128xi32, #tpu.memory_space<vmem>> -> memref<1x128xi32, #tpu.memory_space<vmem>>
      %dma_start3A_173 = tpu.memref_squeeze %dma_start3A_172 : memref<1x128xi32, #tpu.memory_space<vmem>> -> memref<128xi32, #tpu.memory_space<vmem>>
      %dma_start3A_174 = arith.constant 0 : i32
      %dma_start3A_175 = arith.constant 0 : i32
      %dma_start3A_176 = tpu.memref_slice %arg24[%dma_start3A_174, %dma_start3A_175] : memref<10112x16xf32, #tpu.memory_space<vmem_shared>> -> memref<10112x16xf32, #tpu.memory_space<vmem_shared>>
      tpu.enqueue_indirect_dma source(%arg25 : memref<128x16xf32, #tpu.memory_space<vmem>>) target(%dma_start3A_176 : memref<10112x16xf32, #tpu.memory_space<vmem_shared>>) offsets(%dma_start3A_173 : memref<128xi32, #tpu.memory_space<vmem>>) semaphore(%arg20 : memref<!tpu.dma_semaphore, #tpu.memory_space<semaphore_mem>>) {add = true}
      %add3A_177 = arith.constant 2 : i32
      %add3A_178 = arith.addi %add3A_158, %add3A_177 : i32
      %sub3A_179 = arith.constant 4 : i32
      %sub3A_180 = arith.subi %add3A_178, %sub3A_179 : i32
      %lt3A_181 = arith.cmpi slt, %add3A_178, %select_n3A : i32
      %convert_element_type3A_182 = arith.extui %lt3A_181 : i1 to i32
      %cond3A_183 = arith.constant 0 : i32
      %cond3A_184 = arith.cmpi ne, %convert_element_type3A_182, %cond3A_183 : i32
      scf.if %cond3A_184 {
        %ge3A = arith.constant 0 : i32
        %ge3A_241 = arith.cmpi sge, %sub3A_180, %ge3A : i32
        %convert_element_type3A_242 = arith.extui %ge3A_241 : i1 to i32
        %cond3A_243 = arith.constant 0 : i32
        %cond3A_244 = arith.cmpi ne, %convert_element_type3A_242, %cond3A_243 : i32
        scf.if %cond3A_244 {
          %dma_wait3A_251 = arith.constant 0 : i32
          %dma_wait3A_252 = tpu.memref_slice %arg9[%sub3A_180, %dma_wait3A_251] : memref<144x128xi32, #tpu.memory_space<vmem>> -> memref<1x128xi32, #tpu.memory_space<vmem>>
          %dma_wait3A_253 = tpu.memref_squeeze %dma_wait3A_252 : memref<1x128xi32, #tpu.memory_space<vmem>> -> memref<128xi32, #tpu.memory_space<vmem>>
          %dma_wait3A_254 = arith.constant 0 : i32
          %dma_wait3A_255 = arith.constant 0 : i32
          %dma_wait3A_256 = tpu.memref_slice %arg7[%dma_wait3A_254, %dma_wait3A_255] : memref<10112x64xf32, #tpu.memory_space<vmem_shared>> -> memref<10112x64xf32, #tpu.memory_space<vmem_shared>>
          tpu.wait_indirect_dma semaphore(%arg22 : memref<!tpu.dma_semaphore, #tpu.memory_space<semaphore_mem>>) src(%arg13 : memref<128x64xf32, #tpu.memory_space<vmem>>) dst(%dma_wait3A_256 : memref<10112x64xf32, #tpu.memory_space<vmem_shared>>)
          %dma_wait3A_257 = arith.constant 0 : i32
          %dma_wait3A_258 = tpu.memref_slice %arg9[%sub3A_180, %dma_wait3A_257] : memref<144x128xi32, #tpu.memory_space<vmem>> -> memref<1x128xi32, #tpu.memory_space<vmem>>
          %dma_wait3A_259 = tpu.memref_squeeze %dma_wait3A_258 : memref<1x128xi32, #tpu.memory_space<vmem>> -> memref<128xi32, #tpu.memory_space<vmem>>
          %dma_wait3A_260 = arith.constant 0 : i32
          %dma_wait3A_261 = arith.constant 0 : i32
          %dma_wait3A_262 = tpu.memref_slice %arg24[%dma_wait3A_260, %dma_wait3A_261] : memref<10112x16xf32, #tpu.memory_space<vmem_shared>> -> memref<10112x16xf32, #tpu.memory_space<vmem_shared>>
          tpu.wait_indirect_dma semaphore(%arg22 : memref<!tpu.dma_semaphore, #tpu.memory_space<semaphore_mem>>) src(%arg25 : memref<128x16xf32, #tpu.memory_space<vmem>>) dst(%dma_wait3A_262 : memref<10112x16xf32, #tpu.memory_space<vmem_shared>>)
        } else {
        }
        %dma_start3A_245 = arith.constant 0 : i32
        %dma_start3A_246 = tpu.memref_slice %arg8[%add3A_178, %dma_start3A_245] : memref<144x128xi32, #tpu.memory_space<vmem>> -> memref<1x128xi32, #tpu.memory_space<vmem>>
        %dma_start3A_247 = tpu.memref_squeeze %dma_start3A_246 : memref<1x128xi32, #tpu.memory_space<vmem>> -> memref<128xi32, #tpu.memory_space<vmem>>
        %dma_start3A_248 = arith.constant 0 : i32
        %dma_start3A_249 = arith.constant 0 : i32
        %dma_start3A_250 = tpu.memref_slice %arg2[%dma_start3A_248, %dma_start3A_249] : memref<10000x64xf32, #tpu.memory_space<hbm>> -> memref<10000x64xf32, #tpu.memory_space<hbm>>
        tpu.enqueue_indirect_dma source(%dma_start3A_250 : memref<10000x64xf32, #tpu.memory_space<hbm>>) target(%arg13 : memref<128x64xf32, #tpu.memory_space<vmem>>) offsets(%dma_start3A_247 : memref<128xi32, #tpu.memory_space<vmem>>) semaphore(%arg18 : memref<!tpu.dma_semaphore, #tpu.memory_space<semaphore_mem>>)
      } else {
      }
      %add3A_185 = arith.constant 2 : i32
      %add3A_186 = arith.addi %add3A_129, %add3A_185 : i32
      %dma_wait3A_187 = arith.constant 0 : i32
      %dma_wait3A_188 = tpu.memref_slice %arg8[%add3A_186, %dma_wait3A_187] : memref<144x128xi32, #tpu.memory_space<vmem>> -> memref<1x128xi32, #tpu.memory_space<vmem>>
      %dma_wait3A_189 = tpu.memref_squeeze %dma_wait3A_188 : memref<1x128xi32, #tpu.memory_space<vmem>> -> memref<128xi32, #tpu.memory_space<vmem>>
      %dma_wait3A_190 = arith.constant 0 : i32
      %dma_wait3A_191 = arith.constant 0 : i32
      %dma_wait3A_192 = tpu.memref_slice %arg2[%dma_wait3A_190, %dma_wait3A_191] : memref<10000x64xf32, #tpu.memory_space<hbm>> -> memref<10000x64xf32, #tpu.memory_space<hbm>>
      tpu.wait_indirect_dma semaphore(%arg17 : memref<!tpu.dma_semaphore, #tpu.memory_space<semaphore_mem>>) src(%dma_wait3A_192 : memref<10000x64xf32, #tpu.memory_space<hbm>>) dst(%arg12 : memref<128x64xf32, #tpu.memory_space<vmem>>)
      %dma_start3A_193 = arith.constant 0 : i32
      %dma_start3A_194 = tpu.memref_slice %arg9[%add3A_186, %dma_start3A_193] : memref<144x128xi32, #tpu.memory_space<vmem>> -> memref<1x128xi32, #tpu.memory_space<vmem>>
      %dma_start3A_195 = tpu.memref_squeeze %dma_start3A_194 : memref<1x128xi32, #tpu.memory_space<vmem>> -> memref<128xi32, #tpu.memory_space<vmem>>
      %dma_start3A_196 = arith.constant 0 : i32
      %dma_start3A_197 = arith.constant 0 : i32
      %dma_start3A_198 = tpu.memref_slice %arg7[%dma_start3A_196, %dma_start3A_197] : memref<10112x64xf32, #tpu.memory_space<vmem_shared>> -> memref<10112x64xf32, #tpu.memory_space<vmem_shared>>
      tpu.enqueue_indirect_dma source(%arg12 : memref<128x64xf32, #tpu.memory_space<vmem>>) target(%dma_start3A_198 : memref<10112x64xf32, #tpu.memory_space<vmem_shared>>) offsets(%dma_start3A_195 : memref<128xi32, #tpu.memory_space<vmem>>) semaphore(%arg21 : memref<!tpu.dma_semaphore, #tpu.memory_space<semaphore_mem>>) {add = true}
      %dma_start3A_199 = arith.constant 0 : i32
      %dma_start3A_200 = tpu.memref_slice %arg9[%add3A_186, %dma_start3A_199] : memref<144x128xi32, #tpu.memory_space<vmem>> -> memref<1x128xi32, #tpu.memory_space<vmem>>
      %dma_start3A_201 = tpu.memref_squeeze %dma_start3A_200 : memref<1x128xi32, #tpu.memory_space<vmem>> -> memref<128xi32, #tpu.memory_space<vmem>>
      %dma_start3A_202 = arith.constant 0 : i32
      %dma_start3A_203 = arith.constant 0 : i32
      %dma_start3A_204 = tpu.memref_slice %arg24[%dma_start3A_202, %dma_start3A_203] : memref<10112x16xf32, #tpu.memory_space<vmem_shared>> -> memref<10112x16xf32, #tpu.memory_space<vmem_shared>>
      tpu.enqueue_indirect_dma source(%arg25 : memref<128x16xf32, #tpu.memory_space<vmem>>) target(%dma_start3A_204 : memref<10112x16xf32, #tpu.memory_space<vmem_shared>>) offsets(%dma_start3A_201 : memref<128xi32, #tpu.memory_space<vmem>>) semaphore(%arg21 : memref<!tpu.dma_semaphore, #tpu.memory_space<semaphore_mem>>) {add = true}
      %add3A_205 = arith.constant 2 : i32
      %add3A_206 = arith.addi %add3A_186, %add3A_205 : i32
      %sub3A_207 = arith.constant 4 : i32
      %sub3A_208 = arith.subi %add3A_206, %sub3A_207 : i32
      %lt3A_209 = arith.cmpi slt, %add3A_206, %select_n3A : i32
      %convert_element_type3A_210 = arith.extui %lt3A_209 : i1 to i32
      %cond3A_211 = arith.constant 0 : i32
      %cond3A_212 = arith.cmpi ne, %convert_element_type3A_210, %cond3A_211 : i32
      scf.if %cond3A_212 {
        %ge3A = arith.constant 0 : i32
        %ge3A_241 = arith.cmpi sge, %sub3A_208, %ge3A : i32
        %convert_element_type3A_242 = arith.extui %ge3A_241 : i1 to i32
        %cond3A_243 = arith.constant 0 : i32
        %cond3A_244 = arith.cmpi ne, %convert_element_type3A_242, %cond3A_243 : i32
        scf.if %cond3A_244 {
          %dma_wait3A_251 = arith.constant 0 : i32
          %dma_wait3A_252 = tpu.memref_slice %arg9[%sub3A_208, %dma_wait3A_251] : memref<144x128xi32, #tpu.memory_space<vmem>> -> memref<1x128xi32, #tpu.memory_space<vmem>>
          %dma_wait3A_253 = tpu.memref_squeeze %dma_wait3A_252 : memref<1x128xi32, #tpu.memory_space<vmem>> -> memref<128xi32, #tpu.memory_space<vmem>>
          %dma_wait3A_254 = arith.constant 0 : i32
          %dma_wait3A_255 = arith.constant 0 : i32
          %dma_wait3A_256 = tpu.memref_slice %arg7[%dma_wait3A_254, %dma_wait3A_255] : memref<10112x64xf32, #tpu.memory_space<vmem_shared>> -> memref<10112x64xf32, #tpu.memory_space<vmem_shared>>
          tpu.wait_indirect_dma semaphore(%arg19 : memref<!tpu.dma_semaphore, #tpu.memory_space<semaphore_mem>>) src(%arg10 : memref<128x64xf32, #tpu.memory_space<vmem>>) dst(%dma_wait3A_256 : memref<10112x64xf32, #tpu.memory_space<vmem_shared>>)
          %dma_wait3A_257 = arith.constant 0 : i32
          %dma_wait3A_258 = tpu.memref_slice %arg9[%sub3A_208, %dma_wait3A_257] : memref<144x128xi32, #tpu.memory_space<vmem>> -> memref<1x128xi32, #tpu.memory_space<vmem>>
          %dma_wait3A_259 = tpu.memref_squeeze %dma_wait3A_258 : memref<1x128xi32, #tpu.memory_space<vmem>> -> memref<128xi32, #tpu.memory_space<vmem>>
          %dma_wait3A_260 = arith.constant 0 : i32
          %dma_wait3A_261 = arith.constant 0 : i32
          %dma_wait3A_262 = tpu.memref_slice %arg24[%dma_wait3A_260, %dma_wait3A_261] : memref<10112x16xf32, #tpu.memory_space<vmem_shared>> -> memref<10112x16xf32, #tpu.memory_space<vmem_shared>>
          tpu.wait_indirect_dma semaphore(%arg19 : memref<!tpu.dma_semaphore, #tpu.memory_space<semaphore_mem>>) src(%arg25 : memref<128x16xf32, #tpu.memory_space<vmem>>) dst(%dma_wait3A_262 : memref<10112x16xf32, #tpu.memory_space<vmem_shared>>)
        } else {
        }
        %dma_start3A_245 = arith.constant 0 : i32
        %dma_start3A_246 = tpu.memref_slice %arg8[%add3A_206, %dma_start3A_245] : memref<144x128xi32, #tpu.memory_space<vmem>> -> memref<1x128xi32, #tpu.memory_space<vmem>>
        %dma_start3A_247 = tpu.memref_squeeze %dma_start3A_246 : memref<1x128xi32, #tpu.memory_space<vmem>> -> memref<128xi32, #tpu.memory_space<vmem>>
        %dma_start3A_248 = arith.constant 0 : i32
        %dma_start3A_249 = arith.constant 0 : i32
        %dma_start3A_250 = tpu.memref_slice %arg2[%dma_start3A_248, %dma_start3A_249] : memref<10000x64xf32, #tpu.memory_space<hbm>> -> memref<10000x64xf32, #tpu.memory_space<hbm>>
        tpu.enqueue_indirect_dma source(%dma_start3A_250 : memref<10000x64xf32, #tpu.memory_space<hbm>>) target(%arg10 : memref<128x64xf32, #tpu.memory_space<vmem>>) offsets(%dma_start3A_247 : memref<128xi32, #tpu.memory_space<vmem>>) semaphore(%arg15 : memref<!tpu.dma_semaphore, #tpu.memory_space<semaphore_mem>>)
      } else {
      }
      %add3A_213 = arith.constant 3 : i32
      %add3A_214 = arith.addi %add3A_129, %add3A_213 : i32
      %dma_wait3A_215 = arith.constant 0 : i32
      %dma_wait3A_216 = tpu.memref_slice %arg8[%add3A_214, %dma_wait3A_215] : memref<144x128xi32, #tpu.memory_space<vmem>> -> memref<1x128xi32, #tpu.memory_space<vmem>>
      %dma_wait3A_217 = tpu.memref_squeeze %dma_wait3A_216 : memref<1x128xi32, #tpu.memory_space<vmem>> -> memref<128xi32, #tpu.memory_space<vmem>>
      %dma_wait3A_218 = arith.constant 0 : i32
      %dma_wait3A_219 = arith.constant 0 : i32
      %dma_wait3A_220 = tpu.memref_slice %arg2[%dma_wait3A_218, %dma_wait3A_219] : memref<10000x64xf32, #tpu.memory_space<hbm>> -> memref<10000x64xf32, #tpu.memory_space<hbm>>
      tpu.wait_indirect_dma semaphore(%arg18 : memref<!tpu.dma_semaphore, #tpu.memory_space<semaphore_mem>>) src(%dma_wait3A_220 : memref<10000x64xf32, #tpu.memory_space<hbm>>) dst(%arg13 : memref<128x64xf32, #tpu.memory_space<vmem>>)
      %dma_start3A_221 = arith.constant 0 : i32
      %dma_start3A_222 = tpu.memref_slice %arg9[%add3A_214, %dma_start3A_221] : memref<144x128xi32, #tpu.memory_space<vmem>> -> memref<1x128xi32, #tpu.memory_space<vmem>>
      %dma_start3A_223 = tpu.memref_squeeze %dma_start3A_222 : memref<1x128xi32, #tpu.memory_space<vmem>> -> memref<128xi32, #tpu.memory_space<vmem>>
      %dma_start3A_224 = arith.constant 0 : i32
      %dma_start3A_225 = arith.constant 0 : i32
      %dma_start3A_226 = tpu.memref_slice %arg7[%dma_start3A_224, %dma_start3A_225] : memref<10112x64xf32, #tpu.memory_space<vmem_shared>> -> memref<10112x64xf32, #tpu.memory_space<vmem_shared>>
      tpu.enqueue_indirect_dma source(%arg13 : memref<128x64xf32, #tpu.memory_space<vmem>>) target(%dma_start3A_226 : memref<10112x64xf32, #tpu.memory_space<vmem_shared>>) offsets(%dma_start3A_223 : memref<128xi32, #tpu.memory_space<vmem>>) semaphore(%arg22 : memref<!tpu.dma_semaphore, #tpu.memory_space<semaphore_mem>>) {add = true}
      %dma_start3A_227 = arith.constant 0 : i32
      %dma_start3A_228 = tpu.memref_slice %arg9[%add3A_214, %dma_start3A_227] : memref<144x128xi32, #tpu.memory_space<vmem>> -> memref<1x128xi32, #tpu.memory_space<vmem>>
      %dma_start3A_229 = tpu.memref_squeeze %dma_start3A_228 : memref<1x128xi32, #tpu.memory_space<vmem>> -> memref<128xi32, #tpu.memory_space<vmem>>
      %dma_start3A_230 = arith.constant 0 : i32
      %dma_start3A_231 = arith.constant 0 : i32
      %dma_start3A_232 = tpu.memref_slice %arg24[%dma_start3A_230, %dma_start3A_231] : memref<10112x16xf32, #tpu.memory_space<vmem_shared>> -> memref<10112x16xf32, #tpu.memory_space<vmem_shared>>
      tpu.enqueue_indirect_dma source(%arg25 : memref<128x16xf32, #tpu.memory_space<vmem>>) target(%dma_start3A_232 : memref<10112x16xf32, #tpu.memory_space<vmem_shared>>) offsets(%dma_start3A_229 : memref<128xi32, #tpu.memory_space<vmem>>) semaphore(%arg22 : memref<!tpu.dma_semaphore, #tpu.memory_space<semaphore_mem>>) {add = true}
      %add3A_233 = arith.constant 2 : i32
      %add3A_234 = arith.addi %add3A_214, %add3A_233 : i32
      %sub3A_235 = arith.constant 4 : i32
      %sub3A_236 = arith.subi %add3A_234, %sub3A_235 : i32
      %lt3A_237 = arith.cmpi slt, %add3A_234, %select_n3A : i32
      %convert_element_type3A_238 = arith.extui %lt3A_237 : i1 to i32
      %cond3A_239 = arith.constant 0 : i32
      %cond3A_240 = arith.cmpi ne, %convert_element_type3A_238, %cond3A_239 : i32
      scf.if %cond3A_240 {
        %ge3A = arith.constant 0 : i32
        %ge3A_241 = arith.cmpi sge, %sub3A_236, %ge3A : i32
        %convert_element_type3A_242 = arith.extui %ge3A_241 : i1 to i32
        %cond3A_243 = arith.constant 0 : i32
        %cond3A_244 = arith.cmpi ne, %convert_element_type3A_242, %cond3A_243 : i32
        scf.if %cond3A_244 {
          %dma_wait3A_251 = arith.constant 0 : i32
          %dma_wait3A_252 = tpu.memref_slice %arg9[%sub3A_236, %dma_wait3A_251] : memref<144x128xi32, #tpu.memory_space<vmem>> -> memref<1x128xi32, #tpu.memory_space<vmem>>
          %dma_wait3A_253 = tpu.memref_squeeze %dma_wait3A_252 : memref<1x128xi32, #tpu.memory_space<vmem>> -> memref<128xi32, #tpu.memory_space<vmem>>
          %dma_wait3A_254 = arith.constant 0 : i32
          %dma_wait3A_255 = arith.constant 0 : i32
          %dma_wait3A_256 = tpu.memref_slice %arg7[%dma_wait3A_254, %dma_wait3A_255] : memref<10112x64xf32, #tpu.memory_space<vmem_shared>> -> memref<10112x64xf32, #tpu.memory_space<vmem_shared>>
          tpu.wait_indirect_dma semaphore(%arg20 : memref<!tpu.dma_semaphore, #tpu.memory_space<semaphore_mem>>) src(%arg11 : memref<128x64xf32, #tpu.memory_space<vmem>>) dst(%dma_wait3A_256 : memref<10112x64xf32, #tpu.memory_space<vmem_shared>>)
          %dma_wait3A_257 = arith.constant 0 : i32
          %dma_wait3A_258 = tpu.memref_slice %arg9[%sub3A_236, %dma_wait3A_257] : memref<144x128xi32, #tpu.memory_space<vmem>> -> memref<1x128xi32, #tpu.memory_space<vmem>>
          %dma_wait3A_259 = tpu.memref_squeeze %dma_wait3A_258 : memref<1x128xi32, #tpu.memory_space<vmem>> -> memref<128xi32, #tpu.memory_space<vmem>>
          %dma_wait3A_260 = arith.constant 0 : i32
          %dma_wait3A_261 = arith.constant 0 : i32
          %dma_wait3A_262 = tpu.memref_slice %arg24[%dma_wait3A_260, %dma_wait3A_261] : memref<10112x16xf32, #tpu.memory_space<vmem_shared>> -> memref<10112x16xf32, #tpu.memory_space<vmem_shared>>
          tpu.wait_indirect_dma semaphore(%arg20 : memref<!tpu.dma_semaphore, #tpu.memory_space<semaphore_mem>>) src(%arg25 : memref<128x16xf32, #tpu.memory_space<vmem>>) dst(%dma_wait3A_262 : memref<10112x16xf32, #tpu.memory_space<vmem_shared>>)
        } else {
        }
        %dma_start3A_245 = arith.constant 0 : i32
        %dma_start3A_246 = tpu.memref_slice %arg8[%add3A_234, %dma_start3A_245] : memref<144x128xi32, #tpu.memory_space<vmem>> -> memref<1x128xi32, #tpu.memory_space<vmem>>
        %dma_start3A_247 = tpu.memref_squeeze %dma_start3A_246 : memref<1x128xi32, #tpu.memory_space<vmem>> -> memref<128xi32, #tpu.memory_space<vmem>>
        %dma_start3A_248 = arith.constant 0 : i32
        %dma_start3A_249 = arith.constant 0 : i32
        %dma_start3A_250 = tpu.memref_slice %arg2[%dma_start3A_248, %dma_start3A_249] : memref<10000x64xf32, #tpu.memory_space<hbm>> -> memref<10000x64xf32, #tpu.memory_space<hbm>>
        tpu.enqueue_indirect_dma source(%dma_start3A_250 : memref<10000x64xf32, #tpu.memory_space<hbm>>) target(%arg11 : memref<128x64xf32, #tpu.memory_space<vmem>>) offsets(%dma_start3A_247 : memref<128xi32, #tpu.memory_space<vmem>>) semaphore(%arg16 : memref<!tpu.dma_semaphore, #tpu.memory_space<semaphore_mem>>)
      } else {
      }
    }
    %while3A_60 = arith.constant 1 : i32
    scf.for %while3A_127 = %while3A_58 to %while3A_54 step %while3A_60  : i32 {
      %mul3A_128 = arith.muli %while3A_127, %while3A : i32
      %add3A_129 = arith.addi %while3A_51, %mul3A_128 : i32
      %add3A_130 = arith.constant 0 : i32
      %add3A_131 = arith.addi %add3A_129, %add3A_130 : i32
      %dma_wait3A_132 = arith.constant 0 : i32
      %dma_wait3A_133 = tpu.memref_slice %arg8[%add3A_131, %dma_wait3A_132] : memref<144x128xi32, #tpu.memory_space<vmem>> -> memref<1x128xi32, #tpu.memory_space<vmem>>
      %dma_wait3A_134 = tpu.memref_squeeze %dma_wait3A_133 : memref<1x128xi32, #tpu.memory_space<vmem>> -> memref<128xi32, #tpu.memory_space<vmem>>
      %dma_wait3A_135 = arith.constant 0 : i32
      %dma_wait3A_136 = arith.constant 0 : i32
      %dma_wait3A_137 = tpu.memref_slice %arg2[%dma_wait3A_135, %dma_wait3A_136] : memref<10000x64xf32, #tpu.memory_space<hbm>> -> memref<10000x64xf32, #tpu.memory_space<hbm>>
      tpu.wait_indirect_dma semaphore(%arg15 : memref<!tpu.dma_semaphore, #tpu.memory_space<semaphore_mem>>) src(%dma_wait3A_137 : memref<10000x64xf32, #tpu.memory_space<hbm>>) dst(%arg10 : memref<128x64xf32, #tpu.memory_space<vmem>>)
      %dma_start3A_138 = arith.constant 0 : i32
      %dma_start3A_139 = tpu.memref_slice %arg9[%add3A_131, %dma_start3A_138] : memref<144x128xi32, #tpu.memory_space<vmem>> -> memref<1x128xi32, #tpu.memory_space<vmem>>
      %dma_start3A_140 = tpu.memref_squeeze %dma_start3A_139 : memref<1x128xi32, #tpu.memory_space<vmem>> -> memref<128xi32, #tpu.memory_space<vmem>>
      %dma_start3A_141 = arith.constant 0 : i32
      %dma_start3A_142 = arith.constant 0 : i32
      %dma_start3A_143 = tpu.memref_slice %arg7[%dma_start3A_141, %dma_start3A_142] : memref<10112x64xf32, #tpu.memory_space<vmem_shared>> -> memref<10112x64xf32, #tpu.memory_space<vmem_shared>>
      tpu.enqueue_indirect_dma source(%arg10 : memref<128x64xf32, #tpu.memory_space<vmem>>) target(%dma_start3A_143 : memref<10112x64xf32, #tpu.memory_space<vmem_shared>>) offsets(%dma_start3A_140 : memref<128xi32, #tpu.memory_space<vmem>>) semaphore(%arg19 : memref<!tpu.dma_semaphore, #tpu.memory_space<semaphore_mem>>) {add = true}
      %dma_start3A_144 = arith.constant 0 : i32
      %dma_start3A_145 = tpu.memref_slice %arg9[%add3A_131, %dma_start3A_144] : memref<144x128xi32, #tpu.memory_space<vmem>> -> memref<1x128xi32, #tpu.memory_space<vmem>>
      %dma_start3A_146 = tpu.memref_squeeze %dma_start3A_145 : memref<1x128xi32, #tpu.memory_space<vmem>> -> memref<128xi32, #tpu.memory_space<vmem>>
      %dma_start3A_147 = arith.constant 0 : i32
      %dma_start3A_148 = arith.constant 0 : i32
      %dma_start3A_149 = tpu.memref_slice %arg24[%dma_start3A_147, %dma_start3A_148] : memref<10112x16xf32, #tpu.memory_space<vmem_shared>> -> memref<10112x16xf32, #tpu.memory_space<vmem_shared>>
      tpu.enqueue_indirect_dma source(%arg25 : memref<128x16xf32, #tpu.memory_space<vmem>>) target(%dma_start3A_149 : memref<10112x16xf32, #tpu.memory_space<vmem_shared>>) offsets(%dma_start3A_146 : memref<128xi32, #tpu.memory_space<vmem>>) semaphore(%arg19 : memref<!tpu.dma_semaphore, #tpu.memory_space<semaphore_mem>>) {add = true}
      %add3A_150 = arith.constant 2 : i32
      %add3A_151 = arith.addi %add3A_131, %add3A_150 : i32
      %sub3A_152 = arith.constant 4 : i32
      %sub3A_153 = arith.subi %add3A_151, %sub3A_152 : i32
      %lt3A = arith.cmpi slt, %add3A_151, %select_n3A : i32
      %convert_element_type3A_154 = arith.extui %lt3A : i1 to i32
      %cond3A_155 = arith.constant 0 : i32
      %cond3A_156 = arith.cmpi ne, %convert_element_type3A_154, %cond3A_155 : i32
      scf.if %cond3A_156 {
        %ge3A = arith.constant 0 : i32
        %ge3A_241 = arith.cmpi sge, %sub3A_153, %ge3A : i32
        %convert_element_type3A_242 = arith.extui %ge3A_241 : i1 to i32
        %cond3A_243 = arith.constant 0 : i32
        %cond3A_244 = arith.cmpi ne, %convert_element_type3A_242, %cond3A_243 : i32
        scf.if %cond3A_244 {
          %dma_wait3A_251 = arith.constant 0 : i32
          %dma_wait3A_252 = tpu.memref_slice %arg9[%sub3A_153, %dma_wait3A_251] : memref<144x128xi32, #tpu.memory_space<vmem>> -> memref<1x128xi32, #tpu.memory_space<vmem>>
          %dma_wait3A_253 = tpu.memref_squeeze %dma_wait3A_252 : memref<1x128xi32, #tpu.memory_space<vmem>> -> memref<128xi32, #tpu.memory_space<vmem>>
          %dma_wait3A_254 = arith.constant 0 : i32
          %dma_wait3A_255 = arith.constant 0 : i32
          %dma_wait3A_256 = tpu.memref_slice %arg7[%dma_wait3A_254, %dma_wait3A_255] : memref<10112x64xf32, #tpu.memory_space<vmem_shared>> -> memref<10112x64xf32, #tpu.memory_space<vmem_shared>>
          tpu.wait_indirect_dma semaphore(%arg21 : memref<!tpu.dma_semaphore, #tpu.memory_space<semaphore_mem>>) src(%arg12 : memref<128x64xf32, #tpu.memory_space<vmem>>) dst(%dma_wait3A_256 : memref<10112x64xf32, #tpu.memory_space<vmem_shared>>)
          %dma_wait3A_257 = arith.constant 0 : i32
          %dma_wait3A_258 = tpu.memref_slice %arg9[%sub3A_153, %dma_wait3A_257] : memref<144x128xi32, #tpu.memory_space<vmem>> -> memref<1x128xi32, #tpu.memory_space<vmem>>
          %dma_wait3A_259 = tpu.memref_squeeze %dma_wait3A_258 : memref<1x128xi32, #tpu.memory_space<vmem>> -> memref<128xi32, #tpu.memory_space<vmem>>
          %dma_wait3A_260 = arith.constant 0 : i32
          %dma_wait3A_261 = arith.constant 0 : i32
          %dma_wait3A_262 = tpu.memref_slice %arg24[%dma_wait3A_260, %dma_wait3A_261] : memref<10112x16xf32, #tpu.memory_space<vmem_shared>> -> memref<10112x16xf32, #tpu.memory_space<vmem_shared>>
          tpu.wait_indirect_dma semaphore(%arg21 : memref<!tpu.dma_semaphore, #tpu.memory_space<semaphore_mem>>) src(%arg25 : memref<128x16xf32, #tpu.memory_space<vmem>>) dst(%dma_wait3A_262 : memref<10112x16xf32, #tpu.memory_space<vmem_shared>>)
        } else {
        }
        %dma_start3A_245 = arith.constant 0 : i32
        %dma_start3A_246 = tpu.memref_slice %arg8[%add3A_151, %dma_start3A_245] : memref<144x128xi32, #tpu.memory_space<vmem>> -> memref<1x128xi32, #tpu.memory_space<vmem>>
        %dma_start3A_247 = tpu.memref_squeeze %dma_start3A_246 : memref<1x128xi32, #tpu.memory_space<vmem>> -> memref<128xi32, #tpu.memory_space<vmem>>
        %dma_start3A_248 = arith.constant 0 : i32
        %dma_start3A_249 = arith.constant 0 : i32
        %dma_start3A_250 = tpu.memref_slice %arg2[%dma_start3A_248, %dma_start3A_249] : memref<10000x64xf32, #tpu.memory_space<hbm>> -> memref<10000x64xf32, #tpu.memory_space<hbm>>
        tpu.enqueue_indirect_dma source(%dma_start3A_250 : memref<10000x64xf32, #tpu.memory_space<hbm>>) target(%arg12 : memref<128x64xf32, #tpu.memory_space<vmem>>) offsets(%dma_start3A_247 : memref<128xi32, #tpu.memory_space<vmem>>) semaphore(%arg17 : memref<!tpu.dma_semaphore, #tpu.memory_space<semaphore_mem>>)
      } else {
      }
      %add3A_157 = arith.constant 1 : i32
      %add3A_158 = arith.addi %add3A_129, %add3A_157 : i32
      %dma_wait3A_159 = arith.constant 0 : i32
      %dma_wait3A_160 = tpu.memref_slice %arg8[%add3A_158, %dma_wait3A_159] : memref<144x128xi32, #tpu.memory_space<vmem>> -> memref<1x128xi32, #tpu.memory_space<vmem>>
      %dma_wait3A_161 = tpu.memref_squeeze %dma_wait3A_160 : memref<1x128xi32, #tpu.memory_space<vmem>> -> memref<128xi32, #tpu.memory_space<vmem>>
      %dma_wait3A_162 = arith.constant 0 : i32
      %dma_wait3A_163 = arith.constant 0 : i32
      %dma_wait3A_164 = tpu.memref_slice %arg2[%dma_wait3A_162, %dma_wait3A_163] : memref<10000x64xf32, #tpu.memory_space<hbm>> -> memref<10000x64xf32, #tpu.memory_space<hbm>>
      tpu.wait_indirect_dma semaphore(%arg16 : memref<!tpu.dma_semaphore, #tpu.memory_space<semaphore_mem>>) src(%dma_wait3A_164 : memref<10000x64xf32, #tpu.memory_space<hbm>>) dst(%arg11 : memref<128x64xf32, #tpu.memory_space<vmem>>)
      %dma_start3A_165 = arith.constant 0 : i32
      %dma_start3A_166 = tpu.memref_slice %arg9[%add3A_158, %dma_start3A_165] : memref<144x128xi32, #tpu.memory_space<vmem>> -> memref<1x128xi32, #tpu.memory_space<vmem>>
      %dma_start3A_167 = tpu.memref_squeeze %dma_start3A_166 : memref<1x128xi32, #tpu.memory_space<vmem>> -> memref<128xi32, #tpu.memory_space<vmem>>
      %dma_start3A_168 = arith.constant 0 : i32
      %dma_start3A_169 = arith.constant 0 : i32
      %dma_start3A_170 = tpu.memref_slice %arg7[%dma_start3A_168, %dma_start3A_169] : memref<10112x64xf32, #tpu.memory_space<vmem_shared>> -> memref<10112x64xf32, #tpu.memory_space<vmem_shared>>
      tpu.enqueue_indirect_dma source(%arg11 : memref<128x64xf32, #tpu.memory_space<vmem>>) target(%dma_start3A_170 : memref<10112x64xf32, #tpu.memory_space<vmem_shared>>) offsets(%dma_start3A_167 : memref<128xi32, #tpu.memory_space<vmem>>) semaphore(%arg20 : memref<!tpu.dma_semaphore, #tpu.memory_space<semaphore_mem>>) {add = true}
      %dma_start3A_171 = arith.constant 0 : i32
      %dma_start3A_172 = tpu.memref_slice %arg9[%add3A_158, %dma_start3A_171] : memref<144x128xi32, #tpu.memory_space<vmem>> -> memref<1x128xi32, #tpu.memory_space<vmem>>
      %dma_start3A_173 = tpu.memref_squeeze %dma_start3A_172 : memref<1x128xi32, #tpu.memory_space<vmem>> -> memref<128xi32, #tpu.memory_space<vmem>>
      %dma_start3A_174 = arith.constant 0 : i32
      %dma_start3A_175 = arith.constant 0 : i32
      %dma_start3A_176 = tpu.memref_slice %arg24[%dma_start3A_174, %dma_start3A_175] : memref<10112x16xf32, #tpu.memory_space<vmem_shared>> -> memref<10112x16xf32, #tpu.memory_space<vmem_shared>>
      tpu.enqueue_indirect_dma source(%arg25 : memref<128x16xf32, #tpu.memory_space<vmem>>) target(%dma_start3A_176 : memref<10112x16xf32, #tpu.memory_space<vmem_shared>>) offsets(%dma_start3A_173 : memref<128xi32, #tpu.memory_space<vmem>>) semaphore(%arg20 : memref<!tpu.dma_semaphore, #tpu.memory_space<semaphore_mem>>) {add = true}
      %add3A_177 = arith.constant 2 : i32
      %add3A_178 = arith.addi %add3A_158, %add3A_177 : i32
      %sub3A_179 = arith.constant 4 : i32
      %sub3A_180 = arith.subi %add3A_178, %sub3A_179 : i32
      %lt3A_181 = arith.cmpi slt, %add3A_178, %select_n3A : i32
      %convert_element_type3A_182 = arith.extui %lt3A_181 : i1 to i32
      %cond3A_183 = arith.constant 0 : i32
      %cond3A_184 = arith.cmpi ne, %convert_element_type3A_182, %cond3A_183 : i32
      scf.if %cond3A_184 {
        %ge3A = arith.constant 0 : i32
        %ge3A_241 = arith.cmpi sge, %sub3A_180, %ge3A : i32
        %convert_element_type3A_242 = arith.extui %ge3A_241 : i1 to i32
        %cond3A_243 = arith.constant 0 : i32
        %cond3A_244 = arith.cmpi ne, %convert_element_type3A_242, %cond3A_243 : i32
        scf.if %cond3A_244 {
          %dma_wait3A_251 = arith.constant 0 : i32
          %dma_wait3A_252 = tpu.memref_slice %arg9[%sub3A_180, %dma_wait3A_251] : memref<144x128xi32, #tpu.memory_space<vmem>> -> memref<1x128xi32, #tpu.memory_space<vmem>>
          %dma_wait3A_253 = tpu.memref_squeeze %dma_wait3A_252 : memref<1x128xi32, #tpu.memory_space<vmem>> -> memref<128xi32, #tpu.memory_space<vmem>>
          %dma_wait3A_254 = arith.constant 0 : i32
          %dma_wait3A_255 = arith.constant 0 : i32
          %dma_wait3A_256 = tpu.memref_slice %arg7[%dma_wait3A_254, %dma_wait3A_255] : memref<10112x64xf32, #tpu.memory_space<vmem_shared>> -> memref<10112x64xf32, #tpu.memory_space<vmem_shared>>
          tpu.wait_indirect_dma semaphore(%arg22 : memref<!tpu.dma_semaphore, #tpu.memory_space<semaphore_mem>>) src(%arg13 : memref<128x64xf32, #tpu.memory_space<vmem>>) dst(%dma_wait3A_256 : memref<10112x64xf32, #tpu.memory_space<vmem_shared>>)
          %dma_wait3A_257 = arith.constant 0 : i32
          %dma_wait3A_258 = tpu.memref_slice %arg9[%sub3A_180, %dma_wait3A_257] : memref<144x128xi32, #tpu.memory_space<vmem>> -> memref<1x128xi32, #tpu.memory_space<vmem>>
          %dma_wait3A_259 = tpu.memref_squeeze %dma_wait3A_258 : memref<1x128xi32, #tpu.memory_space<vmem>> -> memref<128xi32, #tpu.memory_space<vmem>>
          %dma_wait3A_260 = arith.constant 0 : i32
          %dma_wait3A_261 = arith.constant 0 : i32
          %dma_wait3A_262 = tpu.memref_slice %arg24[%dma_wait3A_260, %dma_wait3A_261] : memref<10112x16xf32, #tpu.memory_space<vmem_shared>> -> memref<10112x16xf32, #tpu.memory_space<vmem_shared>>
          tpu.wait_indirect_dma semaphore(%arg22 : memref<!tpu.dma_semaphore, #tpu.memory_space<semaphore_mem>>) src(%arg25 : memref<128x16xf32, #tpu.memory_space<vmem>>) dst(%dma_wait3A_262 : memref<10112x16xf32, #tpu.memory_space<vmem_shared>>)
        } else {
        }
        %dma_start3A_245 = arith.constant 0 : i32
        %dma_start3A_246 = tpu.memref_slice %arg8[%add3A_178, %dma_start3A_245] : memref<144x128xi32, #tpu.memory_space<vmem>> -> memref<1x128xi32, #tpu.memory_space<vmem>>
        %dma_start3A_247 = tpu.memref_squeeze %dma_start3A_246 : memref<1x128xi32, #tpu.memory_space<vmem>> -> memref<128xi32, #tpu.memory_space<vmem>>
        %dma_start3A_248 = arith.constant 0 : i32
        %dma_start3A_249 = arith.constant 0 : i32
        %dma_start3A_250 = tpu.memref_slice %arg2[%dma_start3A_248, %dma_start3A_249] : memref<10000x64xf32, #tpu.memory_space<hbm>> -> memref<10000x64xf32, #tpu.memory_space<hbm>>
        tpu.enqueue_indirect_dma source(%dma_start3A_250 : memref<10000x64xf32, #tpu.memory_space<hbm>>) target(%arg13 : memref<128x64xf32, #tpu.memory_space<vmem>>) offsets(%dma_start3A_247 : memref<128xi32, #tpu.memory_space<vmem>>) semaphore(%arg18 : memref<!tpu.dma_semaphore, #tpu.memory_space<semaphore_mem>>)
      } else {
      }
      %add3A_185 = arith.constant 2 : i32
      %add3A_186 = arith.addi %add3A_129, %add3A_185 : i32
      %dma_wait3A_187 = arith.constant 0 : i32
      %dma_wait3A_188 = tpu.memref_slice %arg8[%add3A_186, %dma_wait3A_187] : memref<144x128xi32, #tpu.memory_space<vmem>> -> memref<1x128xi32, #tpu.memory_space<vmem>>
      %dma_wait3A_189 = tpu.memref_squeeze %dma_wait3A_188 : memref<1x128xi32, #tpu.memory_space<vmem>> -> memref<128xi32, #tpu.memory_space<vmem>>
      %dma_wait3A_190 = arith.constant 0 : i32
      %dma_wait3A_191 = arith.constant 0 : i32
      %dma_wait3A_192 = tpu.memref_slice %arg2[%dma_wait3A_190, %dma_wait3A_191] : memref<10000x64xf32, #tpu.memory_space<hbm>> -> memref<10000x64xf32, #tpu.memory_space<hbm>>
      tpu.wait_indirect_dma semaphore(%arg17 : memref<!tpu.dma_semaphore, #tpu.memory_space<semaphore_mem>>) src(%dma_wait3A_192 : memref<10000x64xf32, #tpu.memory_space<hbm>>) dst(%arg12 : memref<128x64xf32, #tpu.memory_space<vmem>>)
      %dma_start3A_193 = arith.constant 0 : i32
      %dma_start3A_194 = tpu.memref_slice %arg9[%add3A_186, %dma_start3A_193] : memref<144x128xi32, #tpu.memory_space<vmem>> -> memref<1x128xi32, #tpu.memory_space<vmem>>
      %dma_start3A_195 = tpu.memref_squeeze %dma_start3A_194 : memref<1x128xi32, #tpu.memory_space<vmem>> -> memref<128xi32, #tpu.memory_space<vmem>>
      %dma_start3A_196 = arith.constant 0 : i32
      %dma_start3A_197 = arith.constant 0 : i32
      %dma_start3A_198 = tpu.memref_slice %arg7[%dma_start3A_196, %dma_start3A_197] : memref<10112x64xf32, #tpu.memory_space<vmem_shared>> -> memref<10112x64xf32, #tpu.memory_space<vmem_shared>>
      tpu.enqueue_indirect_dma source(%arg12 : memref<128x64xf32, #tpu.memory_space<vmem>>) target(%dma_start3A_198 : memref<10112x64xf32, #tpu.memory_space<vmem_shared>>) offsets(%dma_start3A_195 : memref<128xi32, #tpu.memory_space<vmem>>) semaphore(%arg21 : memref<!tpu.dma_semaphore, #tpu.memory_space<semaphore_mem>>) {add = true}
      %dma_start3A_199 = arith.constant 0 : i32
      %dma_start3A_200 = tpu.memref_slice %arg9[%add3A_186, %dma_start3A_199] : memref<144x128xi32, #tpu.memory_space<vmem>> -> memref<1x128xi32, #tpu.memory_space<vmem>>
      %dma_start3A_201 = tpu.memref_squeeze %dma_start3A_200 : memref<1x128xi32, #tpu.memory_space<vmem>> -> memref<128xi32, #tpu.memory_space<vmem>>
      %dma_start3A_202 = arith.constant 0 : i32
      %dma_start3A_203 = arith.constant 0 : i32
      %dma_start3A_204 = tpu.memref_slice %arg24[%dma_start3A_202, %dma_start3A_203] : memref<10112x16xf32, #tpu.memory_space<vmem_shared>> -> memref<10112x16xf32, #tpu.memory_space<vmem_shared>>
      tpu.enqueue_indirect_dma source(%arg25 : memref<128x16xf32, #tpu.memory_space<vmem>>) target(%dma_start3A_204 : memref<10112x16xf32, #tpu.memory_space<vmem_shared>>) offsets(%dma_start3A_201 : memref<128xi32, #tpu.memory_space<vmem>>) semaphore(%arg21 : memref<!tpu.dma_semaphore, #tpu.memory_space<semaphore_mem>>) {add = true}
      %add3A_205 = arith.constant 2 : i32
      %add3A_206 = arith.addi %add3A_186, %add3A_205 : i32
      %sub3A_207 = arith.constant 4 : i32
      %sub3A_208 = arith.subi %add3A_206, %sub3A_207 : i32
      %lt3A_209 = arith.cmpi slt, %add3A_206, %select_n3A : i32
      %convert_element_type3A_210 = arith.extui %lt3A_209 : i1 to i32
      %cond3A_211 = arith.constant 0 : i32
      %cond3A_212 = arith.cmpi ne, %convert_element_type3A_210, %cond3A_211 : i32
      scf.if %cond3A_212 {
        %ge3A = arith.constant 0 : i32
        %ge3A_241 = arith.cmpi sge, %sub3A_208, %ge3A : i32
        %convert_element_type3A_242 = arith.extui %ge3A_241 : i1 to i32
        %cond3A_243 = arith.constant 0 : i32
        %cond3A_244 = arith.cmpi ne, %convert_element_type3A_242, %cond3A_243 : i32
        scf.if %cond3A_244 {
          %dma_wait3A_251 = arith.constant 0 : i32
          %dma_wait3A_252 = tpu.memref_slice %arg9[%sub3A_208, %dma_wait3A_251] : memref<144x128xi32, #tpu.memory_space<vmem>> -> memref<1x128xi32, #tpu.memory_space<vmem>>
          %dma_wait3A_253 = tpu.memref_squeeze %dma_wait3A_252 : memref<1x128xi32, #tpu.memory_space<vmem>> -> memref<128xi32, #tpu.memory_space<vmem>>
          %dma_wait3A_254 = arith.constant 0 : i32
          %dma_wait3A_255 = arith.constant 0 : i32
          %dma_wait3A_256 = tpu.memref_slice %arg7[%dma_wait3A_254, %dma_wait3A_255] : memref<10112x64xf32, #tpu.memory_space<vmem_shared>> -> memref<10112x64xf32, #tpu.memory_space<vmem_shared>>
          tpu.wait_indirect_dma semaphore(%arg19 : memref<!tpu.dma_semaphore, #tpu.memory_space<semaphore_mem>>) src(%arg10 : memref<128x64xf32, #tpu.memory_space<vmem>>) dst(%dma_wait3A_256 : memref<10112x64xf32, #tpu.memory_space<vmem_shared>>)
          %dma_wait3A_257 = arith.constant 0 : i32
          %dma_wait3A_258 = tpu.memref_slice %arg9[%sub3A_208, %dma_wait3A_257] : memref<144x128xi32, #tpu.memory_space<vmem>> -> memref<1x128xi32, #tpu.memory_space<vmem>>
          %dma_wait3A_259 = tpu.memref_squeeze %dma_wait3A_258 : memref<1x128xi32, #tpu.memory_space<vmem>> -> memref<128xi32, #tpu.memory_space<vmem>>
          %dma_wait3A_260 = arith.constant 0 : i32
          %dma_wait3A_261 = arith.constant 0 : i32
          %dma_wait3A_262 = tpu.memref_slice %arg24[%dma_wait3A_260, %dma_wait3A_261] : memref<10112x16xf32, #tpu.memory_space<vmem_shared>> -> memref<10112x16xf32, #tpu.memory_space<vmem_shared>>
          tpu.wait_indirect_dma semaphore(%arg19 : memref<!tpu.dma_semaphore, #tpu.memory_space<semaphore_mem>>) src(%arg25 : memref<128x16xf32, #tpu.memory_space<vmem>>) dst(%dma_wait3A_262 : memref<10112x16xf32, #tpu.memory_space<vmem_shared>>)
        } else {
        }
        %dma_start3A_245 = arith.constant 0 : i32
        %dma_start3A_246 = tpu.memref_slice %arg8[%add3A_206, %dma_start3A_245] : memref<144x128xi32, #tpu.memory_space<vmem>> -> memref<1x128xi32, #tpu.memory_space<vmem>>
        %dma_start3A_247 = tpu.memref_squeeze %dma_start3A_246 : memref<1x128xi32, #tpu.memory_space<vmem>> -> memref<128xi32, #tpu.memory_space<vmem>>
        %dma_start3A_248 = arith.constant 0 : i32
        %dma_start3A_249 = arith.constant 0 : i32
        %dma_start3A_250 = tpu.memref_slice %arg2[%dma_start3A_248, %dma_start3A_249] : memref<10000x64xf32, #tpu.memory_space<hbm>> -> memref<10000x64xf32, #tpu.memory_space<hbm>>
        tpu.enqueue_indirect_dma source(%dma_start3A_250 : memref<10000x64xf32, #tpu.memory_space<hbm>>) target(%arg10 : memref<128x64xf32, #tpu.memory_space<vmem>>) offsets(%dma_start3A_247 : memref<128xi32, #tpu.memory_space<vmem>>) semaphore(%arg15 : memref<!tpu.dma_semaphore, #tpu.memory_space<semaphore_mem>>)
      } else {
      }
      %add3A_213 = arith.constant 3 : i32
      %add3A_214 = arith.addi %add3A_129, %add3A_213 : i32
      %dma_wait3A_215 = arith.constant 0 : i32
      %dma_wait3A_216 = tpu.memref_slice %arg8[%add3A_214, %dma_wait3A_215] : memref<144x128xi32, #tpu.memory_space<vmem>> -> memref<1x128xi32, #tpu.memory_space<vmem>>
      %dma_wait3A_217 = tpu.memref_squeeze %dma_wait3A_216 : memref<1x128xi32, #tpu.memory_space<vmem>> -> memref<128xi32, #tpu.memory_space<vmem>>
      %dma_wait3A_218 = arith.constant 0 : i32
      %dma_wait3A_219 = arith.constant 0 : i32
      %dma_wait3A_220 = tpu.memref_slice %arg2[%dma_wait3A_218, %dma_wait3A_219] : memref<10000x64xf32, #tpu.memory_space<hbm>> -> memref<10000x64xf32, #tpu.memory_space<hbm>>
      tpu.wait_indirect_dma semaphore(%arg18 : memref<!tpu.dma_semaphore, #tpu.memory_space<semaphore_mem>>) src(%dma_wait3A_220 : memref<10000x64xf32, #tpu.memory_space<hbm>>) dst(%arg13 : memref<128x64xf32, #tpu.memory_space<vmem>>)
      %dma_start3A_221 = arith.constant 0 : i32
      %dma_start3A_222 = tpu.memref_slice %arg9[%add3A_214, %dma_start3A_221] : memref<144x128xi32, #tpu.memory_space<vmem>> -> memref<1x128xi32, #tpu.memory_space<vmem>>
      %dma_start3A_223 = tpu.memref_squeeze %dma_start3A_222 : memref<1x128xi32, #tpu.memory_space<vmem>> -> memref<128xi32, #tpu.memory_space<vmem>>
      %dma_start3A_224 = arith.constant 0 : i32
      %dma_start3A_225 = arith.constant 0 : i32
      %dma_start3A_226 = tpu.memref_slice %arg7[%dma_start3A_224, %dma_start3A_225] : memref<10112x64xf32, #tpu.memory_space<vmem_shared>> -> memref<10112x64xf32, #tpu.memory_space<vmem_shared>>
      tpu.enqueue_indirect_dma source(%arg13 : memref<128x64xf32, #tpu.memory_space<vmem>>) target(%dma_start3A_226 : memref<10112x64xf32, #tpu.memory_space<vmem_shared>>) offsets(%dma_start3A_223 : memref<128xi32, #tpu.memory_space<vmem>>) semaphore(%arg22 : memref<!tpu.dma_semaphore, #tpu.memory_space<semaphore_mem>>) {add = true}
      %dma_start3A_227 = arith.constant 0 : i32
      %dma_start3A_228 = tpu.memref_slice %arg9[%add3A_214, %dma_start3A_227] : memref<144x128xi32, #tpu.memory_space<vmem>> -> memref<1x128xi32, #tpu.memory_space<vmem>>
      %dma_start3A_229 = tpu.memref_squeeze %dma_start3A_228 : memref<1x128xi32, #tpu.memory_space<vmem>> -> memref<128xi32, #tpu.memory_space<vmem>>
      %dma_start3A_230 = arith.constant 0 : i32
      %dma_start3A_231 = arith.constant 0 : i32
      %dma_start3A_232 = tpu.memref_slice %arg24[%dma_start3A_230, %dma_start3A_231] : memref<10112x16xf32, #tpu.memory_space<vmem_shared>> -> memref<10112x16xf32, #tpu.memory_space<vmem_shared>>
      tpu.enqueue_indirect_dma source(%arg25 : memref<128x16xf32, #tpu.memory_space<vmem>>) target(%dma_start3A_232 : memref<10112x16xf32, #tpu.memory_space<vmem_shared>>) offsets(%dma_start3A_229 : memref<128xi32, #tpu.memory_space<vmem>>) semaphore(%arg22 : memref<!tpu.dma_semaphore, #tpu.memory_space<semaphore_mem>>) {add = true}
      %add3A_233 = arith.constant 2 : i32
      %add3A_234 = arith.addi %add3A_214, %add3A_233 : i32
      %sub3A_235 = arith.constant 4 : i32
      %sub3A_236 = arith.subi %add3A_234, %sub3A_235 : i32
      %lt3A_237 = arith.cmpi slt, %add3A_234, %select_n3A : i32
      %convert_element_type3A_238 = arith.extui %lt3A_237 : i1 to i32
      %cond3A_239 = arith.constant 0 : i32
      %cond3A_240 = arith.cmpi ne, %convert_element_type3A_238, %cond3A_239 : i32
      scf.if %cond3A_240 {
        %ge3A = arith.constant 0 : i32
        %ge3A_241 = arith.cmpi sge, %sub3A_236, %ge3A : i32
        %convert_element_type3A_242 = arith.extui %ge3A_241 : i1 to i32
        %cond3A_243 = arith.constant 0 : i32
        %cond3A_244 = arith.cmpi ne, %convert_element_type3A_242, %cond3A_243 : i32
        scf.if %cond3A_244 {
          %dma_wait3A_251 = arith.constant 0 : i32
          %dma_wait3A_252 = tpu.memref_slice %arg9[%sub3A_236, %dma_wait3A_251] : memref<144x128xi32, #tpu.memory_space<vmem>> -> memref<1x128xi32, #tpu.memory_space<vmem>>
          %dma_wait3A_253 = tpu.memref_squeeze %dma_wait3A_252 : memref<1x128xi32, #tpu.memory_space<vmem>> -> memref<128xi32, #tpu.memory_space<vmem>>
          %dma_wait3A_254 = arith.constant 0 : i32
          %dma_wait3A_255 = arith.constant 0 : i32
          %dma_wait3A_256 = tpu.memref_slice %arg7[%dma_wait3A_254, %dma_wait3A_255] : memref<10112x64xf32, #tpu.memory_space<vmem_shared>> -> memref<10112x64xf32, #tpu.memory_space<vmem_shared>>
          tpu.wait_indirect_dma semaphore(%arg20 : memref<!tpu.dma_semaphore, #tpu.memory_space<semaphore_mem>>) src(%arg11 : memref<128x64xf32, #tpu.memory_space<vmem>>) dst(%dma_wait3A_256 : memref<10112x64xf32, #tpu.memory_space<vmem_shared>>)
          %dma_wait3A_257 = arith.constant 0 : i32
          %dma_wait3A_258 = tpu.memref_slice %arg9[%sub3A_236, %dma_wait3A_257] : memref<144x128xi32, #tpu.memory_space<vmem>> -> memref<1x128xi32, #tpu.memory_space<vmem>>
          %dma_wait3A_259 = tpu.memref_squeeze %dma_wait3A_258 : memref<1x128xi32, #tpu.memory_space<vmem>> -> memref<128xi32, #tpu.memory_space<vmem>>
          %dma_wait3A_260 = arith.constant 0 : i32
          %dma_wait3A_261 = arith.constant 0 : i32
          %dma_wait3A_262 = tpu.memref_slice %arg24[%dma_wait3A_260, %dma_wait3A_261] : memref<10112x16xf32, #tpu.memory_space<vmem_shared>> -> memref<10112x16xf32, #tpu.memory_space<vmem_shared>>
          tpu.wait_indirect_dma semaphore(%arg20 : memref<!tpu.dma_semaphore, #tpu.memory_space<semaphore_mem>>) src(%arg25 : memref<128x16xf32, #tpu.memory_space<vmem>>) dst(%dma_wait3A_262 : memref<10112x16xf32, #tpu.memory_space<vmem_shared>>)
        } else {
        }
        %dma_start3A_245 = arith.constant 0 : i32
        %dma_start3A_246 = tpu.memref_slice %arg8[%add3A_234, %dma_start3A_245] : memref<144x128xi32, #tpu.memory_space<vmem>> -> memref<1x128xi32, #tpu.memory_space<vmem>>
        %dma_start3A_247 = tpu.memref_squeeze %dma_start3A_246 : memref<1x128xi32, #tpu.memory_space<vmem>> -> memref<128xi32, #tpu.memory_space<vmem>>
        %dma_start3A_248 = arith.constant 0 : i32
        %dma_start3A_249 = arith.constant 0 : i32
        %dma_start3A_250 = tpu.memref_slice %arg2[%dma_start3A_248, %dma_start3A_249] : memref<10000x64xf32, #tpu.memory_space<hbm>> -> memref<10000x64xf32, #tpu.memory_space<hbm>>
        tpu.enqueue_indirect_dma source(%dma_start3A_250 : memref<10000x64xf32, #tpu.memory_space<hbm>>) target(%arg11 : memref<128x64xf32, #tpu.memory_space<vmem>>) offsets(%dma_start3A_247 : memref<128xi32, #tpu.memory_space<vmem>>) semaphore(%arg16 : memref<!tpu.dma_semaphore, #tpu.memory_space<semaphore_mem>>)
      } else {
      }
    }
    %sub3A_61 = arith.constant 4 : i32
    %sub3A_62 = arith.subi %select_n3A, %sub3A_61 : i32
    %add3A_63 = arith.constant 0 : i32
    %add3A_64 = arith.addi %sub3A_62, %add3A_63 : i32
    %dma_wait3A = arith.constant 0 : i32
    %dma_wait3A_65 = tpu.memref_slice %arg9[%add3A_64, %dma_wait3A] : memref<144x128xi32, #tpu.memory_space<vmem>> -> memref<1x128xi32, #tpu.memory_space<vmem>>
    %dma_wait3A_66 = tpu.memref_squeeze %dma_wait3A_65 : memref<1x128xi32, #tpu.memory_space<vmem>> -> memref<128xi32, #tpu.memory_space<vmem>>
    %dma_wait3A_67 = arith.constant 0 : i32
    %dma_wait3A_68 = arith.constant 0 : i32
    %dma_wait3A_69 = tpu.memref_slice %arg7[%dma_wait3A_67, %dma_wait3A_68] : memref<10112x64xf32, #tpu.memory_space<vmem_shared>> -> memref<10112x64xf32, #tpu.memory_space<vmem_shared>>
    tpu.wait_indirect_dma semaphore(%arg19 : memref<!tpu.dma_semaphore, #tpu.memory_space<semaphore_mem>>) src(%arg10 : memref<128x64xf32, #tpu.memory_space<vmem>>) dst(%dma_wait3A_69 : memref<10112x64xf32, #tpu.memory_space<vmem_shared>>)
    %dma_wait3A_70 = arith.constant 0 : i32
    %dma_wait3A_71 = tpu.memref_slice %arg9[%add3A_64, %dma_wait3A_70] : memref<144x128xi32, #tpu.memory_space<vmem>> -> memref<1x128xi32, #tpu.memory_space<vmem>>
    %dma_wait3A_72 = tpu.memref_squeeze %dma_wait3A_71 : memref<1x128xi32, #tpu.memory_space<vmem>> -> memref<128xi32, #tpu.memory_space<vmem>>
    %dma_wait3A_73 = arith.constant 0 : i32
    %dma_wait3A_74 = arith.constant 0 : i32
    %dma_wait3A_75 = tpu.memref_slice %arg24[%dma_wait3A_73, %dma_wait3A_74] : memref<10112x16xf32, #tpu.memory_space<vmem_shared>> -> memref<10112x16xf32, #tpu.memory_space<vmem_shared>>
    tpu.wait_indirect_dma semaphore(%arg19 : memref<!tpu.dma_semaphore, #tpu.memory_space<semaphore_mem>>) src(%arg25 : memref<128x16xf32, #tpu.memory_space<vmem>>) dst(%dma_wait3A_75 : memref<10112x16xf32, #tpu.memory_space<vmem_shared>>)
    %sub3A_76 = arith.constant 4 : i32
    %sub3A_77 = arith.subi %select_n3A, %sub3A_76 : i32
    %add3A_78 = arith.constant 1 : i32
    %add3A_79 = arith.addi %sub3A_77, %add3A_78 : i32
    %dma_wait3A_80 = arith.constant 0 : i32
    %dma_wait3A_81 = tpu.memref_slice %arg9[%add3A_79, %dma_wait3A_80] : memref<144x128xi32, #tpu.memory_space<vmem>> -> memref<1x128xi32, #tpu.memory_space<vmem>>
    %dma_wait3A_82 = tpu.memref_squeeze %dma_wait3A_81 : memref<1x128xi32, #tpu.memory_space<vmem>> -> memref<128xi32, #tpu.memory_space<vmem>>
    %dma_wait3A_83 = arith.constant 0 : i32
    %dma_wait3A_84 = arith.constant 0 : i32
    %dma_wait3A_85 = tpu.memref_slice %arg7[%dma_wait3A_83, %dma_wait3A_84] : memref<10112x64xf32, #tpu.memory_space<vmem_shared>> -> memref<10112x64xf32, #tpu.memory_space<vmem_shared>>
    tpu.wait_indirect_dma semaphore(%arg20 : memref<!tpu.dma_semaphore, #tpu.memory_space<semaphore_mem>>) src(%arg11 : memref<128x64xf32, #tpu.memory_space<vmem>>) dst(%dma_wait3A_85 : memref<10112x64xf32, #tpu.memory_space<vmem_shared>>)
    %dma_wait3A_86 = arith.constant 0 : i32
    %dma_wait3A_87 = tpu.memref_slice %arg9[%add3A_79, %dma_wait3A_86] : memref<144x128xi32, #tpu.memory_space<vmem>> -> memref<1x128xi32, #tpu.memory_space<vmem>>
    %dma_wait3A_88 = tpu.memref_squeeze %dma_wait3A_87 : memref<1x128xi32, #tpu.memory_space<vmem>> -> memref<128xi32, #tpu.memory_space<vmem>>
    %dma_wait3A_89 = arith.constant 0 : i32
    %dma_wait3A_90 = arith.constant 0 : i32
    %dma_wait3A_91 = tpu.memref_slice %arg24[%dma_wait3A_89, %dma_wait3A_90] : memref<10112x16xf32, #tpu.memory_space<vmem_shared>> -> memref<10112x16xf32, #tpu.memory_space<vmem_shared>>
    tpu.wait_indirect_dma semaphore(%arg20 : memref<!tpu.dma_semaphore, #tpu.memory_space<semaphore_mem>>) src(%arg25 : memref<128x16xf32, #tpu.memory_space<vmem>>) dst(%dma_wait3A_91 : memref<10112x16xf32, #tpu.memory_space<vmem_shared>>)
    %sub3A_92 = arith.constant 4 : i32
    %sub3A_93 = arith.subi %select_n3A, %sub3A_92 : i32
    %add3A_94 = arith.constant 2 : i32
    %add3A_95 = arith.addi %sub3A_93, %add3A_94 : i32
    %dma_wait3A_96 = arith.constant 0 : i32
    %dma_wait3A_97 = tpu.memref_slice %arg9[%add3A_95, %dma_wait3A_96] : memref<144x128xi32, #tpu.memory_space<vmem>> -> memref<1x128xi32, #tpu.memory_space<vmem>>
    %dma_wait3A_98 = tpu.memref_squeeze %dma_wait3A_97 : memref<1x128xi32, #tpu.memory_space<vmem>> -> memref<128xi32, #tpu.memory_space<vmem>>
    %dma_wait3A_99 = arith.constant 0 : i32
    %dma_wait3A_100 = arith.constant 0 : i32
    %dma_wait3A_101 = tpu.memref_slice %arg7[%dma_wait3A_99, %dma_wait3A_100] : memref<10112x64xf32, #tpu.memory_space<vmem_shared>> -> memref<10112x64xf32, #tpu.memory_space<vmem_shared>>
    tpu.wait_indirect_dma semaphore(%arg21 : memref<!tpu.dma_semaphore, #tpu.memory_space<semaphore_mem>>) src(%arg12 : memref<128x64xf32, #tpu.memory_space<vmem>>) dst(%dma_wait3A_101 : memref<10112x64xf32, #tpu.memory_space<vmem_shared>>)
    %dma_wait3A_102 = arith.constant 0 : i32
    %dma_wait3A_103 = tpu.memref_slice %arg9[%add3A_95, %dma_wait3A_102] : memref<144x128xi32, #tpu.memory_space<vmem>> -> memref<1x128xi32, #tpu.memory_space<vmem>>
    %dma_wait3A_104 = tpu.memref_squeeze %dma_wait3A_103 : memref<1x128xi32, #tpu.memory_space<vmem>> -> memref<128xi32, #tpu.memory_space<vmem>>
    %dma_wait3A_105 = arith.constant 0 : i32
    %dma_wait3A_106 = arith.constant 0 : i32
    %dma_wait3A_107 = tpu.memref_slice %arg24[%dma_wait3A_105, %dma_wait3A_106] : memref<10112x16xf32, #tpu.memory_space<vmem_shared>> -> memref<10112x16xf32, #tpu.memory_space<vmem_shared>>
    tpu.wait_indirect_dma semaphore(%arg21 : memref<!tpu.dma_semaphore, #tpu.memory_space<semaphore_mem>>) src(%arg25 : memref<128x16xf32, #tpu.memory_space<vmem>>) dst(%dma_wait3A_107 : memref<10112x16xf32, #tpu.memory_space<vmem_shared>>)
    %sub3A_108 = arith.constant 4 : i32
    %sub3A_109 = arith.subi %select_n3A, %sub3A_108 : i32
    %add3A_110 = arith.constant 3 : i32
    %add3A_111 = arith.addi %sub3A_109, %add3A_110 : i32
    %dma_wait3A_112 = arith.constant 0 : i32
    %dma_wait3A_113 = tpu.memref_slice %arg9[%add3A_111, %dma_wait3A_112] : memref<144x128xi32, #tpu.memory_space<vmem>> -> memref<1x128xi32, #tpu.memory_space<vmem>>
    %dma_wait3A_114 = tpu.memref_squeeze %dma_wait3A_113 : memref<1x128xi32, #tpu.memory_space<vmem>> -> memref<128xi32, #tpu.memory_space<vmem>>
    %dma_wait3A_115 = arith.constant 0 : i32
    %dma_wait3A_116 = arith.constant 0 : i32
    %dma_wait3A_117 = tpu.memref_slice %arg7[%dma_wait3A_115, %dma_wait3A_116] : memref<10112x64xf32, #tpu.memory_space<vmem_shared>> -> memref<10112x64xf32, #tpu.memory_space<vmem_shared>>
    tpu.wait_indirect_dma semaphore(%arg22 : memref<!tpu.dma_semaphore, #tpu.memory_space<semaphore_mem>>) src(%arg13 : memref<128x64xf32, #tpu.memory_space<vmem>>) dst(%dma_wait3A_117 : memref<10112x64xf32, #tpu.memory_space<vmem_shared>>)
    %dma_wait3A_118 = arith.constant 0 : i32
    %dma_wait3A_119 = tpu.memref_slice %arg9[%add3A_111, %dma_wait3A_118] : memref<144x128xi32, #tpu.memory_space<vmem>> -> memref<1x128xi32, #tpu.memory_space<vmem>>
    %dma_wait3A_120 = tpu.memref_squeeze %dma_wait3A_119 : memref<1x128xi32, #tpu.memory_space<vmem>> -> memref<128xi32, #tpu.memory_space<vmem>>
    %dma_wait3A_121 = arith.constant 0 : i32
    %dma_wait3A_122 = arith.constant 0 : i32
    %dma_wait3A_123 = tpu.memref_slice %arg24[%dma_wait3A_121, %dma_wait3A_122] : memref<10112x16xf32, #tpu.memory_space<vmem_shared>> -> memref<10112x16xf32, #tpu.memory_space<vmem_shared>>
    tpu.wait_indirect_dma semaphore(%arg22 : memref<!tpu.dma_semaphore, #tpu.memory_space<semaphore_mem>>) src(%arg25 : memref<128x16xf32, #tpu.memory_space<vmem>>) dst(%dma_wait3A_123 : memref<10112x16xf32, #tpu.memory_space<vmem_shared>>)
    %barrier3A_124 = arith.constant 0 : index
    tpu.barrier barrier_id(%barrier3A_124)
    %mul3A_125 = arith.constant 632 : i32
    %mul3A_126 = arith.muli %arg1, %mul3A_125 : i32
    "tpu.region"() ({
      %run_scoped3A = tpu.sem_alloc : memref<!tpu.dma_semaphore, #tpu.memory_space<semaphore_mem>>
      %dma_start3A_127 = arith.constant 0 : i32
      %dma_start3A_128 = tpu.memref_slice %arg5[%arg0, %mul3A_126, %dma_start3A_127] : memref<2x10112x64xf32, #tpu.memory_space<hbm>> -> memref<1x632x64xf32, #tpu.memory_space<hbm>>
      %dma_start3A_129 = tpu.memref_squeeze %dma_start3A_128 : memref<1x632x64xf32, #tpu.memory_space<hbm>> -> memref<632x64xf32, #tpu.memory_space<hbm>>
      %dma_start3A_130 = arith.constant 0 : i32
      %dma_start3A_131 = tpu.memref_slice %arg7[%mul3A_126, %dma_start3A_130] : memref<10112x64xf32, #tpu.memory_space<vmem_shared>> -> memref<632x64xf32, #tpu.memory_space<vmem_shared>>
      tpu.enqueue_dma source(%dma_start3A_131 : memref<632x64xf32, #tpu.memory_space<vmem_shared>>) target(%dma_start3A_129 : memref<632x64xf32, #tpu.memory_space<hbm>>) target_semaphore(%run_scoped3A : memref<!tpu.dma_semaphore, #tpu.memory_space<semaphore_mem>>)
      %dma_wait3A_132 = arith.constant 0 : i32
      %dma_wait3A_133 = tpu.memref_slice %arg5[%arg0, %mul3A_126, %dma_wait3A_132] : memref<2x10112x64xf32, #tpu.memory_space<hbm>> -> memref<1x632x64xf32, #tpu.memory_space<hbm>>
      %dma_wait3A_134 = tpu.memref_squeeze %dma_wait3A_133 : memref<1x632x64xf32, #tpu.memory_space<hbm>> -> memref<632x64xf32, #tpu.memory_space<hbm>>
      %dma_wait3A_135 = arith.constant 0 : i32
      %dma_wait3A_136 = tpu.memref_slice %arg7[%mul3A_126, %dma_wait3A_135] : memref<10112x64xf32, #tpu.memory_space<vmem_shared>> -> memref<632x64xf32, #tpu.memory_space<vmem_shared>>
      tpu.wait_dma2 semaphore(%run_scoped3A : memref<!tpu.dma_semaphore, #tpu.memory_space<semaphore_mem>>) src(%dma_wait3A_136 : memref<632x64xf32, #tpu.memory_space<vmem_shared>>) dst(%dma_wait3A_134 : memref<632x64xf32, #tpu.memory_space<hbm>>)
      tpu.yield
    }) : () -> ()
    "tpu.region"() ({
      %run_scoped3A = tpu.sem_alloc : memref<!tpu.dma_semaphore, #tpu.memory_space<semaphore_mem>>
      %dma_start3A_127 = arith.constant 0 : i32
      %dma_start3A_128 = tpu.memref_slice %arg6[%arg0, %mul3A_126, %dma_start3A_127] : memref<2x10112x16xf32, #tpu.memory_space<hbm>> -> memref<1x632x16xf32, #tpu.memory_space<hbm>>
      %dma_start3A_129 = tpu.memref_squeeze %dma_start3A_128 : memref<1x632x16xf32, #tpu.memory_space<hbm>> -> memref<632x16xf32, #tpu.memory_space<hbm>>
      %dma_start3A_130 = arith.constant 0 : i32
      %dma_start3A_131 = tpu.memref_slice %arg24[%mul3A_126, %dma_start3A_130] : memref<10112x16xf32, #tpu.memory_space<vmem_shared>> -> memref<632x16xf32, #tpu.memory_space<vmem_shared>>
      tpu.enqueue_dma source(%dma_start3A_131 : memref<632x16xf32, #tpu.memory_space<vmem_shared>>) target(%dma_start3A_129 : memref<632x16xf32, #tpu.memory_space<hbm>>) target_semaphore(%run_scoped3A : memref<!tpu.dma_semaphore, #tpu.memory_space<semaphore_mem>>)
      %dma_wait3A_132 = arith.constant 0 : i32
      %dma_wait3A_133 = tpu.memref_slice %arg6[%arg0, %mul3A_126, %dma_wait3A_132] : memref<2x10112x16xf32, #tpu.memory_space<hbm>> -> memref<1x632x16xf32, #tpu.memory_space<hbm>>
      %dma_wait3A_134 = tpu.memref_squeeze %dma_wait3A_133 : memref<1x632x16xf32, #tpu.memory_space<hbm>> -> memref<632x16xf32, #tpu.memory_space<hbm>>
      %dma_wait3A_135 = arith.constant 0 : i32
      %dma_wait3A_136 = tpu.memref_slice %arg24[%mul3A_126, %dma_wait3A_135] : memref<10112x16xf32, #tpu.memory_space<vmem_shared>> -> memref<632x16xf32, #tpu.memory_space<vmem_shared>>
      tpu.wait_dma2 semaphore(%run_scoped3A : memref<!tpu.dma_semaphore, #tpu.memory_space<semaphore_mem>>) src(%dma_wait3A_136 : memref<632x16xf32, #tpu.memory_space<vmem_shared>>) dst(%dma_wait3A_134 : memref<632x16xf32, #tpu.memory_space<hbm>>)
      tpu.yield
    }) : () -> ()
    return
  }
}

module attributes {stable_mosaic.version = 14 : i64} {
  func.func @_tc_pre(%arg0: i32, %arg1: memref<256x128xf32, #tpu.memory_space<vmem>>, %arg2: memref<128x256xf32, #tpu.memory_space<vmem>>, %arg3: memref<1x256xf32, #tpu.memory_space<vmem>>, %arg4: memref<256x256xf32, #tpu.memory_space<vmem>>) attributes {dimension_semantics = [#tpu.dimension_semantics<arbitrary>], iteration_bounds = array<i64: 40>, scalar_prefetch = 0 : i64, scratch_operands = 0 : i64, tpu.core_type = #tpu.core_type<tc>, window_params = [{transform_indices = @transform_0, window_bounds = array<i64: 256, 128>}, {pipeline_mode = #tpu.pipeline_mode<synchronous>, transform_indices = @transform_1, window_bounds = array<i64: 128, 256>}, {pipeline_mode = #tpu.pipeline_mode<synchronous>, transform_indices = @transform_2, window_bounds = array<i64: 1, 256>}, {transform_indices = @transform_3, window_bounds = array<i64: 256, 256>}]} {
    %get3A = arith.constant 0 : index
    %get3A_0 = arith.constant 0 : index
    %get3A_1 = vector.load %arg1[%get3A, %get3A_0] : memref<256x128xf32, #tpu.memory_space<vmem>>, vector<256x128xf32>
    %get3A_2 = arith.constant 0 : index
    %get3A_3 = arith.constant 0 : index
    %get3A_4 = vector.load %arg2[%get3A_2, %get3A_3] : memref<128x256xf32, #tpu.memory_space<vmem>>, vector<128x256xf32>
    %dot_general3A = arith.constant dense<0.000000e+00> : vector<256x256xf32>
    %dot_general3A_5 = tpu.matmul %get3A_1, %get3A_4, %dot_general3A {dimension_numbers = #tpu.dot_dimension_numbers<[1], [0], [0], [1], [0, 0, 1, 1], [], []>, transpose_lhs_hint = false} : vector<256x128xf32>, vector<128x256xf32>, vector<256x256xf32> -> vector<256x256xf32>
    %get3A_6 = arith.constant 0 : index
    %get3A_7 = arith.constant 0 : index
    %get3A_8 = vector.load %arg3[%get3A_6, %get3A_7] : memref<1x256xf32, #tpu.memory_space<vmem>>, vector<1x256xf32>
    %add3A = vector.broadcast %get3A_8 : vector<1x256xf32> to vector<256x256xf32>
    %add3A_9 = arith.addf %dot_general3A_5, %add3A : vector<256x256xf32>
    %swap3A = arith.constant 0 : index
    %swap3A_10 = arith.constant 0 : index
    %swap3A_11 = vector.load %arg4[%swap3A, %swap3A_10] : memref<256x256xf32, #tpu.memory_space<vmem>>, vector<256x256xf32>
    tpu.vector_store %arg4[%swap3A, %swap3A_10], %add3A_9 {strides = array<i32>} : memref<256x256xf32, #tpu.memory_space<vmem>>, vector<256x256xf32>,
    return
  }
  func.func @transform_0(%arg0: i32) -> (i32, i32) {
    %c0_i32 = arith.constant 0 : i32
    %c0_i32_0 = arith.constant 0 : i32
    return %arg0, %c0_i32 : i32, i32
  }
  func.func @transform_1(%arg0: i32) -> (i32, i32) {
    %c0_i32 = arith.constant 0 : i32
    %c0_i32_0 = arith.constant 0 : i32
    %c0_i32_1 = arith.constant 0 : i32
    return %c0_i32, %c0_i32_0 : i32, i32
  }
  func.func @transform_2(%arg0: i32) -> (i32, i32) {
    %c0_i32 = arith.constant 0 : i32
    %c0_i32_0 = arith.constant 0 : i32
    %c0_i32_1 = arith.constant 0 : i32
    return %c0_i32, %c0_i32_0 : i32, i32
  }
  func.func @transform_3(%arg0: i32) -> (i32, i32) {
    %c0_i32 = arith.constant 0 : i32
    %c0_i32_0 = arith.constant 0 : i32
    return %arg0, %c0_i32 : i32, i32
  }
}

module attributes {stable_mosaic.version = 14 : i64} {
  func.func @_tc_mid(%arg0: i32, %arg1: memref<2x256x64xf32, #tpu.memory_space<vmem>>, %arg2: memref<2x256x64xf32, #tpu.memory_space<vmem>>, %arg3: memref<2x256x16xf32, #tpu.memory_space<vmem>>, %arg4: memref<256x256xf32, #tpu.memory_space<vmem>>, %arg5: memref<128x256xf32, #tpu.memory_space<vmem>>, %arg6: memref<256x48xf32, #tpu.memory_space<vmem>>, %arg7: memref<256x40xf32, #tpu.memory_space<vmem>>, %arg8: memref<1x40xf32, #tpu.memory_space<vmem>>, %arg9: memref<256x48xf32, #tpu.memory_space<vmem>>, %arg10: memref<256x40xf32, #tpu.memory_space<vmem>>) attributes {dimension_semantics = [#tpu.dimension_semantics<arbitrary>], iteration_bounds = array<i64: 40>, scalar_prefetch = 0 : i64, scratch_operands = 0 : i64, tpu.core_type = #tpu.core_type<tc>, window_params = [{transform_indices = @transform_0, window_bounds = array<i64: 2, 256, 64>}, {transform_indices = @transform_1, window_bounds = array<i64: 2, 256, 64>}, {transform_indices = @transform_2, window_bounds = array<i64: 2, 256, 16>}, {transform_indices = @transform_3, window_bounds = array<i64: 256, 256>}, {pipeline_mode = #tpu.pipeline_mode<synchronous>, transform_indices = @transform_4, window_bounds = array<i64: 128, 256>}, {pipeline_mode = #tpu.pipeline_mode<synchronous>, transform_indices = @transform_5, window_bounds = array<i64: 256, 48>}, {pipeline_mode = #tpu.pipeline_mode<synchronous>, transform_indices = @transform_6, window_bounds = array<i64: 256, 40>}, {pipeline_mode = #tpu.pipeline_mode<synchronous>, transform_indices = @transform_7, window_bounds = array<i64: 1, 40>}, {transform_indices = @transform_8, window_bounds = array<i64: 256, 48>}, {transform_indices = @transform_9, window_bounds = array<i64: 256, 40>}]} {
    %get3A = arith.constant 0 : index
    %get3A_0 = arith.constant 0 : index
    %get3A_1 = arith.constant 0 : index
    %get3A_2 = vector.load %arg3[%get3A, %get3A_0, %get3A_1] : memref<2x256x16xf32, #tpu.memory_space<vmem>>, vector<1x256x1xf32>
    %get3A_3 = vector.shape_cast %get3A_2 : vector<1x256x1xf32> to vector<256xf32>
    %add3A = arith.constant 0.000000e+00 : f32
    %add3A_4 = vector.broadcast %add3A : f32 to vector<256xf32>
    %add3A_5 = arith.addf %add3A_4, %get3A_3 : vector<256xf32>
    %get3A_6 = arith.constant 1 : index
    %get3A_7 = arith.constant 0 : index
    %get3A_8 = arith.constant 0 : index
    %get3A_9 = vector.load %arg3[%get3A_6, %get3A_7, %get3A_8] : memref<2x256x16xf32, #tpu.memory_space<vmem>>, vector<1x256x1xf32>
    %get3A_10 = vector.shape_cast %get3A_9 : vector<1x256x1xf32> to vector<256xf32>
    %add3A_11 = arith.addf %add3A_5, %get3A_10 : vector<256xf32>
    %max3A = arith.constant 1.000000e+00 : f32
    %max3A_12 = vector.broadcast %max3A : f32 to vector<256xf32>
    %max3A_13 = arith.maximumf %add3A_11, %max3A_12 : vector<256xf32>
    %div3A = arith.constant 1.000000e+00 : f32
    %div3A_14 = vector.broadcast %div3A : f32 to vector<256xf32>
    %div3A_15 = arith.divf %div3A_14, %max3A_13 : vector<256xf32>
    %get3A_16 = arith.constant 0 : index
    %get3A_17 = arith.constant 0 : index
    %get3A_18 = arith.constant 0 : index
    %get3A_19 = vector.load %arg1[%get3A_16, %get3A_17, %get3A_18] : memref<2x256x64xf32, #tpu.memory_space<vmem>>, vector<1x256x64xf32>
    %get3A_20 = vector.shape_cast %get3A_19 : vector<1x256x64xf32> to vector<256x64xf32>
    %add3A_21 = arith.constant 0.000000e+00 : f32
    %add3A_22 = vector.broadcast %add3A_21 : f32 to vector<256x64xf32>
    %add3A_23 = arith.addf %add3A_22, %get3A_20 : vector<256x64xf32>
    %get3A_24 = arith.constant 1 : index
    %get3A_25 = arith.constant 0 : index
    %get3A_26 = arith.constant 0 : index
    %get3A_27 = vector.load %arg1[%get3A_24, %get3A_25, %get3A_26] : memref<2x256x64xf32, #tpu.memory_space<vmem>>, vector<1x256x64xf32>
    %get3A_28 = vector.shape_cast %get3A_27 : vector<1x256x64xf32> to vector<256x64xf32>
    %add3A_29 = arith.addf %add3A_23, %get3A_28 : vector<256x64xf32>
    %broadcast_in_dim3A = vector.shape_cast %div3A_15 : vector<256xf32> to vector<256x1xf32>
    %mul3A = vector.broadcast %broadcast_in_dim3A : vector<256x1xf32> to vector<256x64xf32>
    %mul3A_30 = arith.mulf %add3A_29, %mul3A : vector<256x64xf32>
    %get3A_31 = arith.constant 0 : index
    %get3A_32 = arith.constant 0 : index
    %get3A_33 = arith.constant 0 : index
    %get3A_34 = vector.load %arg2[%get3A_31, %get3A_32, %get3A_33] : memref<2x256x64xf32, #tpu.memory_space<vmem>>, vector<1x256x64xf32>
    %get3A_35 = vector.shape_cast %get3A_34 : vector<1x256x64xf32> to vector<256x64xf32>
    %add3A_36 = arith.constant 0.000000e+00 : f32
    %add3A_37 = vector.broadcast %add3A_36 : f32 to vector<256x64xf32>
    %add3A_38 = arith.addf %add3A_37, %get3A_35 : vector<256x64xf32>
    %get3A_39 = arith.constant 1 : index
    %get3A_40 = arith.constant 0 : index
    %get3A_41 = arith.constant 0 : index
    %get3A_42 = vector.load %arg2[%get3A_39, %get3A_40, %get3A_41] : memref<2x256x64xf32, #tpu.memory_space<vmem>>, vector<1x256x64xf32>
    %get3A_43 = vector.shape_cast %get3A_42 : vector<1x256x64xf32> to vector<256x64xf32>
    %add3A_44 = arith.addf %add3A_38, %get3A_43 : vector<256x64xf32>
    %broadcast_in_dim3A_45 = vector.shape_cast %div3A_15 : vector<256xf32> to vector<256x1xf32>
    %mul3A_46 = vector.broadcast %broadcast_in_dim3A_45 : vector<256x1xf32> to vector<256x64xf32>
    %mul3A_47 = arith.mulf %add3A_44, %mul3A_46 : vector<256x64xf32>
    %get3A_48 = arith.constant 0 : index
    %get3A_49 = arith.constant 0 : index
    %get3A_50 = vector.load %arg5[%get3A_48, %get3A_49] : memref<128x256xf32, #tpu.memory_space<vmem>>, vector<64x256xf32>
    %dot_general3A = arith.constant dense<0.000000e+00> : vector<256x256xf32>
    %dot_general3A_51 = tpu.matmul %mul3A_30, %get3A_50, %dot_general3A {dimension_numbers = #tpu.dot_dimension_numbers<[1], [0], [0], [1], [0, 0, 1, 1], [], []>, transpose_lhs_hint = false} : vector<256x64xf32>, vector<64x256xf32>, vector<256x256xf32> -> vector<256x256xf32>
    %get3A_52 = arith.constant 64 : index
    %get3A_53 = arith.constant 0 : index
    %get3A_54 = vector.load %arg5[%get3A_52, %get3A_53] : memref<128x256xf32, #tpu.memory_space<vmem>>, vector<64x256xf32>
    %dot_general3A_55 = arith.constant dense<0.000000e+00> : vector<256x256xf32>
    %dot_general3A_56 = tpu.matmul %mul3A_47, %get3A_54, %dot_general3A_55 {dimension_numbers = #tpu.dot_dimension_numbers<[1], [0], [0], [1], [0, 0, 1, 1], [], []>, transpose_lhs_hint = false} : vector<256x64xf32>, vector<64x256xf32>, vector<256x256xf32> -> vector<256x256xf32>
    %add3A_57 = arith.addf %dot_general3A_51, %dot_general3A_56 : vector<256x256xf32>
    %get3A_58 = arith.constant 0 : index
    %get3A_59 = arith.constant 0 : index
    %get3A_60 = vector.load %arg4[%get3A_58, %get3A_59] : memref<256x256xf32, #tpu.memory_space<vmem>>, vector<256x256xf32>
    %add3A_61 = arith.addf %add3A_57, %get3A_60 : vector<256x256xf32>
    %max3A_62 = arith.constant 0.000000e+00 : f32
    %max3A_63 = vector.broadcast %max3A_62 : f32 to vector<256x256xf32>
    %max3A_64 = arith.maximumf %add3A_61, %max3A_63 : vector<256x256xf32>
    %get3A_65 = arith.constant 0 : index
    %get3A_66 = arith.constant 0 : index
    %get3A_67 = vector.load %arg6[%get3A_65, %get3A_66] : memref<256x48xf32, #tpu.memory_space<vmem>>, vector<256x48xf32>
    %dot_general3A_68 = arith.constant dense<0.000000e+00> : vector<256x48xf32>
    %dot_general3A_69 = tpu.matmul %max3A_64, %get3A_67, %dot_general3A_68 {dimension_numbers = #tpu.dot_dimension_numbers<[1], [0], [0], [1], [0, 0, 1, 1], [], []>, transpose_lhs_hint = false} : vector<256x256xf32>, vector<256x48xf32>, vector<256x48xf32> -> vector<256x48xf32>
    %swap3A = arith.constant 0 : index
    %swap3A_70 = arith.constant 0 : index
    %swap3A_71 = vector.load %arg9[%swap3A, %swap3A_70] : memref<256x48xf32, #tpu.memory_space<vmem>>, vector<256x48xf32>
    tpu.vector_store %arg9[%swap3A, %swap3A_70], %dot_general3A_69 {strides = array<i32>} : memref<256x48xf32, #tpu.memory_space<vmem>>, vector<256x48xf32>,
    %get3A_72 = arith.constant 0 : index
    %get3A_73 = arith.constant 0 : index
    %get3A_74 = vector.load %arg7[%get3A_72, %get3A_73] : memref<256x40xf32, #tpu.memory_space<vmem>>, vector<256x40xf32>
    %dot_general3A_75 = arith.constant dense<0.000000e+00> : vector<256x40xf32>
    %dot_general3A_76 = tpu.matmul %max3A_64, %get3A_74, %dot_general3A_75 {dimension_numbers = #tpu.dot_dimension_numbers<[1], [0], [0], [1], [0, 0, 1, 1], [], []>, transpose_lhs_hint = false} : vector<256x256xf32>, vector<256x40xf32>, vector<256x40xf32> -> vector<256x40xf32>
    %get3A_77 = arith.constant 0 : index
    %get3A_78 = arith.constant 0 : index
    %get3A_79 = vector.load %arg8[%get3A_77, %get3A_78] : memref<1x40xf32, #tpu.memory_space<vmem>>, vector<1x40xf32>
    %add3A_80 = vector.broadcast %get3A_79 : vector<1x40xf32> to vector<256x40xf32>
    %add3A_81 = arith.addf %dot_general3A_76, %add3A_80 : vector<256x40xf32>
    %swap3A_82 = arith.constant 0 : index
    %swap3A_83 = arith.constant 0 : index
    %swap3A_84 = vector.load %arg10[%swap3A_82, %swap3A_83] : memref<256x40xf32, #tpu.memory_space<vmem>>, vector<256x40xf32>
    tpu.vector_store %arg10[%swap3A_82, %swap3A_83], %add3A_81 {strides = array<i32>} : memref<256x40xf32, #tpu.memory_space<vmem>>, vector<256x40xf32>,
    return
  }
  func.func @transform_0(%arg0: i32) -> (i32, i32, i32) {
    %c0_i32 = arith.constant 0 : i32
    %c0_i32_0 = arith.constant 0 : i32
    %c0_i32_1 = arith.constant 0 : i32
    return %c0_i32, %arg0, %c0_i32_0 : i32, i32, i32
  }
  func.func @transform_1(%arg0: i32) -> (i32, i32, i32) {
    %c0_i32 = arith.constant 0 : i32
    %c0_i32_0 = arith.constant 0 : i32
    %c0_i32_1 = arith.constant 0 : i32
    return %c0_i32, %arg0, %c0_i32_0 : i32, i32, i32
  }
  func.func @transform_2(%arg0: i32) -> (i32, i32, i32) {
    %c0_i32 = arith.constant 0 : i32
    %c0_i32_0 = arith.constant 0 : i32
    %c0_i32_1 = arith.constant 0 : i32
    return %c0_i32, %arg0, %c0_i32_0 : i32, i32, i32
  }
  func.func @transform_3(%arg0: i32) -> (i32, i32) {
    %c0_i32 = arith.constant 0 : i32
    %c0_i32_0 = arith.constant 0 : i32
    return %arg0, %c0_i32 : i32, i32
  }
  func.func @transform_4(%arg0: i32) -> (i32, i32) {
    %c0_i32 = arith.constant 0 : i32
    %c0_i32_0 = arith.constant 0 : i32
    %c0_i32_1 = arith.constant 0 : i32
    return %c0_i32, %c0_i32_0 : i32, i32
  }
  func.func @transform_5(%arg0: i32) -> (i32, i32) {
    %c0_i32 = arith.constant 0 : i32
    %c0_i32_0 = arith.constant 0 : i32
    %c0_i32_1 = arith.constant 0 : i32
    return %c0_i32, %c0_i32_0 : i32, i32
  }
  func.func @transform_6(%arg0: i32) -> (i32, i32) {
    %c0_i32 = arith.constant 0 : i32
    %c0_i32_0 = arith.constant 0 : i32
    %c0_i32_1 = arith.constant 0 : i32
    return %c0_i32, %c0_i32_0 : i32, i32
  }
  func.func @transform_7(%arg0: i32) -> (i32, i32) {
    %c0_i32 = arith.constant 0 : i32
    %c0_i32_0 = arith.constant 0 : i32
    %c0_i32_1 = arith.constant 0 : i32
    return %c0_i32, %c0_i32_0 : i32, i32
  }
  func.func @transform_8(%arg0: i32) -> (i32, i32) {
    %c0_i32 = arith.constant 0 : i32
    %c0_i32_0 = arith.constant 0 : i32
    return %arg0, %c0_i32 : i32, i32
  }
  func.func @transform_9(%arg0: i32) -> (i32, i32) {
    %c0_i32 = arith.constant 0 : i32
    %c0_i32_0 = arith.constant 0 : i32
    return %arg0, %c0_i32 : i32, i32
  }
}

module attributes {stable_mosaic.version = 14 : i64} {
  func.func @_tc_out(%arg0: i32, %arg1: memref<2x256x48xf32, #tpu.memory_space<vmem>>, %arg2: memref<2x256x16xf32, #tpu.memory_space<vmem>>, %arg3: memref<256x40xf32, #tpu.memory_space<vmem>>, %arg4: memref<256x40xf32, #tpu.memory_space<vmem>>) attributes {dimension_semantics = [#tpu.dimension_semantics<arbitrary>], iteration_bounds = array<i64: 40>, scalar_prefetch = 0 : i64, scratch_operands = 0 : i64, tpu.core_type = #tpu.core_type<tc>, window_params = [{transform_indices = @transform_0, window_bounds = array<i64: 2, 256, 48>}, {transform_indices = @transform_1, window_bounds = array<i64: 2, 256, 16>}, {transform_indices = @transform_2, window_bounds = array<i64: 256, 40>}, {transform_indices = @transform_3, window_bounds = array<i64: 256, 40>}]} {
    %get3A = arith.constant 0 : index
    %get3A_0 = arith.constant 0 : index
    %get3A_1 = arith.constant 0 : index
    %get3A_2 = vector.load %arg2[%get3A, %get3A_0, %get3A_1] : memref<2x256x16xf32, #tpu.memory_space<vmem>>, vector<1x256x1xf32>
    %get3A_3 = vector.shape_cast %get3A_2 : vector<1x256x1xf32> to vector<256xf32>
    %add3A = arith.constant 0.000000e+00 : f32
    %add3A_4 = vector.broadcast %add3A : f32 to vector<256xf32>
    %add3A_5 = arith.addf %add3A_4, %get3A_3 : vector<256xf32>
    %get3A_6 = arith.constant 1 : index
    %get3A_7 = arith.constant 0 : index
    %get3A_8 = arith.constant 0 : index
    %get3A_9 = vector.load %arg2[%get3A_6, %get3A_7, %get3A_8] : memref<2x256x16xf32, #tpu.memory_space<vmem>>, vector<1x256x1xf32>
    %get3A_10 = vector.shape_cast %get3A_9 : vector<1x256x1xf32> to vector<256xf32>
    %add3A_11 = arith.addf %add3A_5, %get3A_10 : vector<256xf32>
    %max3A = arith.constant 1.000000e+00 : f32
    %max3A_12 = vector.broadcast %max3A : f32 to vector<256xf32>
    %max3A_13 = arith.maximumf %add3A_11, %max3A_12 : vector<256xf32>
    %div3A = arith.constant 1.000000e+00 : f32
    %div3A_14 = vector.broadcast %div3A : f32 to vector<256xf32>
    %div3A_15 = arith.divf %div3A_14, %max3A_13 : vector<256xf32>
    %get3A_16 = arith.constant 0 : index
    %get3A_17 = arith.constant 0 : index
    %get3A_18 = arith.constant 0 : index
    %get3A_19 = vector.load %arg1[%get3A_16, %get3A_17, %get3A_18] : memref<2x256x48xf32, #tpu.memory_space<vmem>>, vector<1x256x40xf32>
    %get3A_20 = vector.shape_cast %get3A_19 : vector<1x256x40xf32> to vector<256x40xf32>
    %add3A_21 = arith.constant 0.000000e+00 : f32
    %add3A_22 = vector.broadcast %add3A_21 : f32 to vector<256x40xf32>
    %add3A_23 = arith.addf %add3A_22, %get3A_20 : vector<256x40xf32>
    %get3A_24 = arith.constant 1 : index
    %get3A_25 = arith.constant 0 : index
    %get3A_26 = arith.constant 0 : index
    %get3A_27 = vector.load %arg1[%get3A_24, %get3A_25, %get3A_26] : memref<2x256x48xf32, #tpu.memory_space<vmem>>, vector<1x256x40xf32>
    %get3A_28 = vector.shape_cast %get3A_27 : vector<1x256x40xf32> to vector<256x40xf32>
    %add3A_29 = arith.addf %add3A_23, %get3A_28 : vector<256x40xf32>
    %broadcast_in_dim3A = vector.shape_cast %div3A_15 : vector<256xf32> to vector<256x1xf32>
    %mul3A = vector.broadcast %broadcast_in_dim3A : vector<256x1xf32> to vector<256x40xf32>
    %mul3A_30 = arith.mulf %add3A_29, %mul3A : vector<256x40xf32>
    %get3A_31 = arith.constant 0 : index
    %get3A_32 = arith.constant 0 : index
    %get3A_33 = vector.load %arg3[%get3A_31, %get3A_32] : memref<256x40xf32, #tpu.memory_space<vmem>>, vector<256x40xf32>
    %add3A_34 = arith.addf %mul3A_30, %get3A_33 : vector<256x40xf32>
    %swap3A = arith.constant 0 : index
    %swap3A_35 = arith.constant 0 : index
    %swap3A_36 = vector.load %arg4[%swap3A, %swap3A_35] : memref<256x40xf32, #tpu.memory_space<vmem>>, vector<256x40xf32>
    tpu.vector_store %arg4[%swap3A, %swap3A_35], %add3A_34 {strides = array<i32>} : memref<256x40xf32, #tpu.memory_space<vmem>>, vector<256x40xf32>,
    return
  }
  func.func @transform_0(%arg0: i32) -> (i32, i32, i32) {
    %c0_i32 = arith.constant 0 : i32
    %c0_i32_0 = arith.constant 0 : i32
    %c0_i32_1 = arith.constant 0 : i32
    return %c0_i32, %arg0, %c0_i32_0 : i32, i32, i32
  }
  func.func @transform_1(%arg0: i32) -> (i32, i32, i32) {
    %c0_i32 = arith.constant 0 : i32
    %c0_i32_0 = arith.constant 0 : i32
    %c0_i32_1 = arith.constant 0 : i32
    return %c0_i32, %arg0, %c0_i32_0 : i32, i32, i32
  }
  func.func @transform_2(%arg0: i32) -> (i32, i32) {
    %c0_i32 = arith.constant 0 : i32
    %c0_i32_0 = arith.constant 0 : i32
    return %arg0, %c0_i32 : i32, i32
  }
  func.func @transform_3(%arg0: i32) -> (i32, i32) {
    %c0_i32 = arith.constant 0 : i32
    %c0_i32_0 = arith.constant 0 : i32
    return %arg0, %c0_i32 : i32, i32
  }
}

</mosaic_0001>

<sc_bundles>
// kernel: kernel.11.cloned.1.call-start
scs
__scs_entry_jumppad:
0x0: {  	(pc) =	sbr.rel $0x88, $3  }
0x1: {  	(tag) =	ssettag $0x0;
	lr =	simm.s32 $0x1  }
0x2: {  	[smem:$0x3F99] =	sst lr;
	_ =	strace $0xD0000000  }
0x3: {  	_ = 	snop  }
0x4: {  	_ = 	snop  }
0x5: {  	_ = 	snop  }
0x6: {  	_ = 	snop  }
0x7: {  	_ = 	snop  }
__scs_overlays_trampoline_lowered:
0x8: {  	[smem:$0x3FA8] =	sst s0  }
0x9: {  	[smem:$0x3FA9] =	sst s1  }
0xa: {  	[smem:$0x3FAA] =	sst s2  }
0xb: {  	[smem:$0x3FAB] =	sst s3  }
0xc: {  	[smem:$0x3FAC] =	sst s4  }
0xd: {  	[smem:$0x3FAD] =	sst s5  }
0xe: {  	[smem:$0x3FAE] =	sst s6  }
0xf: {  	[smem:$0x3FAF] =	sst s7  }
0x10: {  	[smem:$0x3FB0] =	sst s8  }
0x11: {  	[smem:$0x3FB1] =	sst s9;
	s0 =	simm.s32 @!p0 $0x0  }
0x12: {  	s1 =	sld [smem:$0x3F97];
	s0 =	simm.s32 @p0 $0x1  }
0x13: {  	[smem:$0x3FB2] =	sst s0;
	s0 =	simm.s32 @!p1 $0x0  }
0x14: {  	s2 =	sld [smem:$0x3F96];
	s0 =	simm.s32 @p1 $0x1  }
0x15: {  	[smem:$0x3FB3] =	sst s0;
	s0 =	simm.s32 @!p2 $0x0  }
0x16: {  	s3 =	sld [smem:$0x3FDB];
	s0 =	simm.s32 @p2 $0x1  }
0x17: {  	s4 =	simm.s32 $0x1BF5;
	[smem:$0x3FB5] =	sst s0  }
0x18: {  	s0 =	sld [smem:$0x3F98];
	_ =	swait.ge [sflag:s4], $0x0  }
0x19: {  	s7 =	sld [smem:$0x3F99]  }
0x1a: {  	s8 =	sadd.s32 $0xFFFFE003, lr  }
0x1b: {  	s9 =	sadd.s32 $0xFFFFFEF7, lr;
	s5 =	simm.s32 $0xFFFFFFFF;
	p2 =	slt.u32 s8, $0xFFFFF086  }
0x1c: {  	p1 =	slt.u32 s9, $0xF7A;
	s5 =	simm.s32 @!p2 $0x0  }
0x1d: {  	s5 =	simm.s32 @p1 $0x1;
	p0 =	seq.s32 s7, s2  }
0x1e: {  	s7 =	smul.u32 @!p0 $0xF7A, s2;
	p2 =	seq.s32 @!p0 s5, $0x0  }
0x1f: {  	s9 =	smul.u32 $0xF7A, s1;
	s8 =	simm.s32 @!p0 $0x1BF5;
	p2 =	por !p2, p0  }
0x20: {  	[sflag:s8] =	ssyncset.s32 @!p0 $0xFFFFF086;
	s6 =	sadd.s32 @!p0 s3, s7;
	s7 =	simm.s32 @!p0 $0x108  }
0x21: {  	s3 =	sadd.s32 s3, s9;
	s6 =	sadd.s32 @!p0 $0x88, s6;
	s7 =	simm.s32 @p2 $0x1082  }
0x22: {  	[simem:s7], [sflag:s8] =	dma.local @!p0 [hbm:s6], $0xF7A  }
0x23: {  	s9 =	sor.u32 $0xD0000000, s2;
	s6 =	simm.s32 $0x108;
	_ =	swait.ge @!p0 [sflag:s8], $0x0  }
0x24: {  	s3 =	sadd.s32 $0x88, s3;
	s6 =	simm.s32 @!p1 $0x1082;
	[sflag:s4] =	ssyncset.s32 $0xFFFFF086  }
0x25: {  	[simem:s6], [sflag:s4] =	dma.local [hbm:s3], $0xF7A  }
0x26: {  	[smem:$0x3F99] =	sst s1;
	(tag) =	ssettag s2;
	_ =	strace s9  }
0x27: {  	s1 =	sld [smem:$0x3FA9]  }
0x28: {  	s2 =	sld [smem:$0x3FAA]  }
0x29: {  	s4 =	sld [smem:$0x3FAC]  }
0x2a: {  	p0 =	seq.s32 s5, $0x0;
	s5 =	sld [smem:$0x3FAD]  }
0x2b: {  	s6 =	sld [smem:$0x3FAE]  }
0x2c: {  	s7 =	sld [smem:$0x3FAF]  }
0x2d: {  	s3 =	simm.s32 $0x108;
	s8 =	sld [smem:$0x3FB0]  }
0x2e: {  	s3 =	simm.s32 @!p0 $0x1082;
	s9 =	sld [smem:$0x3FB1]  }
0x2f: {  	lr =	sadd.s32 s0, s3;
	s0 =	sld [smem:$0x3FA8]  }
0x30: {  	s3 =	sld [smem:$0x3FAB]  }
0x31: {  	[smem:$0x3FB4] =	sst s10  }
0x32: {  	s10 =	sld [smem:$0x3FB2];
	_ =	sdelay $0x3  }
0x33: {  	p0 =	seq.s32 s10, $0x1;
	s10 =	sld [smem:$0x3FB4];
	_ =	sdelay $0x3  }
0x34: {  	[smem:$0x3FB4] =	sst s10  }
0x35: {  	s10 =	sld [smem:$0x3FB3];
	_ =	sdelay $0x3  }
0x36: {  	p1 =	seq.s32 s10, $0x1;
	s10 =	sld [smem:$0x3FB4];
	_ =	sdelay $0x3  }
0x37: {  	[smem:$0x3FB4] =	sst s10  }
0x38: {  	s10 =	sld [smem:$0x3FB5]  }
0x39: {  	_ = 	snop;
	(pc) =	sbr.ind lr, $3  }
0x3a: {  	_ = 	snop  }
0x3b: {  	_ = 	snop  }
0x3c: {  	p2 =	seq.s32 s10, $0x1;
	s10 =	sld [smem:$0x3FB4]  }
0x3d: {  	_ =	shalt  }
0x3e: {  	_ =	shalt  }
0x3f: {  	_ =	shalt  }
0x40: {  	_ =	shalt  }
0x41: {  	_ =	shalt  }
0x42: {  	_ =	shalt  }
0x43: {  	_ =	shalt  }
0x44: {  	_ =	shalt  }
0x45: {  	_ =	shalt  }
0x46: {  	_ =	shalt  }
0x47: {  	_ =	shalt  }
0x48: {  	_ =	shalt  }
0x49: {  	_ =	shalt  }
0x4a: {  	_ =	shalt  }
0x4b: {  	_ =	shalt  }
0x4c: {  	_ =	shalt  }
0x4d: {  	_ =	shalt  }
0x4e: {  	_ =	shalt  }
0x4f: {  	_ =	shalt  }
0x50: {  	_ =	shalt  }
0x51: {  	_ =	shalt  }
0x52: {  	_ =	shalt  }
0x53: {  	_ =	shalt  }
0x54: {  	_ =	shalt  }
0x55: {  	_ =	shalt  }
0x56: {  	_ =	shalt  }
0x57: {  	_ =	shalt  }
0x58: {  	_ =	shalt  }
0x59: {  	_ =	shalt  }
0x5a: {  	_ =	shalt  }
0x5b: {  	_ =	shalt  }
0x5c: {  	_ =	shalt  }
0x5d: {  	_ =	shalt  }
0x5e: {  	_ =	shalt  }
0x5f: {  	_ =	shalt  }
0x60: {  	_ =	shalt  }
0x61: {  	_ =	shalt  }
0x62: {  	_ =	shalt  }
0x63: {  	_ =	shalt  }
0x64: {  	_ =	shalt  }
0x65: {  	_ =	shalt  }
0x66: {  	_ =	shalt  }
0x67: {  	_ =	shalt  }
0x68: {  	_ =	shalt  }
0x69: {  	_ =	shalt  }
0x6a: {  	_ =	shalt  }
0x6b: {  	_ =	shalt  }
0x6c: {  	_ =	shalt  }
0x6d: {  	_ =	shalt  }
0x6e: {  	_ =	shalt  }
0x6f: {  	_ =	shalt  }
0x70: {  	_ =	shalt  }
0x71: {  	_ =	shalt  }
0x72: {  	_ =	shalt  }
0x73: {  	_ =	shalt  }
0x74: {  	_ =	shalt  }
0x75: {  	_ =	shalt  }
0x76: {  	_ =	shalt  }
0x77: {  	_ =	shalt  }
0x78: {  	_ =	shalt  }
0x79: {  	_ =	shalt  }
0x7a: {  	_ =	shalt  }
0x7b: {  	_ =	shalt  }
0x7c: {  	_ =	shalt  }
0x7d: {  	_ =	shalt  }
0x7e: {  	_ =	shalt  }
0x7f: {  	_ =	shalt  }
0x80: {  	_ =	shalt  }
0x81: {  	_ =	shalt  }
0x82: {  	_ =	shalt  }
0x83: {  	_ =	shalt  }
0x84: {  	_ =	shalt  }
0x85: {  	_ =	shalt  }
0x86: {  	_ =	shalt  }
0x87: {  	_ =	shalt  }
.Lfunc_end0:
.L_simem_size_0:
called_computation.1_lowered:
.L_overlay_start_0:
0x88: {  	s2 =	sld [smem:$0x3FD9]  }
0x89: {  	s3 =	sld [smem:$0x3FFE];
	_ =	sdelay $0x1  }
0x8a: {  	s1 =	srdreg.scid  }
0x8b: {  	s0 =	sand.u32 $0x1, s1  }
0x8c: {  	s17 =	sshll.u32 s0, $0xA;
	s2 =	sadd.s32 s3, s2  }
0x8d: {  	s2 =	sadd.s32 s2, s17  }
0x8e: {  	[smem:$0x3FC0] =	sst s2  }
0x8f: {  	_ = 	snop  }
0x90: {  	s18 =	sld [smem:$0x3FD0];
	(tm) =	ssettm $0x1  }
0x91: {  	s19 =	sld [smem:$0x3FFB];
	_ =	sdelay $0x3  }
0x92: {  	_ =	strace s19  }
0x93: {  	s2 =	sld [smem:$0x3FFC];
	_ =	sdelay $0x3  }
0x94: {  	_ =	strace s2  }
0x95: {  	s2 =	sld [smem:$0x3FFD];
	_ =	sdelay $0x3  }
0x96: {  	_ =	strace s2  }
0x97: {  	_ =	strace $0x8FFFFFFF  }
0x98: {  	s20 =	sld [smem:$0x3FDB];
	_ =	sdelay $0x1  }
0x99: {  	s4 =	simm.s32 $_scs_section_size  }
0x9a: {  	s5 =	simm.s32 $_size__tile_overlayer_lowered;
	s6 =	simm.s32 $_tile_overlayer_lowered  }
0x9b: {  	s7 =	simm.s32 $0x1BFF;
	s21 =	sshll.u32 s6, $0x1;
	s4 =	sadd.s32 s4, s20  }
0x9c: {  	s22 =	simm.s32 $0x0;
	s5 =	sshll.u32 s5, $0x1;
	s6 =	sadd.s32 s21, s4  }
0x9d: {  	[timem:s22], [sflag:s7] =	dma.local [hbm:s6], s5  }
0x9e: {  	_ =	swait.ge [sflag:s7], s5  }
0x9f: {  	s5 =	ssub.s32 $0x0, s5;
	[sflag:s7] =	ssyncset.done $0x0  }
0xa0: {  	[sflag:s7] =	ssyncadd.s32 s5;
	_ =	sdelay $0x1  }
0xa1: {  	s23 =	simm.s32 $0x1B8B  }
0xa2: {  	_ =	swait.ge [sflag:s23], $0x1  }
0xa3: {  	[sflag:s23] =	ssyncset.done $0x0  }
0xa4: {  	[sflag:s23] =	ssyncadd.s32 $0xFFFFFFFF  }
0xa5: {  	s5 =	sld [smem:$0x0]  }
0xa6: {  	s6 =	sand.u32 $0xFFFFFFFE, s1  }
0xa7: {  	p0 =	sne.s32 s1, s6  }
0xa8: {  	s6 =	sshll.u32 @p0 s6, $0xE  }
0xa9: {  	s6 =	sadd.s32 @p0 $0x11B8D, s6;
	s7 =	sshll.u32 @p0 s5, $0x11  }
0xaa: {  	s6 =	sor.u32 @p0 s7, s6  }
0xab: {  	[sflag:s6] =	ssyncadd.remote.s32 @p0 $0x1;
	_ =	sdelay $0x1  }
0xac: {  	s6 =	simm.s32 @p0 $0x1B8D  }
0xad: {  	_ =	swait.eq @p0 [sflag:s6], $0x1  }
0xae: {  	[sflag:s6] =	ssyncadd.s32 @p0 $0xFFFFFFFF  }
0xaf: {  	s7 =	sshll.u32 @!p0 s1, $0xE  }
0xb0: {  	s7 =	sor.u32 @!p0 $0x4000, s7;
	s6 =	simm.s32 @!p0 $0x1B8D  }
0xb1: {  	s5 =	sshll.u32 @!p0 s5, $0x11;
	s7 =	sadd.s32 @!p0 $0x11B8D, s7;
	_ =	swait.eq @!p0 [sflag:s6], $0x1  }
0xb2: {  	s5 =	sor.u32 @!p0 s5, s7;
	[sflag:s6] =	ssyncadd.s32 @!p0 $0xFFFFFFFF  }
0xb3: {  	s25 =	simm.s32 $0x1B8E;
	s24 =	sld [smem:$0x3FFE];
	[sflag:s5] =	ssyncadd.remote.s32 @!p0 $0x1  }
0xb4: {  	s26 =	simm.s32 $execute0_lowered;
	[smem:$0x3FD2] =	sst s25  }
0xb5: {  	s6 =	sshll.u32 s26, $0x1;
	_ =	strace $0x80000049;
	[dreg:$0x1] =	wrdreg $0xFFFFFFFF  }
0xb6: {  	s28 =	simm.s32 $_size_execute0_lowered;
	s4 =	sadd.s32 s4, s6;
	[dreg:$0x0] =	wrdreg $0x0  }
0xb7: {  	s6 =	sshll.u32 s28, $0x1;
	[dreg:$0x2] =	wrdreg s4  }
0xb8: {  	[dreg:$0x3] =	wrdreg s6  }
0xb9: {  	[dreg:$0x4] =	wrdreg $0xC0  }
0xba: {  	_ =	task [dreg:s22], $0x5FFFF  }
0xbb: {  	[dreg:$0x1] =	wrdreg $0xFFFFFFFF  }
0xbc: {  	[dreg:$0x0] =	wrdreg $0x60  }
0xbd: {  	[dreg:$0x2] =	wrdreg s24  }
0xbe: {  	[dreg:$0x3] =	wrdreg s18  }
0xbf: {  	[dreg:$0x4] =	wrdreg $0x0  }
0xc0: {  	[dreg:$0x5] =	wrdreg $0x1B0000  }
0xc1: {  	[dreg:$0x6] =	wrdreg $0xA  }
0xc2: {  	_ =	task.clear_ibuf [dreg:s22], $0x7FFFF;
	_ =	strace $0x90000049  }
0xc3: {  	s29 =	simm.s32 $0xA;
	_ =	strace $0x8000004B  }
0xc4: {  	_ =	swait.ge [sflag:s29], $0x1  }
0xc5: {  	[sflag:s29] =	ssyncadd.s32 $0xFFFFFFFF  }
0xc6: {  	_ =	strace $0x9000004B  }
0xc7: {  	_ =	sfence  }
0xc8: {  	s30 =	sld [smem:$0x0];
	_ =	sdelay $0x2  }
0xc9: {  	s31 =	sshll.u32 s1, $0xD;
	s1 =	sshrl.u32 s1, $0x2  }
0xca: {  	s4 =	sand.u32 $0x4000, s31;
	s1 =	sadd.s32 s1, s30  }
0xcb: {  	s0 =	sor.u32 s4, s0;
	s1 =	sshll.u32 s1, $0x11  }
0xcc: {  	s0 =	sor.u32 s1, s0  }
0xcd: {  	s0 =	sadd.s32 $0x8F2B, s0  }
0xce: {  	[sflag:s0] =	ssyncadd.remote.s32 $0x1  }
0xcf: {  	_ =	sfence.sel $0xFFFF  }
0xd0: {  	[dreg:$0x0] =	wrdreg $0xFFFFFFFF;
	(pc) =	sbr.abs _section_cstart, $3  }
0xd1: {  	[dreg:$0x1] =	wrdreg $0xFFFFFFFF  }
0xd2: {  	_ =	task.clear_ibuf [dreg:s22], $0x2FFFF;
	_ =	strace $0x9FFFFFFF  }
0xd3: {  	(tm) =	ssettm $0x7FFFFFFF  }
tec
execute0_lowered:
.L_overlay_start_1:
0x0: {  	(tag) =	ssettag $0x1  }
0x1: {  	s0 =	rddreg [dreg:$0x0]  }
0x2: {  	s1 =	rddreg [dreg:$0x1];
	s3 =	srdreg.scid  }
0x3: {  	s2 =	rddreg [dreg:$0x2];
	s16 =	stileid.u32;
	s5 =	simm.s32 $0x0  }
0x4: {  	s19 =	simm.s32 $0x80;
	s22 =	simm.s32 $0x14E00;
	s7 =	smul.u32 $0x9E00, s16  }
0x5: {  	s28 =	simm.s32 $0x9;
	s29 =	simm.s32 $0x1;
	s9 =	smul.u32 $0x2780, s16  }
0x6: {  	s30 =	simm.s32 $0x1D780;
	s31 =	simm.s32 $0x2;
	s13 =	smul.u32 $0x90, s16  }
0x7: {  	s4 =	sand.u32 $0x1, s3;
	s3 =	rddreg [dreg:$0x3];
	s15 =	smul.u32 $0x4800, s16  }
0x8: {  	[smem:$0x7FF] =	sst s5;
	s5 =	sadd.s32 $0x51000, s0;
	s20 =	smul.u32 $0x27800, s16  }
0x9: {  	s10 =	sadd.s32 $0x15A00, s0;
	s14 =	sshll.u32 s16, $0x4;
	s6 =	smul.u32 $0x9E000, s4  }
0xa: {  	s8 =	smul.u32 $0x27800, s4;
	_ =	strace $0x8000004A;
	s24 =	ssub.s32 $0x2, s4  }
0xb: {  	p0 =	seq.s32 s4, $0x0;
	s14 =	sor.u32 $0x900, s14;
	s12 =	sshrl.u32 s24, $0x1  }
0xc: {  	s14 =	smov.u32 @p0 s13;
	s26 =	sshrl.u32 s15, $0x3;
	s18 =	sadd.s32 s7, s2  }
0xd: {  	s21 =	sadd.s32 s9, s3;
	s6 =	sadd.s32 s7, s6;
	s8 =	sadd.s32 s9, s8  }
0xe: {  	s25 =	sshll.u32 s14, $0x4;
	s13 =	sadd.s32 $0x100, s26;
	s7 =	sshrl.u32 s7, $0x2  }
0xf: {  	s26 =	simm.s32 $0x18E00;
	s6 =	sshrl.u32 s6, $0x3;
	s23 =	sshrl.u32 s8, $0x3  }
0x10: {  	s8 =	ssub.s32 s24, s12;
	s14 =	sadd.s32 s1, s25;
	[dreg:$0x6] =	wrdreg s26  }
0x11: {  	s12 =	sadd.s32 s10, s25;
	s1 =	sadd.s32 s1, s13;
	[dreg:$0x8] =	wrdreg s14  }
0x12: {  	s15 =	sadd.s32 s10, s13;
	s25 =	simm.s32 $0x16E00;
	[dreg:$0x9] =	wrdreg s12  }
0x13: {  	s26 =	simm.s32 $0x1DF80;
	s11 =	sadd.s32 s6, s0;
	[dreg:$0xa] =	wrdreg s1  }
0x14: {  	s0 =	sadd.s32 s23, s0;
	s6 =	simm.s32 $0x90;
	[dreg:$0xb] =	wrdreg s15  }
0x15: {  	s8 =	smax.u32 s8, $0x1;
	s23 =	sshrl.u32 s20, $0x2;
	s14 =	sadd.s32 s7, s3  }
0x16: {  	s20 =	simm.s32 $0x12E00;
	[dreg:$0x5] =	wrdreg s25;
	s1 =	sshrl.u32 s18, $0x3  }
0x17: {  	s25 =	sshrl.u32 s21, $0x3;
	s18 =	simm.s32 $0x4;
	s21 =	simm.s32 $0x5  }
0x18: {  	s7 =	simm.s32 $0x8;
	s6 =	simm.s32 @!p0 $0x10;
	s17 =	sadd.s32 $0x6E800, s11  }
0x19: {  	s0 =	sadd.s32 $0x64A00, s0;
	[dreg:$0xe] =	wrdreg s8;
	s15 =	sadd.s32 s23, s2  }
0x1a: {  	p0 =	sne.s32 s4, $0x0;
	s23 =	simm.s32 $0x1AE00;
	[dreg:$0xf] =	wrdreg s1  }
0x1b: {  	s1 =	simm.s32 $0x3;
	s4 =	simm.s32 $0x7;
	[dreg:$0xc] =	wrdreg s17  }
0x1c: {  	s8 =	simm.s32 $0x0;
	[dreg:$0xd] =	wrdreg s0;
	s24 =	sshll.u32 s6, $0x9  }
0x1d: {  	v0 =	vimm.f32 $0.0e+00;
	v1 =	vimm.f32 $1.000000000e+00;
	s17 =	simm.s32 $0xA;
	s0 =	simm.s32 $0x6;
	[dreg:$0x7] =	wrdreg s24  }
.LBB2_1:
0x1e: {  	s9 =	simm.s32 $0x0;
	s10 =	rddreg [dreg:$0x8];
	s13 =	simm.s32 $0x9E00  }
0x1f: {  	[tilespmem:s13], [sflag:$0xA] =	stream.linear.gather [hbm4b:s10+s9], $0x800, $0x38;
	[tilespmem:$0x1E000] =	vst v63  }
0x20: {  	_ =	swait.ge [sflag:s17], $0x800  }
0x21: {  	[sflag:s17] =	ssyncset.done $0x0  }
0x22: {  	s11 =	simm.s32 $0xE600;
	s16 =	rddreg [dreg:$0x9];
	[sflag:s17] =	ssyncadd.s32 $0xFFFFF800  }
0x23: {  	[tilespmem:s11], [sflag:$0xA] =	stream.linear.gather [hbm4b:s16+s9], $0x800, $0x38;
	[tilespmem:$0x1E000] =	vst v63  }
0x24: {  	_ =	swait.ge [sflag:s17], $0x800  }
0x25: {  	s10 =	simm.s32 @!p0 $0xA600;
	[sflag:s17] =	ssyncset.done $0x0  }
0x26: {  	s9 =	simm.s32 @!p0 $0x0;
	s11 =	rddreg [dreg:$0xa];
	[sflag:s17] =	ssyncadd.s32 $0xFFFFF800  }
0x27: {  	[tilespmem:s10], [sflag:$0xA] =	stream.linear.gather @!p0 [hbm4b:s11+s9], $0x4000, $0x38;
	[tilespmem:$0x1E000] =	vst v63  }
0x28: {  	s10 =	simm.s32 @!p0 $0xA  }
0x29: {  	_ =	swait.ge @!p0 [sflag:s10], $0x4000  }
0x2a: {  	[sflag:s10] =	ssyncset.done @!p0 $0x0  }
0x2b: {  	s11 =	simm.s32 @!p0 $0xEE00;
	s12 =	rddreg [dreg:$0xb];
	[sflag:s10] =	ssyncadd.s32 @!p0 $0xFFFFC000  }
0x2c: {  	[tilespmem:s11], [sflag:$0xA] =	stream.linear.gather @!p0 [hbm4b:s12+s9], $0x4000, $0x38;
	[tilespmem:$0x1E000] =	vst v63  }
0x2d: {  	_ =	swait.ge @!p0 [sflag:s10], $0x4000  }
0x2e: {  	[sflag:s10] =	ssyncset.done @!p0 $0x0  }
0x2f: {  	[sflag:s10] =	ssyncadd.s32 @!p0 $0xFFFFC000  }
0x30: {  	[tilespmem:s20], [sflag:$0x1] =	stream.indirect.gather [hbm4b:s5+s19], $0x40, s13, s19, $0xb8;
	[tilespmem:$0x1E000] =	vst v63  }
0x31: {  	s24 =	simm.s32 $0x9E80  }
0x32: {  	[tilespmem:s22], [sflag:$0x2] =	stream.indirect.gather [hbm4b:s5+s19], $0x40, s24, s19, $0xb8;
	[tilespmem:$0x1E000] =	vst v63  }
0x33: {  	[tilespmem:$0x1AE00] =	vst v0  }
0x34: {  	[tilespmem:$0x1AE10] =	vst v0  }
0x35: {  	[tilespmem:$0x1AE20] =	vst v0  }
0x36: {  	[tilespmem:$0x1AE30] =	vst v0  }
0x37: {  	[tilespmem:$0x1DF80] =	vst v0  }
0x38: {  	[tilespmem:$0x1AE40] =	vst v0  }
0x39: {  	[tilespmem:$0x1AE50] =	vst v0  }
0x3a: {  	[tilespmem:$0x1AE60] =	vst v0  }
0x3b: {  	[tilespmem:$0x1AE70] =	vst v0  }
0x3c: {  	[tilespmem:$0x1DF90] =	vst v0  }
0x3d: {  	[tilespmem:$0x1AE80] =	vst v0  }
0x3e: {  	[tilespmem:$0x1AE90] =	vst v0  }
0x3f: {  	[tilespmem:$0x1AEA0] =	vst v0  }
0x40: {  	[tilespmem:$0x1AEB0] =	vst v0  }
0x41: {  	[tilespmem:$0x1DFA0] =	vst v0  }
0x42: {  	[tilespmem:$0x1AEC0] =	vst v0  }
0x43: {  	[tilespmem:$0x1AED0] =	vst v0  }
0x44: {  	[tilespmem:$0x1AEE0] =	vst v0  }
0x45: {  	[tilespmem:$0x1AEF0] =	vst v0  }
0x46: {  	[tilespmem:$0x1DFB0] =	vst v0  }
0x47: {  	[tilespmem:$0x1AF00] =	vst v0  }
0x48: {  	[tilespmem:$0x1AF10] =	vst v0  }
0x49: {  	[tilespmem:$0x1AF20] =	vst v0  }
0x4a: {  	[tilespmem:$0x1AF30] =	vst v0  }
0x4b: {  	[tilespmem:$0x1DFC0] =	vst v0  }
0x4c: {  	[tilespmem:$0x1AF40] =	vst v0  }
0x4d: {  	[tilespmem:$0x1AF50] =	vst v0  }
0x4e: {  	[tilespmem:$0x1AF60] =	vst v0  }
0x4f: {  	[tilespmem:$0x1AF70] =	vst v0  }
0x50: {  	[tilespmem:$0x1DFD0] =	vst v0  }
0x51: {  	[tilespmem:$0x1AF80] =	vst v0  }
0x52: {  	[tilespmem:$0x1AF90] =	vst v0  }
0x53: {  	[tilespmem:$0x1AFA0] =	vst v0  }
0x54: {  	[tilespmem:$0x1AFB0] =	vst v0  }
0x55: {  	[tilespmem:$0x1DFE0] =	vst v0  }
0x56: {  	[tilespmem:$0x1AFC0] =	vst v0  }
0x57: {  	[tilespmem:$0x1AFD0] =	vst v0  }
0x58: {  	[tilespmem:$0x1AFE0] =	vst v0  }
0x59: {  	[tilespmem:$0x1AFF0] =	vst v0  }
0x5a: {  	s9 =	simm.s32 $0x0;
	[tilespmem:$0x1DFF0] =	vst v0  }
.LBB2_2:
0x5b: {  	p1 =	sne.s32 s9, $0x1FC0  }
.Ltmp0:
0x5c: {  	_ = 	snop;
	(pc) =	sbr.rel @p1 .LBB2_2-.Ltmp0, $3  }
0x5d: {  	_ =	sdelay $0x1  }
0x5e: {  	s10 =	sshra.s32 s9, $0x2  }
0x5f: {  	s9 =	sadd.s32 $0x40, s9;
	[tilespmem:s10+$0x1D780] =	vst v1  }
0x60: {  	[spmem:s15] =	stream.linear.scatter [tilespmem:s23], [sflag:$0x9], $0x200, $0x38;
	[tilespmem:$0x1E000] =	vst v63  }
0x61: {  	s9 =	simm.s32 $0x200;
	s11 =	sadd.s32 $0x0, s14;
	s10 =	sadd.s32 $0x200, s15  }
.LBB2_4:
0x62: {  	[spmem:s11] =	stream.linear.scatter [tilespmem:s26], [sflag:$0x9], $0x80, $0x38;
	[tilespmem:$0x1E000] =	vst v63  }
0x63: {  	s11 =	smov.u32 s9;
	p1 =	sne.s32 s9, $0x9C00  }
.Ltmp1:
0x64: {  	s9 =	sadd.s32 $0x200, s9;
	(pc) =	sbr.rel @p1 .LBB2_4-.Ltmp1, $4  }
0x65: {  	[spmem:s10] =	stream.linear.scatter [tilespmem:s23], [sflag:$0x9], $0x200, $0x38;
	[tilespmem:$0x1E000] =	vst v63  }
0x66: {  	_ = 	snop  }
0x67: {  	s11 =	sshra.s32 s11, $0x2  }
0x68: {  	s11 =	sadd.s32 s11, s14;
	s10 =	sadd.s32 $0x200, s10  }
0x69: {  	[spmem:s11] =	stream.linear.scatter [tilespmem:s26], [sflag:$0x9], $0x80, $0x38;
	[tilespmem:$0x1E000] =	vst v63  }
0x6a: {  	_ =	swait.ge [sflag:s28], $0x200  }
0x6b: {  	[sflag:s28] =	ssyncset.done $0x0  }
0x6c: {  	[sflag:s28] =	ssyncadd.s32 $0xFFFFFE00  }
0x6d: {  	_ =	swait.ge [sflag:s28], $0x80  }
0x6e: {  	s9 =	simm.s32 $0x4E;
	[sflag:s28] =	ssyncset.done $0x0  }
.LBB2_6:
0x6f: {  	p1 =	sne.s32 s9, $0x1;
	s9 =	sadd.s32 $0xFFFFFFFF, s9;
	[sflag:s28] =	ssyncadd.s32 $0xFFFFFF80  }
.Ltmp2:
0x70: {  	_ =	swait.ge [sflag:s28], $0x200;
	(pc) =	sbr.rel @p1 .LBB2_6-.Ltmp2, $4  }
0x71: {  	[sflag:s28] =	ssyncset.done $0x0  }
0x72: {  	[sflag:s28] =	ssyncadd.s32 $0xFFFFFE00  }
0x73: {  	_ =	swait.ge [sflag:s28], $0x80  }
0x74: {  	[sflag:s28] =	ssyncset.done $0x0  }
0x75: {  	[sflag:s28] =	ssyncadd.s32 $0xFFFFFF80  }
0x76: {  	s10 =	simm.s32 $0x0;
	s9 =	simm.s32 $0x0;
	[bflag:$0x0] =	sbarrier.arrive $0xFFFF  }
.LBB2_8:
0x77: {  	_ =	swait.ge [sflag:s29], $0x2000;
	s13 =	sadd.s32 $0x2, s10  }
0x78: {  	s11 =	sshra.s32 s9, $0x2;
	[sflag:s29] =	ssyncset.done $0x0;
	p1 =	sge.u32 s13, s6  }
0x79: {  	s12 =	sadd.s32 $0xE600, s11;
	[sflag:s29] =	ssyncadd.s32 $0xFFFFE000;
	p2 =	slt.s32 @!p1 s10, $0x4  }
0x7a: {  	[spmem:s2] =	stream.indirect.scatter.add.f32 [tilespmem:s20], [sflag:$0x5], $0x40, s12, s19, $0xb8;
	[tilespmem:$0x1E000] =	vst v63  }
0x7b: {  	p2 =	por p2, p1  }
0x7c: {  	[spmem:s3] =	stream.indirect.scatter.add.f32 [tilespmem:s30], [sflag:$0x5], $0x10, s12, s19, $0xb8;
	[tilespmem:$0x1E000] =	vst v63  }
0x7d: {  	s12 =	simm.s32 @!p2 $0x7  }
0x7e: {  	_ =	swait.ge @!p2 [sflag:s12], $0x2000  }
0x7f: {  	[sflag:s12] =	ssyncset.done @!p2 $0x0  }
0x80: {  	[sflag:s12] =	ssyncadd.s32 @!p2 $0xFFFFE000  }
0x81: {  	_ =	swait.ge @!p2 [sflag:s12], $0x800  }
0x82: {  	[sflag:s12] =	ssyncset.done @!p2 $0x0  }
0x83: {  	s24 =	sadd.s32 $0x3, s10;
	[sflag:s12] =	ssyncadd.s32 @!p2 $0xFFFFF800;
	s12 =	sshra.s32 @!p1 s9, $0x2  }
0x84: {  	s13 =	simm.s32 @!p1 $0x80;
	s16 =	simm.s32 @!p1 $0x16E00;
	s12 =	sadd.s32 @!p1 $0x9F00, s12  }
0x85: {  	[tilespmem:s16], [sflag:$0x3] =	stream.indirect.gather @!p1 [hbm4b:s5+s13], $0x40, s12, s13, $0xb8;
	[tilespmem:$0x1E000] =	vst v63  }
0x86: {  	p1 =	sge.u32 s24, s6;
	_ =	swait.ge [sflag:s31], $0x2000  }
0x87: {  	p2 =	slt.s32 @!p1 s10, $0x4;
	[sflag:s31] =	ssyncset.done $0x0  }
0x88: {  	s16 =	sadd.s32 $0xE680, s11;
	p2 =	por p2, p1;
	[sflag:s31] =	ssyncadd.s32 $0xFFFFE000  }
0x89: {  	[spmem:s2] =	stream.indirect.scatter.add.f32 [tilespmem:s22], [sflag:$0x6], $0x40, s16, s19, $0xb8;
	[tilespmem:$0x1E000] =	vst v63  }
0x8a: {  	s12 =	simm.s32 @!p2 $0x8  }
0x8b: {  	[spmem:s3] =	stream.indirect.scatter.add.f32 [tilespmem:s30], [sflag:$0x6], $0x10, s16, s19, $0xb8;
	[tilespmem:$0x1E000] =	vst v63  }
0x8c: {  	_ =	swait.ge @!p2 [sflag:s12], $0x2000  }
0x8d: {  	[sflag:s12] =	ssyncset.done @!p2 $0x0  }
0x8e: {  	[sflag:s12] =	ssyncadd.s32 @!p2 $0xFFFFE000  }
0x8f: {  	_ =	swait.ge @!p2 [sflag:s12], $0x800  }
0x90: {  	[sflag:s12] =	ssyncset.done @!p2 $0x0  }
0x91: {  	[sflag:s12] =	ssyncadd.s32 @!p2 $0xFFFFF800;
	s12 =	sshra.s32 @!p1 s9, $0x2  }
0x92: {  	s13 =	simm.s32 @!p1 $0x80;
	s16 =	simm.s32 @!p1 $0x18E00;
	s12 =	sadd.s32 @!p1 $0x9F80, s12  }
0x93: {  	[tilespmem:s16], [sflag:$0x4] =	stream.indirect.gather @!p1 [hbm4b:s5+s13], $0x40, s12, s13, $0xb8;
	[tilespmem:$0x1E000] =	vst v63  }
0x94: {  	_ =	swait.ge [sflag:s1], $0x2000  }
0x95: {  	s16 =	sadd.s32 $0xE700, s11;
	s12 =	sadd.s32 $0x4, s10;
	[sflag:s1] =	ssyncset.done $0x0  }
0x96: {  	p1 =	sge.u32 s12, s6;
	s13 =	rddreg [dreg:$0x5];
	[sflag:s1] =	ssyncadd.s32 $0xFFFFE000  }
0x97: {  	[spmem:s2] =	stream.indirect.scatter.add.f32 [tilespmem:s13], [sflag:$0x7], $0x40, s16, s19, $0xb8;
	[tilespmem:$0x1E000] =	vst v63  }
0x98: {  	s13 =	simm.s32 @!p1 $0x5  }
0x99: {  	[spmem:s3] =	stream.indirect.scatter.add.f32 [tilespmem:s30], [sflag:$0x7], $0x10, s16, s19, $0xb8;
	[tilespmem:$0x1E000] =	vst v63  }
0x9a: {  	_ =	swait.ge @!p1 [sflag:s13], $0x2000  }
0x9b: {  	[sflag:s13] =	ssyncset.done @!p1 $0x0  }
0x9c: {  	[sflag:s13] =	ssyncadd.s32 @!p1 $0xFFFFE000  }
0x9d: {  	_ =	swait.ge @!p1 [sflag:s13], $0x800  }
0x9e: {  	[sflag:s13] =	ssyncset.done @!p1 $0x0  }
0x9f: {  	[sflag:s13] =	ssyncadd.s32 @!p1 $0xFFFFF800;
	s13 =	sshra.s32 @!p1 s9, $0x2  }
0xa0: {  	s24 =	simm.s32 @!p1 $0x12E00;
	s16 =	simm.s32 @!p1 $0x80;
	s13 =	sadd.s32 @!p1 $0xA000, s13  }
0xa1: {  	[tilespmem:s24], [sflag:$0x1] =	stream.indirect.gather @!p1 [hbm4b:s5+s16], $0x40, s13, s16, $0xb8;
	[tilespmem:$0x1E000] =	vst v63  }
0xa2: {  	_ =	swait.ge [sflag:s18], $0x2000  }
0xa3: {  	s11 =	sadd.s32 $0xE780, s11;
	s16 =	sadd.s32 $0x5, s10;
	[sflag:s18] =	ssyncset.done $0x0  }
0xa4: {  	p1 =	sge.u32 s16, s6;
	s24 =	rddreg [dreg:$0x6];
	[sflag:s18] =	ssyncadd.s32 $0xFFFFE000  }
0xa5: {  	[spmem:s2] =	stream.indirect.scatter.add.f32 [tilespmem:s24], [sflag:$0x8], $0x40, s11, s19, $0xb8;
	[tilespmem:$0x1E000] =	vst v63  }
0xa6: {  	s10 =	simm.s32 @!p1 $0x6  }
0xa7: {  	[spmem:s3] =	stream.indirect.scatter.add.f32 [tilespmem:s30], [sflag:$0x8], $0x10, s11, s19, $0xb8;
	[tilespmem:$0x1E000] =	vst v63  }
0xa8: {  	_ =	swait.ge @!p1 [sflag:s10], $0x2000  }
0xa9: {  	[sflag:s10] =	ssyncset.done @!p1 $0x0  }
0xaa: {  	[sflag:s10] =	ssyncadd.s32 @!p1 $0xFFFFE000  }
0xab: {  	s13 =	simm.s32 @!p1 $0x14E00;
	s11 =	sshra.s32 @!p1 s9, $0x2;
	_ =	swait.ge @!p1 [sflag:s10], $0x800  }
0xac: {  	s9 =	sadd.s32 $0x800, s9;
	[sflag:s10] =	ssyncset.done @!p1 $0x0;
	s24 =	rddreg [dreg:$0x7]  }
0xad: {  	[sflag:s10] =	ssyncadd.s32 @!p1 $0xFFFFF800;
	s10 =	sadd.s32 @!p1 $0xA080, s11;
	s11 =	simm.s32 @!p1 $0x80  }
0xae: {  	[tilespmem:s13], [sflag:$0x2] =	stream.indirect.gather @!p1 [hbm4b:s5+s11], $0x40, s10, s11, $0xb8;
	[tilespmem:$0x1E000] =	vst v63  }
0xaf: {  	p1 =	sne.s32 s24, s9  }
.Ltmp3:
0xb0: {  	_ = 	snop;
	(pc) =	sbr.rel @p1 .LBB2_8-.Ltmp3, $2  }
0xb1: {  	_ =	sdelay $0x2  }
0xb2: {  	s10 =	smov.u32 s12  }
0xb3: {  	_ =	swait.ge [sflag:s21], $0x2000  }
0xb4: {  	[sflag:s21] =	ssyncset.done $0x0  }
0xb5: {  	[sflag:s21] =	ssyncadd.s32 $0xFFFFE000  }
0xb6: {  	_ =	swait.ge [sflag:s21], $0x800  }
0xb7: {  	[sflag:s21] =	ssyncset.done $0x0  }
0xb8: {  	[sflag:s21] =	ssyncadd.s32 $0xFFFFF800  }
0xb9: {  	_ =	swait.ge [sflag:s0], $0x2000  }
0xba: {  	[sflag:s0] =	ssyncset.done $0x0  }
0xbb: {  	[sflag:s0] =	ssyncadd.s32 $0xFFFFE000  }
0xbc: {  	_ =	swait.ge [sflag:s0], $0x800  }
0xbd: {  	[sflag:s0] =	ssyncset.done $0x0  }
0xbe: {  	[sflag:s0] =	ssyncadd.s32 $0xFFFFF800  }
0xbf: {  	_ =	swait.ge [sflag:s4], $0x2000  }
0xc0: {  	[sflag:s4] =	ssyncset.done $0x0  }
0xc1: {  	[sflag:s4] =	ssyncadd.s32 $0xFFFFE000  }
0xc2: {  	_ =	swait.ge [sflag:s4], $0x800  }
0xc3: {  	[sflag:s4] =	ssyncset.done $0x0  }
0xc4: {  	[sflag:s4] =	ssyncadd.s32 $0xFFFFF800  }
0xc5: {  	_ =	swait.ge [sflag:s7], $0x2000  }
0xc6: {  	[sflag:s7] =	ssyncset.done $0x0  }
0xc7: {  	[sflag:s7] =	ssyncadd.s32 $0xFFFFE000  }
0xc8: {  	_ =	swait.ge [sflag:s7], $0x800  }
0xc9: {  	[sflag:s7] =	ssyncset.done $0x0  }
0xca: {  	[sflag:s7] =	ssyncadd.s32 $0xFFFFF800  }
0xcb: {  	s9 =	stileid.u32;
	[bflag:$0x0] =	sbarrier.arrive $0xFFFF  }
0xcc: {  	s9 =	sshll.u32 s9, $0x6;
	s10 =	rddreg [dreg:$0xc]  }
0xcd: {  	s9 =	sor.u32 $0x1C0A, s9;
	s11 =	rddreg [dreg:$0xf]  }
0xce: {  	[hbm:s10], [sflag:s9] =	dma.local [spmem:s11], $0x13C0  }
0xcf: {  	_ =	swait.ge [sflag:s17], $0x13C0  }
0xd0: {  	[sflag:s17] =	ssyncset.done $0x0  }
0xd1: {  	s16 =	rddreg [dreg:$0xd];
	[sflag:s17] =	ssyncadd.s32 $0xFFFFEC40  }
0xd2: {  	[hbm:s16], [sflag:s9] =	dma.local [spmem:s25], $0x4F0  }
0xd3: {  	_ =	swait.ge [sflag:s17], $0x4F0  }
0xd4: {  	s8 =	sadd.s32 $0x1, s8;
	s24 =	rddreg [dreg:$0xe]  }
0xd5: {  	p1 =	sne.s32 s8, s24  }
.Ltmp4:
0xd6: {  	_ = 	snop;
	(pc) =	sbr.rel @p1 .LBB2_1-.Ltmp4, $3  }
0xd7: {  	_ =	sdelay $0x1  }
0xd8: {  	[sflag:s17] =	ssyncset.done $0x0  }
0xd9: {  	[sflag:s17] =	ssyncadd.s32 $0xFFFFFB10  }
0xda: {  	_ =	sfence.sel $0x180000  }
0xdb: {  	[bflag:$0x0] =	sbarrier.arrive $0xFFFF  }
0xdc: {  	_ =	strace $0x9000004A  }
0xdd: {  	s0 =	stileid.u32;
	[bflag:$0x2] =	sbarrier.arrive $0xFFFF  }
0xde: {  	p0 =	sne.s32 s0, $0x0;
	s0 =	rddreg [dreg:$0x4]  }
0xdf: {  	s0 =	sadd.s32 @!p0 $0x100000, s0  }
0xe0: {  	[sflag:s0] =	ssyncadd.tile.s32 @!p0 $0x1;
	_ =	shalt  }
.Lfunc_end2:
_tile_overlayer_lowered:
.L_overlay_start_2:
0xe1: {  	(tag) =	ssettag $0x2  }
0xe2: {  	s0 =	rddreg [dreg:$0x0];
	s2 =	stileid.u32  }
0xe3: {  	s1 =	rddreg [dreg:$0x1];
	p0 =	sne.s32 s2, $0x0  }
0xe4: {  	s3 =	rddreg [dreg:$0x2];
	[bflag:$0x3] =	sbarrier.arrive $0xFFFF;
	s2 =	simm.s32 @!p0 $0x1C0A  }
0xe5: {  	[timem:s3], [sflag:s2] =	dma.local @!p0 [hbm:s0], s1  }
0xe6: {  	s0 =	simm.s32 @!p0 $0xA  }
0xe7: {  	_ =	swait.ge @!p0 [sflag:s0], s1  }
0xe8: {  	s1 =	ssub.s32 @!p0 $0x0, s1;
	[sflag:s0] =	ssyncset.done @!p0 $0x0  }
0xe9: {  	[sflag:s0] =	ssyncadd.s32 @!p0 s1  }
0xea: {  	[bflag:$0x3] =	sbarrier.arrive $0xFFFF  }
0xeb: {  	_ =	shalt  }

// kernel: kernel.14.cloned.1.call-start
scs
__scs_entry_jumppad:
0x0: {  	(pc) =	sbr.rel $0x88, $3  }
0x1: {  	(tag) =	ssettag $0x0;
	lr =	simm.s32 $0x1  }
0x2: {  	[smem:$0x3F99] =	sst lr;
	_ =	strace $0xD0000000  }
0x3: {  	_ = 	snop  }
0x4: {  	_ = 	snop  }
0x5: {  	_ = 	snop  }
0x6: {  	_ = 	snop  }
0x7: {  	_ = 	snop  }
__scs_overlays_trampoline_lowered:
0x8: {  	[smem:$0x3FA8] =	sst s0  }
0x9: {  	[smem:$0x3FA9] =	sst s1  }
0xa: {  	[smem:$0x3FAA] =	sst s2  }
0xb: {  	[smem:$0x3FAB] =	sst s3  }
0xc: {  	[smem:$0x3FAC] =	sst s4  }
0xd: {  	[smem:$0x3FAD] =	sst s5  }
0xe: {  	[smem:$0x3FAE] =	sst s6  }
0xf: {  	[smem:$0x3FAF] =	sst s7  }
0x10: {  	[smem:$0x3FB0] =	sst s8  }
0x11: {  	[smem:$0x3FB1] =	sst s9;
	s0 =	simm.s32 @!p0 $0x0  }
0x12: {  	s1 =	sld [smem:$0x3F97];
	s0 =	simm.s32 @p0 $0x1  }
0x13: {  	[smem:$0x3FB2] =	sst s0;
	s0 =	simm.s32 @!p1 $0x0  }
0x14: {  	s2 =	sld [smem:$0x3F96];
	s0 =	simm.s32 @p1 $0x1  }
0x15: {  	[smem:$0x3FB3] =	sst s0;
	s0 =	simm.s32 @!p2 $0x0  }
0x16: {  	s3 =	sld [smem:$0x3FDB];
	s0 =	simm.s32 @p2 $0x1  }
0x17: {  	s4 =	simm.s32 $0x1BF5;
	[smem:$0x3FB5] =	sst s0  }
0x18: {  	s0 =	sld [smem:$0x3F98];
	_ =	swait.ge [sflag:s4], $0x0  }
0x19: {  	s7 =	sld [smem:$0x3F99]  }
0x1a: {  	s8 =	sadd.s32 $0xFFFFE003, lr  }
0x1b: {  	s9 =	sadd.s32 $0xFFFFFEF7, lr;
	s5 =	simm.s32 $0xFFFFFFFF;
	p2 =	slt.u32 s8, $0xFFFFF086  }
0x1c: {  	p1 =	slt.u32 s9, $0xF7A;
	s5 =	simm.s32 @!p2 $0x0  }
0x1d: {  	s5 =	simm.s32 @p1 $0x1;
	p0 =	seq.s32 s7, s2  }
0x1e: {  	s7 =	smul.u32 @!p0 $0xF7A, s2;
	p2 =	seq.s32 @!p0 s5, $0x0  }
0x1f: {  	s9 =	smul.u32 $0xF7A, s1;
	s8 =	simm.s32 @!p0 $0x1BF5;
	p2 =	por !p2, p0  }
0x20: {  	[sflag:s8] =	ssyncset.s32 @!p0 $0xFFFFF086;
	s6 =	sadd.s32 @!p0 s3, s7;
	s7 =	simm.s32 @!p0 $0x108  }
0x21: {  	s3 =	sadd.s32 s3, s9;
	s6 =	sadd.s32 @!p0 $0x88, s6;
	s7 =	simm.s32 @p2 $0x1082  }
0x22: {  	[simem:s7], [sflag:s8] =	dma.local @!p0 [hbm:s6], $0xF7A  }
0x23: {  	s9 =	sor.u32 $0xD0000000, s2;
	s6 =	simm.s32 $0x108;
	_ =	swait.ge @!p0 [sflag:s8], $0x0  }
0x24: {  	s3 =	sadd.s32 $0x88, s3;
	s6 =	simm.s32 @!p1 $0x1082;
	[sflag:s4] =	ssyncset.s32 $0xFFFFF086  }
0x25: {  	[simem:s6], [sflag:s4] =	dma.local [hbm:s3], $0xF7A  }
0x26: {  	[smem:$0x3F99] =	sst s1;
	(tag) =	ssettag s2;
	_ =	strace s9  }
0x27: {  	s1 =	sld [smem:$0x3FA9]  }
0x28: {  	s2 =	sld [smem:$0x3FAA]  }
0x29: {  	s4 =	sld [smem:$0x3FAC]  }
0x2a: {  	p0 =	seq.s32 s5, $0x0;
	s5 =	sld [smem:$0x3FAD]  }
0x2b: {  	s6 =	sld [smem:$0x3FAE]  }
0x2c: {  	s7 =	sld [smem:$0x3FAF]  }
0x2d: {  	s3 =	simm.s32 $0x108;
	s8 =	sld [smem:$0x3FB0]  }
0x2e: {  	s3 =	simm.s32 @!p0 $0x1082;
	s9 =	sld [smem:$0x3FB1]  }
0x2f: {  	lr =	sadd.s32 s0, s3;
	s0 =	sld [smem:$0x3FA8]  }
0x30: {  	s3 =	sld [smem:$0x3FAB]  }
0x31: {  	[smem:$0x3FB4] =	sst s10  }
0x32: {  	s10 =	sld [smem:$0x3FB2];
	_ =	sdelay $0x3  }
0x33: {  	p0 =	seq.s32 s10, $0x1;
	s10 =	sld [smem:$0x3FB4];
	_ =	sdelay $0x3  }
0x34: {  	[smem:$0x3FB4] =	sst s10  }
0x35: {  	s10 =	sld [smem:$0x3FB3];
	_ =	sdelay $0x3  }
0x36: {  	p1 =	seq.s32 s10, $0x1;
	s10 =	sld [smem:$0x3FB4];
	_ =	sdelay $0x3  }
0x37: {  	[smem:$0x3FB4] =	sst s10  }
0x38: {  	s10 =	sld [smem:$0x3FB5]  }
0x39: {  	_ = 	snop;
	(pc) =	sbr.ind lr, $3  }
0x3a: {  	_ = 	snop  }
0x3b: {  	_ = 	snop  }
0x3c: {  	p2 =	seq.s32 s10, $0x1;
	s10 =	sld [smem:$0x3FB4]  }
0x3d: {  	_ =	shalt  }
0x3e: {  	_ =	shalt  }
0x3f: {  	_ =	shalt  }
0x40: {  	_ =	shalt  }
0x41: {  	_ =	shalt  }
0x42: {  	_ =	shalt  }
0x43: {  	_ =	shalt  }
0x44: {  	_ =	shalt  }
0x45: {  	_ =	shalt  }
0x46: {  	_ =	shalt  }
0x47: {  	_ =	shalt  }
0x48: {  	_ =	shalt  }
0x49: {  	_ =	shalt  }
0x4a: {  	_ =	shalt  }
0x4b: {  	_ =	shalt  }
0x4c: {  	_ =	shalt  }
0x4d: {  	_ =	shalt  }
0x4e: {  	_ =	shalt  }
0x4f: {  	_ =	shalt  }
0x50: {  	_ =	shalt  }
0x51: {  	_ =	shalt  }
0x52: {  	_ =	shalt  }
0x53: {  	_ =	shalt  }
0x54: {  	_ =	shalt  }
0x55: {  	_ =	shalt  }
0x56: {  	_ =	shalt  }
0x57: {  	_ =	shalt  }
0x58: {  	_ =	shalt  }
0x59: {  	_ =	shalt  }
0x5a: {  	_ =	shalt  }
0x5b: {  	_ =	shalt  }
0x5c: {  	_ =	shalt  }
0x5d: {  	_ =	shalt  }
0x5e: {  	_ =	shalt  }
0x5f: {  	_ =	shalt  }
0x60: {  	_ =	shalt  }
0x61: {  	_ =	shalt  }
0x62: {  	_ =	shalt  }
0x63: {  	_ =	shalt  }
0x64: {  	_ =	shalt  }
0x65: {  	_ =	shalt  }
0x66: {  	_ =	shalt  }
0x67: {  	_ =	shalt  }
0x68: {  	_ =	shalt  }
0x69: {  	_ =	shalt  }
0x6a: {  	_ =	shalt  }
0x6b: {  	_ =	shalt  }
0x6c: {  	_ =	shalt  }
0x6d: {  	_ =	shalt  }
0x6e: {  	_ =	shalt  }
0x6f: {  	_ =	shalt  }
0x70: {  	_ =	shalt  }
0x71: {  	_ =	shalt  }
0x72: {  	_ =	shalt  }
0x73: {  	_ =	shalt  }
0x74: {  	_ =	shalt  }
0x75: {  	_ =	shalt  }
0x76: {  	_ =	shalt  }
0x77: {  	_ =	shalt  }
0x78: {  	_ =	shalt  }
0x79: {  	_ =	shalt  }
0x7a: {  	_ =	shalt  }
0x7b: {  	_ =	shalt  }
0x7c: {  	_ =	shalt  }
0x7d: {  	_ =	shalt  }
0x7e: {  	_ =	shalt  }
0x7f: {  	_ =	shalt  }
0x80: {  	_ =	shalt  }
0x81: {  	_ =	shalt  }
0x82: {  	_ =	shalt  }
0x83: {  	_ =	shalt  }
0x84: {  	_ =	shalt  }
0x85: {  	_ =	shalt  }
0x86: {  	_ =	shalt  }
0x87: {  	_ =	shalt  }
.Lfunc_end0:
.L_simem_size_0:
called_computation.2_lowered:
.L_overlay_start_0:
0x88: {  	s2 =	sld [smem:$0x3FD9]  }
0x89: {  	s3 =	sld [smem:$0x3FFE];
	_ =	sdelay $0x1  }
0x8a: {  	s1 =	srdreg.scid  }
0x8b: {  	s0 =	sand.u32 $0x1, s1  }
0x8c: {  	s17 =	sshll.u32 s0, $0xA;
	s2 =	sadd.s32 s3, s2  }
0x8d: {  	s2 =	sadd.s32 s2, s17  }
0x8e: {  	[smem:$0x3FC0] =	sst s2  }
0x8f: {  	_ = 	snop  }
0x90: {  	s2 =	sld [smem:$0x3FD0];
	(tm) =	ssettm $0x1  }
0x91: {  	s18 =	sld [smem:$0x3FFB];
	_ =	sdelay $0x3  }
0x92: {  	_ =	strace s18  }
0x93: {  	s3 =	sld [smem:$0x3FFC];
	_ =	sdelay $0x3  }
0x94: {  	_ =	strace s3  }
0x95: {  	s3 =	sld [smem:$0x3FFD];
	_ =	sdelay $0x3  }
0x96: {  	_ =	strace s3  }
0x97: {  	_ =	strace $0x8FFFFFFF  }
0x98: {  	s19 =	sld [smem:$0x3FDB];
	_ =	sdelay $0x1  }
0x99: {  	s4 =	simm.s32 $_scs_section_size  }
0x9a: {  	s5 =	simm.s32 $_size__tile_overlayer_lowered;
	s6 =	simm.s32 $_tile_overlayer_lowered  }
0x9b: {  	s22 =	simm.s32 $0x1BFF;
	s21 =	sshll.u32 s6, $0x1;
	s3 =	sadd.s32 s4, s19  }
0x9c: {  	s7 =	simm.s32 $0x0;
	s20 =	sshll.u32 s5, $0x1;
	s5 =	sadd.s32 s21, s3  }
0x9d: {  	[timem:s7], [sflag:s22] =	dma.local [hbm:s5], s20  }
0x9e: {  	_ =	swait.ge [sflag:s22], s20  }
0x9f: {  	s4 =	ssub.s32 $0x0, s20;
	[sflag:s22] =	ssyncset.done $0x0  }
0xa0: {  	[sflag:s22] =	ssyncadd.s32 s4;
	_ =	sdelay $0x1  }
0xa1: {  	s23 =	simm.s32 $0x1B8B  }
0xa2: {  	_ =	swait.ge [sflag:s23], $0x1  }
0xa3: {  	[sflag:s23] =	ssyncset.done $0x0  }
0xa4: {  	s25 =	simm.s32 $0x1B8E;
	s24 =	sld [smem:$0x3FFE];
	[sflag:s23] =	ssyncadd.s32 $0xFFFFFFFF  }
0xa5: {  	s26 =	simm.s32 $execute0_lowered;
	[smem:$0x3FD2] =	sst s25  }
0xa6: {  	s5 =	sshll.u32 s26, $0x1;
	_ =	strace $0x8000004C;
	[dreg:$0x1] =	wrdreg $0xFFFFFFFF  }
0xa7: {  	s28 =	simm.s32 $_size_execute0_lowered;
	s3 =	sadd.s32 s3, s5;
	[dreg:$0x0] =	wrdreg $0x0  }
0xa8: {  	s5 =	sshll.u32 s28, $0x1;
	[dreg:$0x2] =	wrdreg s3  }
0xa9: {  	[dreg:$0x3] =	wrdreg s5  }
0xaa: {  	[dreg:$0x4] =	wrdreg $0xC0  }
0xab: {  	_ =	task [dreg:s7], $0x5FFFF  }
0xac: {  	[dreg:$0x1] =	wrdreg $0xFFFFFFFF  }
0xad: {  	[dreg:$0x0] =	wrdreg $0x60  }
0xae: {  	[dreg:$0x2] =	wrdreg s24  }
0xaf: {  	[dreg:$0x3] =	wrdreg s2  }
0xb0: {  	[dreg:$0x4] =	wrdreg $0x0  }
0xb1: {  	[dreg:$0x5] =	wrdreg $0x9  }
0xb2: {  	_ =	task.clear_ibuf [dreg:s7], $0x6FFFF;
	_ =	strace $0x9000004C  }
0xb3: {  	s29 =	simm.s32 $0x9;
	_ =	strace $0x8000004E  }
0xb4: {  	_ =	swait.ge [sflag:s29], $0x1  }
0xb5: {  	[sflag:s29] =	ssyncadd.s32 $0xFFFFFFFF  }
0xb6: {  	_ =	strace $0x9000004E  }
0xb7: {  	_ =	sfence  }
0xb8: {  	s30 =	sld [smem:$0x0];
	_ =	sdelay $0x2  }
0xb9: {  	s31 =	sshll.u32 s1, $0xD;
	s1 =	sshrl.u32 s1, $0x2  }
0xba: {  	s3 =	sand.u32 $0x4000, s31;
	s1 =	sadd.s32 s1, s30  }
0xbb: {  	s0 =	sor.u32 s3, s0;
	s1 =	sshll.u32 s1, $0x11  }
0xbc: {  	s0 =	sor.u32 s1, s0  }
0xbd: {  	s0 =	sadd.s32 $0x8F2B, s0  }
0xbe: {  	[sflag:s0] =	ssyncadd.remote.s32 $0x1  }
0xbf: {  	_ =	sfence.sel $0xFFFF  }
0xc0: {  	[dreg:$0x0] =	wrdreg $0xFFFFFFFF;
	(pc) =	sbr.abs _section_cstart, $3  }
0xc1: {  	[dreg:$0x1] =	wrdreg $0xFFFFFFFF  }
0xc2: {  	_ =	task.clear_ibuf [dreg:s7], $0x2FFFF;
	_ =	strace $0x9FFFFFFF  }
0xc3: {  	(tm) =	ssettm $0x7FFFFFFF  }
tec
execute0_lowered:
.L_overlay_start_1:
0x0: {  	(tag) =	ssettag $0x1  }
0x1: {  	s0 =	rddreg [dreg:$0x0]  }
0x2: {  	s1 =	rddreg [dreg:$0x1];
	s3 =	srdreg.scid  }
0x3: {  	s2 =	rddreg [dreg:$0x2];
	s13 =	stileid.u32;
	s5 =	simm.s32 $0x0  }
0x4: {  	s14 =	simm.s32 $0xA;
	s15 =	simm.s32 $0xBE80;
	s16 =	simm.s32 $0x80  }
0x5: {  	s30 =	simm.s32 $0x14E80;
	s31 =	simm.s32 $0x3;
	s6 =	smul.u32 $0x7680, s13  }
0x6: {  	s29 =	simm.s32 $0x6;
	s28 =	simm.s32 $0x8;
	s11 =	smul.u32 $0x4800, s13  }
0x7: {  	s3 =	sand.u32 $0x1, s3;
	[smem:$0x7FF] =	sst s5;
	s21 =	smul.u32 $0x1DA00, s13  }
0x8: {  	s9 =	sadd.s32 $0x15A00, s0;
	s7 =	sshll.u32 s13, $0x4;
	s4 =	smul.u32 $0x76800, s3  }
0x9: {  	_ =	strace $0x8000004D;
	s8 =	ssub.s32 $0x2, s3;
	p0 =	seq.s32 s3, $0x0  }
0xa: {  	s7 =	sor.u32 $0x900, s7;
	s10 =	sshrl.u32 s8, $0x1;
	s19 =	sshrl.u32 s11, $0x3  }
0xb: {  	s23 =	sadd.s32 s6, s2;
	s24 =	sshrl.u32 s21, $0x2;
	s21 =	simm.s32 $0x9  }
0xc: {  	s17 =	sadd.s32 s6, s4;
	s4 =	sadd.s32 $0x2000, s0;
	s12 =	ssub.s32 s8, s10  }
0xd: {  	s20 =	sadd.s32 $0x100, s19;
	s19 =	simm.s32 $0x11E80;
	s5 =	sshrl.u32 s17, $0x3  }
0xe: {  	s22 =	sadd.s32 s9, s20;
	s11 =	smax.u32 s12, $0x1;
	s12 =	sadd.s32 s24, s2  }
0xf: {  	s17 =	simm.s32 $0x10680;
	s0 =	sadd.s32 s5, s0;
	s5 =	smul.u32 $0x90, s13  }
0x10: {  	s24 =	simm.s32 $0x13680;
	[dreg:$0x8] =	wrdreg s22;
	s13 =	simm.s32 $0x7680  }
0x11: {  	s22 =	simm.s32 $0x1;
	s0 =	sadd.s32 $0x6EA00, s0;
	s7 =	smov.u32 @p0 s5  }
0x12: {  	s5 =	simm.s32 $0x90;
	[dreg:$0x9] =	wrdreg s0;
	s7 =	sshll.u32 s7, $0x4  }
0x13: {  	s0 =	simm.s32 $0x0;
	s5 =	simm.s32 @!p0 $0x10;
	s18 =	sadd.s32 s1, s7  }
0x14: {  	p0 =	sne.s32 s3, $0x0;
	s7 =	sadd.s32 s9, s7;
	[dreg:$0x5] =	wrdreg s18  }
0x15: {  	s1 =	sadd.s32 s1, s20;
	s25 =	sshll.u32 s5, $0x9;
	[dreg:$0x6] =	wrdreg s7  }
0x16: {  	s20 =	simm.s32 $0x16680;
	[dreg:$0x7] =	wrdreg s1;
	s26 =	sadd.s32 $0xFFFFF000, s25  }
0x17: {  	s25 =	sshrl.u32 s23, $0x3;
	s18 =	simm.s32 $0x5;
	s1 =	simm.s32 $0x4  }
0x18: {  	v0 =	vimm.f32 $0.0e+00;
	s23 =	simm.s32 $0x7;
	[dreg:$0x4] =	wrdreg s26;
	s26 =	simm.s32 $0x2  }
.LBB2_1:
0x19: {  	s3 =	simm.s32 $0x0;
	s6 =	rddreg [dreg:$0x5]  }
0x1a: {  	[tilespmem:s13], [sflag:$0xA] =	stream.linear.gather [hbm4b:s6+s3], $0x800, $0x38;
	[tilespmem:$0x16800] =	vst v63  }
0x1b: {  	_ =	swait.ge [sflag:s14], $0x800  }
0x1c: {  	[sflag:s14] =	ssyncset.done $0x0  }
0x1d: {  	s9 =	rddreg [dreg:$0x6];
	[sflag:s14] =	ssyncadd.s32 $0xFFFFF800  }
0x1e: {  	[tilespmem:s15], [sflag:$0xA] =	stream.linear.gather [hbm4b:s9+s3], $0x800, $0x38;
	[tilespmem:$0x16800] =	vst v63  }
0x1f: {  	_ =	swait.ge [sflag:s14], $0x800  }
0x20: {  	s6 =	simm.s32 @!p0 $0x7E80;
	[sflag:s14] =	ssyncset.done $0x0  }
0x21: {  	s3 =	simm.s32 @!p0 $0x0;
	s7 =	rddreg [dreg:$0x7];
	[sflag:s14] =	ssyncadd.s32 $0xFFFFF800  }
0x22: {  	[tilespmem:s6], [sflag:$0xA] =	stream.linear.gather @!p0 [hbm4b:s7+s3], $0x4000, $0x38;
	[tilespmem:$0x16800] =	vst v63  }
0x23: {  	s6 =	simm.s32 @!p0 $0xA  }
0x24: {  	_ =	swait.ge @!p0 [sflag:s6], $0x4000  }
0x25: {  	[sflag:s6] =	ssyncset.done @!p0 $0x0  }
0x26: {  	s7 =	simm.s32 @!p0 $0xC680;
	s8 =	rddreg [dreg:$0x8];
	[sflag:s6] =	ssyncadd.s32 @!p0 $0xFFFFC000  }
0x27: {  	[tilespmem:s7], [sflag:$0xA] =	stream.linear.gather @!p0 [hbm4b:s8+s3], $0x4000, $0x38;
	[tilespmem:$0x16800] =	vst v63  }
0x28: {  	_ =	swait.ge @!p0 [sflag:s6], $0x4000  }
0x29: {  	[sflag:s6] =	ssyncset.done @!p0 $0x0  }
0x2a: {  	[sflag:s6] =	ssyncadd.s32 @!p0 $0xFFFFC000  }
0x2b: {  	[tilespmem:s17], [sflag:$0x1] =	stream.indirect.gather [hbm4b:s4+s16], $0x30, s13, s16, $0xb8;
	[tilespmem:$0x16800] =	vst v63  }
0x2c: {  	s10 =	simm.s32 $0x7700  }
0x2d: {  	[tilespmem:s19], [sflag:$0x2] =	stream.indirect.gather [hbm4b:s4+s16], $0x30, s10, s16, $0xb8;
	[tilespmem:$0x16800] =	vst v63  }
0x2e: {  	[tilespmem:$0x16680] =	vst v0  }
0x2f: {  	[tilespmem:$0x16690] =	vst v0  }
0x30: {  	[tilespmem:$0x166A0] =	vst v0  }
0x31: {  	[tilespmem:$0x166B0] =	vst v0  }
0x32: {  	[tilespmem:$0x166C0] =	vst v0  }
0x33: {  	[tilespmem:$0x166D0] =	vst v0  }
0x34: {  	[tilespmem:$0x166E0] =	vst v0  }
0x35: {  	[tilespmem:$0x166F0] =	vst v0  }
0x36: {  	[tilespmem:$0x16700] =	vst v0  }
0x37: {  	[tilespmem:$0x16710] =	vst v0  }
0x38: {  	[tilespmem:$0x16720] =	vst v0  }
0x39: {  	[tilespmem:$0x16730] =	vst v0  }
0x3a: {  	[tilespmem:$0x16740] =	vst v0  }
0x3b: {  	[tilespmem:$0x16750] =	vst v0  }
0x3c: {  	[tilespmem:$0x16760] =	vst v0  }
0x3d: {  	[tilespmem:$0x16770] =	vst v0  }
0x3e: {  	[tilespmem:$0x16780] =	vst v0  }
0x3f: {  	[tilespmem:$0x16790] =	vst v0  }
0x40: {  	[tilespmem:$0x167A0] =	vst v0  }
0x41: {  	[tilespmem:$0x167B0] =	vst v0  }
0x42: {  	[tilespmem:$0x167C0] =	vst v0  }
0x43: {  	[tilespmem:$0x167D0] =	vst v0  }
0x44: {  	[tilespmem:$0x167E0] =	vst v0  }
0x45: {  	s3 =	simm.s32 $0x0;
	[tilespmem:$0x167F0] =	vst v0  }
.LBB2_2:
0x46: {  	p1 =	sne.s32 s3, $0x1D400  }
.Ltmp0:
0x47: {  	_ = 	snop;
	(pc) =	sbr.rel @p1 .LBB2_2-.Ltmp0, $4  }
0x48: {  	_ = 	snop  }
0x49: {  	s6 =	sshra.s32 s3, $0x2  }
0x4a: {  	s3 =	sadd.s32 $0x600, s3;
	s6 =	sadd.s32 s6, s12  }
0x4b: {  	[spmem:s6] =	stream.linear.scatter [tilespmem:s20], [sflag:$0x9], $0x180, $0x38;
	[tilespmem:$0x16800] =	vst v63  }
0x4c: {  	_ =	swait.ge [sflag:s21], $0x180  }
0x4d: {  	s3 =	simm.s32 $0x4E;
	[sflag:s21] =	ssyncset.done $0x0  }
.LBB2_4:
0x4e: {  	p1 =	sne.s32 s3, $0x1;
	s3 =	sadd.s32 $0xFFFFFFFF, s3;
	[sflag:s21] =	ssyncadd.s32 $0xFFFFFE80  }
.Ltmp1:
0x4f: {  	(pc) =	sbr.rel @p1 .LBB2_4-.Ltmp1, $3  }
0x50: {  	_ =	sdelay $0x1  }
0x51: {  	_ =	swait.ge [sflag:s21], $0x180  }
0x52: {  	[sflag:s21] =	ssyncset.done $0x0  }
0x53: {  	[sflag:s21] =	ssyncadd.s32 $0xFFFFFE80  }
0x54: {  	[bflag:$0x0] =	sbarrier.arrive $0xFFFF  }
0x55: {  	_ =	swait.ge [sflag:s22], $0x1800  }
0x56: {  	[sflag:s22] =	ssyncset.done $0x0  }
0x57: {  	[sflag:s22] =	ssyncadd.s32 $0xFFFFE800  }
0x58: {  	[spmem:s2] =	stream.indirect.scatter.add.f32 [tilespmem:s17], [sflag:$0x5], $0x30, s15, s16, $0xb8;
	[tilespmem:$0x16800] =	vst v63  }
0x59: {  	s3 =	simm.s32 $0x7780  }
0x5a: {  	[tilespmem:s24], [sflag:$0x3] =	stream.indirect.gather [hbm4b:s4+s16], $0x30, s3, s16, $0xb8;
	[tilespmem:$0x16800] =	vst v63  }
0x5b: {  	_ =	swait.ge [sflag:s26], $0x1800  }
0x5c: {  	[sflag:s26] =	ssyncset.done $0x0  }
0x5d: {  	s10 =	simm.s32 $0xBF00;
	[sflag:s26] =	ssyncadd.s32 $0xFFFFE800  }
0x5e: {  	[spmem:s2] =	stream.indirect.scatter.add.f32 [tilespmem:s19], [sflag:$0x6], $0x30, s10, s16, $0xb8;
	[tilespmem:$0x16800] =	vst v63  }
0x5f: {  	s6 =	simm.s32 $0x7800  }
0x60: {  	[tilespmem:s30], [sflag:$0x4] =	stream.indirect.gather [hbm4b:s4+s16], $0x30, s6, s16, $0xb8;
	[tilespmem:$0x16800] =	vst v63  }
0x61: {  	_ =	swait.ge [sflag:s31], $0x1800  }
0x62: {  	[sflag:s31] =	ssyncset.done $0x0  }
0x63: {  	s7 =	simm.s32 $0xBF80;
	[sflag:s31] =	ssyncadd.s32 $0xFFFFE800  }
0x64: {  	[spmem:s2] =	stream.indirect.scatter.add.f32 [tilespmem:s24], [sflag:$0x7], $0x30, s7, s16, $0xb8;
	[tilespmem:$0x16800] =	vst v63  }
0x65: {  	_ =	swait.ge [sflag:s18], $0x1800  }
0x66: {  	[sflag:s18] =	ssyncset.done $0x0  }
0x67: {  	s8 =	simm.s32 $0x7880;
	[sflag:s18] =	ssyncadd.s32 $0xFFFFE800  }
0x68: {  	[tilespmem:s17], [sflag:$0x1] =	stream.indirect.gather [hbm4b:s4+s16], $0x30, s8, s16, $0xb8;
	[tilespmem:$0x16800] =	vst v63  }
0x69: {  	_ =	swait.ge [sflag:s1], $0x1800  }
0x6a: {  	[sflag:s1] =	ssyncset.done $0x0  }
0x6b: {  	s9 =	simm.s32 $0xC000;
	[sflag:s1] =	ssyncadd.s32 $0xFFFFE800  }
0x6c: {  	[spmem:s2] =	stream.indirect.scatter.add.f32 [tilespmem:s30], [sflag:$0x8], $0x30, s9, s16, $0xb8;
	[tilespmem:$0x16800] =	vst v63  }
0x6d: {  	_ =	swait.ge [sflag:s29], $0x1800  }
0x6e: {  	s3 =	simm.s32 $0x0;
	[sflag:s29] =	ssyncset.done $0x0  }
0x6f: {  	s10 =	simm.s32 $0x7900;
	s6 =	simm.s32 $0x9;
	[sflag:s29] =	ssyncadd.s32 $0xFFFFE800  }
0x70: {  	[tilespmem:s19], [sflag:$0x2] =	stream.indirect.gather [hbm4b:s4+s16], $0x30, s10, s16, $0xb8;
	[tilespmem:$0x16800] =	vst v63  }
.LBB2_6:
0x71: {  	_ =	swait.ge [sflag:s22], $0x1800  }
0x72: {  	s7 =	sshra.s32 s3, $0x2;
	s10 =	sadd.s32 $0xFFFFFFFD, s6;
	[sflag:s22] =	ssyncset.done $0x0  }
0x73: {  	s8 =	sadd.s32 $0xC080, s7;
	p1 =	sge.u32 s10, s5;
	[sflag:s22] =	ssyncadd.s32 $0xFFFFE800  }
0x74: {  	[spmem:s2] =	stream.indirect.scatter.add.f32 [tilespmem:s17], [sflag:$0x5], $0x30, s8, s16, $0xb8;
	[tilespmem:$0x16800] =	vst v63  }
0x75: {  	s8 =	simm.s32 @!p1 $0x7  }
0x76: {  	_ =	swait.ge @!p1 [sflag:s8], $0x1800  }
0x77: {  	[sflag:s8] =	ssyncset.done @!p1 $0x0  }
0x78: {  	[sflag:s8] =	ssyncadd.s32 @!p1 $0xFFFFE800;
	s8 =	sshra.s32 @!p1 s3, $0x2  }
0x79: {  	s9 =	simm.s32 @!p1 $0x80;
	s10 =	simm.s32 @!p1 $0x13680;
	s8 =	sadd.s32 @!p1 $0x7980, s8  }
0x7a: {  	[tilespmem:s10], [sflag:$0x3] =	stream.indirect.gather @!p1 [hbm4b:s4+s9], $0x30, s8, s9, $0xb8;
	[tilespmem:$0x16800] =	vst v63  }
0x7b: {  	s10 =	sadd.s32 $0xFFFFFFFE, s6;
	_ =	swait.ge [sflag:s26], $0x1800  }
0x7c: {  	p1 =	sge.u32 s10, s5;
	[sflag:s26] =	ssyncset.done $0x0  }
0x7d: {  	s9 =	sadd.s32 $0xC100, s7;
	s8 =	simm.s32 @!p1 $0x8;
	[sflag:s26] =	ssyncadd.s32 $0xFFFFE800  }
0x7e: {  	[spmem:s2] =	stream.indirect.scatter.add.f32 [tilespmem:s19], [sflag:$0x6], $0x30, s9, s16, $0xb8;
	[tilespmem:$0x16800] =	vst v63  }
0x7f: {  	_ =	swait.ge @!p1 [sflag:s8], $0x1800  }
0x80: {  	[sflag:s8] =	ssyncset.done @!p1 $0x0  }
0x81: {  	[sflag:s8] =	ssyncadd.s32 @!p1 $0xFFFFE800;
	s8 =	sshra.s32 @!p1 s3, $0x2  }
0x82: {  	s10 =	simm.s32 @!p1 $0x14E80;
	s9 =	simm.s32 @!p1 $0x80;
	s8 =	sadd.s32 @!p1 $0x7A00, s8  }
0x83: {  	[tilespmem:s10], [sflag:$0x4] =	stream.indirect.gather @!p1 [hbm4b:s4+s9], $0x30, s8, s9, $0xb8;
	[tilespmem:$0x16800] =	vst v63  }
0x84: {  	s10 =	sadd.s32 $0xFFFFFFFF, s6;
	_ =	swait.ge [sflag:s31], $0x1800  }
0x85: {  	p1 =	sge.u32 s10, s5;
	[sflag:s31] =	ssyncset.done $0x0  }
0x86: {  	s9 =	sadd.s32 $0xC180, s7;
	s8 =	simm.s32 @!p1 $0x5;
	[sflag:s31] =	ssyncadd.s32 $0xFFFFE800  }
0x87: {  	[spmem:s2] =	stream.indirect.scatter.add.f32 [tilespmem:s24], [sflag:$0x7], $0x30, s9, s16, $0xb8;
	[tilespmem:$0x16800] =	vst v63  }
0x88: {  	_ =	swait.ge @!p1 [sflag:s8], $0x1800  }
0x89: {  	[sflag:s8] =	ssyncset.done @!p1 $0x0  }
0x8a: {  	[sflag:s8] =	ssyncadd.s32 @!p1 $0xFFFFE800;
	s8 =	sshra.s32 @!p1 s3, $0x2  }
0x8b: {  	s10 =	simm.s32 @!p1 $0x10680;
	s9 =	simm.s32 @!p1 $0x80;
	s8 =	sadd.s32 @!p1 $0x7A80, s8  }
0x8c: {  	[tilespmem:s10], [sflag:$0x1] =	stream.indirect.gather @!p1 [hbm4b:s4+s9], $0x30, s8, s9, $0xb8;
	[tilespmem:$0x16800] =	vst v63  }
0x8d: {  	_ =	swait.ge [sflag:s1], $0x1800  }
0x8e: {  	[sflag:s1] =	ssyncset.done $0x0  }
0x8f: {  	s7 =	sadd.s32 $0xC200, s7;
	p1 =	sge.u32 s6, s5;
	[sflag:s1] =	ssyncadd.s32 $0xFFFFE800  }
0x90: {  	[spmem:s2] =	stream.indirect.scatter.add.f32 [tilespmem:s30], [sflag:$0x8], $0x30, s7, s16, $0xb8;
	[tilespmem:$0x16800] =	vst v63  }
0x91: {  	s7 =	simm.s32 @!p1 $0x6  }
0x92: {  	s8 =	sshra.s32 @!p1 s3, $0x2;
	s9 =	simm.s32 @!p1 $0x11E80;
	_ =	swait.ge @!p1 [sflag:s7], $0x1800  }
0x93: {  	s3 =	sadd.s32 $0x800, s3;
	[sflag:s7] =	ssyncset.done @!p1 $0x0;
	s10 =	rddreg [dreg:$0x4]  }
0x94: {  	[sflag:s7] =	ssyncadd.s32 @!p1 $0xFFFFE800;
	s7 =	sadd.s32 @!p1 $0x7B00, s8;
	s8 =	simm.s32 @!p1 $0x80  }
0x95: {  	[tilespmem:s9], [sflag:$0x2] =	stream.indirect.gather @!p1 [hbm4b:s4+s8], $0x30, s7, s8, $0xb8;
	[tilespmem:$0x16800] =	vst v63  }
0x96: {  	p1 =	sne.s32 s10, s3  }
.Ltmp2:
0x97: {  	_ = 	snop;
	(pc) =	sbr.rel @p1 .LBB2_6-.Ltmp2, $2  }
0x98: {  	_ =	sdelay $0x2  }
0x99: {  	s6 =	sadd.s32 $0x4, s6  }
0x9a: {  	_ =	swait.ge [sflag:s22], $0x1800  }
0x9b: {  	s7 =	sshra.s32 s3, $0x2;
	s10 =	sadd.s32 $0xFFFFFFFD, s6;
	[sflag:s22] =	ssyncset.done $0x0  }
0x9c: {  	s8 =	sadd.s32 $0xC080, s7;
	p1 =	sge.u32 s10, s5;
	[sflag:s22] =	ssyncadd.s32 $0xFFFFE800  }
0x9d: {  	[spmem:s2] =	stream.indirect.scatter.add.f32 [tilespmem:s17], [sflag:$0x5], $0x30, s8, s16, $0xb8;
	[tilespmem:$0x16800] =	vst v63  }
0x9e: {  	s8 =	simm.s32 @!p1 $0x7  }
0x9f: {  	_ =	swait.ge @!p1 [sflag:s8], $0x1800  }
0xa0: {  	[sflag:s8] =	ssyncset.done @!p1 $0x0  }
0xa1: {  	[sflag:s8] =	ssyncadd.s32 @!p1 $0xFFFFE800;
	s8 =	sshra.s32 @!p1 s3, $0x2  }
0xa2: {  	s9 =	simm.s32 @!p1 $0x80;
	s10 =	simm.s32 @!p1 $0x13680;
	s8 =	sadd.s32 @!p1 $0x7980, s8  }
0xa3: {  	[tilespmem:s10], [sflag:$0x3] =	stream.indirect.gather @!p1 [hbm4b:s4+s9], $0x30, s8, s9, $0xb8;
	[tilespmem:$0x16800] =	vst v63  }
0xa4: {  	s10 =	sadd.s32 $0xFFFFFFFE, s6;
	_ =	swait.ge [sflag:s26], $0x1800  }
0xa5: {  	p1 =	sge.u32 s10, s5;
	[sflag:s26] =	ssyncset.done $0x0  }
0xa6: {  	s9 =	sadd.s32 $0xC100, s7;
	s8 =	simm.s32 @!p1 $0x8;
	[sflag:s26] =	ssyncadd.s32 $0xFFFFE800  }
0xa7: {  	[spmem:s2] =	stream.indirect.scatter.add.f32 [tilespmem:s19], [sflag:$0x6], $0x30, s9, s16, $0xb8;
	[tilespmem:$0x16800] =	vst v63  }
0xa8: {  	_ =	swait.ge @!p1 [sflag:s8], $0x1800  }
0xa9: {  	[sflag:s8] =	ssyncset.done @!p1 $0x0  }
0xaa: {  	[sflag:s8] =	ssyncadd.s32 @!p1 $0xFFFFE800;
	s8 =	sshra.s32 @!p1 s3, $0x2  }
0xab: {  	s10 =	simm.s32 @!p1 $0x14E80;
	s9 =	simm.s32 @!p1 $0x80;
	s8 =	sadd.s32 @!p1 $0x7A00, s8  }
0xac: {  	[tilespmem:s10], [sflag:$0x4] =	stream.indirect.gather @!p1 [hbm4b:s4+s9], $0x30, s8, s9, $0xb8;
	[tilespmem:$0x16800] =	vst v63  }
0xad: {  	s10 =	sadd.s32 $0xFFFFFFFF, s6;
	_ =	swait.ge [sflag:s31], $0x1800  }
0xae: {  	p1 =	sge.u32 s10, s5;
	[sflag:s31] =	ssyncset.done $0x0  }
0xaf: {  	s9 =	sadd.s32 $0xC180, s7;
	s8 =	simm.s32 @!p1 $0x5;
	[sflag:s31] =	ssyncadd.s32 $0xFFFFE800  }
0xb0: {  	[spmem:s2] =	stream.indirect.scatter.add.f32 [tilespmem:s24], [sflag:$0x7], $0x30, s9, s16, $0xb8;
	[tilespmem:$0x16800] =	vst v63  }
0xb1: {  	_ =	swait.ge @!p1 [sflag:s8], $0x1800  }
0xb2: {  	[sflag:s8] =	ssyncset.done @!p1 $0x0  }
0xb3: {  	[sflag:s8] =	ssyncadd.s32 @!p1 $0xFFFFE800;
	s8 =	sshra.s32 @!p1 s3, $0x2  }
0xb4: {  	s10 =	simm.s32 @!p1 $0x10680;
	s9 =	simm.s32 @!p1 $0x80;
	s8 =	sadd.s32 @!p1 $0x7A80, s8  }
0xb5: {  	[tilespmem:s10], [sflag:$0x1] =	stream.indirect.gather @!p1 [hbm4b:s4+s9], $0x30, s8, s9, $0xb8;
	[tilespmem:$0x16800] =	vst v63  }
0xb6: {  	_ =	swait.ge [sflag:s1], $0x1800  }
0xb7: {  	p1 =	sge.u32 s6, s5;
	[sflag:s1] =	ssyncset.done $0x0  }
0xb8: {  	s7 =	sadd.s32 $0xC200, s7;
	s6 =	simm.s32 @!p1 $0x6;
	[sflag:s1] =	ssyncadd.s32 $0xFFFFE800  }
0xb9: {  	[spmem:s2] =	stream.indirect.scatter.add.f32 [tilespmem:s30], [sflag:$0x8], $0x30, s7, s16, $0xb8;
	[tilespmem:$0x16800] =	vst v63  }
0xba: {  	s3 =	sshra.s32 @!p1 s3, $0x2;
	_ =	swait.ge @!p1 [sflag:s6], $0x1800  }
0xbb: {  	s3 =	sadd.s32 @!p1 $0x7B00, s3;
	[sflag:s6] =	ssyncset.done @!p1 $0x0  }
0xbc: {  	s7 =	simm.s32 @!p1 $0x11E80;
	[sflag:s6] =	ssyncadd.s32 @!p1 $0xFFFFE800;
	s6 =	simm.s32 @!p1 $0x80  }
0xbd: {  	[tilespmem:s7], [sflag:$0x2] =	stream.indirect.gather @!p1 [hbm4b:s4+s6], $0x30, s3, s6, $0xb8;
	[tilespmem:$0x16800] =	vst v63  }
0xbe: {  	_ =	swait.ge [sflag:s18], $0x1800  }
0xbf: {  	[sflag:s18] =	ssyncset.done $0x0  }
0xc0: {  	[sflag:s18] =	ssyncadd.s32 $0xFFFFE800  }
0xc1: {  	_ =	swait.ge [sflag:s29], $0x1800  }
0xc2: {  	[sflag:s29] =	ssyncset.done $0x0  }
0xc3: {  	[sflag:s29] =	ssyncadd.s32 $0xFFFFE800  }
0xc4: {  	_ =	swait.ge [sflag:s23], $0x1800  }
0xc5: {  	[sflag:s23] =	ssyncset.done $0x0  }
0xc6: {  	[sflag:s23] =	ssyncadd.s32 $0xFFFFE800  }
0xc7: {  	_ =	swait.ge [sflag:s28], $0x1800  }
0xc8: {  	[sflag:s28] =	ssyncset.done $0x0  }
0xc9: {  	s0 =	sadd.s32 $0x1, s0;
	s9 =	stileid.u32;
	[sflag:s28] =	ssyncadd.s32 $0xFFFFE800  }
0xca: {  	s3 =	sshll.u32 s9, $0x6;
	p1 =	sne.s32 s0, s11;
	[bflag:$0x0] =	sbarrier.arrive $0xFFFF  }
.Ltmp3:
0xcb: {  	s3 =	sor.u32 $0x1C0A, s3;
	s10 =	rddreg [dreg:$0x9];
	(pc) =	sbr.rel @p1 .LBB2_1-.Ltmp3, $4  }
0xcc: {  	[hbm:s10], [sflag:s3] =	dma.local [spmem:s25], $0xED0  }
0xcd: {  	_ =	swait.ge [sflag:s14], $0xED0  }
0xce: {  	[sflag:s14] =	ssyncset.done $0x0  }
0xcf: {  	[sflag:s14] =	ssyncadd.s32 $0xFFFFF130  }
0xd0: {  	_ =	sfence.sel $0x180000  }
0xd1: {  	[bflag:$0x0] =	sbarrier.arrive $0xFFFF  }
0xd2: {  	_ =	strace $0x9000004D  }
0xd3: {  	s0 =	stileid.u32;
	[bflag:$0x2] =	sbarrier.arrive $0xFFFF  }
0xd4: {  	p0 =	sne.s32 s0, $0x0;
	s0 =	rddreg [dreg:$0x3]  }
0xd5: {  	s0 =	sadd.s32 @!p0 $0x100000, s0  }
0xd6: {  	[sflag:s0] =	ssyncadd.tile.s32 @!p0 $0x1;
	_ =	shalt  }
.Lfunc_end2:
_tile_overlayer_lowered:
.L_overlay_start_2:
0xd7: {  	(tag) =	ssettag $0x2  }
0xd8: {  	s0 =	rddreg [dreg:$0x0];
	s2 =	stileid.u32  }
0xd9: {  	s1 =	rddreg [dreg:$0x1];
	p0 =	sne.s32 s2, $0x0  }
0xda: {  	s3 =	rddreg [dreg:$0x2];
	[bflag:$0x3] =	sbarrier.arrive $0xFFFF;
	s2 =	simm.s32 @!p0 $0x1C0A  }
0xdb: {  	[timem:s3], [sflag:s2] =	dma.local @!p0 [hbm:s0], s1  }
0xdc: {  	s0 =	simm.s32 @!p0 $0xA  }
0xdd: {  	_ =	swait.ge @!p0 [sflag:s0], s1  }
0xde: {  	s1 =	ssub.s32 @!p0 $0x0, s1;
	[sflag:s0] =	ssyncset.done @!p0 $0x0  }
0xdf: {  	[sflag:s0] =	ssyncadd.s32 @!p0 s1  }
0xe0: {  	[bflag:$0x3] =	sbarrier.arrive $0xFFFF  }
0xe1: {  	_ =	shalt  }

// kernel: kernel.8.cloned.1.call-start
scs
__scs_entry_jumppad:
0x0: {  	(pc) =	sbr.rel $0x88, $3  }
0x1: {  	(tag) =	ssettag $0x0;
	lr =	simm.s32 $0x1  }
0x2: {  	[smem:$0x3F99] =	sst lr;
	_ =	strace $0xD0000000  }
0x3: {  	_ = 	snop  }
0x4: {  	_ = 	snop  }
0x5: {  	_ = 	snop  }
0x6: {  	_ = 	snop  }
0x7: {  	_ = 	snop  }
__scs_overlays_trampoline_lowered:
0x8: {  	[smem:$0x3FA8] =	sst s0  }
0x9: {  	[smem:$0x3FA9] =	sst s1  }
0xa: {  	[smem:$0x3FAA] =	sst s2  }
0xb: {  	[smem:$0x3FAB] =	sst s3  }
0xc: {  	[smem:$0x3FAC] =	sst s4  }
0xd: {  	[smem:$0x3FAD] =	sst s5  }
0xe: {  	[smem:$0x3FAE] =	sst s6  }
0xf: {  	[smem:$0x3FAF] =	sst s7  }
0x10: {  	[smem:$0x3FB0] =	sst s8  }
0x11: {  	[smem:$0x3FB1] =	sst s9;
	s0 =	simm.s32 @!p0 $0x0  }
0x12: {  	s1 =	sld [smem:$0x3F97];
	s0 =	simm.s32 @p0 $0x1  }
0x13: {  	[smem:$0x3FB2] =	sst s0;
	s0 =	simm.s32 @!p1 $0x0  }
0x14: {  	s2 =	sld [smem:$0x3F96];
	s0 =	simm.s32 @p1 $0x1  }
0x15: {  	[smem:$0x3FB3] =	sst s0;
	s0 =	simm.s32 @!p2 $0x0  }
0x16: {  	s3 =	sld [smem:$0x3FDB];
	s0 =	simm.s32 @p2 $0x1  }
0x17: {  	s4 =	simm.s32 $0x1BF5;
	[smem:$0x3FB5] =	sst s0  }
0x18: {  	s0 =	sld [smem:$0x3F98];
	_ =	swait.ge [sflag:s4], $0x0  }
0x19: {  	s7 =	sld [smem:$0x3F99]  }
0x1a: {  	s8 =	sadd.s32 $0xFFFFE003, lr  }
0x1b: {  	s9 =	sadd.s32 $0xFFFFFEF7, lr;
	s5 =	simm.s32 $0xFFFFFFFF;
	p2 =	slt.u32 s8, $0xFFFFF086  }
0x1c: {  	p1 =	slt.u32 s9, $0xF7A;
	s5 =	simm.s32 @!p2 $0x0  }
0x1d: {  	s5 =	simm.s32 @p1 $0x1;
	p0 =	seq.s32 s7, s2  }
0x1e: {  	s7 =	smul.u32 @!p0 $0xF7A, s2;
	p2 =	seq.s32 @!p0 s5, $0x0  }
0x1f: {  	s9 =	smul.u32 $0xF7A, s1;
	s8 =	simm.s32 @!p0 $0x1BF5;
	p2 =	por !p2, p0  }
0x20: {  	[sflag:s8] =	ssyncset.s32 @!p0 $0xFFFFF086;
	s6 =	sadd.s32 @!p0 s3, s7;
	s7 =	simm.s32 @!p0 $0x108  }
0x21: {  	s3 =	sadd.s32 s3, s9;
	s6 =	sadd.s32 @!p0 $0x88, s6;
	s7 =	simm.s32 @p2 $0x1082  }
0x22: {  	[simem:s7], [sflag:s8] =	dma.local @!p0 [hbm:s6], $0xF7A  }
0x23: {  	s9 =	sor.u32 $0xD0000000, s2;
	s6 =	simm.s32 $0x108;
	_ =	swait.ge @!p0 [sflag:s8], $0x0  }
0x24: {  	s3 =	sadd.s32 $0x88, s3;
	s6 =	simm.s32 @!p1 $0x1082;
	[sflag:s4] =	ssyncset.s32 $0xFFFFF086  }
0x25: {  	[simem:s6], [sflag:s4] =	dma.local [hbm:s3], $0xF7A  }
0x26: {  	[smem:$0x3F99] =	sst s1;
	(tag) =	ssettag s2;
	_ =	strace s9  }
0x27: {  	s1 =	sld [smem:$0x3FA9]  }
0x28: {  	s2 =	sld [smem:$0x3FAA]  }
0x29: {  	s4 =	sld [smem:$0x3FAC]  }
0x2a: {  	p0 =	seq.s32 s5, $0x0;
	s5 =	sld [smem:$0x3FAD]  }
0x2b: {  	s6 =	sld [smem:$0x3FAE]  }
0x2c: {  	s7 =	sld [smem:$0x3FAF]  }
0x2d: {  	s3 =	simm.s32 $0x108;
	s8 =	sld [smem:$0x3FB0]  }
0x2e: {  	s3 =	simm.s32 @!p0 $0x1082;
	s9 =	sld [smem:$0x3FB1]  }
0x2f: {  	lr =	sadd.s32 s0, s3;
	s0 =	sld [smem:$0x3FA8]  }
0x30: {  	s3 =	sld [smem:$0x3FAB]  }
0x31: {  	[smem:$0x3FB4] =	sst s10  }
0x32: {  	s10 =	sld [smem:$0x3FB2];
	_ =	sdelay $0x3  }
0x33: {  	p0 =	seq.s32 s10, $0x1;
	s10 =	sld [smem:$0x3FB4];
	_ =	sdelay $0x3  }
0x34: {  	[smem:$0x3FB4] =	sst s10  }
0x35: {  	s10 =	sld [smem:$0x3FB3];
	_ =	sdelay $0x3  }
0x36: {  	p1 =	seq.s32 s10, $0x1;
	s10 =	sld [smem:$0x3FB4];
	_ =	sdelay $0x3  }
0x37: {  	[smem:$0x3FB4] =	sst s10  }
0x38: {  	s10 =	sld [smem:$0x3FB5]  }
0x39: {  	_ = 	snop;
	(pc) =	sbr.ind lr, $3  }
0x3a: {  	_ = 	snop  }
0x3b: {  	_ = 	snop  }
0x3c: {  	p2 =	seq.s32 s10, $0x1;
	s10 =	sld [smem:$0x3FB4]  }
0x3d: {  	_ =	shalt  }
0x3e: {  	_ =	shalt  }
0x3f: {  	_ =	shalt  }
0x40: {  	_ =	shalt  }
0x41: {  	_ =	shalt  }
0x42: {  	_ =	shalt  }
0x43: {  	_ =	shalt  }
0x44: {  	_ =	shalt  }
0x45: {  	_ =	shalt  }
0x46: {  	_ =	shalt  }
0x47: {  	_ =	shalt  }
0x48: {  	_ =	shalt  }
0x49: {  	_ =	shalt  }
0x4a: {  	_ =	shalt  }
0x4b: {  	_ =	shalt  }
0x4c: {  	_ =	shalt  }
0x4d: {  	_ =	shalt  }
0x4e: {  	_ =	shalt  }
0x4f: {  	_ =	shalt  }
0x50: {  	_ =	shalt  }
0x51: {  	_ =	shalt  }
0x52: {  	_ =	shalt  }
0x53: {  	_ =	shalt  }
0x54: {  	_ =	shalt  }
0x55: {  	_ =	shalt  }
0x56: {  	_ =	shalt  }
0x57: {  	_ =	shalt  }
0x58: {  	_ =	shalt  }
0x59: {  	_ =	shalt  }
0x5a: {  	_ =	shalt  }
0x5b: {  	_ =	shalt  }
0x5c: {  	_ =	shalt  }
0x5d: {  	_ =	shalt  }
0x5e: {  	_ =	shalt  }
0x5f: {  	_ =	shalt  }
0x60: {  	_ =	shalt  }
0x61: {  	_ =	shalt  }
0x62: {  	_ =	shalt  }
0x63: {  	_ =	shalt  }
0x64: {  	_ =	shalt  }
0x65: {  	_ =	shalt  }
0x66: {  	_ =	shalt  }
0x67: {  	_ =	shalt  }
0x68: {  	_ =	shalt  }
0x69: {  	_ =	shalt  }
0x6a: {  	_ =	shalt  }
0x6b: {  	_ =	shalt  }
0x6c: {  	_ =	shalt  }
0x6d: {  	_ =	shalt  }
0x6e: {  	_ =	shalt  }
0x6f: {  	_ =	shalt  }
0x70: {  	_ =	shalt  }
0x71: {  	_ =	shalt  }
0x72: {  	_ =	shalt  }
0x73: {  	_ =	shalt  }
0x74: {  	_ =	shalt  }
0x75: {  	_ =	shalt  }
0x76: {  	_ =	shalt  }
0x77: {  	_ =	shalt  }
0x78: {  	_ =	shalt  }
0x79: {  	_ =	shalt  }
0x7a: {  	_ =	shalt  }
0x7b: {  	_ =	shalt  }
0x7c: {  	_ =	shalt  }
0x7d: {  	_ =	shalt  }
0x7e: {  	_ =	shalt  }
0x7f: {  	_ =	shalt  }
0x80: {  	_ =	shalt  }
0x81: {  	_ =	shalt  }
0x82: {  	_ =	shalt  }
0x83: {  	_ =	shalt  }
0x84: {  	_ =	shalt  }
0x85: {  	_ =	shalt  }
0x86: {  	_ =	shalt  }
0x87: {  	_ =	shalt  }
.Lfunc_end0:
.L_simem_size_0:
called_computation_lowered:
.L_overlay_start_0:
0x88: {  	s2 =	sld [smem:$0x3FD9]  }
0x89: {  	s3 =	sld [smem:$0x3FFE];
	_ =	sdelay $0x1  }
0x8a: {  	s1 =	srdreg.scid  }
0x8b: {  	s0 =	sand.u32 $0x1, s1  }
0x8c: {  	s17 =	sshll.u32 s0, $0xA;
	s2 =	sadd.s32 s3, s2  }
0x8d: {  	s2 =	sadd.s32 s2, s17  }
0x8e: {  	[smem:$0x3FC0] =	sst s2  }
0x8f: {  	_ = 	snop  }
0x90: {  	s2 =	sld [smem:$0x3FD0];
	(tm) =	ssettm $0x1  }
0x91: {  	s18 =	sld [smem:$0x3FFB];
	_ =	sdelay $0x3  }
0x92: {  	_ =	strace s18  }
0x93: {  	s3 =	sld [smem:$0x3FFC];
	_ =	sdelay $0x3  }
0x94: {  	_ =	strace s3  }
0x95: {  	s3 =	sld [smem:$0x3FFD];
	_ =	sdelay $0x3  }
0x96: {  	_ =	strace s3  }
0x97: {  	_ =	strace $0x8FFFFFFF  }
0x98: {  	s19 =	sld [smem:$0x3FDB];
	_ =	sdelay $0x1  }
0x99: {  	s4 =	simm.s32 $_scs_section_size  }
0x9a: {  	s5 =	simm.s32 $_size__tile_overlayer_lowered;
	s6 =	simm.s32 $_tile_overlayer_lowered  }
0x9b: {  	s22 =	simm.s32 $0x1BFF;
	s21 =	sshll.u32 s6, $0x1;
	s3 =	sadd.s32 s4, s19  }
0x9c: {  	s7 =	simm.s32 $0x0;
	s20 =	sshll.u32 s5, $0x1;
	s5 =	sadd.s32 s21, s3  }
0x9d: {  	[timem:s7], [sflag:s22] =	dma.local [hbm:s5], s20  }
0x9e: {  	_ =	swait.ge [sflag:s22], s20  }
0x9f: {  	s4 =	ssub.s32 $0x0, s20;
	[sflag:s22] =	ssyncset.done $0x0  }
0xa0: {  	[sflag:s22] =	ssyncadd.s32 s4;
	_ =	sdelay $0x1  }
0xa1: {  	s23 =	simm.s32 $0x1B8B  }
0xa2: {  	_ =	swait.ge [sflag:s23], $0x1  }
0xa3: {  	[sflag:s23] =	ssyncset.done $0x0  }
0xa4: {  	s25 =	simm.s32 $0x1B8E;
	s24 =	sld [smem:$0x3FFE];
	[sflag:s23] =	ssyncadd.s32 $0xFFFFFFFF  }
0xa5: {  	s26 =	simm.s32 $execute0_lowered;
	[smem:$0x3FD2] =	sst s25  }
0xa6: {  	s5 =	sshll.u32 s26, $0x1;
	_ =	strace $0x80000046;
	[dreg:$0x1] =	wrdreg $0xFFFFFFFF  }
0xa7: {  	s28 =	simm.s32 $_size_execute0_lowered;
	s3 =	sadd.s32 s3, s5;
	[dreg:$0x0] =	wrdreg $0x0  }
0xa8: {  	s5 =	sshll.u32 s28, $0x1;
	[dreg:$0x2] =	wrdreg s3  }
0xa9: {  	[dreg:$0x3] =	wrdreg s5  }
0xaa: {  	[dreg:$0x4] =	wrdreg $0xC0  }
0xab: {  	_ =	task [dreg:s7], $0x5FFFF  }
0xac: {  	[dreg:$0x1] =	wrdreg $0xFFFFFFFF  }
0xad: {  	[dreg:$0x0] =	wrdreg $0x60  }
0xae: {  	[dreg:$0x2] =	wrdreg s24  }
0xaf: {  	[dreg:$0x3] =	wrdreg s2  }
0xb0: {  	[dreg:$0x4] =	wrdreg $0x0  }
0xb1: {  	[dreg:$0x5] =	wrdreg $0x1B0000  }
0xb2: {  	[dreg:$0x6] =	wrdreg $0x9  }
0xb3: {  	_ =	task.clear_ibuf [dreg:s7], $0x7FFFF;
	_ =	strace $0x90000046  }
0xb4: {  	s29 =	simm.s32 $0x9;
	_ =	strace $0x80000048  }
0xb5: {  	_ =	swait.ge [sflag:s29], $0x1  }
0xb6: {  	[sflag:s29] =	ssyncadd.s32 $0xFFFFFFFF  }
0xb7: {  	_ =	strace $0x90000048  }
0xb8: {  	_ =	sfence  }
0xb9: {  	s30 =	sld [smem:$0x0];
	_ =	sdelay $0x2  }
0xba: {  	s31 =	sshll.u32 s1, $0xD;
	s1 =	sshrl.u32 s1, $0x2  }
0xbb: {  	s3 =	sand.u32 $0x4000, s31;
	s1 =	sadd.s32 s1, s30  }
0xbc: {  	s0 =	sor.u32 s3, s0;
	s1 =	sshll.u32 s1, $0x11  }
0xbd: {  	s0 =	sor.u32 s1, s0  }
0xbe: {  	s0 =	sadd.s32 $0x8F2B, s0  }
0xbf: {  	[sflag:s0] =	ssyncadd.remote.s32 $0x1  }
0xc0: {  	_ =	sfence.sel $0xFFFF  }
0xc1: {  	[dreg:$0x0] =	wrdreg $0xFFFFFFFF;
	(pc) =	sbr.abs _section_cstart, $3  }
0xc2: {  	[dreg:$0x1] =	wrdreg $0xFFFFFFFF  }
0xc3: {  	_ =	task.clear_ibuf [dreg:s7], $0x2FFFF;
	_ =	strace $0x9FFFFFFF  }
0xc4: {  	(tm) =	ssettm $0x7FFFFFFF  }
0xc5: {  	_ =	shalt  }
tec
execute0_lowered:
.L_overlay_start_1:
0x0: {  	(tag) =	ssettag $0x1  }
0x1: {  	s0 =	rddreg [dreg:$0x0]  }
0x2: {  	s1 =	rddreg [dreg:$0x1];
	s3 =	srdreg.scid  }
0x3: {  	s2 =	rddreg [dreg:$0x2];
	s16 =	stileid.u32;
	s5 =	simm.s32 $0x0  }
0x4: {  	s19 =	simm.s32 $0x80;
	s22 =	simm.s32 $0x14E00;
	s7 =	smul.u32 $0x9E00, s16  }
0x5: {  	s28 =	simm.s32 $0x9;
	s29 =	simm.s32 $0x1;
	s9 =	smul.u32 $0x2780, s16  }
0x6: {  	s30 =	simm.s32 $0x1D780;
	s31 =	simm.s32 $0x2;
	s13 =	smul.u32 $0x90, s16  }
0x7: {  	s4 =	sand.u32 $0x1, s3;
	s3 =	rddreg [dreg:$0x3];
	s15 =	smul.u32 $0x4800, s16  }
0x8: {  	[smem:$0x7FF] =	sst s5;
	s5 =	sadd.s32 $0x2000, s0;
	s20 =	smul.u32 $0x27800, s16  }
0x9: {  	s10 =	sadd.s32 $0x15A00, s0;
	s14 =	sshll.u32 s16, $0x4;
	s6 =	smul.u32 $0x9E000, s4  }
0xa: {  	s8 =	smul.u32 $0x27800, s4;
	_ =	strace $0x80000047;
	s24 =	ssub.s32 $0x2, s4  }
0xb: {  	p0 =	seq.s32 s4, $0x0;
	s14 =	sor.u32 $0x900, s14;
	s12 =	sshrl.u32 s24, $0x1  }
0xc: {  	s14 =	smov.u32 @p0 s13;
	s26 =	sshrl.u32 s15, $0x3;
	s18 =	sadd.s32 s7, s2  }
0xd: {  	s21 =	sadd.s32 s9, s3;
	s6 =	sadd.s32 s7, s6;
	s8 =	sadd.s32 s9, s8  }
0xe: {  	s25 =	sshll.u32 s14, $0x4;
	s13 =	sadd.s32 $0x100, s26;
	s7 =	sshrl.u32 s7, $0x2  }
0xf: {  	s26 =	simm.s32 $0x18E00;
	s6 =	sshrl.u32 s6, $0x3;
	s23 =	sshrl.u32 s8, $0x3  }
0x10: {  	s8 =	ssub.s32 s24, s12;
	s14 =	sadd.s32 s1, s25;
	[dreg:$0x6] =	wrdreg s26  }
0x11: {  	s12 =	sadd.s32 s10, s25;
	s1 =	sadd.s32 s1, s13;
	[dreg:$0x8] =	wrdreg s14  }
0x12: {  	s15 =	sadd.s32 s10, s13;
	s25 =	simm.s32 $0x16E00;
	[dreg:$0x9] =	wrdreg s12  }
0x13: {  	s26 =	simm.s32 $0x1DF80;
	s11 =	sadd.s32 s6, s0;
	[dreg:$0xa] =	wrdreg s1  }
0x14: {  	s0 =	sadd.s32 s23, s0;
	s6 =	simm.s32 $0x90;
	[dreg:$0xb] =	wrdreg s15  }
0x15: {  	s8 =	smax.u32 s8, $0x1;
	s23 =	sshrl.u32 s20, $0x2;
	s14 =	sadd.s32 s7, s3  }
0x16: {  	s20 =	simm.s32 $0x12E00;
	[dreg:$0x5] =	wrdreg s25;
	s1 =	sshrl.u32 s18, $0x3  }
0x17: {  	s25 =	sshrl.u32 s21, $0x3;
	s18 =	simm.s32 $0x4;
	s21 =	simm.s32 $0x5  }
0x18: {  	s7 =	simm.s32 $0x8;
	s6 =	simm.s32 @!p0 $0x10;
	s17 =	sadd.s32 $0x1FA00, s11  }
0x19: {  	s0 =	sadd.s32 $0x47200, s0;
	[dreg:$0xe] =	wrdreg s8;
	s15 =	sadd.s32 s23, s2  }
0x1a: {  	p0 =	sne.s32 s4, $0x0;
	s23 =	simm.s32 $0x1AE00;
	[dreg:$0xf] =	wrdreg s1  }
0x1b: {  	s1 =	simm.s32 $0x3;
	s4 =	simm.s32 $0x7;
	[dreg:$0xc] =	wrdreg s17  }
0x1c: {  	s8 =	simm.s32 $0x0;
	[dreg:$0xd] =	wrdreg s0;
	s24 =	sshll.u32 s6, $0x9  }
0x1d: {  	v0 =	vimm.f32 $0.0e+00;
	v1 =	vimm.f32 $1.000000000e+00;
	s17 =	simm.s32 $0xA;
	s0 =	simm.s32 $0x6;
	[dreg:$0x7] =	wrdreg s24  }
.LBB2_1:
0x1e: {  	s9 =	simm.s32 $0x0;
	s10 =	rddreg [dreg:$0x8];
	s13 =	simm.s32 $0x9E00  }
0x1f: {  	[tilespmem:s13], [sflag:$0xA] =	stream.linear.gather [hbm4b:s10+s9], $0x800, $0x38;
	[tilespmem:$0x1E000] =	vst v63  }
0x20: {  	_ =	swait.ge [sflag:s17], $0x800  }
0x21: {  	[sflag:s17] =	ssyncset.done $0x0  }
0x22: {  	s11 =	simm.s32 $0xE600;
	s16 =	rddreg [dreg:$0x9];
	[sflag:s17] =	ssyncadd.s32 $0xFFFFF800  }
0x23: {  	[tilespmem:s11], [sflag:$0xA] =	stream.linear.gather [hbm4b:s16+s9], $0x800, $0x38;
	[tilespmem:$0x1E000] =	vst v63  }
0x24: {  	_ =	swait.ge [sflag:s17], $0x800  }
0x25: {  	s10 =	simm.s32 @!p0 $0xA600;
	[sflag:s17] =	ssyncset.done $0x0  }
0x26: {  	s9 =	simm.s32 @!p0 $0x0;
	s11 =	rddreg [dreg:$0xa];
	[sflag:s17] =	ssyncadd.s32 $0xFFFFF800  }
0x27: {  	[tilespmem:s10], [sflag:$0xA] =	stream.linear.gather @!p0 [hbm4b:s11+s9], $0x4000, $0x38;
	[tilespmem:$0x1E000] =	vst v63  }
0x28: {  	s10 =	simm.s32 @!p0 $0xA  }
0x29: {  	_ =	swait.ge @!p0 [sflag:s10], $0x4000  }
0x2a: {  	[sflag:s10] =	ssyncset.done @!p0 $0x0  }
0x2b: {  	s11 =	simm.s32 @!p0 $0xEE00;
	s12 =	rddreg [dreg:$0xb];
	[sflag:s10] =	ssyncadd.s32 @!p0 $0xFFFFC000  }
0x2c: {  	[tilespmem:s11], [sflag:$0xA] =	stream.linear.gather @!p0 [hbm4b:s12+s9], $0x4000, $0x38;
	[tilespmem:$0x1E000] =	vst v63  }
0x2d: {  	_ =	swait.ge @!p0 [sflag:s10], $0x4000  }
0x2e: {  	[sflag:s10] =	ssyncset.done @!p0 $0x0  }
0x2f: {  	[sflag:s10] =	ssyncadd.s32 @!p0 $0xFFFFC000  }
0x30: {  	[tilespmem:s20], [sflag:$0x1] =	stream.indirect.gather [hbm4b:s5+s19], $0x40, s13, s19, $0xb8;
	[tilespmem:$0x1E000] =	vst v63  }
0x31: {  	s24 =	simm.s32 $0x9E80  }
0x32: {  	[tilespmem:s22], [sflag:$0x2] =	stream.indirect.gather [hbm4b:s5+s19], $0x40, s24, s19, $0xb8;
	[tilespmem:$0x1E000] =	vst v63  }
0x33: {  	[tilespmem:$0x1AE00] =	vst v0  }
0x34: {  	[tilespmem:$0x1AE10] =	vst v0  }
0x35: {  	[tilespmem:$0x1AE20] =	vst v0  }
0x36: {  	[tilespmem:$0x1AE30] =	vst v0  }
0x37: {  	[tilespmem:$0x1DF80] =	vst v0  }
0x38: {  	[tilespmem:$0x1AE40] =	vst v0  }
0x39: {  	[tilespmem:$0x1AE50] =	vst v0  }
0x3a: {  	[tilespmem:$0x1AE60] =	vst v0  }
0x3b: {  	[tilespmem:$0x1AE70] =	vst v0  }
0x3c: {  	[tilespmem:$0x1DF90] =	vst v0  }
0x3d: {  	[tilespmem:$0x1AE80] =	vst v0  }
0x3e: {  	[tilespmem:$0x1AE90] =	vst v0  }
0x3f: {  	[tilespmem:$0x1AEA0] =	vst v0  }
0x40: {  	[tilespmem:$0x1AEB0] =	vst v0  }
0x41: {  	[tilespmem:$0x1DFA0] =	vst v0  }
0x42: {  	[tilespmem:$0x1AEC0] =	vst v0  }
0x43: {  	[tilespmem:$0x1AED0] =	vst v0  }
0x44: {  	[tilespmem:$0x1AEE0] =	vst v0  }
0x45: {  	[tilespmem:$0x1AEF0] =	vst v0  }
0x46: {  	[tilespmem:$0x1DFB0] =	vst v0  }
0x47: {  	[tilespmem:$0x1AF00] =	vst v0  }
0x48: {  	[tilespmem:$0x1AF10] =	vst v0  }
0x49: {  	[tilespmem:$0x1AF20] =	vst v0  }
0x4a: {  	[tilespmem:$0x1AF30] =	vst v0  }
0x4b: {  	[tilespmem:$0x1DFC0] =	vst v0  }
0x4c: {  	[tilespmem:$0x1AF40] =	vst v0  }
0x4d: {  	[tilespmem:$0x1AF50] =	vst v0  }
0x4e: {  	[tilespmem:$0x1AF60] =	vst v0  }
0x4f: {  	[tilespmem:$0x1AF70] =	vst v0  }
0x50: {  	[tilespmem:$0x1DFD0] =	vst v0  }
0x51: {  	[tilespmem:$0x1AF80] =	vst v0  }
0x52: {  	[tilespmem:$0x1AF90] =	vst v0  }
0x53: {  	[tilespmem:$0x1AFA0] =	vst v0  }
0x54: {  	[tilespmem:$0x1AFB0] =	vst v0  }
0x55: {  	[tilespmem:$0x1DFE0] =	vst v0  }
0x56: {  	[tilespmem:$0x1AFC0] =	vst v0  }
0x57: {  	[tilespmem:$0x1AFD0] =	vst v0  }
0x58: {  	[tilespmem:$0x1AFE0] =	vst v0  }
0x59: {  	[tilespmem:$0x1AFF0] =	vst v0  }
0x5a: {  	s9 =	simm.s32 $0x0;
	[tilespmem:$0x1DFF0] =	vst v0  }
.LBB2_2:
0x5b: {  	p1 =	sne.s32 s9, $0x1FC0  }
.Ltmp0:
0x5c: {  	_ = 	snop;
	(pc) =	sbr.rel @p1 .LBB2_2-.Ltmp0, $3  }
0x5d: {  	_ =	sdelay $0x1  }
0x5e: {  	s10 =	sshra.s32 s9, $0x2  }
0x5f: {  	s9 =	sadd.s32 $0x40, s9;
	[tilespmem:s10+$0x1D780] =	vst v1  }
0x60: {  	[spmem:s15] =	stream.linear.scatter [tilespmem:s23], [sflag:$0x9], $0x200, $0x38;
	[tilespmem:$0x1E000] =	vst v63  }
0x61: {  	s9 =	simm.s32 $0x200;
	s11 =	sadd.s32 $0x0, s14;
	s10 =	sadd.s32 $0x200, s15  }
.LBB2_4:
0x62: {  	[spmem:s11] =	stream.linear.scatter [tilespmem:s26], [sflag:$0x9], $0x80, $0x38;
	[tilespmem:$0x1E000] =	vst v63  }
0x63: {  	s11 =	smov.u32 s9;
	p1 =	sne.s32 s9, $0x9C00  }
.Ltmp1:
0x64: {  	s9 =	sadd.s32 $0x200, s9;
	(pc) =	sbr.rel @p1 .LBB2_4-.Ltmp1, $4  }
0x65: {  	[spmem:s10] =	stream.linear.scatter [tilespmem:s23], [sflag:$0x9], $0x200, $0x38;
	[tilespmem:$0x1E000] =	vst v63  }
0x66: {  	_ = 	snop  }
0x67: {  	s11 =	sshra.s32 s11, $0x2  }
0x68: {  	s11 =	sadd.s32 s11, s14;
	s10 =	sadd.s32 $0x200, s10  }
0x69: {  	[spmem:s11] =	stream.linear.scatter [tilespmem:s26], [sflag:$0x9], $0x80, $0x38;
	[tilespmem:$0x1E000] =	vst v63  }
0x6a: {  	_ =	swait.ge [sflag:s28], $0x200  }
0x6b: {  	[sflag:s28] =	ssyncset.done $0x0  }
0x6c: {  	[sflag:s28] =	ssyncadd.s32 $0xFFFFFE00  }
0x6d: {  	_ =	swait.ge [sflag:s28], $0x80  }
0x6e: {  	s9 =	simm.s32 $0x4E;
	[sflag:s28] =	ssyncset.done $0x0  }
.LBB2_6:
0x6f: {  	p1 =	sne.s32 s9, $0x1;
	s9 =	sadd.s32 $0xFFFFFFFF, s9;
	[sflag:s28] =	ssyncadd.s32 $0xFFFFFF80  }
.Ltmp2:
0x70: {  	_ =	swait.ge [sflag:s28], $0x200;
	(pc) =	sbr.rel @p1 .LBB2_6-.Ltmp2, $4  }
0x71: {  	[sflag:s28] =	ssyncset.done $0x0  }
0x72: {  	[sflag:s28] =	ssyncadd.s32 $0xFFFFFE00  }
0x73: {  	_ =	swait.ge [sflag:s28], $0x80  }
0x74: {  	[sflag:s28] =	ssyncset.done $0x0  }
0x75: {  	[sflag:s28] =	ssyncadd.s32 $0xFFFFFF80  }
0x76: {  	s10 =	simm.s32 $0x0;
	s9 =	simm.s32 $0x0;
	[bflag:$0x0] =	sbarrier.arrive $0xFFFF  }
.LBB2_8:
0x77: {  	_ =	swait.ge [sflag:s29], $0x2000;
	s13 =	sadd.s32 $0x2, s10  }
0x78: {  	s11 =	sshra.s32 s9, $0x2;
	[sflag:s29] =	ssyncset.done $0x0;
	p1 =	sge.u32 s13, s6  }
0x79: {  	s12 =	sadd.s32 $0xE600, s11;
	[sflag:s29] =	ssyncadd.s32 $0xFFFFE000;
	p2 =	slt.s32 @!p1 s10, $0x4  }
0x7a: {  	[spmem:s2] =	stream.indirect.scatter.add.f32 [tilespmem:s20], [sflag:$0x5], $0x40, s12, s19, $0xb8;
	[tilespmem:$0x1E000] =	vst v63  }
0x7b: {  	p2 =	por p2, p1  }
0x7c: {  	[spmem:s3] =	stream.indirect.scatter.add.f32 [tilespmem:s30], [sflag:$0x5], $0x10, s12, s19, $0xb8;
	[tilespmem:$0x1E000] =	vst v63  }
0x7d: {  	s12 =	simm.s32 @!p2 $0x7  }
0x7e: {  	_ =	swait.ge @!p2 [sflag:s12], $0x2000  }
0x7f: {  	[sflag:s12] =	ssyncset.done @!p2 $0x0  }
0x80: {  	[sflag:s12] =	ssyncadd.s32 @!p2 $0xFFFFE000  }
0x81: {  	_ =	swait.ge @!p2 [sflag:s12], $0x800  }
0x82: {  	[sflag:s12] =	ssyncset.done @!p2 $0x0  }
0x83: {  	s24 =	sadd.s32 $0x3, s10;
	[sflag:s12] =	ssyncadd.s32 @!p2 $0xFFFFF800;
	s12 =	sshra.s32 @!p1 s9, $0x2  }
0x84: {  	s13 =	simm.s32 @!p1 $0x80;
	s16 =	simm.s32 @!p1 $0x16E00;
	s12 =	sadd.s32 @!p1 $0x9F00, s12  }
0x85: {  	[tilespmem:s16], [sflag:$0x3] =	stream.indirect.gather @!p1 [hbm4b:s5+s13], $0x40, s12, s13, $0xb8;
	[tilespmem:$0x1E000] =	vst v63  }
0x86: {  	p1 =	sge.u32 s24, s6;
	_ =	swait.ge [sflag:s31], $0x2000  }
0x87: {  	p2 =	slt.s32 @!p1 s10, $0x4;
	[sflag:s31] =	ssyncset.done $0x0  }
0x88: {  	s16 =	sadd.s32 $0xE680, s11;
	p2 =	por p2, p1;
	[sflag:s31] =	ssyncadd.s32 $0xFFFFE000  }
0x89: {  	[spmem:s2] =	stream.indirect.scatter.add.f32 [tilespmem:s22], [sflag:$0x6], $0x40, s16, s19, $0xb8;
	[tilespmem:$0x1E000] =	vst v63  }
0x8a: {  	s12 =	simm.s32 @!p2 $0x8  }
0x8b: {  	[spmem:s3] =	stream.indirect.scatter.add.f32 [tilespmem:s30], [sflag:$0x6], $0x10, s16, s19, $0xb8;
	[tilespmem:$0x1E000] =	vst v63  }
0x8c: {  	_ =	swait.ge @!p2 [sflag:s12], $0x2000  }
0x8d: {  	[sflag:s12] =	ssyncset.done @!p2 $0x0  }
0x8e: {  	[sflag:s12] =	ssyncadd.s32 @!p2 $0xFFFFE000  }
0x8f: {  	_ =	swait.ge @!p2 [sflag:s12], $0x800  }
0x90: {  	[sflag:s12] =	ssyncset.done @!p2 $0x0  }
0x91: {  	[sflag:s12] =	ssyncadd.s32 @!p2 $0xFFFFF800;
	s12 =	sshra.s32 @!p1 s9, $0x2  }
0x92: {  	s13 =	simm.s32 @!p1 $0x80;
	s16 =	simm.s32 @!p1 $0x18E00;
	s12 =	sadd.s32 @!p1 $0x9F80, s12  }
0x93: {  	[tilespmem:s16], [sflag:$0x4] =	stream.indirect.gather @!p1 [hbm4b:s5+s13], $0x40, s12, s13, $0xb8;
	[tilespmem:$0x1E000] =	vst v63  }
0x94: {  	_ =	swait.ge [sflag:s1], $0x2000  }
0x95: {  	s16 =	sadd.s32 $0xE700, s11;
	s12 =	sadd.s32 $0x4, s10;
	[sflag:s1] =	ssyncset.done $0x0  }
0x96: {  	p1 =	sge.u32 s12, s6;
	s13 =	rddreg [dreg:$0x5];
	[sflag:s1] =	ssyncadd.s32 $0xFFFFE000  }
0x97: {  	[spmem:s2] =	stream.indirect.scatter.add.f32 [tilespmem:s13], [sflag:$0x7], $0x40, s16, s19, $0xb8;
	[tilespmem:$0x1E000] =	vst v63  }
0x98: {  	s13 =	simm.s32 @!p1 $0x5  }
0x99: {  	[spmem:s3] =	stream.indirect.scatter.add.f32 [tilespmem:s30], [sflag:$0x7], $0x10, s16, s19, $0xb8;
	[tilespmem:$0x1E000] =	vst v63  }
0x9a: {  	_ =	swait.ge @!p1 [sflag:s13], $0x2000  }
0x9b: {  	[sflag:s13] =	ssyncset.done @!p1 $0x0  }
0x9c: {  	[sflag:s13] =	ssyncadd.s32 @!p1 $0xFFFFE000  }
0x9d: {  	_ =	swait.ge @!p1 [sflag:s13], $0x800  }
0x9e: {  	[sflag:s13] =	ssyncset.done @!p1 $0x0  }
0x9f: {  	[sflag:s13] =	ssyncadd.s32 @!p1 $0xFFFFF800;
	s13 =	sshra.s32 @!p1 s9, $0x2  }
0xa0: {  	s24 =	simm.s32 @!p1 $0x12E00;
	s16 =	simm.s32 @!p1 $0x80;
	s13 =	sadd.s32 @!p1 $0xA000, s13  }
0xa1: {  	[tilespmem:s24], [sflag:$0x1] =	stream.indirect.gather @!p1 [hbm4b:s5+s16], $0x40, s13, s16, $0xb8;
	[tilespmem:$0x1E000] =	vst v63  }
0xa2: {  	_ =	swait.ge [sflag:s18], $0x2000  }
0xa3: {  	s11 =	sadd.s32 $0xE780, s11;
	s16 =	sadd.s32 $0x5, s10;
	[sflag:s18] =	ssyncset.done $0x0  }
0xa4: {  	p1 =	sge.u32 s16, s6;
	s24 =	rddreg [dreg:$0x6];
	[sflag:s18] =	ssyncadd.s32 $0xFFFFE000  }
0xa5: {  	[spmem:s2] =	stream.indirect.scatter.add.f32 [tilespmem:s24], [sflag:$0x8], $0x40, s11, s19, $0xb8;
	[tilespmem:$0x1E000] =	vst v63  }
0xa6: {  	s10 =	simm.s32 @!p1 $0x6  }
0xa7: {  	[spmem:s3] =	stream.indirect.scatter.add.f32 [tilespmem:s30], [sflag:$0x8], $0x10, s11, s19, $0xb8;
	[tilespmem:$0x1E000] =	vst v63  }
0xa8: {  	_ =	swait.ge @!p1 [sflag:s10], $0x2000  }
0xa9: {  	[sflag:s10] =	ssyncset.done @!p1 $0x0  }
0xaa: {  	[sflag:s10] =	ssyncadd.s32 @!p1 $0xFFFFE000  }
0xab: {  	s13 =	simm.s32 @!p1 $0x14E00;
	s11 =	sshra.s32 @!p1 s9, $0x2;
	_ =	swait.ge @!p1 [sflag:s10], $0x800  }
0xac: {  	s9 =	sadd.s32 $0x800, s9;
	[sflag:s10] =	ssyncset.done @!p1 $0x0;
	s24 =	rddreg [dreg:$0x7]  }
0xad: {  	[sflag:s10] =	ssyncadd.s32 @!p1 $0xFFFFF800;
	s10 =	sadd.s32 @!p1 $0xA080, s11;
	s11 =	simm.s32 @!p1 $0x80  }
0xae: {  	[tilespmem:s13], [sflag:$0x2] =	stream.indirect.gather @!p1 [hbm4b:s5+s11], $0x40, s10, s11, $0xb8;
	[tilespmem:$0x1E000] =	vst v63  }
0xaf: {  	p1 =	sne.s32 s24, s9  }
.Ltmp3:
0xb0: {  	_ = 	snop;
	(pc) =	sbr.rel @p1 .LBB2_8-.Ltmp3, $2  }
0xb1: {  	_ =	sdelay $0x2  }
0xb2: {  	s10 =	smov.u32 s12  }
0xb3: {  	_ =	swait.ge [sflag:s21], $0x2000  }
0xb4: {  	[sflag:s21] =	ssyncset.done $0x0  }
0xb5: {  	[sflag:s21] =	ssyncadd.s32 $0xFFFFE000  }
0xb6: {  	_ =	swait.ge [sflag:s21], $0x800  }
0xb7: {  	[sflag:s21] =	ssyncset.done $0x0  }
0xb8: {  	[sflag:s21] =	ssyncadd.s32 $0xFFFFF800  }
0xb9: {  	_ =	swait.ge [sflag:s0], $0x2000  }
0xba: {  	[sflag:s0] =	ssyncset.done $0x0  }
0xbb: {  	[sflag:s0] =	ssyncadd.s32 $0xFFFFE000  }
0xbc: {  	_ =	swait.ge [sflag:s0], $0x800  }
0xbd: {  	[sflag:s0] =	ssyncset.done $0x0  }
0xbe: {  	[sflag:s0] =	ssyncadd.s32 $0xFFFFF800  }
0xbf: {  	_ =	swait.ge [sflag:s4], $0x2000  }
0xc0: {  	[sflag:s4] =	ssyncset.done $0x0  }
0xc1: {  	[sflag:s4] =	ssyncadd.s32 $0xFFFFE000  }
0xc2: {  	_ =	swait.ge [sflag:s4], $0x800  }
0xc3: {  	[sflag:s4] =	ssyncset.done $0x0  }
0xc4: {  	[sflag:s4] =	ssyncadd.s32 $0xFFFFF800  }
0xc5: {  	_ =	swait.ge [sflag:s7], $0x2000  }
0xc6: {  	[sflag:s7] =	ssyncset.done $0x0  }
0xc7: {  	[sflag:s7] =	ssyncadd.s32 $0xFFFFE000  }
0xc8: {  	_ =	swait.ge [sflag:s7], $0x800  }
0xc9: {  	[sflag:s7] =	ssyncset.done $0x0  }
0xca: {  	[sflag:s7] =	ssyncadd.s32 $0xFFFFF800  }
0xcb: {  	s9 =	stileid.u32;
	[bflag:$0x0] =	sbarrier.arrive $0xFFFF  }
0xcc: {  	s9 =	sshll.u32 s9, $0x6;
	s10 =	rddreg [dreg:$0xc]  }
0xcd: {  	s9 =	sor.u32 $0x1C0A, s9;
	s11 =	rddreg [dreg:$0xf]  }
0xce: {  	[hbm:s10], [sflag:s9] =	dma.local [spmem:s11], $0x13C0  }
0xcf: {  	_ =	swait.ge [sflag:s17], $0x13C0  }
0xd0: {  	[sflag:s17] =	ssyncset.done $0x0  }
0xd1: {  	s16 =	rddreg [dreg:$0xd];
	[sflag:s17] =	ssyncadd.s32 $0xFFFFEC40  }
0xd2: {  	[hbm:s16], [sflag:s9] =	dma.local [spmem:s25], $0x4F0  }
0xd3: {  	_ =	swait.ge [sflag:s17], $0x4F0  }
0xd4: {  	s8 =	sadd.s32 $0x1, s8;
	s24 =	rddreg [dreg:$0xe]  }
0xd5: {  	p1 =	sne.s32 s8, s24  }
.Ltmp4:
0xd6: {  	_ = 	snop;
	(pc) =	sbr.rel @p1 .LBB2_1-.Ltmp4, $3  }
0xd7: {  	_ =	sdelay $0x1  }
0xd8: {  	[sflag:s17] =	ssyncset.done $0x0  }
0xd9: {  	[sflag:s17] =	ssyncadd.s32 $0xFFFFFB10  }
0xda: {  	_ =	sfence.sel $0x180000  }
0xdb: {  	[bflag:$0x0] =	sbarrier.arrive $0xFFFF  }
0xdc: {  	_ =	strace $0x90000047  }
0xdd: {  	s0 =	stileid.u32;
	[bflag:$0x2] =	sbarrier.arrive $0xFFFF  }
0xde: {  	p0 =	sne.s32 s0, $0x0;
	s0 =	rddreg [dreg:$0x4]  }
0xdf: {  	s0 =	sadd.s32 @!p0 $0x100000, s0  }
0xe0: {  	[sflag:s0] =	ssyncadd.tile.s32 @!p0 $0x1;
	_ =	shalt  }
.Lfunc_end2:
_tile_overlayer_lowered:
.L_overlay_start_2:
0xe1: {  	(tag) =	ssettag $0x2  }
0xe2: {  	s0 =	rddreg [dreg:$0x0];
	s2 =	stileid.u32  }
0xe3: {  	s1 =	rddreg [dreg:$0x1];
	p0 =	sne.s32 s2, $0x0  }
0xe4: {  	s3 =	rddreg [dreg:$0x2];
	[bflag:$0x3] =	sbarrier.arrive $0xFFFF;
	s2 =	simm.s32 @!p0 $0x1C0A  }
0xe5: {  	[timem:s3], [sflag:s2] =	dma.local @!p0 [hbm:s0], s1  }
0xe6: {  	s0 =	simm.s32 @!p0 $0xA  }
0xe7: {  	_ =	swait.ge @!p0 [sflag:s0], s1  }
0xe8: {  	s1 =	ssub.s32 @!p0 $0x0, s1;
	[sflag:s0] =	ssyncset.done @!p0 $0x0  }
0xe9: {  	[sflag:s0] =	ssyncadd.s32 @!p0 s1  }
0xea: {  	[bflag:$0x3] =	sbarrier.arrive $0xFFFF  }
0xeb: {  	_ =	shalt  }

</sc_bundles>
